<compile_context>
chip_gen: v7x
topology: tpu7x:2x2x1
jax: 0.10.2.dev20260603
libtpu: 0.0.44.dev20260713+nightly
codegen_flags: <defaults>
</compile_context>

<pallas_src>
import functools
import math

import jax
import jax.numpy as jnp
from jax import lax
from jax.experimental import pallas as pl
from jax.experimental.pallas import tpu as pltpu
from jax.experimental.pallas import tpu_sc as plsc

_D = 64
_SCALE = math.sqrt(_D)
_NW = 32
_CHUNK = 128
_LANES = 16
_NBUF = 5
_LEAD = 2


def _emb_body(x_hbm, lut_hbm, out_hbm, idx_v, rows_v, sem_in, sem_out):
    n_chunks = x_hbm.shape[1]
    wid = lax.axis_index("s") * 2 + lax.axis_index("c")
    base = wid * (n_chunks * _CHUNK)

    pltpu.sync_copy(x_hbm.at[wid], idx_v)

    def start_gather(g, b):
        pltpu.async_copy(lut_hbm.at[idx_v.at[g]], rows_v.at[b], sem_in)

    def wait_gather(b):
        pltpu.make_async_copy(
            lut_hbm.at[pl.ds(0, _CHUNK)], rows_v.at[b], sem_in
        ).wait()

    def start_store(g, b):
        pltpu.async_copy(
            rows_v.at[b], out_hbm.at[pl.ds(base + g * _CHUNK, _CHUNK)], sem_out
        )

    def wait_store(b):
        pltpu.make_async_copy(
            rows_v.at[b], out_hbm.at[pl.ds(base, _CHUNK)], sem_out
        ).wait()

    for g in range(_LEAD):
        start_gather(g, g % _NBUF)

    @pl.loop(0, n_chunks, step=_NBUF)
    def _outer(g0):
        for b in range(_NBUF):
            g = g0 + b
            wait_gather(b)

            @pl.loop(0, _CHUNK, unroll=8)
            def _row(i):
                for j in range(_D // _LANES):
                    sl = pl.ds(j * _LANES, _LANES)
                    rows_v[b, i, sl] = rows_v[b, i, sl] * _SCALE

            start_store(g, b)

            h = g + _LEAD
            hb = (b + _LEAD) % _NBUF

            @pl.when(h < n_chunks)
            def _prefetch():
                @pl.when(h >= _NBUF)
                def _drain_prior_store():
                    wait_store(hb)

                start_gather(h, hb)

    for b in range(_NBUF):
        wait_store(b)


def kernel(x, lut):
    b, s = x.shape
    total = b * s
    n_chunks = total // (_NW * _CHUNK)
    x_grid = x.reshape(_NW, n_chunks, _CHUNK)

    mesh = plsc.VectorSubcoreMesh(core_axis_name="c", subcore_axis_name="s")
    run = functools.partial(
        pl.kernel,
        out_type=jax.ShapeDtypeStruct((total, _D), jnp.float32),
        mesh=mesh,
        scratch_types=[
            pltpu.VMEM((n_chunks, _CHUNK), jnp.int32),
            pltpu.VMEM((_NBUF, _CHUNK, _D), jnp.float32),
            pltpu.SemaphoreType.DMA,
            pltpu.SemaphoreType.DMA,
        ],
        compiler_params=pltpu.CompilerParams(use_tc_tiling_on_sc=False),
    )(_emb_body)
    out = run(x_grid, lut)
    return out.reshape(b, s, _D)

# --- scband reference (transcript-rebuilt; emitter-appended) ---
"""Pipeline reference for scband-embeddings-78683800863281 (READ-ONLY COPY).

The authoritative reference and input builder live on the scoring server;
editing this copy changes nothing except your own understanding.
"""

import jax, jax.numpy as jnp
import numpy as np
import math

D_MODEL = 64
VOCAB = 1000000

def setup_inputs(seed: int = 0) -> dict:
    key = jax.random.key(seed)
    k1, k2 = jax.random.split(key)
    x = jax.random.randint(k1, (4096, 50), 0, VOCAB, dtype=jnp.int64 if jax.config.jax_enable_x64 else jnp.int32)
    lut = jax.random.normal(k2, (VOCAB, D_MODEL), dtype=jnp.float32)
    return {"x": x, "lut": lut}

def reference(x, lut):
    # Embeddings.forward: self.lut(x) * math.sqrt(self.d_model)
    emb = jnp.take(lut, x, axis=0)
    return emb * math.sqrt(D_MODEL)

if __name__ == "__main__":
    import jax
    _d = setup_inputs()
    print(jax.jit(kernel)(*tuple(_d.values())))

</pallas_src>

<mosaic_0001>
#map = affine_map<(d0, d1) -> (0, 0, 0)>
#map1 = affine_map<(d0, d1) -> (0, 0)>
module attributes {stable_mosaic.version = 14 : i64} {
  func.func @_emb_body(%arg0: i32, %arg1: i32, %arg2: memref<32x50x128xi32, #tpu.memory_space<hbm>>, %arg3: memref<1000000x64xf32, #tpu.memory_space<hbm>>, %arg4: memref<204800x64xf32, #tpu.memory_space<hbm>>, %arg5: memref<50x128xi32, #tpu.memory_space<vmem>>, %arg6: memref<5x128x64xf32, #tpu.memory_space<vmem>>, %arg7: memref<!tpu.dma_semaphore, #tpu.memory_space<semaphore_mem>>, %arg8: memref<!tpu.dma_semaphore, #tpu.memory_space<semaphore_mem>>) attributes {dimension_semantics = [#tpu.dimension_semantics<core_parallel>, #tpu.dimension_semantics<subcore_parallel>], iteration_bounds = array<i64: 2, 16>, scalar_prefetch = 0 : i64, scratch_operands = 4 : i64, tpu.core_type = #tpu.core_type<sc_vector_subcore>, window_params = [{transform_indices = #map}, {transform_indices = #map1}, {transform_indices = #map1}]} {
    %mul3A = arith.constant 2 : i32
    %mul3A_0 = arith.muli %arg1, %mul3A : i32
    %add3A = arith.addi %mul3A_0, %arg0 : i32
    %mul3A_1 = arith.constant 6400 : i32
    %mul3A_2 = arith.muli %add3A, %mul3A_1 : i32
    "tpu.region"() ({
      %run_scoped3A = tpu.sem_alloc : memref<!tpu.dma_semaphore, #tpu.memory_space<semaphore_mem>>
      %dma_start3A_94 = arith.constant 0 : i32
      %dma_start3A_95 = arith.constant 0 : i32
      %dma_start3A_96 = tpu.memref_slice %arg2[%add3A, %dma_start3A_94, %dma_start3A_95] : memref<32x50x128xi32, #tpu.memory_space<hbm>> -> memref<1x50x128xi32, #tpu.memory_space<hbm>>
      %dma_start3A_97 = tpu.memref_squeeze %dma_start3A_96 : memref<1x50x128xi32, #tpu.memory_space<hbm>> -> memref<50x128xi32, #tpu.memory_space<hbm>>
      %dma_start3A_98 = arith.constant 0 : i32
      %dma_start3A_99 = arith.constant 0 : i32
      %dma_start3A_100 = tpu.memref_slice %arg2[%add3A, %dma_start3A_98, %dma_start3A_99] : memref<32x50x128xi32, #tpu.memory_space<hbm>> -> memref<1x50x128xi32, #tpu.memory_space<hbm>>
      %dma_start3A_101 = tpu.memref_squeeze %dma_start3A_100 : memref<1x50x128xi32, #tpu.memory_space<hbm>> -> memref<50x128xi32, #tpu.memory_space<hbm>>
      tpu.enqueue_dma source(%dma_start3A_101 : memref<50x128xi32, #tpu.memory_space<hbm>>) target(%arg5 : memref<50x128xi32, #tpu.memory_space<vmem>>) target_semaphore(%run_scoped3A : memref<!tpu.dma_semaphore, #tpu.memory_space<semaphore_mem>>)
      %dma_wait3A_102 = arith.constant 0 : i32
      %dma_wait3A_103 = arith.constant 0 : i32
      %dma_wait3A_104 = tpu.memref_slice %arg2[%add3A, %dma_wait3A_102, %dma_wait3A_103] : memref<32x50x128xi32, #tpu.memory_space<hbm>> -> memref<1x50x128xi32, #tpu.memory_space<hbm>>
      %dma_wait3A_105 = tpu.memref_squeeze %dma_wait3A_104 : memref<1x50x128xi32, #tpu.memory_space<hbm>> -> memref<50x128xi32, #tpu.memory_space<hbm>>
      %dma_wait3A_106 = arith.constant 0 : i32
      %dma_wait3A_107 = arith.constant 0 : i32
      %dma_wait3A_108 = tpu.memref_slice %arg2[%add3A, %dma_wait3A_106, %dma_wait3A_107] : memref<32x50x128xi32, #tpu.memory_space<hbm>> -> memref<1x50x128xi32, #tpu.memory_space<hbm>>
      %dma_wait3A_109 = tpu.memref_squeeze %dma_wait3A_108 : memref<1x50x128xi32, #tpu.memory_space<hbm>> -> memref<50x128xi32, #tpu.memory_space<hbm>>
      tpu.wait_dma2 semaphore(%run_scoped3A : memref<!tpu.dma_semaphore, #tpu.memory_space<semaphore_mem>>) src(%dma_wait3A_109 : memref<50x128xi32, #tpu.memory_space<hbm>>) dst(%arg5 : memref<50x128xi32, #tpu.memory_space<vmem>>)
      tpu.yield
    }) : () -> ()
    %dma_start3A = arith.constant 0 : i32
    %dma_start3A_3 = arith.constant 0 : i32
    %dma_start3A_4 = arith.constant 0 : i32
    %dma_start3A_5 = arith.constant 0 : i32
    %dma_start3A_6 = tpu.memref_slice %arg6[%dma_start3A_3, %dma_start3A_4, %dma_start3A_5] : memref<5x128x64xf32, #tpu.memory_space<vmem>> -> memref<1x128x64xf32, #tpu.memory_space<vmem>>
    %dma_start3A_7 = tpu.memref_squeeze %dma_start3A_6 : memref<1x128x64xf32, #tpu.memory_space<vmem>> -> memref<128x64xf32, #tpu.memory_space<vmem>>
    %dma_start3A_8 = arith.constant 0 : i32
    %dma_start3A_9 = tpu.memref_slice %arg5[%dma_start3A, %dma_start3A_8] : memref<50x128xi32, #tpu.memory_space<vmem>> -> memref<1x128xi32, #tpu.memory_space<vmem>>
    %dma_start3A_10 = tpu.memref_squeeze %dma_start3A_9 : memref<1x128xi32, #tpu.memory_space<vmem>> -> memref<128xi32, #tpu.memory_space<vmem>>
    %dma_start3A_11 = arith.constant 0 : i32
    %dma_start3A_12 = arith.constant 0 : i32
    %dma_start3A_13 = tpu.memref_slice %arg3[%dma_start3A_11, %dma_start3A_12] : memref<1000000x64xf32, #tpu.memory_space<hbm>> -> memref<1000000x64xf32, #tpu.memory_space<hbm>>
    tpu.enqueue_indirect_dma source(%dma_start3A_13 : memref<1000000x64xf32, #tpu.memory_space<hbm>>) target(%dma_start3A_7 : memref<128x64xf32, #tpu.memory_space<vmem>>) offsets(%dma_start3A_10 : memref<128xi32, #tpu.memory_space<vmem>>) semaphore(%arg7 : memref<!tpu.dma_semaphore, #tpu.memory_space<semaphore_mem>>)
    %dma_start3A_14 = arith.constant 1 : i32
    %dma_start3A_15 = arith.constant 1 : i32
    %dma_start3A_16 = arith.constant 0 : i32
    %dma_start3A_17 = arith.constant 0 : i32
    %dma_start3A_18 = tpu.memref_slice %arg6[%dma_start3A_15, %dma_start3A_16, %dma_start3A_17] : memref<5x128x64xf32, #tpu.memory_space<vmem>> -> memref<1x128x64xf32, #tpu.memory_space<vmem>>
    %dma_start3A_19 = tpu.memref_squeeze %dma_start3A_18 : memref<1x128x64xf32, #tpu.memory_space<vmem>> -> memref<128x64xf32, #tpu.memory_space<vmem>>
    %dma_start3A_20 = arith.constant 0 : i32
    %dma_start3A_21 = tpu.memref_slice %arg5[%dma_start3A_14, %dma_start3A_20] : memref<50x128xi32, #tpu.memory_space<vmem>> -> memref<1x128xi32, #tpu.memory_space<vmem>>
    %dma_start3A_22 = tpu.memref_squeeze %dma_start3A_21 : memref<1x128xi32, #tpu.memory_space<vmem>> -> memref<128xi32, #tpu.memory_space<vmem>>
    %dma_start3A_23 = arith.constant 0 : i32
    %dma_start3A_24 = arith.constant 0 : i32
    %dma_start3A_25 = tpu.memref_slice %arg3[%dma_start3A_23, %dma_start3A_24] : memref<1000000x64xf32, #tpu.memory_space<hbm>> -> memref<1000000x64xf32, #tpu.memory_space<hbm>>
    tpu.enqueue_indirect_dma source(%dma_start3A_25 : memref<1000000x64xf32, #tpu.memory_space<hbm>>) target(%dma_start3A_19 : memref<128x64xf32, #tpu.memory_space<vmem>>) offsets(%dma_start3A_22 : memref<128xi32, #tpu.memory_space<vmem>>) semaphore(%arg7 : memref<!tpu.dma_semaphore, #tpu.memory_space<semaphore_mem>>)
    %scan3A = arith.constant 0 : i32
    %scan3A_26 = arith.constant 10 : i32
    %scan3A_27 = arith.addi %scan3A, %scan3A_26 : i32
    %scan3A_28 = arith.constant 1 : i32
    scf.for %scan3A_94 = %scan3A to %scan3A_27 step %scan3A_28  : i32 {
      %mul3A_95 = arith.constant 5 : i32
      %mul3A_96 = arith.muli %scan3A_94, %mul3A_95 : i32
      %add3A_97 = arith.constant 0 : i32
      %add3A_98 = arith.addi %add3A_97, %mul3A_96 : i32
      %add3A_99 = arith.constant 0 : i32
      %add3A_100 = arith.addi %add3A_98, %add3A_99 : i32
      %dma_wait3A_101 = arith.constant 0 : i32
      %dma_wait3A_102 = arith.constant 0 : i32
      %dma_wait3A_103 = arith.constant 0 : i32
      %dma_wait3A_104 = tpu.memref_slice %arg6[%dma_wait3A_101, %dma_wait3A_102, %dma_wait3A_103] : memref<5x128x64xf32, #tpu.memory_space<vmem>> -> memref<1x128x64xf32, #tpu.memory_space<vmem>>
      %dma_wait3A_105 = tpu.memref_squeeze %dma_wait3A_104 : memref<1x128x64xf32, #tpu.memory_space<vmem>> -> memref<128x64xf32, #tpu.memory_space<vmem>>
      %dma_wait3A_106 = arith.constant 0 : i32
      %dma_wait3A_107 = arith.constant 0 : i32
      %dma_wait3A_108 = tpu.memref_slice %arg3[%dma_wait3A_106, %dma_wait3A_107] : memref<1000000x64xf32, #tpu.memory_space<hbm>> -> memref<128x64xf32, #tpu.memory_space<hbm>>
      %dma_wait3A_109 = arith.constant 0 : i32
      %dma_wait3A_110 = arith.constant 0 : i32
      %dma_wait3A_111 = tpu.memref_slice %arg6[%dma_wait3A_101, %dma_wait3A_109, %dma_wait3A_110] : memref<5x128x64xf32, #tpu.memory_space<vmem>> -> memref<1x128x64xf32, #tpu.memory_space<vmem>>
      %dma_wait3A_112 = tpu.memref_squeeze %dma_wait3A_111 : memref<1x128x64xf32, #tpu.memory_space<vmem>> -> memref<128x64xf32, #tpu.memory_space<vmem>>
      %dma_wait3A_113 = arith.constant 0 : i32
      %dma_wait3A_114 = arith.constant 0 : i32
      %dma_wait3A_115 = tpu.memref_slice %arg3[%dma_wait3A_113, %dma_wait3A_114] : memref<1000000x64xf32, #tpu.memory_space<hbm>> -> memref<128x64xf32, #tpu.memory_space<hbm>>
      tpu.wait_dma2 semaphore(%arg7 : memref<!tpu.dma_semaphore, #tpu.memory_space<semaphore_mem>>) src(%dma_wait3A_115 : memref<128x64xf32, #tpu.memory_space<hbm>>) dst(%dma_wait3A_112 : memref<128x64xf32, #tpu.memory_space<vmem>>)
      %scan3A_116 = arith.constant 0 : i32
      %scan3A_117 = arith.constant 128 : i32
      %scan3A_118 = arith.addi %scan3A_116, %scan3A_117 : i32
      %scan3A_119 = arith.constant 8 : i32
      scf.for %scan3A_321 = %scan3A_116 to %scan3A_118 step %scan3A_119  : i32 {
        %mul3A_322 = arith.constant 1 : i32
        %mul3A_323 = arith.muli %scan3A_321, %mul3A_322 : i32
        %add3A_324 = arith.constant 0 : i32
        %add3A_325 = arith.addi %add3A_324, %mul3A_323 : i32
        %get3A = arith.constant 0 : i32
        %get3A_326 = arith.index_cast %get3A : i32 to index
        %get3A_327 = arith.index_cast %add3A_325 : i32 to index
        %get3A_328 = arith.constant 0 : index
        %get3A_329 = tpu.vector_load %arg6[%get3A_326, %get3A_327, %get3A_328] {strides = array<i32>} : memref<5x128x64xf32, #tpu.memory_space<vmem>>, vector<1x1x16xf32>,
        %get3A_330 = vector.shape_cast %get3A_329 : vector<1x1x16xf32> to vector<16xf32>
        %mul3A_331 = arith.constant 8.000000e+00 : f32
        %mul3A_332 = vector.broadcast %mul3A_331 : f32 to vector<16xf32>
        %mul3A_333 = arith.mulf %get3A_330, %mul3A_332 : vector<16xf32>
        %swap3A = arith.constant 0 : i32
        %swap3A_334 = arith.index_cast %swap3A : i32 to index
        %swap3A_335 = arith.index_cast %add3A_325 : i32 to index
        %swap3A_336 = arith.constant 0 : index
        %swap3A_337 = tpu.vector_load %arg6[%swap3A_334, %swap3A_335, %swap3A_336] {strides = array<i32>} : memref<5x128x64xf32, #tpu.memory_space<vmem>>, vector<1x1x16xf32>,
        %swap3A_338 = vector.shape_cast %swap3A_337 : vector<1x1x16xf32> to vector<16xf32>
        %swap3A_339 = vector.shape_cast %mul3A_333 : vector<16xf32> to vector<1x1x16xf32>
        tpu.vector_store %arg6[%swap3A_334, %swap3A_335, %swap3A_336], %swap3A_339 {strides = array<i32>} : memref<5x128x64xf32, #tpu.memory_space<vmem>>, vector<1x1x16xf32>,
        %get3A_340 = arith.constant 0 : i32
        %get3A_341 = arith.index_cast %get3A_340 : i32 to index
        %get3A_342 = arith.index_cast %add3A_325 : i32 to index
        %get3A_343 = arith.constant 16 : index
        %get3A_344 = tpu.vector_load %arg6[%get3A_341, %get3A_342, %get3A_343] {strides = array<i32>} : memref<5x128x64xf32, #tpu.memory_space<vmem>>, vector<1x1x16xf32>,
        %get3A_345 = vector.shape_cast %get3A_344 : vector<1x1x16xf32> to vector<16xf32>
        %mul3A_346 = arith.constant 8.000000e+00 : f32
        %mul3A_347 = vector.broadcast %mul3A_346 : f32 to vector<16xf32>
        %mul3A_348 = arith.mulf %get3A_345, %mul3A_347 : vector<16xf32>
        %swap3A_349 = arith.constant 0 : i32
        %swap3A_350 = arith.index_cast %swap3A_349 : i32 to index
        %swap3A_351 = arith.index_cast %add3A_325 : i32 to index
        %swap3A_352 = arith.constant 16 : index
        %swap3A_353 = tpu.vector_load %arg6[%swap3A_350, %swap3A_351, %swap3A_352] {strides = array<i32>} : memref<5x128x64xf32, #tpu.memory_space<vmem>>, vector<1x1x16xf32>,
        %swap3A_354 = vector.shape_cast %swap3A_353 : vector<1x1x16xf32> to vector<16xf32>
        %swap3A_355 = vector.shape_cast %mul3A_348 : vector<16xf32> to vector<1x1x16xf32>
        tpu.vector_store %arg6[%swap3A_350, %swap3A_351, %swap3A_352], %swap3A_355 {strides = array<i32>} : memref<5x128x64xf32, #tpu.memory_space<vmem>>, vector<1x1x16xf32>,
        %get3A_356 = arith.constant 0 : i32
        %get3A_357 = arith.index_cast %get3A_356 : i32 to index
        %get3A_358 = arith.index_cast %add3A_325 : i32 to index
        %get3A_359 = arith.constant 32 : index
        %get3A_360 = tpu.vector_load %arg6[%get3A_357, %get3A_358, %get3A_359] {strides = array<i32>} : memref<5x128x64xf32, #tpu.memory_space<vmem>>, vector<1x1x16xf32>,
        %get3A_361 = vector.shape_cast %get3A_360 : vector<1x1x16xf32> to vector<16xf32>
        %mul3A_362 = arith.constant 8.000000e+00 : f32
        %mul3A_363 = vector.broadcast %mul3A_362 : f32 to vector<16xf32>
        %mul3A_364 = arith.mulf %get3A_361, %mul3A_363 : vector<16xf32>
        %swap3A_365 = arith.constant 0 : i32
        %swap3A_366 = arith.index_cast %swap3A_365 : i32 to index
        %swap3A_367 = arith.index_cast %add3A_325 : i32 to index
        %swap3A_368 = arith.constant 32 : index
        %swap3A_369 = tpu.vector_load %arg6[%swap3A_366, %swap3A_367, %swap3A_368] {strides = array<i32>} : memref<5x128x64xf32, #tpu.memory_space<vmem>>, vector<1x1x16xf32>,
        %swap3A_370 = vector.shape_cast %swap3A_369 : vector<1x1x16xf32> to vector<16xf32>
        %swap3A_371 = vector.shape_cast %mul3A_364 : vector<16xf32> to vector<1x1x16xf32>
        tpu.vector_store %arg6[%swap3A_366, %swap3A_367, %swap3A_368], %swap3A_371 {strides = array<i32>} : memref<5x128x64xf32, #tpu.memory_space<vmem>>, vector<1x1x16xf32>,
        %get3A_372 = arith.constant 0 : i32
        %get3A_373 = arith.index_cast %get3A_372 : i32 to index
        %get3A_374 = arith.index_cast %add3A_325 : i32 to index
        %get3A_375 = arith.constant 48 : index
        %get3A_376 = tpu.vector_load %arg6[%get3A_373, %get3A_374, %get3A_375] {strides = array<i32>} : memref<5x128x64xf32, #tpu.memory_space<vmem>>, vector<1x1x16xf32>,
        %get3A_377 = vector.shape_cast %get3A_376 : vector<1x1x16xf32> to vector<16xf32>
        %mul3A_378 = arith.constant 8.000000e+00 : f32
        %mul3A_379 = vector.broadcast %mul3A_378 : f32 to vector<16xf32>
        %mul3A_380 = arith.mulf %get3A_377, %mul3A_379 : vector<16xf32>
        %swap3A_381 = arith.constant 0 : i32
        %swap3A_382 = arith.index_cast %swap3A_381 : i32 to index
        %swap3A_383 = arith.index_cast %add3A_325 : i32 to index
        %swap3A_384 = arith.constant 48 : index
        %swap3A_385 = tpu.vector_load %arg6[%swap3A_382, %swap3A_383, %swap3A_384] {strides = array<i32>} : memref<5x128x64xf32, #tpu.memory_space<vmem>>, vector<1x1x16xf32>,
        %swap3A_386 = vector.shape_cast %swap3A_385 : vector<1x1x16xf32> to vector<16xf32>
        %swap3A_387 = vector.shape_cast %mul3A_380 : vector<16xf32> to vector<1x1x16xf32>
        tpu.vector_store %arg6[%swap3A_382, %swap3A_383, %swap3A_384], %swap3A_387 {strides = array<i32>} : memref<5x128x64xf32, #tpu.memory_space<vmem>>, vector<1x1x16xf32>,
        %scan3A_388 = arith.constant 1 : i32
        %scan3A_389 = arith.addi %scan3A_321, %scan3A_388 : i32
        %mul3A_390 = arith.constant 1 : i32
        %mul3A_391 = arith.muli %scan3A_389, %mul3A_390 : i32
        %add3A_392 = arith.constant 0 : i32
        %add3A_393 = arith.addi %add3A_392, %mul3A_391 : i32
        %get3A_394 = arith.constant 0 : i32
        %get3A_395 = arith.index_cast %get3A_394 : i32 to index
        %get3A_396 = arith.index_cast %add3A_393 : i32 to index
        %get3A_397 = arith.constant 0 : index
        %get3A_398 = tpu.vector_load %arg6[%get3A_395, %get3A_396, %get3A_397] {strides = array<i32>} : memref<5x128x64xf32, #tpu.memory_space<vmem>>, vector<1x1x16xf32>,
        %get3A_399 = vector.shape_cast %get3A_398 : vector<1x1x16xf32> to vector<16xf32>
        %mul3A_400 = arith.constant 8.000000e+00 : f32
        %mul3A_401 = vector.broadcast %mul3A_400 : f32 to vector<16xf32>
        %mul3A_402 = arith.mulf %get3A_399, %mul3A_401 : vector<16xf32>
        %swap3A_403 = arith.constant 0 : i32
        %swap3A_404 = arith.index_cast %swap3A_403 : i32 to index
        %swap3A_405 = arith.index_cast %add3A_393 : i32 to index
        %swap3A_406 = arith.constant 0 : index
        %swap3A_407 = tpu.vector_load %arg6[%swap3A_404, %swap3A_405, %swap3A_406] {strides = array<i32>} : memref<5x128x64xf32, #tpu.memory_space<vmem>>, vector<1x1x16xf32>,
        %swap3A_408 = vector.shape_cast %swap3A_407 : vector<1x1x16xf32> to vector<16xf32>
        %swap3A_409 = vector.shape_cast %mul3A_402 : vector<16xf32> to vector<1x1x16xf32>
        tpu.vector_store %arg6[%swap3A_404, %swap3A_405, %swap3A_406], %swap3A_409 {strides = array<i32>} : memref<5x128x64xf32, #tpu.memory_space<vmem>>, vector<1x1x16xf32>,
        %get3A_410 = arith.constant 0 : i32
        %get3A_411 = arith.index_cast %get3A_410 : i32 to index
        %get3A_412 = arith.index_cast %add3A_393 : i32 to index
        %get3A_413 = arith.constant 16 : index
        %get3A_414 = tpu.vector_load %arg6[%get3A_411, %get3A_412, %get3A_413] {strides = array<i32>} : memref<5x128x64xf32, #tpu.memory_space<vmem>>, vector<1x1x16xf32>,
        %get3A_415 = vector.shape_cast %get3A_414 : vector<1x1x16xf32> to vector<16xf32>
        %mul3A_416 = arith.constant 8.000000e+00 : f32
        %mul3A_417 = vector.broadcast %mul3A_416 : f32 to vector<16xf32>
        %mul3A_418 = arith.mulf %get3A_415, %mul3A_417 : vector<16xf32>
        %swap3A_419 = arith.constant 0 : i32
        %swap3A_420 = arith.index_cast %swap3A_419 : i32 to index
        %swap3A_421 = arith.index_cast %add3A_393 : i32 to index
        %swap3A_422 = arith.constant 16 : index
        %swap3A_423 = tpu.vector_load %arg6[%swap3A_420, %swap3A_421, %swap3A_422] {strides = array<i32>} : memref<5x128x64xf32, #tpu.memory_space<vmem>>, vector<1x1x16xf32>,
        %swap3A_424 = vector.shape_cast %swap3A_423 : vector<1x1x16xf32> to vector<16xf32>
        %swap3A_425 = vector.shape_cast %mul3A_418 : vector<16xf32> to vector<1x1x16xf32>
        tpu.vector_store %arg6[%swap3A_420, %swap3A_421, %swap3A_422], %swap3A_425 {strides = array<i32>} : memref<5x128x64xf32, #tpu.memory_space<vmem>>, vector<1x1x16xf32>,
        %get3A_426 = arith.constant 0 : i32
        %get3A_427 = arith.index_cast %get3A_426 : i32 to index
        %get3A_428 = arith.index_cast %add3A_393 : i32 to index
        %get3A_429 = arith.constant 32 : index
        %get3A_430 = tpu.vector_load %arg6[%get3A_427, %get3A_428, %get3A_429] {strides = array<i32>} : memref<5x128x64xf32, #tpu.memory_space<vmem>>, vector<1x1x16xf32>,
        %get3A_431 = vector.shape_cast %get3A_430 : vector<1x1x16xf32> to vector<16xf32>
        %mul3A_432 = arith.constant 8.000000e+00 : f32
        %mul3A_433 = vector.broadcast %mul3A_432 : f32 to vector<16xf32>
        %mul3A_434 = arith.mulf %get3A_431, %mul3A_433 : vector<16xf32>
        %swap3A_435 = arith.constant 0 : i32
        %swap3A_436 = arith.index_cast %swap3A_435 : i32 to index
        %swap3A_437 = arith.index_cast %add3A_393 : i32 to index
        %swap3A_438 = arith.constant 32 : index
        %swap3A_439 = tpu.vector_load %arg6[%swap3A_436, %swap3A_437, %swap3A_438] {strides = array<i32>} : memref<5x128x64xf32, #tpu.memory_space<vmem>>, vector<1x1x16xf32>,
        %swap3A_440 = vector.shape_cast %swap3A_439 : vector<1x1x16xf32> to vector<16xf32>
        %swap3A_441 = vector.shape_cast %mul3A_434 : vector<16xf32> to vector<1x1x16xf32>
        tpu.vector_store %arg6[%swap3A_436, %swap3A_437, %swap3A_438], %swap3A_441 {strides = array<i32>} : memref<5x128x64xf32, #tpu.memory_space<vmem>>, vector<1x1x16xf32>,
        %get3A_442 = arith.constant 0 : i32
        %get3A_443 = arith.index_cast %get3A_442 : i32 to index
        %get3A_444 = arith.index_cast %add3A_393 : i32 to index
        %get3A_445 = arith.constant 48 : index
        %get3A_446 = tpu.vector_load %arg6[%get3A_443, %get3A_444, %get3A_445] {strides = array<i32>} : memref<5x128x64xf32, #tpu.memory_space<vmem>>, vector<1x1x16xf32>,
        %get3A_447 = vector.shape_cast %get3A_446 : vector<1x1x16xf32> to vector<16xf32>
        %mul3A_448 = arith.constant 8.000000e+00 : f32
        %mul3A_449 = vector.broadcast %mul3A_448 : f32 to vector<16xf32>
        %mul3A_450 = arith.mulf %get3A_447, %mul3A_449 : vector<16xf32>
        %swap3A_451 = arith.constant 0 : i32
        %swap3A_452 = arith.index_cast %swap3A_451 : i32 to index
        %swap3A_453 = arith.index_cast %add3A_393 : i32 to index
        %swap3A_454 = arith.constant 48 : index
        %swap3A_455 = tpu.vector_load %arg6[%swap3A_452, %swap3A_453, %swap3A_454] {strides = array<i32>} : memref<5x128x64xf32, #tpu.memory_space<vmem>>, vector<1x1x16xf32>,
        %swap3A_456 = vector.shape_cast %swap3A_455 : vector<1x1x16xf32> to vector<16xf32>
        %swap3A_457 = vector.shape_cast %mul3A_450 : vector<16xf32> to vector<1x1x16xf32>
        tpu.vector_store %arg6[%swap3A_452, %swap3A_453, %swap3A_454], %swap3A_457 {strides = array<i32>} : memref<5x128x64xf32, #tpu.memory_space<vmem>>, vector<1x1x16xf32>,
        %scan3A_458 = arith.constant 2 : i32
        %scan3A_459 = arith.addi %scan3A_321, %scan3A_458 : i32
        %mul3A_460 = arith.constant 1 : i32
        %mul3A_461 = arith.muli %scan3A_459, %mul3A_460 : i32
        %add3A_462 = arith.constant 0 : i32
        %add3A_463 = arith.addi %add3A_462, %mul3A_461 : i32
        %get3A_464 = arith.constant 0 : i32
        %get3A_465 = arith.index_cast %get3A_464 : i32 to index
        %get3A_466 = arith.index_cast %add3A_463 : i32 to index
        %get3A_467 = arith.constant 0 : index
        %get3A_468 = tpu.vector_load %arg6[%get3A_465, %get3A_466, %get3A_467] {strides = array<i32>} : memref<5x128x64xf32, #tpu.memory_space<vmem>>, vector<1x1x16xf32>,
        %get3A_469 = vector.shape_cast %get3A_468 : vector<1x1x16xf32> to vector<16xf32>
        %mul3A_470 = arith.constant 8.000000e+00 : f32
        %mul3A_471 = vector.broadcast %mul3A_470 : f32 to vector<16xf32>
        %mul3A_472 = arith.mulf %get3A_469, %mul3A_471 : vector<16xf32>
        %swap3A_473 = arith.constant 0 : i32
        %swap3A_474 = arith.index_cast %swap3A_473 : i32 to index
        %swap3A_475 = arith.index_cast %add3A_463 : i32 to index
        %swap3A_476 = arith.constant 0 : index
        %swap3A_477 = tpu.vector_load %arg6[%swap3A_474, %swap3A_475, %swap3A_476] {strides = array<i32>} : memref<5x128x64xf32, #tpu.memory_space<vmem>>, vector<1x1x16xf32>,
        %swap3A_478 = vector.shape_cast %swap3A_477 : vector<1x1x16xf32> to vector<16xf32>
        %swap3A_479 = vector.shape_cast %mul3A_472 : vector<16xf32> to vector<1x1x16xf32>
        tpu.vector_store %arg6[%swap3A_474, %swap3A_475, %swap3A_476], %swap3A_479 {strides = array<i32>} : memref<5x128x64xf32, #tpu.memory_space<vmem>>, vector<1x1x16xf32>,
        %get3A_480 = arith.constant 0 : i32
        %get3A_481 = arith.index_cast %get3A_480 : i32 to index
        %get3A_482 = arith.index_cast %add3A_463 : i32 to index
        %get3A_483 = arith.constant 16 : index
        %get3A_484 = tpu.vector_load %arg6[%get3A_481, %get3A_482, %get3A_483] {strides = array<i32>} : memref<5x128x64xf32, #tpu.memory_space<vmem>>, vector<1x1x16xf32>,
        %get3A_485 = vector.shape_cast %get3A_484 : vector<1x1x16xf32> to vector<16xf32>
        %mul3A_486 = arith.constant 8.000000e+00 : f32
        %mul3A_487 = vector.broadcast %mul3A_486 : f32 to vector<16xf32>
        %mul3A_488 = arith.mulf %get3A_485, %mul3A_487 : vector<16xf32>
        %swap3A_489 = arith.constant 0 : i32
        %swap3A_490 = arith.index_cast %swap3A_489 : i32 to index
        %swap3A_491 = arith.index_cast %add3A_463 : i32 to index
        %swap3A_492 = arith.constant 16 : index
        %swap3A_493 = tpu.vector_load %arg6[%swap3A_490, %swap3A_491, %swap3A_492] {strides = array<i32>} : memref<5x128x64xf32, #tpu.memory_space<vmem>>, vector<1x1x16xf32>,
        %swap3A_494 = vector.shape_cast %swap3A_493 : vector<1x1x16xf32> to vector<16xf32>
        %swap3A_495 = vector.shape_cast %mul3A_488 : vector<16xf32> to vector<1x1x16xf32>
        tpu.vector_store %arg6[%swap3A_490, %swap3A_491, %swap3A_492], %swap3A_495 {strides = array<i32>} : memref<5x128x64xf32, #tpu.memory_space<vmem>>, vector<1x1x16xf32>,
        %get3A_496 = arith.constant 0 : i32
        %get3A_497 = arith.index_cast %get3A_496 : i32 to index
        %get3A_498 = arith.index_cast %add3A_463 : i32 to index
        %get3A_499 = arith.constant 32 : index
        %get3A_500 = tpu.vector_load %arg6[%get3A_497, %get3A_498, %get3A_499] {strides = array<i32>} : memref<5x128x64xf32, #tpu.memory_space<vmem>>, vector<1x1x16xf32>,
        %get3A_501 = vector.shape_cast %get3A_500 : vector<1x1x16xf32> to vector<16xf32>
        %mul3A_502 = arith.constant 8.000000e+00 : f32
        %mul3A_503 = vector.broadcast %mul3A_502 : f32 to vector<16xf32>
        %mul3A_504 = arith.mulf %get3A_501, %mul3A_503 : vector<16xf32>
        %swap3A_505 = arith.constant 0 : i32
        %swap3A_506 = arith.index_cast %swap3A_505 : i32 to index
        %swap3A_507 = arith.index_cast %add3A_463 : i32 to index
        %swap3A_508 = arith.constant 32 : index
        %swap3A_509 = tpu.vector_load %arg6[%swap3A_506, %swap3A_507, %swap3A_508] {strides = array<i32>} : memref<5x128x64xf32, #tpu.memory_space<vmem>>, vector<1x1x16xf32>,
        %swap3A_510 = vector.shape_cast %swap3A_509 : vector<1x1x16xf32> to vector<16xf32>
        %swap3A_511 = vector.shape_cast %mul3A_504 : vector<16xf32> to vector<1x1x16xf32>
        tpu.vector_store %arg6[%swap3A_506, %swap3A_507, %swap3A_508], %swap3A_511 {strides = array<i32>} : memref<5x128x64xf32, #tpu.memory_space<vmem>>, vector<1x1x16xf32>,
        %get3A_512 = arith.constant 0 : i32
        %get3A_513 = arith.index_cast %get3A_512 : i32 to index
        %get3A_514 = arith.index_cast %add3A_463 : i32 to index
        %get3A_515 = arith.constant 48 : index
        %get3A_516 = tpu.vector_load %arg6[%get3A_513, %get3A_514, %get3A_515] {strides = array<i32>} : memref<5x128x64xf32, #tpu.memory_space<vmem>>, vector<1x1x16xf32>,
        %get3A_517 = vector.shape_cast %get3A_516 : vector<1x1x16xf32> to vector<16xf32>
        %mul3A_518 = arith.constant 8.000000e+00 : f32
        %mul3A_519 = vector.broadcast %mul3A_518 : f32 to vector<16xf32>
        %mul3A_520 = arith.mulf %get3A_517, %mul3A_519 : vector<16xf32>
        %swap3A_521 = arith.constant 0 : i32
        %swap3A_522 = arith.index_cast %swap3A_521 : i32 to index
        %swap3A_523 = arith.index_cast %add3A_463 : i32 to index
        %swap3A_524 = arith.constant 48 : index
        %swap3A_525 = tpu.vector_load %arg6[%swap3A_522, %swap3A_523, %swap3A_524] {strides = array<i32>} : memref<5x128x64xf32, #tpu.memory_space<vmem>>, vector<1x1x16xf32>,
        %swap3A_526 = vector.shape_cast %swap3A_525 : vector<1x1x16xf32> to vector<16xf32>
        %swap3A_527 = vector.shape_cast %mul3A_520 : vector<16xf32> to vector<1x1x16xf32>
        tpu.vector_store %arg6[%swap3A_522, %swap3A_523, %swap3A_524], %swap3A_527 {strides = array<i32>} : memref<5x128x64xf32, #tpu.memory_space<vmem>>, vector<1x1x16xf32>,
        %scan3A_528 = arith.constant 3 : i32
        %scan3A_529 = arith.addi %scan3A_321, %scan3A_528 : i32
        %mul3A_530 = arith.constant 1 : i32
        %mul3A_531 = arith.muli %scan3A_529, %mul3A_530 : i32
        %add3A_532 = arith.constant 0 : i32
        %add3A_533 = arith.addi %add3A_532, %mul3A_531 : i32
        %get3A_534 = arith.constant 0 : i32
        %get3A_535 = arith.index_cast %get3A_534 : i32 to index
        %get3A_536 = arith.index_cast %add3A_533 : i32 to index
        %get3A_537 = arith.constant 0 : index
        %get3A_538 = tpu.vector_load %arg6[%get3A_535, %get3A_536, %get3A_537] {strides = array<i32>} : memref<5x128x64xf32, #tpu.memory_space<vmem>>, vector<1x1x16xf32>,
        %get3A_539 = vector.shape_cast %get3A_538 : vector<1x1x16xf32> to vector<16xf32>
        %mul3A_540 = arith.constant 8.000000e+00 : f32
        %mul3A_541 = vector.broadcast %mul3A_540 : f32 to vector<16xf32>
        %mul3A_542 = arith.mulf %get3A_539, %mul3A_541 : vector<16xf32>
        %swap3A_543 = arith.constant 0 : i32
        %swap3A_544 = arith.index_cast %swap3A_543 : i32 to index
        %swap3A_545 = arith.index_cast %add3A_533 : i32 to index
        %swap3A_546 = arith.constant 0 : index
        %swap3A_547 = tpu.vector_load %arg6[%swap3A_544, %swap3A_545, %swap3A_546] {strides = array<i32>} : memref<5x128x64xf32, #tpu.memory_space<vmem>>, vector<1x1x16xf32>,
        %swap3A_548 = vector.shape_cast %swap3A_547 : vector<1x1x16xf32> to vector<16xf32>
        %swap3A_549 = vector.shape_cast %mul3A_542 : vector<16xf32> to vector<1x1x16xf32>
        tpu.vector_store %arg6[%swap3A_544, %swap3A_545, %swap3A_546], %swap3A_549 {strides = array<i32>} : memref<5x128x64xf32, #tpu.memory_space<vmem>>, vector<1x1x16xf32>,
        %get3A_550 = arith.constant 0 : i32
        %get3A_551 = arith.index_cast %get3A_550 : i32 to index
        %get3A_552 = arith.index_cast %add3A_533 : i32 to index
        %get3A_553 = arith.constant 16 : index
        %get3A_554 = tpu.vector_load %arg6[%get3A_551, %get3A_552, %get3A_553] {strides = array<i32>} : memref<5x128x64xf32, #tpu.memory_space<vmem>>, vector<1x1x16xf32>,
        %get3A_555 = vector.shape_cast %get3A_554 : vector<1x1x16xf32> to vector<16xf32>
        %mul3A_556 = arith.constant 8.000000e+00 : f32
        %mul3A_557 = vector.broadcast %mul3A_556 : f32 to vector<16xf32>
        %mul3A_558 = arith.mulf %get3A_555, %mul3A_557 : vector<16xf32>
        %swap3A_559 = arith.constant 0 : i32
        %swap3A_560 = arith.index_cast %swap3A_559 : i32 to index
        %swap3A_561 = arith.index_cast %add3A_533 : i32 to index
        %swap3A_562 = arith.constant 16 : index
        %swap3A_563 = tpu.vector_load %arg6[%swap3A_560, %swap3A_561, %swap3A_562] {strides = array<i32>} : memref<5x128x64xf32, #tpu.memory_space<vmem>>, vector<1x1x16xf32>,
        %swap3A_564 = vector.shape_cast %swap3A_563 : vector<1x1x16xf32> to vector<16xf32>
        %swap3A_565 = vector.shape_cast %mul3A_558 : vector<16xf32> to vector<1x1x16xf32>
        tpu.vector_store %arg6[%swap3A_560, %swap3A_561, %swap3A_562], %swap3A_565 {strides = array<i32>} : memref<5x128x64xf32, #tpu.memory_space<vmem>>, vector<1x1x16xf32>,
        %get3A_566 = arith.constant 0 : i32
        %get3A_567 = arith.index_cast %get3A_566 : i32 to index
        %get3A_568 = arith.index_cast %add3A_533 : i32 to index
        %get3A_569 = arith.constant 32 : index
        %get3A_570 = tpu.vector_load %arg6[%get3A_567, %get3A_568, %get3A_569] {strides = array<i32>} : memref<5x128x64xf32, #tpu.memory_space<vmem>>, vector<1x1x16xf32>,
        %get3A_571 = vector.shape_cast %get3A_570 : vector<1x1x16xf32> to vector<16xf32>
        %mul3A_572 = arith.constant 8.000000e+00 : f32
        %mul3A_573 = vector.broadcast %mul3A_572 : f32 to vector<16xf32>
        %mul3A_574 = arith.mulf %get3A_571, %mul3A_573 : vector<16xf32>
        %swap3A_575 = arith.constant 0 : i32
        %swap3A_576 = arith.index_cast %swap3A_575 : i32 to index
        %swap3A_577 = arith.index_cast %add3A_533 : i32 to index
        %swap3A_578 = arith.constant 32 : index
        %swap3A_579 = tpu.vector_load %arg6[%swap3A_576, %swap3A_577, %swap3A_578] {strides = array<i32>} : memref<5x128x64xf32, #tpu.memory_space<vmem>>, vector<1x1x16xf32>,
        %swap3A_580 = vector.shape_cast %swap3A_579 : vector<1x1x16xf32> to vector<16xf32>
        %swap3A_581 = vector.shape_cast %mul3A_574 : vector<16xf32> to vector<1x1x16xf32>
        tpu.vector_store %arg6[%swap3A_576, %swap3A_577, %swap3A_578], %swap3A_581 {strides = array<i32>} : memref<5x128x64xf32, #tpu.memory_space<vmem>>, vector<1x1x16xf32>,
        %get3A_582 = arith.constant 0 : i32
        %get3A_583 = arith.index_cast %get3A_582 : i32 to index
        %get3A_584 = arith.index_cast %add3A_533 : i32 to index
        %get3A_585 = arith.constant 48 : index
        %get3A_586 = tpu.vector_load %arg6[%get3A_583, %get3A_584, %get3A_585] {strides = array<i32>} : memref<5x128x64xf32, #tpu.memory_space<vmem>>, vector<1x1x16xf32>,
        %get3A_587 = vector.shape_cast %get3A_586 : vector<1x1x16xf32> to vector<16xf32>
        %mul3A_588 = arith.constant 8.000000e+00 : f32
        %mul3A_589 = vector.broadcast %mul3A_588 : f32 to vector<16xf32>
        %mul3A_590 = arith.mulf %get3A_587, %mul3A_589 : vector<16xf32>
        %swap3A_591 = arith.constant 0 : i32
        %swap3A_592 = arith.index_cast %swap3A_591 : i32 to index
        %swap3A_593 = arith.index_cast %add3A_533 : i32 to index
        %swap3A_594 = arith.constant 48 : index
        %swap3A_595 = tpu.vector_load %arg6[%swap3A_592, %swap3A_593, %swap3A_594] {strides = array<i32>} : memref<5x128x64xf32, #tpu.memory_space<vmem>>, vector<1x1x16xf32>,
        %swap3A_596 = vector.shape_cast %swap3A_595 : vector<1x1x16xf32> to vector<16xf32>
        %swap3A_597 = vector.shape_cast %mul3A_590 : vector<16xf32> to vector<1x1x16xf32>
        tpu.vector_store %arg6[%swap3A_592, %swap3A_593, %swap3A_594], %swap3A_597 {strides = array<i32>} : memref<5x128x64xf32, #tpu.memory_space<vmem>>, vector<1x1x16xf32>,
        %scan3A_598 = arith.constant 4 : i32
        %scan3A_599 = arith.addi %scan3A_321, %scan3A_598 : i32
        %mul3A_600 = arith.constant 1 : i32
        %mul3A_601 = arith.muli %scan3A_599, %mul3A_600 : i32
        %add3A_602 = arith.constant 0 : i32
        %add3A_603 = arith.addi %add3A_602, %mul3A_601 : i32
        %get3A_604 = arith.constant 0 : i32
        %get3A_605 = arith.index_cast %get3A_604 : i32 to index
        %get3A_606 = arith.index_cast %add3A_603 : i32 to index
        %get3A_607 = arith.constant 0 : index
        %get3A_608 = tpu.vector_load %arg6[%get3A_605, %get3A_606, %get3A_607] {strides = array<i32>} : memref<5x128x64xf32, #tpu.memory_space<vmem>>, vector<1x1x16xf32>,
        %get3A_609 = vector.shape_cast %get3A_608 : vector<1x1x16xf32> to vector<16xf32>
        %mul3A_610 = arith.constant 8.000000e+00 : f32
        %mul3A_611 = vector.broadcast %mul3A_610 : f32 to vector<16xf32>
        %mul3A_612 = arith.mulf %get3A_609, %mul3A_611 : vector<16xf32>
        %swap3A_613 = arith.constant 0 : i32
        %swap3A_614 = arith.index_cast %swap3A_613 : i32 to index
        %swap3A_615 = arith.index_cast %add3A_603 : i32 to index
        %swap3A_616 = arith.constant 0 : index
        %swap3A_617 = tpu.vector_load %arg6[%swap3A_614, %swap3A_615, %swap3A_616] {strides = array<i32>} : memref<5x128x64xf32, #tpu.memory_space<vmem>>, vector<1x1x16xf32>,
        %swap3A_618 = vector.shape_cast %swap3A_617 : vector<1x1x16xf32> to vector<16xf32>
        %swap3A_619 = vector.shape_cast %mul3A_612 : vector<16xf32> to vector<1x1x16xf32>
        tpu.vector_store %arg6[%swap3A_614, %swap3A_615, %swap3A_616], %swap3A_619 {strides = array<i32>} : memref<5x128x64xf32, #tpu.memory_space<vmem>>, vector<1x1x16xf32>,
        %get3A_620 = arith.constant 0 : i32
        %get3A_621 = arith.index_cast %get3A_620 : i32 to index
        %get3A_622 = arith.index_cast %add3A_603 : i32 to index
        %get3A_623 = arith.constant 16 : index
        %get3A_624 = tpu.vector_load %arg6[%get3A_621, %get3A_622, %get3A_623] {strides = array<i32>} : memref<5x128x64xf32, #tpu.memory_space<vmem>>, vector<1x1x16xf32>,
        %get3A_625 = vector.shape_cast %get3A_624 : vector<1x1x16xf32> to vector<16xf32>
        %mul3A_626 = arith.constant 8.000000e+00 : f32
        %mul3A_627 = vector.broadcast %mul3A_626 : f32 to vector<16xf32>
        %mul3A_628 = arith.mulf %get3A_625, %mul3A_627 : vector<16xf32>
        %swap3A_629 = arith.constant 0 : i32
        %swap3A_630 = arith.index_cast %swap3A_629 : i32 to index
        %swap3A_631 = arith.index_cast %add3A_603 : i32 to index
        %swap3A_632 = arith.constant 16 : index
        %swap3A_633 = tpu.vector_load %arg6[%swap3A_630, %swap3A_631, %swap3A_632] {strides = array<i32>} : memref<5x128x64xf32, #tpu.memory_space<vmem>>, vector<1x1x16xf32>,
        %swap3A_634 = vector.shape_cast %swap3A_633 : vector<1x1x16xf32> to vector<16xf32>
        %swap3A_635 = vector.shape_cast %mul3A_628 : vector<16xf32> to vector<1x1x16xf32>
        tpu.vector_store %arg6[%swap3A_630, %swap3A_631, %swap3A_632], %swap3A_635 {strides = array<i32>} : memref<5x128x64xf32, #tpu.memory_space<vmem>>, vector<1x1x16xf32>,
        %get3A_636 = arith.constant 0 : i32
        %get3A_637 = arith.index_cast %get3A_636 : i32 to index
        %get3A_638 = arith.index_cast %add3A_603 : i32 to index
        %get3A_639 = arith.constant 32 : index
        %get3A_640 = tpu.vector_load %arg6[%get3A_637, %get3A_638, %get3A_639] {strides = array<i32>} : memref<5x128x64xf32, #tpu.memory_space<vmem>>, vector<1x1x16xf32>,
        %get3A_641 = vector.shape_cast %get3A_640 : vector<1x1x16xf32> to vector<16xf32>
        %mul3A_642 = arith.constant 8.000000e+00 : f32
        %mul3A_643 = vector.broadcast %mul3A_642 : f32 to vector<16xf32>
        %mul3A_644 = arith.mulf %get3A_641, %mul3A_643 : vector<16xf32>
        %swap3A_645 = arith.constant 0 : i32
        %swap3A_646 = arith.index_cast %swap3A_645 : i32 to index
        %swap3A_647 = arith.index_cast %add3A_603 : i32 to index
        %swap3A_648 = arith.constant 32 : index
        %swap3A_649 = tpu.vector_load %arg6[%swap3A_646, %swap3A_647, %swap3A_648] {strides = array<i32>} : memref<5x128x64xf32, #tpu.memory_space<vmem>>, vector<1x1x16xf32>,
        %swap3A_650 = vector.shape_cast %swap3A_649 : vector<1x1x16xf32> to vector<16xf32>
        %swap3A_651 = vector.shape_cast %mul3A_644 : vector<16xf32> to vector<1x1x16xf32>
        tpu.vector_store %arg6[%swap3A_646, %swap3A_647, %swap3A_648], %swap3A_651 {strides = array<i32>} : memref<5x128x64xf32, #tpu.memory_space<vmem>>, vector<1x1x16xf32>,
        %get3A_652 = arith.constant 0 : i32
        %get3A_653 = arith.index_cast %get3A_652 : i32 to index
        %get3A_654 = arith.index_cast %add3A_603 : i32 to index
        %get3A_655 = arith.constant 48 : index
        %get3A_656 = tpu.vector_load %arg6[%get3A_653, %get3A_654, %get3A_655] {strides = array<i32>} : memref<5x128x64xf32, #tpu.memory_space<vmem>>, vector<1x1x16xf32>,
        %get3A_657 = vector.shape_cast %get3A_656 : vector<1x1x16xf32> to vector<16xf32>
        %mul3A_658 = arith.constant 8.000000e+00 : f32
        %mul3A_659 = vector.broadcast %mul3A_658 : f32 to vector<16xf32>
        %mul3A_660 = arith.mulf %get3A_657, %mul3A_659 : vector<16xf32>
        %swap3A_661 = arith.constant 0 : i32
        %swap3A_662 = arith.index_cast %swap3A_661 : i32 to index
        %swap3A_663 = arith.index_cast %add3A_603 : i32 to index
        %swap3A_664 = arith.constant 48 : index
        %swap3A_665 = tpu.vector_load %arg6[%swap3A_662, %swap3A_663, %swap3A_664] {strides = array<i32>} : memref<5x128x64xf32, #tpu.memory_space<vmem>>, vector<1x1x16xf32>,
        %swap3A_666 = vector.shape_cast %swap3A_665 : vector<1x1x16xf32> to vector<16xf32>
        %swap3A_667 = vector.shape_cast %mul3A_660 : vector<16xf32> to vector<1x1x16xf32>
        tpu.vector_store %arg6[%swap3A_662, %swap3A_663, %swap3A_664], %swap3A_667 {strides = array<i32>} : memref<5x128x64xf32, #tpu.memory_space<vmem>>, vector<1x1x16xf32>,
        %scan3A_668 = arith.constant 5 : i32
        %scan3A_669 = arith.addi %scan3A_321, %scan3A_668 : i32
        %mul3A_670 = arith.constant 1 : i32
        %mul3A_671 = arith.muli %scan3A_669, %mul3A_670 : i32
        %add3A_672 = arith.constant 0 : i32
        %add3A_673 = arith.addi %add3A_672, %mul3A_671 : i32
        %get3A_674 = arith.constant 0 : i32
        %get3A_675 = arith.index_cast %get3A_674 : i32 to index
        %get3A_676 = arith.index_cast %add3A_673 : i32 to index
        %get3A_677 = arith.constant 0 : index
        %get3A_678 = tpu.vector_load %arg6[%get3A_675, %get3A_676, %get3A_677] {strides = array<i32>} : memref<5x128x64xf32, #tpu.memory_space<vmem>>, vector<1x1x16xf32>,
        %get3A_679 = vector.shape_cast %get3A_678 : vector<1x1x16xf32> to vector<16xf32>
        %mul3A_680 = arith.constant 8.000000e+00 : f32
        %mul3A_681 = vector.broadcast %mul3A_680 : f32 to vector<16xf32>
        %mul3A_682 = arith.mulf %get3A_679, %mul3A_681 : vector<16xf32>
        %swap3A_683 = arith.constant 0 : i32
        %swap3A_684 = arith.index_cast %swap3A_683 : i32 to index
        %swap3A_685 = arith.index_cast %add3A_673 : i32 to index
        %swap3A_686 = arith.constant 0 : index
        %swap3A_687 = tpu.vector_load %arg6[%swap3A_684, %swap3A_685, %swap3A_686] {strides = array<i32>} : memref<5x128x64xf32, #tpu.memory_space<vmem>>, vector<1x1x16xf32>,
        %swap3A_688 = vector.shape_cast %swap3A_687 : vector<1x1x16xf32> to vector<16xf32>
        %swap3A_689 = vector.shape_cast %mul3A_682 : vector<16xf32> to vector<1x1x16xf32>
        tpu.vector_store %arg6[%swap3A_684, %swap3A_685, %swap3A_686], %swap3A_689 {strides = array<i32>} : memref<5x128x64xf32, #tpu.memory_space<vmem>>, vector<1x1x16xf32>,
        %get3A_690 = arith.constant 0 : i32
        %get3A_691 = arith.index_cast %get3A_690 : i32 to index
        %get3A_692 = arith.index_cast %add3A_673 : i32 to index
        %get3A_693 = arith.constant 16 : index
        %get3A_694 = tpu.vector_load %arg6[%get3A_691, %get3A_692, %get3A_693] {strides = array<i32>} : memref<5x128x64xf32, #tpu.memory_space<vmem>>, vector<1x1x16xf32>,
        %get3A_695 = vector.shape_cast %get3A_694 : vector<1x1x16xf32> to vector<16xf32>
        %mul3A_696 = arith.constant 8.000000e+00 : f32
        %mul3A_697 = vector.broadcast %mul3A_696 : f32 to vector<16xf32>
        %mul3A_698 = arith.mulf %get3A_695, %mul3A_697 : vector<16xf32>
        %swap3A_699 = arith.constant 0 : i32
        %swap3A_700 = arith.index_cast %swap3A_699 : i32 to index
        %swap3A_701 = arith.index_cast %add3A_673 : i32 to index
        %swap3A_702 = arith.constant 16 : index
        %swap3A_703 = tpu.vector_load %arg6[%swap3A_700, %swap3A_701, %swap3A_702] {strides = array<i32>} : memref<5x128x64xf32, #tpu.memory_space<vmem>>, vector<1x1x16xf32>,
        %swap3A_704 = vector.shape_cast %swap3A_703 : vector<1x1x16xf32> to vector<16xf32>
        %swap3A_705 = vector.shape_cast %mul3A_698 : vector<16xf32> to vector<1x1x16xf32>
        tpu.vector_store %arg6[%swap3A_700, %swap3A_701, %swap3A_702], %swap3A_705 {strides = array<i32>} : memref<5x128x64xf32, #tpu.memory_space<vmem>>, vector<1x1x16xf32>,
        %get3A_706 = arith.constant 0 : i32
        %get3A_707 = arith.index_cast %get3A_706 : i32 to index
        %get3A_708 = arith.index_cast %add3A_673 : i32 to index
        %get3A_709 = arith.constant 32 : index
        %get3A_710 = tpu.vector_load %arg6[%get3A_707, %get3A_708, %get3A_709] {strides = array<i32>} : memref<5x128x64xf32, #tpu.memory_space<vmem>>, vector<1x1x16xf32>,
        %get3A_711 = vector.shape_cast %get3A_710 : vector<1x1x16xf32> to vector<16xf32>
        %mul3A_712 = arith.constant 8.000000e+00 : f32
        %mul3A_713 = vector.broadcast %mul3A_712 : f32 to vector<16xf32>
        %mul3A_714 = arith.mulf %get3A_711, %mul3A_713 : vector<16xf32>
        %swap3A_715 = arith.constant 0 : i32
        %swap3A_716 = arith.index_cast %swap3A_715 : i32 to index
        %swap3A_717 = arith.index_cast %add3A_673 : i32 to index
        %swap3A_718 = arith.constant 32 : index
        %swap3A_719 = tpu.vector_load %arg6[%swap3A_716, %swap3A_717, %swap3A_718] {strides = array<i32>} : memref<5x128x64xf32, #tpu.memory_space<vmem>>, vector<1x1x16xf32>,
        %swap3A_720 = vector.shape_cast %swap3A_719 : vector<1x1x16xf32> to vector<16xf32>
        %swap3A_721 = vector.shape_cast %mul3A_714 : vector<16xf32> to vector<1x1x16xf32>
        tpu.vector_store %arg6[%swap3A_716, %swap3A_717, %swap3A_718], %swap3A_721 {strides = array<i32>} : memref<5x128x64xf32, #tpu.memory_space<vmem>>, vector<1x1x16xf32>,
        %get3A_722 = arith.constant 0 : i32
        %get3A_723 = arith.index_cast %get3A_722 : i32 to index
        %get3A_724 = arith.index_cast %add3A_673 : i32 to index
        %get3A_725 = arith.constant 48 : index
        %get3A_726 = tpu.vector_load %arg6[%get3A_723, %get3A_724, %get3A_725] {strides = array<i32>} : memref<5x128x64xf32, #tpu.memory_space<vmem>>, vector<1x1x16xf32>,
        %get3A_727 = vector.shape_cast %get3A_726 : vector<1x1x16xf32> to vector<16xf32>
        %mul3A_728 = arith.constant 8.000000e+00 : f32
        %mul3A_729 = vector.broadcast %mul3A_728 : f32 to vector<16xf32>
        %mul3A_730 = arith.mulf %get3A_727, %mul3A_729 : vector<16xf32>
        %swap3A_731 = arith.constant 0 : i32
        %swap3A_732 = arith.index_cast %swap3A_731 : i32 to index
        %swap3A_733 = arith.index_cast %add3A_673 : i32 to index
        %swap3A_734 = arith.constant 48 : index
        %swap3A_735 = tpu.vector_load %arg6[%swap3A_732, %swap3A_733, %swap3A_734] {strides = array<i32>} : memref<5x128x64xf32, #tpu.memory_space<vmem>>, vector<1x1x16xf32>,
        %swap3A_736 = vector.shape_cast %swap3A_735 : vector<1x1x16xf32> to vector<16xf32>
        %swap3A_737 = vector.shape_cast %mul3A_730 : vector<16xf32> to vector<1x1x16xf32>
        tpu.vector_store %arg6[%swap3A_732, %swap3A_733, %swap3A_734], %swap3A_737 {strides = array<i32>} : memref<5x128x64xf32, #tpu.memory_space<vmem>>, vector<1x1x16xf32>,
        %scan3A_738 = arith.constant 6 : i32
        %scan3A_739 = arith.addi %scan3A_321, %scan3A_738 : i32
        %mul3A_740 = arith.constant 1 : i32
        %mul3A_741 = arith.muli %scan3A_739, %mul3A_740 : i32
        %add3A_742 = arith.constant 0 : i32
        %add3A_743 = arith.addi %add3A_742, %mul3A_741 : i32
        %get3A_744 = arith.constant 0 : i32
        %get3A_745 = arith.index_cast %get3A_744 : i32 to index
        %get3A_746 = arith.index_cast %add3A_743 : i32 to index
        %get3A_747 = arith.constant 0 : index
        %get3A_748 = tpu.vector_load %arg6[%get3A_745, %get3A_746, %get3A_747] {strides = array<i32>} : memref<5x128x64xf32, #tpu.memory_space<vmem>>, vector<1x1x16xf32>,
        %get3A_749 = vector.shape_cast %get3A_748 : vector<1x1x16xf32> to vector<16xf32>
        %mul3A_750 = arith.constant 8.000000e+00 : f32
        %mul3A_751 = vector.broadcast %mul3A_750 : f32 to vector<16xf32>
        %mul3A_752 = arith.mulf %get3A_749, %mul3A_751 : vector<16xf32>
        %swap3A_753 = arith.constant 0 : i32
        %swap3A_754 = arith.index_cast %swap3A_753 : i32 to index
        %swap3A_755 = arith.index_cast %add3A_743 : i32 to index
        %swap3A_756 = arith.constant 0 : index
        %swap3A_757 = tpu.vector_load %arg6[%swap3A_754, %swap3A_755, %swap3A_756] {strides = array<i32>} : memref<5x128x64xf32, #tpu.memory_space<vmem>>, vector<1x1x16xf32>,
        %swap3A_758 = vector.shape_cast %swap3A_757 : vector<1x1x16xf32> to vector<16xf32>
        %swap3A_759 = vector.shape_cast %mul3A_752 : vector<16xf32> to vector<1x1x16xf32>
        tpu.vector_store %arg6[%swap3A_754, %swap3A_755, %swap3A_756], %swap3A_759 {strides = array<i32>} : memref<5x128x64xf32, #tpu.memory_space<vmem>>, vector<1x1x16xf32>,
        %get3A_760 = arith.constant 0 : i32
        %get3A_761 = arith.index_cast %get3A_760 : i32 to index
        %get3A_762 = arith.index_cast %add3A_743 : i32 to index
        %get3A_763 = arith.constant 16 : index
        %get3A_764 = tpu.vector_load %arg6[%get3A_761, %get3A_762, %get3A_763] {strides = array<i32>} : memref<5x128x64xf32, #tpu.memory_space<vmem>>, vector<1x1x16xf32>,
        %get3A_765 = vector.shape_cast %get3A_764 : vector<1x1x16xf32> to vector<16xf32>
        %mul3A_766 = arith.constant 8.000000e+00 : f32
        %mul3A_767 = vector.broadcast %mul3A_766 : f32 to vector<16xf32>
        %mul3A_768 = arith.mulf %get3A_765, %mul3A_767 : vector<16xf32>
        %swap3A_769 = arith.constant 0 : i32
        %swap3A_770 = arith.index_cast %swap3A_769 : i32 to index
        %swap3A_771 = arith.index_cast %add3A_743 : i32 to index
        %swap3A_772 = arith.constant 16 : index
        %swap3A_773 = tpu.vector_load %arg6[%swap3A_770, %swap3A_771, %swap3A_772] {strides = array<i32>} : memref<5x128x64xf32, #tpu.memory_space<vmem>>, vector<1x1x16xf32>,
        %swap3A_774 = vector.shape_cast %swap3A_773 : vector<1x1x16xf32> to vector<16xf32>
        %swap3A_775 = vector.shape_cast %mul3A_768 : vector<16xf32> to vector<1x1x16xf32>
        tpu.vector_store %arg6[%swap3A_770, %swap3A_771, %swap3A_772], %swap3A_775 {strides = array<i32>} : memref<5x128x64xf32, #tpu.memory_space<vmem>>, vector<1x1x16xf32>,
        %get3A_776 = arith.constant 0 : i32
        %get3A_777 = arith.index_cast %get3A_776 : i32 to index
        %get3A_778 = arith.index_cast %add3A_743 : i32 to index
        %get3A_779 = arith.constant 32 : index
        %get3A_780 = tpu.vector_load %arg6[%get3A_777, %get3A_778, %get3A_779] {strides = array<i32>} : memref<5x128x64xf32, #tpu.memory_space<vmem>>, vector<1x1x16xf32>,
        %get3A_781 = vector.shape_cast %get3A_780 : vector<1x1x16xf32> to vector<16xf32>
        %mul3A_782 = arith.constant 8.000000e+00 : f32
        %mul3A_783 = vector.broadcast %mul3A_782 : f32 to vector<16xf32>
        %mul3A_784 = arith.mulf %get3A_781, %mul3A_783 : vector<16xf32>
        %swap3A_785 = arith.constant 0 : i32
        %swap3A_786 = arith.index_cast %swap3A_785 : i32 to index
        %swap3A_787 = arith.index_cast %add3A_743 : i32 to index
        %swap3A_788 = arith.constant 32 : index
        %swap3A_789 = tpu.vector_load %arg6[%swap3A_786, %swap3A_787, %swap3A_788] {strides = array<i32>} : memref<5x128x64xf32, #tpu.memory_space<vmem>>, vector<1x1x16xf32>,
        %swap3A_790 = vector.shape_cast %swap3A_789 : vector<1x1x16xf32> to vector<16xf32>
        %swap3A_791 = vector.shape_cast %mul3A_784 : vector<16xf32> to vector<1x1x16xf32>
        tpu.vector_store %arg6[%swap3A_786, %swap3A_787, %swap3A_788], %swap3A_791 {strides = array<i32>} : memref<5x128x64xf32, #tpu.memory_space<vmem>>, vector<1x1x16xf32>,
        %get3A_792 = arith.constant 0 : i32
        %get3A_793 = arith.index_cast %get3A_792 : i32 to index
        %get3A_794 = arith.index_cast %add3A_743 : i32 to index
        %get3A_795 = arith.constant 48 : index
        %get3A_796 = tpu.vector_load %arg6[%get3A_793, %get3A_794, %get3A_795] {strides = array<i32>} : memref<5x128x64xf32, #tpu.memory_space<vmem>>, vector<1x1x16xf32>,
        %get3A_797 = vector.shape_cast %get3A_796 : vector<1x1x16xf32> to vector<16xf32>
        %mul3A_798 = arith.constant 8.000000e+00 : f32
        %mul3A_799 = vector.broadcast %mul3A_798 : f32 to vector<16xf32>
        %mul3A_800 = arith.mulf %get3A_797, %mul3A_799 : vector<16xf32>
        %swap3A_801 = arith.constant 0 : i32
        %swap3A_802 = arith.index_cast %swap3A_801 : i32 to index
        %swap3A_803 = arith.index_cast %add3A_743 : i32 to index
        %swap3A_804 = arith.constant 48 : index
        %swap3A_805 = tpu.vector_load %arg6[%swap3A_802, %swap3A_803, %swap3A_804] {strides = array<i32>} : memref<5x128x64xf32, #tpu.memory_space<vmem>>, vector<1x1x16xf32>,
        %swap3A_806 = vector.shape_cast %swap3A_805 : vector<1x1x16xf32> to vector<16xf32>
        %swap3A_807 = vector.shape_cast %mul3A_800 : vector<16xf32> to vector<1x1x16xf32>
        tpu.vector_store %arg6[%swap3A_802, %swap3A_803, %swap3A_804], %swap3A_807 {strides = array<i32>} : memref<5x128x64xf32, #tpu.memory_space<vmem>>, vector<1x1x16xf32>,
        %scan3A_808 = arith.constant 7 : i32
        %scan3A_809 = arith.addi %scan3A_321, %scan3A_808 : i32
        %mul3A_810 = arith.constant 1 : i32
        %mul3A_811 = arith.muli %scan3A_809, %mul3A_810 : i32
        %add3A_812 = arith.constant 0 : i32
        %add3A_813 = arith.addi %add3A_812, %mul3A_811 : i32
        %get3A_814 = arith.constant 0 : i32
        %get3A_815 = arith.index_cast %get3A_814 : i32 to index
        %get3A_816 = arith.index_cast %add3A_813 : i32 to index
        %get3A_817 = arith.constant 0 : index
        %get3A_818 = tpu.vector_load %arg6[%get3A_815, %get3A_816, %get3A_817] {strides = array<i32>} : memref<5x128x64xf32, #tpu.memory_space<vmem>>, vector<1x1x16xf32>,
        %get3A_819 = vector.shape_cast %get3A_818 : vector<1x1x16xf32> to vector<16xf32>
        %mul3A_820 = arith.constant 8.000000e+00 : f32
        %mul3A_821 = vector.broadcast %mul3A_820 : f32 to vector<16xf32>
        %mul3A_822 = arith.mulf %get3A_819, %mul3A_821 : vector<16xf32>
        %swap3A_823 = arith.constant 0 : i32
        %swap3A_824 = arith.index_cast %swap3A_823 : i32 to index
        %swap3A_825 = arith.index_cast %add3A_813 : i32 to index
        %swap3A_826 = arith.constant 0 : index
        %swap3A_827 = tpu.vector_load %arg6[%swap3A_824, %swap3A_825, %swap3A_826] {strides = array<i32>} : memref<5x128x64xf32, #tpu.memory_space<vmem>>, vector<1x1x16xf32>,
        %swap3A_828 = vector.shape_cast %swap3A_827 : vector<1x1x16xf32> to vector<16xf32>
        %swap3A_829 = vector.shape_cast %mul3A_822 : vector<16xf32> to vector<1x1x16xf32>
        tpu.vector_store %arg6[%swap3A_824, %swap3A_825, %swap3A_826], %swap3A_829 {strides = array<i32>} : memref<5x128x64xf32, #tpu.memory_space<vmem>>, vector<1x1x16xf32>,
        %get3A_830 = arith.constant 0 : i32
        %get3A_831 = arith.index_cast %get3A_830 : i32 to index
        %get3A_832 = arith.index_cast %add3A_813 : i32 to index
        %get3A_833 = arith.constant 16 : index
        %get3A_834 = tpu.vector_load %arg6[%get3A_831, %get3A_832, %get3A_833] {strides = array<i32>} : memref<5x128x64xf32, #tpu.memory_space<vmem>>, vector<1x1x16xf32>,
        %get3A_835 = vector.shape_cast %get3A_834 : vector<1x1x16xf32> to vector<16xf32>
        %mul3A_836 = arith.constant 8.000000e+00 : f32
        %mul3A_837 = vector.broadcast %mul3A_836 : f32 to vector<16xf32>
        %mul3A_838 = arith.mulf %get3A_835, %mul3A_837 : vector<16xf32>
        %swap3A_839 = arith.constant 0 : i32
        %swap3A_840 = arith.index_cast %swap3A_839 : i32 to index
        %swap3A_841 = arith.index_cast %add3A_813 : i32 to index
        %swap3A_842 = arith.constant 16 : index
        %swap3A_843 = tpu.vector_load %arg6[%swap3A_840, %swap3A_841, %swap3A_842] {strides = array<i32>} : memref<5x128x64xf32, #tpu.memory_space<vmem>>, vector<1x1x16xf32>,
        %swap3A_844 = vector.shape_cast %swap3A_843 : vector<1x1x16xf32> to vector<16xf32>
        %swap3A_845 = vector.shape_cast %mul3A_838 : vector<16xf32> to vector<1x1x16xf32>
        tpu.vector_store %arg6[%swap3A_840, %swap3A_841, %swap3A_842], %swap3A_845 {strides = array<i32>} : memref<5x128x64xf32, #tpu.memory_space<vmem>>, vector<1x1x16xf32>,
        %get3A_846 = arith.constant 0 : i32
        %get3A_847 = arith.index_cast %get3A_846 : i32 to index
        %get3A_848 = arith.index_cast %add3A_813 : i32 to index
        %get3A_849 = arith.constant 32 : index
        %get3A_850 = tpu.vector_load %arg6[%get3A_847, %get3A_848, %get3A_849] {strides = array<i32>} : memref<5x128x64xf32, #tpu.memory_space<vmem>>, vector<1x1x16xf32>,
        %get3A_851 = vector.shape_cast %get3A_850 : vector<1x1x16xf32> to vector<16xf32>
        %mul3A_852 = arith.constant 8.000000e+00 : f32
        %mul3A_853 = vector.broadcast %mul3A_852 : f32 to vector<16xf32>
        %mul3A_854 = arith.mulf %get3A_851, %mul3A_853 : vector<16xf32>
        %swap3A_855 = arith.constant 0 : i32
        %swap3A_856 = arith.index_cast %swap3A_855 : i32 to index
        %swap3A_857 = arith.index_cast %add3A_813 : i32 to index
        %swap3A_858 = arith.constant 32 : index
        %swap3A_859 = tpu.vector_load %arg6[%swap3A_856, %swap3A_857, %swap3A_858] {strides = array<i32>} : memref<5x128x64xf32, #tpu.memory_space<vmem>>, vector<1x1x16xf32>,
        %swap3A_860 = vector.shape_cast %swap3A_859 : vector<1x1x16xf32> to vector<16xf32>
        %swap3A_861 = vector.shape_cast %mul3A_854 : vector<16xf32> to vector<1x1x16xf32>
        tpu.vector_store %arg6[%swap3A_856, %swap3A_857, %swap3A_858], %swap3A_861 {strides = array<i32>} : memref<5x128x64xf32, #tpu.memory_space<vmem>>, vector<1x1x16xf32>,
        %get3A_862 = arith.constant 0 : i32
        %get3A_863 = arith.index_cast %get3A_862 : i32 to index
        %get3A_864 = arith.index_cast %add3A_813 : i32 to index
        %get3A_865 = arith.constant 48 : index
        %get3A_866 = tpu.vector_load %arg6[%get3A_863, %get3A_864, %get3A_865] {strides = array<i32>} : memref<5x128x64xf32, #tpu.memory_space<vmem>>, vector<1x1x16xf32>,
        %get3A_867 = vector.shape_cast %get3A_866 : vector<1x1x16xf32> to vector<16xf32>
        %mul3A_868 = arith.constant 8.000000e+00 : f32
        %mul3A_869 = vector.broadcast %mul3A_868 : f32 to vector<16xf32>
        %mul3A_870 = arith.mulf %get3A_867, %mul3A_869 : vector<16xf32>
        %swap3A_871 = arith.constant 0 : i32
        %swap3A_872 = arith.index_cast %swap3A_871 : i32 to index
        %swap3A_873 = arith.index_cast %add3A_813 : i32 to index
        %swap3A_874 = arith.constant 48 : index
        %swap3A_875 = tpu.vector_load %arg6[%swap3A_872, %swap3A_873, %swap3A_874] {strides = array<i32>} : memref<5x128x64xf32, #tpu.memory_space<vmem>>, vector<1x1x16xf32>,
        %swap3A_876 = vector.shape_cast %swap3A_875 : vector<1x1x16xf32> to vector<16xf32>
        %swap3A_877 = vector.shape_cast %mul3A_870 : vector<16xf32> to vector<1x1x16xf32>
        tpu.vector_store %arg6[%swap3A_872, %swap3A_873, %swap3A_874], %swap3A_877 {strides = array<i32>} : memref<5x128x64xf32, #tpu.memory_space<vmem>>, vector<1x1x16xf32>,
      }
      %scan3A_120 = arith.constant 128 : i32
      %mul3A_121 = arith.constant 128 : i32
      %mul3A_122 = arith.muli %add3A_100, %mul3A_121 : i32
      %add3A_123 = arith.addi %mul3A_2, %mul3A_122 : i32
      %dma_start3A_124 = arith.constant 0 : i32
      %dma_start3A_125 = arith.constant 0 : i32
      %dma_start3A_126 = arith.constant 0 : i32
      %dma_start3A_127 = tpu.memref_slice %arg6[%dma_start3A_124, %dma_start3A_125, %dma_start3A_126] : memref<5x128x64xf32, #tpu.memory_space<vmem>> -> memref<1x128x64xf32, #tpu.memory_space<vmem>>
      %dma_start3A_128 = tpu.memref_squeeze %dma_start3A_127 : memref<1x128x64xf32, #tpu.memory_space<vmem>> -> memref<128x64xf32, #tpu.memory_space<vmem>>
      %dma_start3A_129 = arith.constant 0 : i32
      %dma_start3A_130 = tpu.memref_slice %arg4[%add3A_123, %dma_start3A_129] : memref<204800x64xf32, #tpu.memory_space<hbm>> -> memref<128x64xf32, #tpu.memory_space<hbm>>
      %dma_start3A_131 = arith.constant 0 : i32
      %dma_start3A_132 = tpu.memref_slice %arg4[%add3A_123, %dma_start3A_131] : memref<204800x64xf32, #tpu.memory_space<hbm>> -> memref<128x64xf32, #tpu.memory_space<hbm>>
      %dma_start3A_133 = arith.constant 0 : i32
      %dma_start3A_134 = arith.constant 0 : i32
      %dma_start3A_135 = tpu.memref_slice %arg6[%dma_start3A_124, %dma_start3A_133, %dma_start3A_134] : memref<5x128x64xf32, #tpu.memory_space<vmem>> -> memref<1x128x64xf32, #tpu.memory_space<vmem>>
      %dma_start3A_136 = tpu.memref_squeeze %dma_start3A_135 : memref<1x128x64xf32, #tpu.memory_space<vmem>> -> memref<128x64xf32, #tpu.memory_space<vmem>>
      tpu.enqueue_dma source(%dma_start3A_136 : memref<128x64xf32, #tpu.memory_space<vmem>>) target(%dma_start3A_132 : memref<128x64xf32, #tpu.memory_space<hbm>>) target_semaphore(%arg8 : memref<!tpu.dma_semaphore, #tpu.memory_space<semaphore_mem>>)
      %add3A_137 = arith.constant 2 : i32
      %add3A_138 = arith.addi %add3A_100, %add3A_137 : i32
      %lt3A = arith.constant 50 : i32
      %lt3A_139 = arith.cmpi slt, %add3A_138, %lt3A : i32
      %convert_element_type3A = arith.extui %lt3A_139 : i1 to i32
      %cond3A = arith.constant 0 : i32
      %cond3A_140 = arith.cmpi ne, %convert_element_type3A, %cond3A : i32
      scf.if %cond3A_140 {
        %ge3A = arith.constant 5 : i32
        %ge3A_321 = arith.cmpi sge, %add3A_138, %ge3A : i32
        %convert_element_type3A_322 = arith.extui %ge3A_321 : i1 to i32
        %cond3A_323 = arith.constant 0 : i32
        %cond3A_324 = arith.cmpi ne, %convert_element_type3A_322, %cond3A_323 : i32
        scf.if %cond3A_324 {
          %dma_wait3A_336 = arith.constant 2 : i32
          %dma_wait3A_337 = arith.constant 0 : i32
          %dma_wait3A_338 = arith.constant 0 : i32
          %dma_wait3A_339 = tpu.memref_slice %arg6[%dma_wait3A_336, %dma_wait3A_337, %dma_wait3A_338] : memref<5x128x64xf32, #tpu.memory_space<vmem>> -> memref<1x128x64xf32, #tpu.memory_space<vmem>>
          %dma_wait3A_340 = tpu.memref_squeeze %dma_wait3A_339 : memref<1x128x64xf32, #tpu.memory_space<vmem>> -> memref<128x64xf32, #tpu.memory_space<vmem>>
          %dma_wait3A_341 = arith.constant 0 : i32
          %dma_wait3A_342 = tpu.memref_slice %arg4[%mul3A_2, %dma_wait3A_341] : memref<204800x64xf32, #tpu.memory_space<hbm>> -> memref<128x64xf32, #tpu.memory_space<hbm>>
          %dma_wait3A_343 = arith.constant 0 : i32
          %dma_wait3A_344 = tpu.memref_slice %arg4[%mul3A_2, %dma_wait3A_343] : memref<204800x64xf32, #tpu.memory_space<hbm>> -> memref<128x64xf32, #tpu.memory_space<hbm>>
          %dma_wait3A_345 = arith.constant 0 : i32
          %dma_wait3A_346 = arith.constant 0 : i32
          %dma_wait3A_347 = tpu.memref_slice %arg6[%dma_wait3A_336, %dma_wait3A_345, %dma_wait3A_346] : memref<5x128x64xf32, #tpu.memory_space<vmem>> -> memref<1x128x64xf32, #tpu.memory_space<vmem>>
          %dma_wait3A_348 = tpu.memref_squeeze %dma_wait3A_347 : memref<1x128x64xf32, #tpu.memory_space<vmem>> -> memref<128x64xf32, #tpu.memory_space<vmem>>
          tpu.wait_dma2 semaphore(%arg8 : memref<!tpu.dma_semaphore, #tpu.memory_space<semaphore_mem>>) src(%dma_wait3A_348 : memref<128x64xf32, #tpu.memory_space<vmem>>) dst(%dma_wait3A_344 : memref<128x64xf32, #tpu.memory_space<hbm>>)
        } else {
        }
        %dma_start3A_325 = arith.constant 2 : i32
        %dma_start3A_326 = arith.constant 0 : i32
        %dma_start3A_327 = arith.constant 0 : i32
        %dma_start3A_328 = tpu.memref_slice %arg6[%dma_start3A_325, %dma_start3A_326, %dma_start3A_327] : memref<5x128x64xf32, #tpu.memory_space<vmem>> -> memref<1x128x64xf32, #tpu.memory_space<vmem>>
        %dma_start3A_329 = tpu.memref_squeeze %dma_start3A_328 : memref<1x128x64xf32, #tpu.memory_space<vmem>> -> memref<128x64xf32, #tpu.memory_space<vmem>>
        %dma_start3A_330 = arith.constant 0 : i32
        %dma_start3A_331 = tpu.memref_slice %arg5[%add3A_138, %dma_start3A_330] : memref<50x128xi32, #tpu.memory_space<vmem>> -> memref<1x128xi32, #tpu.memory_space<vmem>>
        %dma_start3A_332 = tpu.memref_squeeze %dma_start3A_331 : memref<1x128xi32, #tpu.memory_space<vmem>> -> memref<128xi32, #tpu.memory_space<vmem>>
        %dma_start3A_333 = arith.constant 0 : i32
        %dma_start3A_334 = arith.constant 0 : i32
        %dma_start3A_335 = tpu.memref_slice %arg3[%dma_start3A_333, %dma_start3A_334] : memref<1000000x64xf32, #tpu.memory_space<hbm>> -> memref<1000000x64xf32, #tpu.memory_space<hbm>>
        tpu.enqueue_indirect_dma source(%dma_start3A_335 : memref<1000000x64xf32, #tpu.memory_space<hbm>>) target(%dma_start3A_329 : memref<128x64xf32, #tpu.memory_space<vmem>>) offsets(%dma_start3A_332 : memref<128xi32, #tpu.memory_space<vmem>>) semaphore(%arg7 : memref<!tpu.dma_semaphore, #tpu.memory_space<semaphore_mem>>)
      } else {
      }
      %add3A_141 = arith.constant 1 : i32
      %add3A_142 = arith.addi %add3A_98, %add3A_141 : i32
      %dma_wait3A_143 = arith.constant 1 : i32
      %dma_wait3A_144 = arith.constant 0 : i32
      %dma_wait3A_145 = arith.constant 0 : i32
      %dma_wait3A_146 = tpu.memref_slice %arg6[%dma_wait3A_143, %dma_wait3A_144, %dma_wait3A_145] : memref<5x128x64xf32, #tpu.memory_space<vmem>> -> memref<1x128x64xf32, #tpu.memory_space<vmem>>
      %dma_wait3A_147 = tpu.memref_squeeze %dma_wait3A_146 : memref<1x128x64xf32, #tpu.memory_space<vmem>> -> memref<128x64xf32, #tpu.memory_space<vmem>>
      %dma_wait3A_148 = arith.constant 0 : i32
      %dma_wait3A_149 = arith.constant 0 : i32
      %dma_wait3A_150 = tpu.memref_slice %arg3[%dma_wait3A_148, %dma_wait3A_149] : memref<1000000x64xf32, #tpu.memory_space<hbm>> -> memref<128x64xf32, #tpu.memory_space<hbm>>
      %dma_wait3A_151 = arith.constant 0 : i32
      %dma_wait3A_152 = arith.constant 0 : i32
      %dma_wait3A_153 = tpu.memref_slice %arg6[%dma_wait3A_143, %dma_wait3A_151, %dma_wait3A_152] : memref<5x128x64xf32, #tpu.memory_space<vmem>> -> memref<1x128x64xf32, #tpu.memory_space<vmem>>
      %dma_wait3A_154 = tpu.memref_squeeze %dma_wait3A_153 : memref<1x128x64xf32, #tpu.memory_space<vmem>> -> memref<128x64xf32, #tpu.memory_space<vmem>>
      %dma_wait3A_155 = arith.constant 0 : i32
      %dma_wait3A_156 = arith.constant 0 : i32
      %dma_wait3A_157 = tpu.memref_slice %arg3[%dma_wait3A_155, %dma_wait3A_156] : memref<1000000x64xf32, #tpu.memory_space<hbm>> -> memref<128x64xf32, #tpu.memory_space<hbm>>
      tpu.wait_dma2 semaphore(%arg7 : memref<!tpu.dma_semaphore, #tpu.memory_space<semaphore_mem>>) src(%dma_wait3A_157 : memref<128x64xf32, #tpu.memory_space<hbm>>) dst(%dma_wait3A_154 : memref<128x64xf32, #tpu.memory_space<vmem>>)
      %scan3A_158 = arith.constant 0 : i32
      %scan3A_159 = arith.constant 128 : i32
      %scan3A_160 = arith.addi %scan3A_158, %scan3A_159 : i32
      %scan3A_161 = arith.constant 8 : i32
      scf.for %scan3A_321 = %scan3A_158 to %scan3A_160 step %scan3A_161  : i32 {
        %mul3A_322 = arith.constant 1 : i32
        %mul3A_323 = arith.muli %scan3A_321, %mul3A_322 : i32
        %add3A_324 = arith.constant 0 : i32
        %add3A_325 = arith.addi %add3A_324, %mul3A_323 : i32
        %get3A = arith.constant 1 : i32
        %get3A_326 = arith.index_cast %get3A : i32 to index
        %get3A_327 = arith.index_cast %add3A_325 : i32 to index
        %get3A_328 = arith.constant 0 : index
        %get3A_329 = tpu.vector_load %arg6[%get3A_326, %get3A_327, %get3A_328] {strides = array<i32>} : memref<5x128x64xf32, #tpu.memory_space<vmem>>, vector<1x1x16xf32>,
        %get3A_330 = vector.shape_cast %get3A_329 : vector<1x1x16xf32> to vector<16xf32>
        %mul3A_331 = arith.constant 8.000000e+00 : f32
        %mul3A_332 = vector.broadcast %mul3A_331 : f32 to vector<16xf32>
        %mul3A_333 = arith.mulf %get3A_330, %mul3A_332 : vector<16xf32>
        %swap3A = arith.constant 1 : i32
        %swap3A_334 = arith.index_cast %swap3A : i32 to index
        %swap3A_335 = arith.index_cast %add3A_325 : i32 to index
        %swap3A_336 = arith.constant 0 : index
        %swap3A_337 = tpu.vector_load %arg6[%swap3A_334, %swap3A_335, %swap3A_336] {strides = array<i32>} : memref<5x128x64xf32, #tpu.memory_space<vmem>>, vector<1x1x16xf32>,
        %swap3A_338 = vector.shape_cast %swap3A_337 : vector<1x1x16xf32> to vector<16xf32>
        %swap3A_339 = vector.shape_cast %mul3A_333 : vector<16xf32> to vector<1x1x16xf32>
        tpu.vector_store %arg6[%swap3A_334, %swap3A_335, %swap3A_336], %swap3A_339 {strides = array<i32>} : memref<5x128x64xf32, #tpu.memory_space<vmem>>, vector<1x1x16xf32>,
        %get3A_340 = arith.constant 1 : i32
        %get3A_341 = arith.index_cast %get3A_340 : i32 to index
        %get3A_342 = arith.index_cast %add3A_325 : i32 to index
        %get3A_343 = arith.constant 16 : index
        %get3A_344 = tpu.vector_load %arg6[%get3A_341, %get3A_342, %get3A_343] {strides = array<i32>} : memref<5x128x64xf32, #tpu.memory_space<vmem>>, vector<1x1x16xf32>,
        %get3A_345 = vector.shape_cast %get3A_344 : vector<1x1x16xf32> to vector<16xf32>
        %mul3A_346 = arith.constant 8.000000e+00 : f32
        %mul3A_347 = vector.broadcast %mul3A_346 : f32 to vector<16xf32>
        %mul3A_348 = arith.mulf %get3A_345, %mul3A_347 : vector<16xf32>
        %swap3A_349 = arith.constant 1 : i32
        %swap3A_350 = arith.index_cast %swap3A_349 : i32 to index
        %swap3A_351 = arith.index_cast %add3A_325 : i32 to index
        %swap3A_352 = arith.constant 16 : index
        %swap3A_353 = tpu.vector_load %arg6[%swap3A_350, %swap3A_351, %swap3A_352] {strides = array<i32>} : memref<5x128x64xf32, #tpu.memory_space<vmem>>, vector<1x1x16xf32>,
        %swap3A_354 = vector.shape_cast %swap3A_353 : vector<1x1x16xf32> to vector<16xf32>
        %swap3A_355 = vector.shape_cast %mul3A_348 : vector<16xf32> to vector<1x1x16xf32>
        tpu.vector_store %arg6[%swap3A_350, %swap3A_351, %swap3A_352], %swap3A_355 {strides = array<i32>} : memref<5x128x64xf32, #tpu.memory_space<vmem>>, vector<1x1x16xf32>,
        %get3A_356 = arith.constant 1 : i32
        %get3A_357 = arith.index_cast %get3A_356 : i32 to index
        %get3A_358 = arith.index_cast %add3A_325 : i32 to index
        %get3A_359 = arith.constant 32 : index
        %get3A_360 = tpu.vector_load %arg6[%get3A_357, %get3A_358, %get3A_359] {strides = array<i32>} : memref<5x128x64xf32, #tpu.memory_space<vmem>>, vector<1x1x16xf32>,
        %get3A_361 = vector.shape_cast %get3A_360 : vector<1x1x16xf32> to vector<16xf32>
        %mul3A_362 = arith.constant 8.000000e+00 : f32
        %mul3A_363 = vector.broadcast %mul3A_362 : f32 to vector<16xf32>
        %mul3A_364 = arith.mulf %get3A_361, %mul3A_363 : vector<16xf32>
        %swap3A_365 = arith.constant 1 : i32
        %swap3A_366 = arith.index_cast %swap3A_365 : i32 to index
        %swap3A_367 = arith.index_cast %add3A_325 : i32 to index
        %swap3A_368 = arith.constant 32 : index
        %swap3A_369 = tpu.vector_load %arg6[%swap3A_366, %swap3A_367, %swap3A_368] {strides = array<i32>} : memref<5x128x64xf32, #tpu.memory_space<vmem>>, vector<1x1x16xf32>,
        %swap3A_370 = vector.shape_cast %swap3A_369 : vector<1x1x16xf32> to vector<16xf32>
        %swap3A_371 = vector.shape_cast %mul3A_364 : vector<16xf32> to vector<1x1x16xf32>
        tpu.vector_store %arg6[%swap3A_366, %swap3A_367, %swap3A_368], %swap3A_371 {strides = array<i32>} : memref<5x128x64xf32, #tpu.memory_space<vmem>>, vector<1x1x16xf32>,
        %get3A_372 = arith.constant 1 : i32
        %get3A_373 = arith.index_cast %get3A_372 : i32 to index
        %get3A_374 = arith.index_cast %add3A_325 : i32 to index
        %get3A_375 = arith.constant 48 : index
        %get3A_376 = tpu.vector_load %arg6[%get3A_373, %get3A_374, %get3A_375] {strides = array<i32>} : memref<5x128x64xf32, #tpu.memory_space<vmem>>, vector<1x1x16xf32>,
        %get3A_377 = vector.shape_cast %get3A_376 : vector<1x1x16xf32> to vector<16xf32>
        %mul3A_378 = arith.constant 8.000000e+00 : f32
        %mul3A_379 = vector.broadcast %mul3A_378 : f32 to vector<16xf32>
        %mul3A_380 = arith.mulf %get3A_377, %mul3A_379 : vector<16xf32>
        %swap3A_381 = arith.constant 1 : i32
        %swap3A_382 = arith.index_cast %swap3A_381 : i32 to index
        %swap3A_383 = arith.index_cast %add3A_325 : i32 to index
        %swap3A_384 = arith.constant 48 : index
        %swap3A_385 = tpu.vector_load %arg6[%swap3A_382, %swap3A_383, %swap3A_384] {strides = array<i32>} : memref<5x128x64xf32, #tpu.memory_space<vmem>>, vector<1x1x16xf32>,
        %swap3A_386 = vector.shape_cast %swap3A_385 : vector<1x1x16xf32> to vector<16xf32>
        %swap3A_387 = vector.shape_cast %mul3A_380 : vector<16xf32> to vector<1x1x16xf32>
        tpu.vector_store %arg6[%swap3A_382, %swap3A_383, %swap3A_384], %swap3A_387 {strides = array<i32>} : memref<5x128x64xf32, #tpu.memory_space<vmem>>, vector<1x1x16xf32>,
        %scan3A_388 = arith.constant 1 : i32
        %scan3A_389 = arith.addi %scan3A_321, %scan3A_388 : i32
        %mul3A_390 = arith.constant 1 : i32
        %mul3A_391 = arith.muli %scan3A_389, %mul3A_390 : i32
        %add3A_392 = arith.constant 0 : i32
        %add3A_393 = arith.addi %add3A_392, %mul3A_391 : i32
        %get3A_394 = arith.constant 1 : i32
        %get3A_395 = arith.index_cast %get3A_394 : i32 to index
        %get3A_396 = arith.index_cast %add3A_393 : i32 to index
        %get3A_397 = arith.constant 0 : index
        %get3A_398 = tpu.vector_load %arg6[%get3A_395, %get3A_396, %get3A_397] {strides = array<i32>} : memref<5x128x64xf32, #tpu.memory_space<vmem>>, vector<1x1x16xf32>,
        %get3A_399 = vector.shape_cast %get3A_398 : vector<1x1x16xf32> to vector<16xf32>
        %mul3A_400 = arith.constant 8.000000e+00 : f32
        %mul3A_401 = vector.broadcast %mul3A_400 : f32 to vector<16xf32>
        %mul3A_402 = arith.mulf %get3A_399, %mul3A_401 : vector<16xf32>
        %swap3A_403 = arith.constant 1 : i32
        %swap3A_404 = arith.index_cast %swap3A_403 : i32 to index
        %swap3A_405 = arith.index_cast %add3A_393 : i32 to index
        %swap3A_406 = arith.constant 0 : index
        %swap3A_407 = tpu.vector_load %arg6[%swap3A_404, %swap3A_405, %swap3A_406] {strides = array<i32>} : memref<5x128x64xf32, #tpu.memory_space<vmem>>, vector<1x1x16xf32>,
        %swap3A_408 = vector.shape_cast %swap3A_407 : vector<1x1x16xf32> to vector<16xf32>
        %swap3A_409 = vector.shape_cast %mul3A_402 : vector<16xf32> to vector<1x1x16xf32>
        tpu.vector_store %arg6[%swap3A_404, %swap3A_405, %swap3A_406], %swap3A_409 {strides = array<i32>} : memref<5x128x64xf32, #tpu.memory_space<vmem>>, vector<1x1x16xf32>,
        %get3A_410 = arith.constant 1 : i32
        %get3A_411 = arith.index_cast %get3A_410 : i32 to index
        %get3A_412 = arith.index_cast %add3A_393 : i32 to index
        %get3A_413 = arith.constant 16 : index
        %get3A_414 = tpu.vector_load %arg6[%get3A_411, %get3A_412, %get3A_413] {strides = array<i32>} : memref<5x128x64xf32, #tpu.memory_space<vmem>>, vector<1x1x16xf32>,
        %get3A_415 = vector.shape_cast %get3A_414 : vector<1x1x16xf32> to vector<16xf32>
        %mul3A_416 = arith.constant 8.000000e+00 : f32
        %mul3A_417 = vector.broadcast %mul3A_416 : f32 to vector<16xf32>
        %mul3A_418 = arith.mulf %get3A_415, %mul3A_417 : vector<16xf32>
        %swap3A_419 = arith.constant 1 : i32
        %swap3A_420 = arith.index_cast %swap3A_419 : i32 to index
        %swap3A_421 = arith.index_cast %add3A_393 : i32 to index
        %swap3A_422 = arith.constant 16 : index
        %swap3A_423 = tpu.vector_load %arg6[%swap3A_420, %swap3A_421, %swap3A_422] {strides = array<i32>} : memref<5x128x64xf32, #tpu.memory_space<vmem>>, vector<1x1x16xf32>,
        %swap3A_424 = vector.shape_cast %swap3A_423 : vector<1x1x16xf32> to vector<16xf32>
        %swap3A_425 = vector.shape_cast %mul3A_418 : vector<16xf32> to vector<1x1x16xf32>
        tpu.vector_store %arg6[%swap3A_420, %swap3A_421, %swap3A_422], %swap3A_425 {strides = array<i32>} : memref<5x128x64xf32, #tpu.memory_space<vmem>>, vector<1x1x16xf32>,
        %get3A_426 = arith.constant 1 : i32
        %get3A_427 = arith.index_cast %get3A_426 : i32 to index
        %get3A_428 = arith.index_cast %add3A_393 : i32 to index
        %get3A_429 = arith.constant 32 : index
        %get3A_430 = tpu.vector_load %arg6[%get3A_427, %get3A_428, %get3A_429] {strides = array<i32>} : memref<5x128x64xf32, #tpu.memory_space<vmem>>, vector<1x1x16xf32>,
        %get3A_431 = vector.shape_cast %get3A_430 : vector<1x1x16xf32> to vector<16xf32>
        %mul3A_432 = arith.constant 8.000000e+00 : f32
        %mul3A_433 = vector.broadcast %mul3A_432 : f32 to vector<16xf32>
        %mul3A_434 = arith.mulf %get3A_431, %mul3A_433 : vector<16xf32>
        %swap3A_435 = arith.constant 1 : i32
        %swap3A_436 = arith.index_cast %swap3A_435 : i32 to index
        %swap3A_437 = arith.index_cast %add3A_393 : i32 to index
        %swap3A_438 = arith.constant 32 : index
        %swap3A_439 = tpu.vector_load %arg6[%swap3A_436, %swap3A_437, %swap3A_438] {strides = array<i32>} : memref<5x128x64xf32, #tpu.memory_space<vmem>>, vector<1x1x16xf32>,
        %swap3A_440 = vector.shape_cast %swap3A_439 : vector<1x1x16xf32> to vector<16xf32>
        %swap3A_441 = vector.shape_cast %mul3A_434 : vector<16xf32> to vector<1x1x16xf32>
        tpu.vector_store %arg6[%swap3A_436, %swap3A_437, %swap3A_438], %swap3A_441 {strides = array<i32>} : memref<5x128x64xf32, #tpu.memory_space<vmem>>, vector<1x1x16xf32>,
        %get3A_442 = arith.constant 1 : i32
        %get3A_443 = arith.index_cast %get3A_442 : i32 to index
        %get3A_444 = arith.index_cast %add3A_393 : i32 to index
        %get3A_445 = arith.constant 48 : index
        %get3A_446 = tpu.vector_load %arg6[%get3A_443, %get3A_444, %get3A_445] {strides = array<i32>} : memref<5x128x64xf32, #tpu.memory_space<vmem>>, vector<1x1x16xf32>,
        %get3A_447 = vector.shape_cast %get3A_446 : vector<1x1x16xf32> to vector<16xf32>
        %mul3A_448 = arith.constant 8.000000e+00 : f32
        %mul3A_449 = vector.broadcast %mul3A_448 : f32 to vector<16xf32>
        %mul3A_450 = arith.mulf %get3A_447, %mul3A_449 : vector<16xf32>
        %swap3A_451 = arith.constant 1 : i32
        %swap3A_452 = arith.index_cast %swap3A_451 : i32 to index
        %swap3A_453 = arith.index_cast %add3A_393 : i32 to index
        %swap3A_454 = arith.constant 48 : index
        %swap3A_455 = tpu.vector_load %arg6[%swap3A_452, %swap3A_453, %swap3A_454] {strides = array<i32>} : memref<5x128x64xf32, #tpu.memory_space<vmem>>, vector<1x1x16xf32>,
        %swap3A_456 = vector.shape_cast %swap3A_455 : vector<1x1x16xf32> to vector<16xf32>
        %swap3A_457 = vector.shape_cast %mul3A_450 : vector<16xf32> to vector<1x1x16xf32>
        tpu.vector_store %arg6[%swap3A_452, %swap3A_453, %swap3A_454], %swap3A_457 {strides = array<i32>} : memref<5x128x64xf32, #tpu.memory_space<vmem>>, vector<1x1x16xf32>,
        %scan3A_458 = arith.constant 2 : i32
        %scan3A_459 = arith.addi %scan3A_321, %scan3A_458 : i32
        %mul3A_460 = arith.constant 1 : i32
        %mul3A_461 = arith.muli %scan3A_459, %mul3A_460 : i32
        %add3A_462 = arith.constant 0 : i32
        %add3A_463 = arith.addi %add3A_462, %mul3A_461 : i32
        %get3A_464 = arith.constant 1 : i32
        %get3A_465 = arith.index_cast %get3A_464 : i32 to index
        %get3A_466 = arith.index_cast %add3A_463 : i32 to index
        %get3A_467 = arith.constant 0 : index
        %get3A_468 = tpu.vector_load %arg6[%get3A_465, %get3A_466, %get3A_467] {strides = array<i32>} : memref<5x128x64xf32, #tpu.memory_space<vmem>>, vector<1x1x16xf32>,
        %get3A_469 = vector.shape_cast %get3A_468 : vector<1x1x16xf32> to vector<16xf32>
        %mul3A_470 = arith.constant 8.000000e+00 : f32
        %mul3A_471 = vector.broadcast %mul3A_470 : f32 to vector<16xf32>
        %mul3A_472 = arith.mulf %get3A_469, %mul3A_471 : vector<16xf32>
        %swap3A_473 = arith.constant 1 : i32
        %swap3A_474 = arith.index_cast %swap3A_473 : i32 to index
        %swap3A_475 = arith.index_cast %add3A_463 : i32 to index
        %swap3A_476 = arith.constant 0 : index
        %swap3A_477 = tpu.vector_load %arg6[%swap3A_474, %swap3A_475, %swap3A_476] {strides = array<i32>} : memref<5x128x64xf32, #tpu.memory_space<vmem>>, vector<1x1x16xf32>,
        %swap3A_478 = vector.shape_cast %swap3A_477 : vector<1x1x16xf32> to vector<16xf32>
        %swap3A_479 = vector.shape_cast %mul3A_472 : vector<16xf32> to vector<1x1x16xf32>
        tpu.vector_store %arg6[%swap3A_474, %swap3A_475, %swap3A_476], %swap3A_479 {strides = array<i32>} : memref<5x128x64xf32, #tpu.memory_space<vmem>>, vector<1x1x16xf32>,
        %get3A_480 = arith.constant 1 : i32
        %get3A_481 = arith.index_cast %get3A_480 : i32 to index
        %get3A_482 = arith.index_cast %add3A_463 : i32 to index
        %get3A_483 = arith.constant 16 : index
        %get3A_484 = tpu.vector_load %arg6[%get3A_481, %get3A_482, %get3A_483] {strides = array<i32>} : memref<5x128x64xf32, #tpu.memory_space<vmem>>, vector<1x1x16xf32>,
        %get3A_485 = vector.shape_cast %get3A_484 : vector<1x1x16xf32> to vector<16xf32>
        %mul3A_486 = arith.constant 8.000000e+00 : f32
        %mul3A_487 = vector.broadcast %mul3A_486 : f32 to vector<16xf32>
        %mul3A_488 = arith.mulf %get3A_485, %mul3A_487 : vector<16xf32>
        %swap3A_489 = arith.constant 1 : i32
        %swap3A_490 = arith.index_cast %swap3A_489 : i32 to index
        %swap3A_491 = arith.index_cast %add3A_463 : i32 to index
        %swap3A_492 = arith.constant 16 : index
        %swap3A_493 = tpu.vector_load %arg6[%swap3A_490, %swap3A_491, %swap3A_492] {strides = array<i32>} : memref<5x128x64xf32, #tpu.memory_space<vmem>>, vector<1x1x16xf32>,
        %swap3A_494 = vector.shape_cast %swap3A_493 : vector<1x1x16xf32> to vector<16xf32>
        %swap3A_495 = vector.shape_cast %mul3A_488 : vector<16xf32> to vector<1x1x16xf32>
        tpu.vector_store %arg6[%swap3A_490, %swap3A_491, %swap3A_492], %swap3A_495 {strides = array<i32>} : memref<5x128x64xf32, #tpu.memory_space<vmem>>, vector<1x1x16xf32>,
        %get3A_496 = arith.constant 1 : i32
        %get3A_497 = arith.index_cast %get3A_496 : i32 to index
        %get3A_498 = arith.index_cast %add3A_463 : i32 to index
        %get3A_499 = arith.constant 32 : index
        %get3A_500 = tpu.vector_load %arg6[%get3A_497, %get3A_498, %get3A_499] {strides = array<i32>} : memref<5x128x64xf32, #tpu.memory_space<vmem>>, vector<1x1x16xf32>,
        %get3A_501 = vector.shape_cast %get3A_500 : vector<1x1x16xf32> to vector<16xf32>
        %mul3A_502 = arith.constant 8.000000e+00 : f32
        %mul3A_503 = vector.broadcast %mul3A_502 : f32 to vector<16xf32>
        %mul3A_504 = arith.mulf %get3A_501, %mul3A_503 : vector<16xf32>
        %swap3A_505 = arith.constant 1 : i32
        %swap3A_506 = arith.index_cast %swap3A_505 : i32 to index
        %swap3A_507 = arith.index_cast %add3A_463 : i32 to index
        %swap3A_508 = arith.constant 32 : index
        %swap3A_509 = tpu.vector_load %arg6[%swap3A_506, %swap3A_507, %swap3A_508] {strides = array<i32>} : memref<5x128x64xf32, #tpu.memory_space<vmem>>, vector<1x1x16xf32>,
        %swap3A_510 = vector.shape_cast %swap3A_509 : vector<1x1x16xf32> to vector<16xf32>
        %swap3A_511 = vector.shape_cast %mul3A_504 : vector<16xf32> to vector<1x1x16xf32>
        tpu.vector_store %arg6[%swap3A_506, %swap3A_507, %swap3A_508], %swap3A_511 {strides = array<i32>} : memref<5x128x64xf32, #tpu.memory_space<vmem>>, vector<1x1x16xf32>,
        %get3A_512 = arith.constant 1 : i32
        %get3A_513 = arith.index_cast %get3A_512 : i32 to index
        %get3A_514 = arith.index_cast %add3A_463 : i32 to index
        %get3A_515 = arith.constant 48 : index
        %get3A_516 = tpu.vector_load %arg6[%get3A_513, %get3A_514, %get3A_515] {strides = array<i32>} : memref<5x128x64xf32, #tpu.memory_space<vmem>>, vector<1x1x16xf32>,
        %get3A_517 = vector.shape_cast %get3A_516 : vector<1x1x16xf32> to vector<16xf32>
        %mul3A_518 = arith.constant 8.000000e+00 : f32
        %mul3A_519 = vector.broadcast %mul3A_518 : f32 to vector<16xf32>
        %mul3A_520 = arith.mulf %get3A_517, %mul3A_519 : vector<16xf32>
        %swap3A_521 = arith.constant 1 : i32
        %swap3A_522 = arith.index_cast %swap3A_521 : i32 to index
        %swap3A_523 = arith.index_cast %add3A_463 : i32 to index
        %swap3A_524 = arith.constant 48 : index
        %swap3A_525 = tpu.vector_load %arg6[%swap3A_522, %swap3A_523, %swap3A_524] {strides = array<i32>} : memref<5x128x64xf32, #tpu.memory_space<vmem>>, vector<1x1x16xf32>,
        %swap3A_526 = vector.shape_cast %swap3A_525 : vector<1x1x16xf32> to vector<16xf32>
        %swap3A_527 = vector.shape_cast %mul3A_520 : vector<16xf32> to vector<1x1x16xf32>
        tpu.vector_store %arg6[%swap3A_522, %swap3A_523, %swap3A_524], %swap3A_527 {strides = array<i32>} : memref<5x128x64xf32, #tpu.memory_space<vmem>>, vector<1x1x16xf32>,
        %scan3A_528 = arith.constant 3 : i32
        %scan3A_529 = arith.addi %scan3A_321, %scan3A_528 : i32
        %mul3A_530 = arith.constant 1 : i32
        %mul3A_531 = arith.muli %scan3A_529, %mul3A_530 : i32
        %add3A_532 = arith.constant 0 : i32
        %add3A_533 = arith.addi %add3A_532, %mul3A_531 : i32
        %get3A_534 = arith.constant 1 : i32
        %get3A_535 = arith.index_cast %get3A_534 : i32 to index
        %get3A_536 = arith.index_cast %add3A_533 : i32 to index
        %get3A_537 = arith.constant 0 : index
        %get3A_538 = tpu.vector_load %arg6[%get3A_535, %get3A_536, %get3A_537] {strides = array<i32>} : memref<5x128x64xf32, #tpu.memory_space<vmem>>, vector<1x1x16xf32>,
        %get3A_539 = vector.shape_cast %get3A_538 : vector<1x1x16xf32> to vector<16xf32>
        %mul3A_540 = arith.constant 8.000000e+00 : f32
        %mul3A_541 = vector.broadcast %mul3A_540 : f32 to vector<16xf32>
        %mul3A_542 = arith.mulf %get3A_539, %mul3A_541 : vector<16xf32>
        %swap3A_543 = arith.constant 1 : i32
        %swap3A_544 = arith.index_cast %swap3A_543 : i32 to index
        %swap3A_545 = arith.index_cast %add3A_533 : i32 to index
        %swap3A_546 = arith.constant 0 : index
        %swap3A_547 = tpu.vector_load %arg6[%swap3A_544, %swap3A_545, %swap3A_546] {strides = array<i32>} : memref<5x128x64xf32, #tpu.memory_space<vmem>>, vector<1x1x16xf32>,
        %swap3A_548 = vector.shape_cast %swap3A_547 : vector<1x1x16xf32> to vector<16xf32>
        %swap3A_549 = vector.shape_cast %mul3A_542 : vector<16xf32> to vector<1x1x16xf32>
        tpu.vector_store %arg6[%swap3A_544, %swap3A_545, %swap3A_546], %swap3A_549 {strides = array<i32>} : memref<5x128x64xf32, #tpu.memory_space<vmem>>, vector<1x1x16xf32>,
        %get3A_550 = arith.constant 1 : i32
        %get3A_551 = arith.index_cast %get3A_550 : i32 to index
        %get3A_552 = arith.index_cast %add3A_533 : i32 to index
        %get3A_553 = arith.constant 16 : index
        %get3A_554 = tpu.vector_load %arg6[%get3A_551, %get3A_552, %get3A_553] {strides = array<i32>} : memref<5x128x64xf32, #tpu.memory_space<vmem>>, vector<1x1x16xf32>,
        %get3A_555 = vector.shape_cast %get3A_554 : vector<1x1x16xf32> to vector<16xf32>
        %mul3A_556 = arith.constant 8.000000e+00 : f32
        %mul3A_557 = vector.broadcast %mul3A_556 : f32 to vector<16xf32>
        %mul3A_558 = arith.mulf %get3A_555, %mul3A_557 : vector<16xf32>
        %swap3A_559 = arith.constant 1 : i32
        %swap3A_560 = arith.index_cast %swap3A_559 : i32 to index
        %swap3A_561 = arith.index_cast %add3A_533 : i32 to index
        %swap3A_562 = arith.constant 16 : index
        %swap3A_563 = tpu.vector_load %arg6[%swap3A_560, %swap3A_561, %swap3A_562] {strides = array<i32>} : memref<5x128x64xf32, #tpu.memory_space<vmem>>, vector<1x1x16xf32>,
        %swap3A_564 = vector.shape_cast %swap3A_563 : vector<1x1x16xf32> to vector<16xf32>
        %swap3A_565 = vector.shape_cast %mul3A_558 : vector<16xf32> to vector<1x1x16xf32>
        tpu.vector_store %arg6[%swap3A_560, %swap3A_561, %swap3A_562], %swap3A_565 {strides = array<i32>} : memref<5x128x64xf32, #tpu.memory_space<vmem>>, vector<1x1x16xf32>,
        %get3A_566 = arith.constant 1 : i32
        %get3A_567 = arith.index_cast %get3A_566 : i32 to index
        %get3A_568 = arith.index_cast %add3A_533 : i32 to index
        %get3A_569 = arith.constant 32 : index
        %get3A_570 = tpu.vector_load %arg6[%get3A_567, %get3A_568, %get3A_569] {strides = array<i32>} : memref<5x128x64xf32, #tpu.memory_space<vmem>>, vector<1x1x16xf32>,
        %get3A_571 = vector.shape_cast %get3A_570 : vector<1x1x16xf32> to vector<16xf32>
        %mul3A_572 = arith.constant 8.000000e+00 : f32
        %mul3A_573 = vector.broadcast %mul3A_572 : f32 to vector<16xf32>
        %mul3A_574 = arith.mulf %get3A_571, %mul3A_573 : vector<16xf32>
        %swap3A_575 = arith.constant 1 : i32
        %swap3A_576 = arith.index_cast %swap3A_575 : i32 to index
        %swap3A_577 = arith.index_cast %add3A_533 : i32 to index
        %swap3A_578 = arith.constant 32 : index
        %swap3A_579 = tpu.vector_load %arg6[%swap3A_576, %swap3A_577, %swap3A_578] {strides = array<i32>} : memref<5x128x64xf32, #tpu.memory_space<vmem>>, vector<1x1x16xf32>,
        %swap3A_580 = vector.shape_cast %swap3A_579 : vector<1x1x16xf32> to vector<16xf32>
        %swap3A_581 = vector.shape_cast %mul3A_574 : vector<16xf32> to vector<1x1x16xf32>
        tpu.vector_store %arg6[%swap3A_576, %swap3A_577, %swap3A_578], %swap3A_581 {strides = array<i32>} : memref<5x128x64xf32, #tpu.memory_space<vmem>>, vector<1x1x16xf32>,
        %get3A_582 = arith.constant 1 : i32
        %get3A_583 = arith.index_cast %get3A_582 : i32 to index
        %get3A_584 = arith.index_cast %add3A_533 : i32 to index
        %get3A_585 = arith.constant 48 : index
        %get3A_586 = tpu.vector_load %arg6[%get3A_583, %get3A_584, %get3A_585] {strides = array<i32>} : memref<5x128x64xf32, #tpu.memory_space<vmem>>, vector<1x1x16xf32>,
        %get3A_587 = vector.shape_cast %get3A_586 : vector<1x1x16xf32> to vector<16xf32>
        %mul3A_588 = arith.constant 8.000000e+00 : f32
        %mul3A_589 = vector.broadcast %mul3A_588 : f32 to vector<16xf32>
        %mul3A_590 = arith.mulf %get3A_587, %mul3A_589 : vector<16xf32>
        %swap3A_591 = arith.constant 1 : i32
        %swap3A_592 = arith.index_cast %swap3A_591 : i32 to index
        %swap3A_593 = arith.index_cast %add3A_533 : i32 to index
        %swap3A_594 = arith.constant 48 : index
        %swap3A_595 = tpu.vector_load %arg6[%swap3A_592, %swap3A_593, %swap3A_594] {strides = array<i32>} : memref<5x128x64xf32, #tpu.memory_space<vmem>>, vector<1x1x16xf32>,
        %swap3A_596 = vector.shape_cast %swap3A_595 : vector<1x1x16xf32> to vector<16xf32>
        %swap3A_597 = vector.shape_cast %mul3A_590 : vector<16xf32> to vector<1x1x16xf32>
        tpu.vector_store %arg6[%swap3A_592, %swap3A_593, %swap3A_594], %swap3A_597 {strides = array<i32>} : memref<5x128x64xf32, #tpu.memory_space<vmem>>, vector<1x1x16xf32>,
        %scan3A_598 = arith.constant 4 : i32
        %scan3A_599 = arith.addi %scan3A_321, %scan3A_598 : i32
        %mul3A_600 = arith.constant 1 : i32
        %mul3A_601 = arith.muli %scan3A_599, %mul3A_600 : i32
        %add3A_602 = arith.constant 0 : i32
        %add3A_603 = arith.addi %add3A_602, %mul3A_601 : i32
        %get3A_604 = arith.constant 1 : i32
        %get3A_605 = arith.index_cast %get3A_604 : i32 to index
        %get3A_606 = arith.index_cast %add3A_603 : i32 to index
        %get3A_607 = arith.constant 0 : index
        %get3A_608 = tpu.vector_load %arg6[%get3A_605, %get3A_606, %get3A_607] {strides = array<i32>} : memref<5x128x64xf32, #tpu.memory_space<vmem>>, vector<1x1x16xf32>,
        %get3A_609 = vector.shape_cast %get3A_608 : vector<1x1x16xf32> to vector<16xf32>
        %mul3A_610 = arith.constant 8.000000e+00 : f32
        %mul3A_611 = vector.broadcast %mul3A_610 : f32 to vector<16xf32>
        %mul3A_612 = arith.mulf %get3A_609, %mul3A_611 : vector<16xf32>
        %swap3A_613 = arith.constant 1 : i32
        %swap3A_614 = arith.index_cast %swap3A_613 : i32 to index
        %swap3A_615 = arith.index_cast %add3A_603 : i32 to index
        %swap3A_616 = arith.constant 0 : index
        %swap3A_617 = tpu.vector_load %arg6[%swap3A_614, %swap3A_615, %swap3A_616] {strides = array<i32>} : memref<5x128x64xf32, #tpu.memory_space<vmem>>, vector<1x1x16xf32>,
        %swap3A_618 = vector.shape_cast %swap3A_617 : vector<1x1x16xf32> to vector<16xf32>
        %swap3A_619 = vector.shape_cast %mul3A_612 : vector<16xf32> to vector<1x1x16xf32>
        tpu.vector_store %arg6[%swap3A_614, %swap3A_615, %swap3A_616], %swap3A_619 {strides = array<i32>} : memref<5x128x64xf32, #tpu.memory_space<vmem>>, vector<1x1x16xf32>,
        %get3A_620 = arith.constant 1 : i32
        %get3A_621 = arith.index_cast %get3A_620 : i32 to index
        %get3A_622 = arith.index_cast %add3A_603 : i32 to index
        %get3A_623 = arith.constant 16 : index
        %get3A_624 = tpu.vector_load %arg6[%get3A_621, %get3A_622, %get3A_623] {strides = array<i32>} : memref<5x128x64xf32, #tpu.memory_space<vmem>>, vector<1x1x16xf32>,
        %get3A_625 = vector.shape_cast %get3A_624 : vector<1x1x16xf32> to vector<16xf32>
        %mul3A_626 = arith.constant 8.000000e+00 : f32
        %mul3A_627 = vector.broadcast %mul3A_626 : f32 to vector<16xf32>
        %mul3A_628 = arith.mulf %get3A_625, %mul3A_627 : vector<16xf32>
        %swap3A_629 = arith.constant 1 : i32
        %swap3A_630 = arith.index_cast %swap3A_629 : i32 to index
        %swap3A_631 = arith.index_cast %add3A_603 : i32 to index
        %swap3A_632 = arith.constant 16 : index
        %swap3A_633 = tpu.vector_load %arg6[%swap3A_630, %swap3A_631, %swap3A_632] {strides = array<i32>} : memref<5x128x64xf32, #tpu.memory_space<vmem>>, vector<1x1x16xf32>,
        %swap3A_634 = vector.shape_cast %swap3A_633 : vector<1x1x16xf32> to vector<16xf32>
        %swap3A_635 = vector.shape_cast %mul3A_628 : vector<16xf32> to vector<1x1x16xf32>
        tpu.vector_store %arg6[%swap3A_630, %swap3A_631, %swap3A_632], %swap3A_635 {strides = array<i32>} : memref<5x128x64xf32, #tpu.memory_space<vmem>>, vector<1x1x16xf32>,
        %get3A_636 = arith.constant 1 : i32
        %get3A_637 = arith.index_cast %get3A_636 : i32 to index
        %get3A_638 = arith.index_cast %add3A_603 : i32 to index
        %get3A_639 = arith.constant 32 : index
        %get3A_640 = tpu.vector_load %arg6[%get3A_637, %get3A_638, %get3A_639] {strides = array<i32>} : memref<5x128x64xf32, #tpu.memory_space<vmem>>, vector<1x1x16xf32>,
        %get3A_641 = vector.shape_cast %get3A_640 : vector<1x1x16xf32> to vector<16xf32>
        %mul3A_642 = arith.constant 8.000000e+00 : f32
        %mul3A_643 = vector.broadcast %mul3A_642 : f32 to vector<16xf32>
        %mul3A_644 = arith.mulf %get3A_641, %mul3A_643 : vector<16xf32>
        %swap3A_645 = arith.constant 1 : i32
        %swap3A_646 = arith.index_cast %swap3A_645 : i32 to index
        %swap3A_647 = arith.index_cast %add3A_603 : i32 to index
        %swap3A_648 = arith.constant 32 : index
        %swap3A_649 = tpu.vector_load %arg6[%swap3A_646, %swap3A_647, %swap3A_648] {strides = array<i32>} : memref<5x128x64xf32, #tpu.memory_space<vmem>>, vector<1x1x16xf32>,
        %swap3A_650 = vector.shape_cast %swap3A_649 : vector<1x1x16xf32> to vector<16xf32>
        %swap3A_651 = vector.shape_cast %mul3A_644 : vector<16xf32> to vector<1x1x16xf32>
        tpu.vector_store %arg6[%swap3A_646, %swap3A_647, %swap3A_648], %swap3A_651 {strides = array<i32>} : memref<5x128x64xf32, #tpu.memory_space<vmem>>, vector<1x1x16xf32>,
        %get3A_652 = arith.constant 1 : i32
        %get3A_653 = arith.index_cast %get3A_652 : i32 to index
        %get3A_654 = arith.index_cast %add3A_603 : i32 to index
        %get3A_655 = arith.constant 48 : index
        %get3A_656 = tpu.vector_load %arg6[%get3A_653, %get3A_654, %get3A_655] {strides = array<i32>} : memref<5x128x64xf32, #tpu.memory_space<vmem>>, vector<1x1x16xf32>,
        %get3A_657 = vector.shape_cast %get3A_656 : vector<1x1x16xf32> to vector<16xf32>
        %mul3A_658 = arith.constant 8.000000e+00 : f32
        %mul3A_659 = vector.broadcast %mul3A_658 : f32 to vector<16xf32>
        %mul3A_660 = arith.mulf %get3A_657, %mul3A_659 : vector<16xf32>
        %swap3A_661 = arith.constant 1 : i32
        %swap3A_662 = arith.index_cast %swap3A_661 : i32 to index
        %swap3A_663 = arith.index_cast %add3A_603 : i32 to index
        %swap3A_664 = arith.constant 48 : index
        %swap3A_665 = tpu.vector_load %arg6[%swap3A_662, %swap3A_663, %swap3A_664] {strides = array<i32>} : memref<5x128x64xf32, #tpu.memory_space<vmem>>, vector<1x1x16xf32>,
        %swap3A_666 = vector.shape_cast %swap3A_665 : vector<1x1x16xf32> to vector<16xf32>
        %swap3A_667 = vector.shape_cast %mul3A_660 : vector<16xf32> to vector<1x1x16xf32>
        tpu.vector_store %arg6[%swap3A_662, %swap3A_663, %swap3A_664], %swap3A_667 {strides = array<i32>} : memref<5x128x64xf32, #tpu.memory_space<vmem>>, vector<1x1x16xf32>,
        %scan3A_668 = arith.constant 5 : i32
        %scan3A_669 = arith.addi %scan3A_321, %scan3A_668 : i32
        %mul3A_670 = arith.constant 1 : i32
        %mul3A_671 = arith.muli %scan3A_669, %mul3A_670 : i32
        %add3A_672 = arith.constant 0 : i32
        %add3A_673 = arith.addi %add3A_672, %mul3A_671 : i32
        %get3A_674 = arith.constant 1 : i32
        %get3A_675 = arith.index_cast %get3A_674 : i32 to index
        %get3A_676 = arith.index_cast %add3A_673 : i32 to index
        %get3A_677 = arith.constant 0 : index
        %get3A_678 = tpu.vector_load %arg6[%get3A_675, %get3A_676, %get3A_677] {strides = array<i32>} : memref<5x128x64xf32, #tpu.memory_space<vmem>>, vector<1x1x16xf32>,
        %get3A_679 = vector.shape_cast %get3A_678 : vector<1x1x16xf32> to vector<16xf32>
        %mul3A_680 = arith.constant 8.000000e+00 : f32
        %mul3A_681 = vector.broadcast %mul3A_680 : f32 to vector<16xf32>
        %mul3A_682 = arith.mulf %get3A_679, %mul3A_681 : vector<16xf32>
        %swap3A_683 = arith.constant 1 : i32
        %swap3A_684 = arith.index_cast %swap3A_683 : i32 to index
        %swap3A_685 = arith.index_cast %add3A_673 : i32 to index
        %swap3A_686 = arith.constant 0 : index
        %swap3A_687 = tpu.vector_load %arg6[%swap3A_684, %swap3A_685, %swap3A_686] {strides = array<i32>} : memref<5x128x64xf32, #tpu.memory_space<vmem>>, vector<1x1x16xf32>,
        %swap3A_688 = vector.shape_cast %swap3A_687 : vector<1x1x16xf32> to vector<16xf32>
        %swap3A_689 = vector.shape_cast %mul3A_682 : vector<16xf32> to vector<1x1x16xf32>
        tpu.vector_store %arg6[%swap3A_684, %swap3A_685, %swap3A_686], %swap3A_689 {strides = array<i32>} : memref<5x128x64xf32, #tpu.memory_space<vmem>>, vector<1x1x16xf32>,
        %get3A_690 = arith.constant 1 : i32
        %get3A_691 = arith.index_cast %get3A_690 : i32 to index
        %get3A_692 = arith.index_cast %add3A_673 : i32 to index
        %get3A_693 = arith.constant 16 : index
        %get3A_694 = tpu.vector_load %arg6[%get3A_691, %get3A_692, %get3A_693] {strides = array<i32>} : memref<5x128x64xf32, #tpu.memory_space<vmem>>, vector<1x1x16xf32>,
        %get3A_695 = vector.shape_cast %get3A_694 : vector<1x1x16xf32> to vector<16xf32>
        %mul3A_696 = arith.constant 8.000000e+00 : f32
        %mul3A_697 = vector.broadcast %mul3A_696 : f32 to vector<16xf32>
        %mul3A_698 = arith.mulf %get3A_695, %mul3A_697 : vector<16xf32>
        %swap3A_699 = arith.constant 1 : i32
        %swap3A_700 = arith.index_cast %swap3A_699 : i32 to index
        %swap3A_701 = arith.index_cast %add3A_673 : i32 to index
        %swap3A_702 = arith.constant 16 : index
        %swap3A_703 = tpu.vector_load %arg6[%swap3A_700, %swap3A_701, %swap3A_702] {strides = array<i32>} : memref<5x128x64xf32, #tpu.memory_space<vmem>>, vector<1x1x16xf32>,
        %swap3A_704 = vector.shape_cast %swap3A_703 : vector<1x1x16xf32> to vector<16xf32>
        %swap3A_705 = vector.shape_cast %mul3A_698 : vector<16xf32> to vector<1x1x16xf32>
        tpu.vector_store %arg6[%swap3A_700, %swap3A_701, %swap3A_702], %swap3A_705 {strides = array<i32>} : memref<5x128x64xf32, #tpu.memory_space<vmem>>, vector<1x1x16xf32>,
        %get3A_706 = arith.constant 1 : i32
        %get3A_707 = arith.index_cast %get3A_706 : i32 to index
        %get3A_708 = arith.index_cast %add3A_673 : i32 to index
        %get3A_709 = arith.constant 32 : index
        %get3A_710 = tpu.vector_load %arg6[%get3A_707, %get3A_708, %get3A_709] {strides = array<i32>} : memref<5x128x64xf32, #tpu.memory_space<vmem>>, vector<1x1x16xf32>,
        %get3A_711 = vector.shape_cast %get3A_710 : vector<1x1x16xf32> to vector<16xf32>
        %mul3A_712 = arith.constant 8.000000e+00 : f32
        %mul3A_713 = vector.broadcast %mul3A_712 : f32 to vector<16xf32>
        %mul3A_714 = arith.mulf %get3A_711, %mul3A_713 : vector<16xf32>
        %swap3A_715 = arith.constant 1 : i32
        %swap3A_716 = arith.index_cast %swap3A_715 : i32 to index
        %swap3A_717 = arith.index_cast %add3A_673 : i32 to index
        %swap3A_718 = arith.constant 32 : index
        %swap3A_719 = tpu.vector_load %arg6[%swap3A_716, %swap3A_717, %swap3A_718] {strides = array<i32>} : memref<5x128x64xf32, #tpu.memory_space<vmem>>, vector<1x1x16xf32>,
        %swap3A_720 = vector.shape_cast %swap3A_719 : vector<1x1x16xf32> to vector<16xf32>
        %swap3A_721 = vector.shape_cast %mul3A_714 : vector<16xf32> to vector<1x1x16xf32>
        tpu.vector_store %arg6[%swap3A_716, %swap3A_717, %swap3A_718], %swap3A_721 {strides = array<i32>} : memref<5x128x64xf32, #tpu.memory_space<vmem>>, vector<1x1x16xf32>,
        %get3A_722 = arith.constant 1 : i32
        %get3A_723 = arith.index_cast %get3A_722 : i32 to index
        %get3A_724 = arith.index_cast %add3A_673 : i32 to index
        %get3A_725 = arith.constant 48 : index
        %get3A_726 = tpu.vector_load %arg6[%get3A_723, %get3A_724, %get3A_725] {strides = array<i32>} : memref<5x128x64xf32, #tpu.memory_space<vmem>>, vector<1x1x16xf32>,
        %get3A_727 = vector.shape_cast %get3A_726 : vector<1x1x16xf32> to vector<16xf32>
        %mul3A_728 = arith.constant 8.000000e+00 : f32
        %mul3A_729 = vector.broadcast %mul3A_728 : f32 to vector<16xf32>
        %mul3A_730 = arith.mulf %get3A_727, %mul3A_729 : vector<16xf32>
        %swap3A_731 = arith.constant 1 : i32
        %swap3A_732 = arith.index_cast %swap3A_731 : i32 to index
        %swap3A_733 = arith.index_cast %add3A_673 : i32 to index
        %swap3A_734 = arith.constant 48 : index
        %swap3A_735 = tpu.vector_load %arg6[%swap3A_732, %swap3A_733, %swap3A_734] {strides = array<i32>} : memref<5x128x64xf32, #tpu.memory_space<vmem>>, vector<1x1x16xf32>,
        %swap3A_736 = vector.shape_cast %swap3A_735 : vector<1x1x16xf32> to vector<16xf32>
        %swap3A_737 = vector.shape_cast %mul3A_730 : vector<16xf32> to vector<1x1x16xf32>
        tpu.vector_store %arg6[%swap3A_732, %swap3A_733, %swap3A_734], %swap3A_737 {strides = array<i32>} : memref<5x128x64xf32, #tpu.memory_space<vmem>>, vector<1x1x16xf32>,
        %scan3A_738 = arith.constant 6 : i32
        %scan3A_739 = arith.addi %scan3A_321, %scan3A_738 : i32
        %mul3A_740 = arith.constant 1 : i32
        %mul3A_741 = arith.muli %scan3A_739, %mul3A_740 : i32
        %add3A_742 = arith.constant 0 : i32
        %add3A_743 = arith.addi %add3A_742, %mul3A_741 : i32
        %get3A_744 = arith.constant 1 : i32
        %get3A_745 = arith.index_cast %get3A_744 : i32 to index
        %get3A_746 = arith.index_cast %add3A_743 : i32 to index
        %get3A_747 = arith.constant 0 : index
        %get3A_748 = tpu.vector_load %arg6[%get3A_745, %get3A_746, %get3A_747] {strides = array<i32>} : memref<5x128x64xf32, #tpu.memory_space<vmem>>, vector<1x1x16xf32>,
        %get3A_749 = vector.shape_cast %get3A_748 : vector<1x1x16xf32> to vector<16xf32>
        %mul3A_750 = arith.constant 8.000000e+00 : f32
        %mul3A_751 = vector.broadcast %mul3A_750 : f32 to vector<16xf32>
        %mul3A_752 = arith.mulf %get3A_749, %mul3A_751 : vector<16xf32>
        %swap3A_753 = arith.constant 1 : i32
        %swap3A_754 = arith.index_cast %swap3A_753 : i32 to index
        %swap3A_755 = arith.index_cast %add3A_743 : i32 to index
        %swap3A_756 = arith.constant 0 : index
        %swap3A_757 = tpu.vector_load %arg6[%swap3A_754, %swap3A_755, %swap3A_756] {strides = array<i32>} : memref<5x128x64xf32, #tpu.memory_space<vmem>>, vector<1x1x16xf32>,
        %swap3A_758 = vector.shape_cast %swap3A_757 : vector<1x1x16xf32> to vector<16xf32>
        %swap3A_759 = vector.shape_cast %mul3A_752 : vector<16xf32> to vector<1x1x16xf32>
        tpu.vector_store %arg6[%swap3A_754, %swap3A_755, %swap3A_756], %swap3A_759 {strides = array<i32>} : memref<5x128x64xf32, #tpu.memory_space<vmem>>, vector<1x1x16xf32>,
        %get3A_760 = arith.constant 1 : i32
        %get3A_761 = arith.index_cast %get3A_760 : i32 to index
        %get3A_762 = arith.index_cast %add3A_743 : i32 to index
        %get3A_763 = arith.constant 16 : index
        %get3A_764 = tpu.vector_load %arg6[%get3A_761, %get3A_762, %get3A_763] {strides = array<i32>} : memref<5x128x64xf32, #tpu.memory_space<vmem>>, vector<1x1x16xf32>,
        %get3A_765 = vector.shape_cast %get3A_764 : vector<1x1x16xf32> to vector<16xf32>
        %mul3A_766 = arith.constant 8.000000e+00 : f32
        %mul3A_767 = vector.broadcast %mul3A_766 : f32 to vector<16xf32>
        %mul3A_768 = arith.mulf %get3A_765, %mul3A_767 : vector<16xf32>
        %swap3A_769 = arith.constant 1 : i32
        %swap3A_770 = arith.index_cast %swap3A_769 : i32 to index
        %swap3A_771 = arith.index_cast %add3A_743 : i32 to index
        %swap3A_772 = arith.constant 16 : index
        %swap3A_773 = tpu.vector_load %arg6[%swap3A_770, %swap3A_771, %swap3A_772] {strides = array<i32>} : memref<5x128x64xf32, #tpu.memory_space<vmem>>, vector<1x1x16xf32>,
        %swap3A_774 = vector.shape_cast %swap3A_773 : vector<1x1x16xf32> to vector<16xf32>
        %swap3A_775 = vector.shape_cast %mul3A_768 : vector<16xf32> to vector<1x1x16xf32>
        tpu.vector_store %arg6[%swap3A_770, %swap3A_771, %swap3A_772], %swap3A_775 {strides = array<i32>} : memref<5x128x64xf32, #tpu.memory_space<vmem>>, vector<1x1x16xf32>,
        %get3A_776 = arith.constant 1 : i32
        %get3A_777 = arith.index_cast %get3A_776 : i32 to index
        %get3A_778 = arith.index_cast %add3A_743 : i32 to index
        %get3A_779 = arith.constant 32 : index
        %get3A_780 = tpu.vector_load %arg6[%get3A_777, %get3A_778, %get3A_779] {strides = array<i32>} : memref<5x128x64xf32, #tpu.memory_space<vmem>>, vector<1x1x16xf32>,
        %get3A_781 = vector.shape_cast %get3A_780 : vector<1x1x16xf32> to vector<16xf32>
        %mul3A_782 = arith.constant 8.000000e+00 : f32
        %mul3A_783 = vector.broadcast %mul3A_782 : f32 to vector<16xf32>
        %mul3A_784 = arith.mulf %get3A_781, %mul3A_783 : vector<16xf32>
        %swap3A_785 = arith.constant 1 : i32
        %swap3A_786 = arith.index_cast %swap3A_785 : i32 to index
        %swap3A_787 = arith.index_cast %add3A_743 : i32 to index
        %swap3A_788 = arith.constant 32 : index
        %swap3A_789 = tpu.vector_load %arg6[%swap3A_786, %swap3A_787, %swap3A_788] {strides = array<i32>} : memref<5x128x64xf32, #tpu.memory_space<vmem>>, vector<1x1x16xf32>,
        %swap3A_790 = vector.shape_cast %swap3A_789 : vector<1x1x16xf32> to vector<16xf32>
        %swap3A_791 = vector.shape_cast %mul3A_784 : vector<16xf32> to vector<1x1x16xf32>
        tpu.vector_store %arg6[%swap3A_786, %swap3A_787, %swap3A_788], %swap3A_791 {strides = array<i32>} : memref<5x128x64xf32, #tpu.memory_space<vmem>>, vector<1x1x16xf32>,
        %get3A_792 = arith.constant 1 : i32
        %get3A_793 = arith.index_cast %get3A_792 : i32 to index
        %get3A_794 = arith.index_cast %add3A_743 : i32 to index
        %get3A_795 = arith.constant 48 : index
        %get3A_796 = tpu.vector_load %arg6[%get3A_793, %get3A_794, %get3A_795] {strides = array<i32>} : memref<5x128x64xf32, #tpu.memory_space<vmem>>, vector<1x1x16xf32>,
        %get3A_797 = vector.shape_cast %get3A_796 : vector<1x1x16xf32> to vector<16xf32>
        %mul3A_798 = arith.constant 8.000000e+00 : f32
        %mul3A_799 = vector.broadcast %mul3A_798 : f32 to vector<16xf32>
        %mul3A_800 = arith.mulf %get3A_797, %mul3A_799 : vector<16xf32>
        %swap3A_801 = arith.constant 1 : i32
        %swap3A_802 = arith.index_cast %swap3A_801 : i32 to index
        %swap3A_803 = arith.index_cast %add3A_743 : i32 to index
        %swap3A_804 = arith.constant 48 : index
        %swap3A_805 = tpu.vector_load %arg6[%swap3A_802, %swap3A_803, %swap3A_804] {strides = array<i32>} : memref<5x128x64xf32, #tpu.memory_space<vmem>>, vector<1x1x16xf32>,
        %swap3A_806 = vector.shape_cast %swap3A_805 : vector<1x1x16xf32> to vector<16xf32>
        %swap3A_807 = vector.shape_cast %mul3A_800 : vector<16xf32> to vector<1x1x16xf32>
        tpu.vector_store %arg6[%swap3A_802, %swap3A_803, %swap3A_804], %swap3A_807 {strides = array<i32>} : memref<5x128x64xf32, #tpu.memory_space<vmem>>, vector<1x1x16xf32>,
        %scan3A_808 = arith.constant 7 : i32
        %scan3A_809 = arith.addi %scan3A_321, %scan3A_808 : i32
        %mul3A_810 = arith.constant 1 : i32
        %mul3A_811 = arith.muli %scan3A_809, %mul3A_810 : i32
        %add3A_812 = arith.constant 0 : i32
        %add3A_813 = arith.addi %add3A_812, %mul3A_811 : i32
        %get3A_814 = arith.constant 1 : i32
        %get3A_815 = arith.index_cast %get3A_814 : i32 to index
        %get3A_816 = arith.index_cast %add3A_813 : i32 to index
        %get3A_817 = arith.constant 0 : index
        %get3A_818 = tpu.vector_load %arg6[%get3A_815, %get3A_816, %get3A_817] {strides = array<i32>} : memref<5x128x64xf32, #tpu.memory_space<vmem>>, vector<1x1x16xf32>,
        %get3A_819 = vector.shape_cast %get3A_818 : vector<1x1x16xf32> to vector<16xf32>
        %mul3A_820 = arith.constant 8.000000e+00 : f32
        %mul3A_821 = vector.broadcast %mul3A_820 : f32 to vector<16xf32>
        %mul3A_822 = arith.mulf %get3A_819, %mul3A_821 : vector<16xf32>
        %swap3A_823 = arith.constant 1 : i32
        %swap3A_824 = arith.index_cast %swap3A_823 : i32 to index
        %swap3A_825 = arith.index_cast %add3A_813 : i32 to index
        %swap3A_826 = arith.constant 0 : index
        %swap3A_827 = tpu.vector_load %arg6[%swap3A_824, %swap3A_825, %swap3A_826] {strides = array<i32>} : memref<5x128x64xf32, #tpu.memory_space<vmem>>, vector<1x1x16xf32>,
        %swap3A_828 = vector.shape_cast %swap3A_827 : vector<1x1x16xf32> to vector<16xf32>
        %swap3A_829 = vector.shape_cast %mul3A_822 : vector<16xf32> to vector<1x1x16xf32>
        tpu.vector_store %arg6[%swap3A_824, %swap3A_825, %swap3A_826], %swap3A_829 {strides = array<i32>} : memref<5x128x64xf32, #tpu.memory_space<vmem>>, vector<1x1x16xf32>,
        %get3A_830 = arith.constant 1 : i32
        %get3A_831 = arith.index_cast %get3A_830 : i32 to index
        %get3A_832 = arith.index_cast %add3A_813 : i32 to index
        %get3A_833 = arith.constant 16 : index
        %get3A_834 = tpu.vector_load %arg6[%get3A_831, %get3A_832, %get3A_833] {strides = array<i32>} : memref<5x128x64xf32, #tpu.memory_space<vmem>>, vector<1x1x16xf32>,
        %get3A_835 = vector.shape_cast %get3A_834 : vector<1x1x16xf32> to vector<16xf32>
        %mul3A_836 = arith.constant 8.000000e+00 : f32
        %mul3A_837 = vector.broadcast %mul3A_836 : f32 to vector<16xf32>
        %mul3A_838 = arith.mulf %get3A_835, %mul3A_837 : vector<16xf32>
        %swap3A_839 = arith.constant 1 : i32
        %swap3A_840 = arith.index_cast %swap3A_839 : i32 to index
        %swap3A_841 = arith.index_cast %add3A_813 : i32 to index
        %swap3A_842 = arith.constant 16 : index
        %swap3A_843 = tpu.vector_load %arg6[%swap3A_840, %swap3A_841, %swap3A_842] {strides = array<i32>} : memref<5x128x64xf32, #tpu.memory_space<vmem>>, vector<1x1x16xf32>,
        %swap3A_844 = vector.shape_cast %swap3A_843 : vector<1x1x16xf32> to vector<16xf32>
        %swap3A_845 = vector.shape_cast %mul3A_838 : vector<16xf32> to vector<1x1x16xf32>
        tpu.vector_store %arg6[%swap3A_840, %swap3A_841, %swap3A_842], %swap3A_845 {strides = array<i32>} : memref<5x128x64xf32, #tpu.memory_space<vmem>>, vector<1x1x16xf32>,
        %get3A_846 = arith.constant 1 : i32
        %get3A_847 = arith.index_cast %get3A_846 : i32 to index
        %get3A_848 = arith.index_cast %add3A_813 : i32 to index
        %get3A_849 = arith.constant 32 : index
        %get3A_850 = tpu.vector_load %arg6[%get3A_847, %get3A_848, %get3A_849] {strides = array<i32>} : memref<5x128x64xf32, #tpu.memory_space<vmem>>, vector<1x1x16xf32>,
        %get3A_851 = vector.shape_cast %get3A_850 : vector<1x1x16xf32> to vector<16xf32>
        %mul3A_852 = arith.constant 8.000000e+00 : f32
        %mul3A_853 = vector.broadcast %mul3A_852 : f32 to vector<16xf32>
        %mul3A_854 = arith.mulf %get3A_851, %mul3A_853 : vector<16xf32>
        %swap3A_855 = arith.constant 1 : i32
        %swap3A_856 = arith.index_cast %swap3A_855 : i32 to index
        %swap3A_857 = arith.index_cast %add3A_813 : i32 to index
        %swap3A_858 = arith.constant 32 : index
        %swap3A_859 = tpu.vector_load %arg6[%swap3A_856, %swap3A_857, %swap3A_858] {strides = array<i32>} : memref<5x128x64xf32, #tpu.memory_space<vmem>>, vector<1x1x16xf32>,
        %swap3A_860 = vector.shape_cast %swap3A_859 : vector<1x1x16xf32> to vector<16xf32>
        %swap3A_861 = vector.shape_cast %mul3A_854 : vector<16xf32> to vector<1x1x16xf32>
        tpu.vector_store %arg6[%swap3A_856, %swap3A_857, %swap3A_858], %swap3A_861 {strides = array<i32>} : memref<5x128x64xf32, #tpu.memory_space<vmem>>, vector<1x1x16xf32>,
        %get3A_862 = arith.constant 1 : i32
        %get3A_863 = arith.index_cast %get3A_862 : i32 to index
        %get3A_864 = arith.index_cast %add3A_813 : i32 to index
        %get3A_865 = arith.constant 48 : index
        %get3A_866 = tpu.vector_load %arg6[%get3A_863, %get3A_864, %get3A_865] {strides = array<i32>} : memref<5x128x64xf32, #tpu.memory_space<vmem>>, vector<1x1x16xf32>,
        %get3A_867 = vector.shape_cast %get3A_866 : vector<1x1x16xf32> to vector<16xf32>
        %mul3A_868 = arith.constant 8.000000e+00 : f32
        %mul3A_869 = vector.broadcast %mul3A_868 : f32 to vector<16xf32>
        %mul3A_870 = arith.mulf %get3A_867, %mul3A_869 : vector<16xf32>
        %swap3A_871 = arith.constant 1 : i32
        %swap3A_872 = arith.index_cast %swap3A_871 : i32 to index
        %swap3A_873 = arith.index_cast %add3A_813 : i32 to index
        %swap3A_874 = arith.constant 48 : index
        %swap3A_875 = tpu.vector_load %arg6[%swap3A_872, %swap3A_873, %swap3A_874] {strides = array<i32>} : memref<5x128x64xf32, #tpu.memory_space<vmem>>, vector<1x1x16xf32>,
        %swap3A_876 = vector.shape_cast %swap3A_875 : vector<1x1x16xf32> to vector<16xf32>
        %swap3A_877 = vector.shape_cast %mul3A_870 : vector<16xf32> to vector<1x1x16xf32>
        tpu.vector_store %arg6[%swap3A_872, %swap3A_873, %swap3A_874], %swap3A_877 {strides = array<i32>} : memref<5x128x64xf32, #tpu.memory_space<vmem>>, vector<1x1x16xf32>,
      }
      %scan3A_162 = arith.constant 128 : i32
      %mul3A_163 = arith.constant 128 : i32
      %mul3A_164 = arith.muli %add3A_142, %mul3A_163 : i32
      %add3A_165 = arith.addi %mul3A_2, %mul3A_164 : i32
      %dma_start3A_166 = arith.constant 1 : i32
      %dma_start3A_167 = arith.constant 0 : i32
      %dma_start3A_168 = arith.constant 0 : i32
      %dma_start3A_169 = tpu.memref_slice %arg6[%dma_start3A_166, %dma_start3A_167, %dma_start3A_168] : memref<5x128x64xf32, #tpu.memory_space<vmem>> -> memref<1x128x64xf32, #tpu.memory_space<vmem>>
      %dma_start3A_170 = tpu.memref_squeeze %dma_start3A_169 : memref<1x128x64xf32, #tpu.memory_space<vmem>> -> memref<128x64xf32, #tpu.memory_space<vmem>>
      %dma_start3A_171 = arith.constant 0 : i32
      %dma_start3A_172 = tpu.memref_slice %arg4[%add3A_165, %dma_start3A_171] : memref<204800x64xf32, #tpu.memory_space<hbm>> -> memref<128x64xf32, #tpu.memory_space<hbm>>
      %dma_start3A_173 = arith.constant 0 : i32
      %dma_start3A_174 = tpu.memref_slice %arg4[%add3A_165, %dma_start3A_173] : memref<204800x64xf32, #tpu.memory_space<hbm>> -> memref<128x64xf32, #tpu.memory_space<hbm>>
      %dma_start3A_175 = arith.constant 0 : i32
      %dma_start3A_176 = arith.constant 0 : i32
      %dma_start3A_177 = tpu.memref_slice %arg6[%dma_start3A_166, %dma_start3A_175, %dma_start3A_176] : memref<5x128x64xf32, #tpu.memory_space<vmem>> -> memref<1x128x64xf32, #tpu.memory_space<vmem>>
      %dma_start3A_178 = tpu.memref_squeeze %dma_start3A_177 : memref<1x128x64xf32, #tpu.memory_space<vmem>> -> memref<128x64xf32, #tpu.memory_space<vmem>>
      tpu.enqueue_dma source(%dma_start3A_178 : memref<128x64xf32, #tpu.memory_space<vmem>>) target(%dma_start3A_174 : memref<128x64xf32, #tpu.memory_space<hbm>>) target_semaphore(%arg8 : memref<!tpu.dma_semaphore, #tpu.memory_space<semaphore_mem>>)
      %add3A_179 = arith.constant 2 : i32
      %add3A_180 = arith.addi %add3A_142, %add3A_179 : i32
      %lt3A_181 = arith.constant 50 : i32
      %lt3A_182 = arith.cmpi slt, %add3A_180, %lt3A_181 : i32
      %convert_element_type3A_183 = arith.extui %lt3A_182 : i1 to i32
      %cond3A_184 = arith.constant 0 : i32
      %cond3A_185 = arith.cmpi ne, %convert_element_type3A_183, %cond3A_184 : i32
      scf.if %cond3A_185 {
        %ge3A = arith.constant 5 : i32
        %ge3A_321 = arith.cmpi sge, %add3A_180, %ge3A : i32
        %convert_element_type3A_322 = arith.extui %ge3A_321 : i1 to i32
        %cond3A_323 = arith.constant 0 : i32
        %cond3A_324 = arith.cmpi ne, %convert_element_type3A_322, %cond3A_323 : i32
        scf.if %cond3A_324 {
          %dma_wait3A_336 = arith.constant 3 : i32
          %dma_wait3A_337 = arith.constant 0 : i32
          %dma_wait3A_338 = arith.constant 0 : i32
          %dma_wait3A_339 = tpu.memref_slice %arg6[%dma_wait3A_336, %dma_wait3A_337, %dma_wait3A_338] : memref<5x128x64xf32, #tpu.memory_space<vmem>> -> memref<1x128x64xf32, #tpu.memory_space<vmem>>
          %dma_wait3A_340 = tpu.memref_squeeze %dma_wait3A_339 : memref<1x128x64xf32, #tpu.memory_space<vmem>> -> memref<128x64xf32, #tpu.memory_space<vmem>>
          %dma_wait3A_341 = arith.constant 0 : i32
          %dma_wait3A_342 = tpu.memref_slice %arg4[%mul3A_2, %dma_wait3A_341] : memref<204800x64xf32, #tpu.memory_space<hbm>> -> memref<128x64xf32, #tpu.memory_space<hbm>>
          %dma_wait3A_343 = arith.constant 0 : i32
          %dma_wait3A_344 = tpu.memref_slice %arg4[%mul3A_2, %dma_wait3A_343] : memref<204800x64xf32, #tpu.memory_space<hbm>> -> memref<128x64xf32, #tpu.memory_space<hbm>>
          %dma_wait3A_345 = arith.constant 0 : i32
          %dma_wait3A_346 = arith.constant 0 : i32
          %dma_wait3A_347 = tpu.memref_slice %arg6[%dma_wait3A_336, %dma_wait3A_345, %dma_wait3A_346] : memref<5x128x64xf32, #tpu.memory_space<vmem>> -> memref<1x128x64xf32, #tpu.memory_space<vmem>>
          %dma_wait3A_348 = tpu.memref_squeeze %dma_wait3A_347 : memref<1x128x64xf32, #tpu.memory_space<vmem>> -> memref<128x64xf32, #tpu.memory_space<vmem>>
          tpu.wait_dma2 semaphore(%arg8 : memref<!tpu.dma_semaphore, #tpu.memory_space<semaphore_mem>>) src(%dma_wait3A_348 : memref<128x64xf32, #tpu.memory_space<vmem>>) dst(%dma_wait3A_344 : memref<128x64xf32, #tpu.memory_space<hbm>>)
        } else {
        }
        %dma_start3A_325 = arith.constant 3 : i32
        %dma_start3A_326 = arith.constant 0 : i32
        %dma_start3A_327 = arith.constant 0 : i32
        %dma_start3A_328 = tpu.memref_slice %arg6[%dma_start3A_325, %dma_start3A_326, %dma_start3A_327] : memref<5x128x64xf32, #tpu.memory_space<vmem>> -> memref<1x128x64xf32, #tpu.memory_space<vmem>>
        %dma_start3A_329 = tpu.memref_squeeze %dma_start3A_328 : memref<1x128x64xf32, #tpu.memory_space<vmem>> -> memref<128x64xf32, #tpu.memory_space<vmem>>
        %dma_start3A_330 = arith.constant 0 : i32
        %dma_start3A_331 = tpu.memref_slice %arg5[%add3A_180, %dma_start3A_330] : memref<50x128xi32, #tpu.memory_space<vmem>> -> memref<1x128xi32, #tpu.memory_space<vmem>>
        %dma_start3A_332 = tpu.memref_squeeze %dma_start3A_331 : memref<1x128xi32, #tpu.memory_space<vmem>> -> memref<128xi32, #tpu.memory_space<vmem>>
        %dma_start3A_333 = arith.constant 0 : i32
        %dma_start3A_334 = arith.constant 0 : i32
        %dma_start3A_335 = tpu.memref_slice %arg3[%dma_start3A_333, %dma_start3A_334] : memref<1000000x64xf32, #tpu.memory_space<hbm>> -> memref<1000000x64xf32, #tpu.memory_space<hbm>>
        tpu.enqueue_indirect_dma source(%dma_start3A_335 : memref<1000000x64xf32, #tpu.memory_space<hbm>>) target(%dma_start3A_329 : memref<128x64xf32, #tpu.memory_space<vmem>>) offsets(%dma_start3A_332 : memref<128xi32, #tpu.memory_space<vmem>>) semaphore(%arg7 : memref<!tpu.dma_semaphore, #tpu.memory_space<semaphore_mem>>)
      } else {
      }
      %add3A_186 = arith.constant 2 : i32
      %add3A_187 = arith.addi %add3A_98, %add3A_186 : i32
      %dma_wait3A_188 = arith.constant 2 : i32
      %dma_wait3A_189 = arith.constant 0 : i32
      %dma_wait3A_190 = arith.constant 0 : i32
      %dma_wait3A_191 = tpu.memref_slice %arg6[%dma_wait3A_188, %dma_wait3A_189, %dma_wait3A_190] : memref<5x128x64xf32, #tpu.memory_space<vmem>> -> memref<1x128x64xf32, #tpu.memory_space<vmem>>
      %dma_wait3A_192 = tpu.memref_squeeze %dma_wait3A_191 : memref<1x128x64xf32, #tpu.memory_space<vmem>> -> memref<128x64xf32, #tpu.memory_space<vmem>>
      %dma_wait3A_193 = arith.constant 0 : i32
      %dma_wait3A_194 = arith.constant 0 : i32
      %dma_wait3A_195 = tpu.memref_slice %arg3[%dma_wait3A_193, %dma_wait3A_194] : memref<1000000x64xf32, #tpu.memory_space<hbm>> -> memref<128x64xf32, #tpu.memory_space<hbm>>
      %dma_wait3A_196 = arith.constant 0 : i32
      %dma_wait3A_197 = arith.constant 0 : i32
      %dma_wait3A_198 = tpu.memref_slice %arg6[%dma_wait3A_188, %dma_wait3A_196, %dma_wait3A_197] : memref<5x128x64xf32, #tpu.memory_space<vmem>> -> memref<1x128x64xf32, #tpu.memory_space<vmem>>
      %dma_wait3A_199 = tpu.memref_squeeze %dma_wait3A_198 : memref<1x128x64xf32, #tpu.memory_space<vmem>> -> memref<128x64xf32, #tpu.memory_space<vmem>>
      %dma_wait3A_200 = arith.constant 0 : i32
      %dma_wait3A_201 = arith.constant 0 : i32
      %dma_wait3A_202 = tpu.memref_slice %arg3[%dma_wait3A_200, %dma_wait3A_201] : memref<1000000x64xf32, #tpu.memory_space<hbm>> -> memref<128x64xf32, #tpu.memory_space<hbm>>
      tpu.wait_dma2 semaphore(%arg7 : memref<!tpu.dma_semaphore, #tpu.memory_space<semaphore_mem>>) src(%dma_wait3A_202 : memref<128x64xf32, #tpu.memory_space<hbm>>) dst(%dma_wait3A_199 : memref<128x64xf32, #tpu.memory_space<vmem>>)
      %scan3A_203 = arith.constant 0 : i32
      %scan3A_204 = arith.constant 128 : i32
      %scan3A_205 = arith.addi %scan3A_203, %scan3A_204 : i32
      %scan3A_206 = arith.constant 8 : i32
      scf.for %scan3A_321 = %scan3A_203 to %scan3A_205 step %scan3A_206  : i32 {
        %mul3A_322 = arith.constant 1 : i32
        %mul3A_323 = arith.muli %scan3A_321, %mul3A_322 : i32
        %add3A_324 = arith.constant 0 : i32
        %add3A_325 = arith.addi %add3A_324, %mul3A_323 : i32
        %get3A = arith.constant 2 : i32
        %get3A_326 = arith.index_cast %get3A : i32 to index
        %get3A_327 = arith.index_cast %add3A_325 : i32 to index
        %get3A_328 = arith.constant 0 : index
        %get3A_329 = tpu.vector_load %arg6[%get3A_326, %get3A_327, %get3A_328] {strides = array<i32>} : memref<5x128x64xf32, #tpu.memory_space<vmem>>, vector<1x1x16xf32>,
        %get3A_330 = vector.shape_cast %get3A_329 : vector<1x1x16xf32> to vector<16xf32>
        %mul3A_331 = arith.constant 8.000000e+00 : f32
        %mul3A_332 = vector.broadcast %mul3A_331 : f32 to vector<16xf32>
        %mul3A_333 = arith.mulf %get3A_330, %mul3A_332 : vector<16xf32>
        %swap3A = arith.constant 2 : i32
        %swap3A_334 = arith.index_cast %swap3A : i32 to index
        %swap3A_335 = arith.index_cast %add3A_325 : i32 to index
        %swap3A_336 = arith.constant 0 : index
        %swap3A_337 = tpu.vector_load %arg6[%swap3A_334, %swap3A_335, %swap3A_336] {strides = array<i32>} : memref<5x128x64xf32, #tpu.memory_space<vmem>>, vector<1x1x16xf32>,
        %swap3A_338 = vector.shape_cast %swap3A_337 : vector<1x1x16xf32> to vector<16xf32>
        %swap3A_339 = vector.shape_cast %mul3A_333 : vector<16xf32> to vector<1x1x16xf32>
        tpu.vector_store %arg6[%swap3A_334, %swap3A_335, %swap3A_336], %swap3A_339 {strides = array<i32>} : memref<5x128x64xf32, #tpu.memory_space<vmem>>, vector<1x1x16xf32>,
        %get3A_340 = arith.constant 2 : i32
        %get3A_341 = arith.index_cast %get3A_340 : i32 to index
        %get3A_342 = arith.index_cast %add3A_325 : i32 to index
        %get3A_343 = arith.constant 16 : index
        %get3A_344 = tpu.vector_load %arg6[%get3A_341, %get3A_342, %get3A_343] {strides = array<i32>} : memref<5x128x64xf32, #tpu.memory_space<vmem>>, vector<1x1x16xf32>,
        %get3A_345 = vector.shape_cast %get3A_344 : vector<1x1x16xf32> to vector<16xf32>
        %mul3A_346 = arith.constant 8.000000e+00 : f32
        %mul3A_347 = vector.broadcast %mul3A_346 : f32 to vector<16xf32>
        %mul3A_348 = arith.mulf %get3A_345, %mul3A_347 : vector<16xf32>
        %swap3A_349 = arith.constant 2 : i32
        %swap3A_350 = arith.index_cast %swap3A_349 : i32 to index
        %swap3A_351 = arith.index_cast %add3A_325 : i32 to index
        %swap3A_352 = arith.constant 16 : index
        %swap3A_353 = tpu.vector_load %arg6[%swap3A_350, %swap3A_351, %swap3A_352] {strides = array<i32>} : memref<5x128x64xf32, #tpu.memory_space<vmem>>, vector<1x1x16xf32>,
        %swap3A_354 = vector.shape_cast %swap3A_353 : vector<1x1x16xf32> to vector<16xf32>
        %swap3A_355 = vector.shape_cast %mul3A_348 : vector<16xf32> to vector<1x1x16xf32>
        tpu.vector_store %arg6[%swap3A_350, %swap3A_351, %swap3A_352], %swap3A_355 {strides = array<i32>} : memref<5x128x64xf32, #tpu.memory_space<vmem>>, vector<1x1x16xf32>,
        %get3A_356 = arith.constant 2 : i32
        %get3A_357 = arith.index_cast %get3A_356 : i32 to index
        %get3A_358 = arith.index_cast %add3A_325 : i32 to index
        %get3A_359 = arith.constant 32 : index
        %get3A_360 = tpu.vector_load %arg6[%get3A_357, %get3A_358, %get3A_359] {strides = array<i32>} : memref<5x128x64xf32, #tpu.memory_space<vmem>>, vector<1x1x16xf32>,
        %get3A_361 = vector.shape_cast %get3A_360 : vector<1x1x16xf32> to vector<16xf32>
        %mul3A_362 = arith.constant 8.000000e+00 : f32
        %mul3A_363 = vector.broadcast %mul3A_362 : f32 to vector<16xf32>
        %mul3A_364 = arith.mulf %get3A_361, %mul3A_363 : vector<16xf32>
        %swap3A_365 = arith.constant 2 : i32
        %swap3A_366 = arith.index_cast %swap3A_365 : i32 to index
        %swap3A_367 = arith.index_cast %add3A_325 : i32 to index
        %swap3A_368 = arith.constant 32 : index
        %swap3A_369 = tpu.vector_load %arg6[%swap3A_366, %swap3A_367, %swap3A_368] {strides = array<i32>} : memref<5x128x64xf32, #tpu.memory_space<vmem>>, vector<1x1x16xf32>,
        %swap3A_370 = vector.shape_cast %swap3A_369 : vector<1x1x16xf32> to vector<16xf32>
        %swap3A_371 = vector.shape_cast %mul3A_364 : vector<16xf32> to vector<1x1x16xf32>
        tpu.vector_store %arg6[%swap3A_366, %swap3A_367, %swap3A_368], %swap3A_371 {strides = array<i32>} : memref<5x128x64xf32, #tpu.memory_space<vmem>>, vector<1x1x16xf32>,
        %get3A_372 = arith.constant 2 : i32
        %get3A_373 = arith.index_cast %get3A_372 : i32 to index
        %get3A_374 = arith.index_cast %add3A_325 : i32 to index
        %get3A_375 = arith.constant 48 : index
        %get3A_376 = tpu.vector_load %arg6[%get3A_373, %get3A_374, %get3A_375] {strides = array<i32>} : memref<5x128x64xf32, #tpu.memory_space<vmem>>, vector<1x1x16xf32>,
        %get3A_377 = vector.shape_cast %get3A_376 : vector<1x1x16xf32> to vector<16xf32>
        %mul3A_378 = arith.constant 8.000000e+00 : f32
        %mul3A_379 = vector.broadcast %mul3A_378 : f32 to vector<16xf32>
        %mul3A_380 = arith.mulf %get3A_377, %mul3A_379 : vector<16xf32>
        %swap3A_381 = arith.constant 2 : i32
        %swap3A_382 = arith.index_cast %swap3A_381 : i32 to index
        %swap3A_383 = arith.index_cast %add3A_325 : i32 to index
        %swap3A_384 = arith.constant 48 : index
        %swap3A_385 = tpu.vector_load %arg6[%swap3A_382, %swap3A_383, %swap3A_384] {strides = array<i32>} : memref<5x128x64xf32, #tpu.memory_space<vmem>>, vector<1x1x16xf32>,
        %swap3A_386 = vector.shape_cast %swap3A_385 : vector<1x1x16xf32> to vector<16xf32>
        %swap3A_387 = vector.shape_cast %mul3A_380 : vector<16xf32> to vector<1x1x16xf32>
        tpu.vector_store %arg6[%swap3A_382, %swap3A_383, %swap3A_384], %swap3A_387 {strides = array<i32>} : memref<5x128x64xf32, #tpu.memory_space<vmem>>, vector<1x1x16xf32>,
        %scan3A_388 = arith.constant 1 : i32
        %scan3A_389 = arith.addi %scan3A_321, %scan3A_388 : i32
        %mul3A_390 = arith.constant 1 : i32
        %mul3A_391 = arith.muli %scan3A_389, %mul3A_390 : i32
        %add3A_392 = arith.constant 0 : i32
        %add3A_393 = arith.addi %add3A_392, %mul3A_391 : i32
        %get3A_394 = arith.constant 2 : i32
        %get3A_395 = arith.index_cast %get3A_394 : i32 to index
        %get3A_396 = arith.index_cast %add3A_393 : i32 to index
        %get3A_397 = arith.constant 0 : index
        %get3A_398 = tpu.vector_load %arg6[%get3A_395, %get3A_396, %get3A_397] {strides = array<i32>} : memref<5x128x64xf32, #tpu.memory_space<vmem>>, vector<1x1x16xf32>,
        %get3A_399 = vector.shape_cast %get3A_398 : vector<1x1x16xf32> to vector<16xf32>
        %mul3A_400 = arith.constant 8.000000e+00 : f32
        %mul3A_401 = vector.broadcast %mul3A_400 : f32 to vector<16xf32>
        %mul3A_402 = arith.mulf %get3A_399, %mul3A_401 : vector<16xf32>
        %swap3A_403 = arith.constant 2 : i32
        %swap3A_404 = arith.index_cast %swap3A_403 : i32 to index
        %swap3A_405 = arith.index_cast %add3A_393 : i32 to index
        %swap3A_406 = arith.constant 0 : index
        %swap3A_407 = tpu.vector_load %arg6[%swap3A_404, %swap3A_405, %swap3A_406] {strides = array<i32>} : memref<5x128x64xf32, #tpu.memory_space<vmem>>, vector<1x1x16xf32>,
        %swap3A_408 = vector.shape_cast %swap3A_407 : vector<1x1x16xf32> to vector<16xf32>
        %swap3A_409 = vector.shape_cast %mul3A_402 : vector<16xf32> to vector<1x1x16xf32>
        tpu.vector_store %arg6[%swap3A_404, %swap3A_405, %swap3A_406], %swap3A_409 {strides = array<i32>} : memref<5x128x64xf32, #tpu.memory_space<vmem>>, vector<1x1x16xf32>,
        %get3A_410 = arith.constant 2 : i32
        %get3A_411 = arith.index_cast %get3A_410 : i32 to index
        %get3A_412 = arith.index_cast %add3A_393 : i32 to index
        %get3A_413 = arith.constant 16 : index
        %get3A_414 = tpu.vector_load %arg6[%get3A_411, %get3A_412, %get3A_413] {strides = array<i32>} : memref<5x128x64xf32, #tpu.memory_space<vmem>>, vector<1x1x16xf32>,
        %get3A_415 = vector.shape_cast %get3A_414 : vector<1x1x16xf32> to vector<16xf32>
        %mul3A_416 = arith.constant 8.000000e+00 : f32
        %mul3A_417 = vector.broadcast %mul3A_416 : f32 to vector<16xf32>
        %mul3A_418 = arith.mulf %get3A_415, %mul3A_417 : vector<16xf32>
        %swap3A_419 = arith.constant 2 : i32
        %swap3A_420 = arith.index_cast %swap3A_419 : i32 to index
        %swap3A_421 = arith.index_cast %add3A_393 : i32 to index
        %swap3A_422 = arith.constant 16 : index
        %swap3A_423 = tpu.vector_load %arg6[%swap3A_420, %swap3A_421, %swap3A_422] {strides = array<i32>} : memref<5x128x64xf32, #tpu.memory_space<vmem>>, vector<1x1x16xf32>,
        %swap3A_424 = vector.shape_cast %swap3A_423 : vector<1x1x16xf32> to vector<16xf32>
        %swap3A_425 = vector.shape_cast %mul3A_418 : vector<16xf32> to vector<1x1x16xf32>
        tpu.vector_store %arg6[%swap3A_420, %swap3A_421, %swap3A_422], %swap3A_425 {strides = array<i32>} : memref<5x128x64xf32, #tpu.memory_space<vmem>>, vector<1x1x16xf32>,
        %get3A_426 = arith.constant 2 : i32
        %get3A_427 = arith.index_cast %get3A_426 : i32 to index
        %get3A_428 = arith.index_cast %add3A_393 : i32 to index
        %get3A_429 = arith.constant 32 : index
        %get3A_430 = tpu.vector_load %arg6[%get3A_427, %get3A_428, %get3A_429] {strides = array<i32>} : memref<5x128x64xf32, #tpu.memory_space<vmem>>, vector<1x1x16xf32>,
        %get3A_431 = vector.shape_cast %get3A_430 : vector<1x1x16xf32> to vector<16xf32>
        %mul3A_432 = arith.constant 8.000000e+00 : f32
        %mul3A_433 = vector.broadcast %mul3A_432 : f32 to vector<16xf32>
        %mul3A_434 = arith.mulf %get3A_431, %mul3A_433 : vector<16xf32>
        %swap3A_435 = arith.constant 2 : i32
        %swap3A_436 = arith.index_cast %swap3A_435 : i32 to index
        %swap3A_437 = arith.index_cast %add3A_393 : i32 to index
        %swap3A_438 = arith.constant 32 : index
        %swap3A_439 = tpu.vector_load %arg6[%swap3A_436, %swap3A_437, %swap3A_438] {strides = array<i32>} : memref<5x128x64xf32, #tpu.memory_space<vmem>>, vector<1x1x16xf32>,
        %swap3A_440 = vector.shape_cast %swap3A_439 : vector<1x1x16xf32> to vector<16xf32>
        %swap3A_441 = vector.shape_cast %mul3A_434 : vector<16xf32> to vector<1x1x16xf32>
        tpu.vector_store %arg6[%swap3A_436, %swap3A_437, %swap3A_438], %swap3A_441 {strides = array<i32>} : memref<5x128x64xf32, #tpu.memory_space<vmem>>, vector<1x1x16xf32>,
        %get3A_442 = arith.constant 2 : i32
        %get3A_443 = arith.index_cast %get3A_442 : i32 to index
        %get3A_444 = arith.index_cast %add3A_393 : i32 to index
        %get3A_445 = arith.constant 48 : index
        %get3A_446 = tpu.vector_load %arg6[%get3A_443, %get3A_444, %get3A_445] {strides = array<i32>} : memref<5x128x64xf32, #tpu.memory_space<vmem>>, vector<1x1x16xf32>,
        %get3A_447 = vector.shape_cast %get3A_446 : vector<1x1x16xf32> to vector<16xf32>
        %mul3A_448 = arith.constant 8.000000e+00 : f32
        %mul3A_449 = vector.broadcast %mul3A_448 : f32 to vector<16xf32>
        %mul3A_450 = arith.mulf %get3A_447, %mul3A_449 : vector<16xf32>
        %swap3A_451 = arith.constant 2 : i32
        %swap3A_452 = arith.index_cast %swap3A_451 : i32 to index
        %swap3A_453 = arith.index_cast %add3A_393 : i32 to index
        %swap3A_454 = arith.constant 48 : index
        %swap3A_455 = tpu.vector_load %arg6[%swap3A_452, %swap3A_453, %swap3A_454] {strides = array<i32>} : memref<5x128x64xf32, #tpu.memory_space<vmem>>, vector<1x1x16xf32>,
        %swap3A_456 = vector.shape_cast %swap3A_455 : vector<1x1x16xf32> to vector<16xf32>
        %swap3A_457 = vector.shape_cast %mul3A_450 : vector<16xf32> to vector<1x1x16xf32>
        tpu.vector_store %arg6[%swap3A_452, %swap3A_453, %swap3A_454], %swap3A_457 {strides = array<i32>} : memref<5x128x64xf32, #tpu.memory_space<vmem>>, vector<1x1x16xf32>,
        %scan3A_458 = arith.constant 2 : i32
        %scan3A_459 = arith.addi %scan3A_321, %scan3A_458 : i32
        %mul3A_460 = arith.constant 1 : i32
        %mul3A_461 = arith.muli %scan3A_459, %mul3A_460 : i32
        %add3A_462 = arith.constant 0 : i32
        %add3A_463 = arith.addi %add3A_462, %mul3A_461 : i32
        %get3A_464 = arith.constant 2 : i32
        %get3A_465 = arith.index_cast %get3A_464 : i32 to index
        %get3A_466 = arith.index_cast %add3A_463 : i32 to index
        %get3A_467 = arith.constant 0 : index
        %get3A_468 = tpu.vector_load %arg6[%get3A_465, %get3A_466, %get3A_467] {strides = array<i32>} : memref<5x128x64xf32, #tpu.memory_space<vmem>>, vector<1x1x16xf32>,
        %get3A_469 = vector.shape_cast %get3A_468 : vector<1x1x16xf32> to vector<16xf32>
        %mul3A_470 = arith.constant 8.000000e+00 : f32
        %mul3A_471 = vector.broadcast %mul3A_470 : f32 to vector<16xf32>
        %mul3A_472 = arith.mulf %get3A_469, %mul3A_471 : vector<16xf32>
        %swap3A_473 = arith.constant 2 : i32
        %swap3A_474 = arith.index_cast %swap3A_473 : i32 to index
        %swap3A_475 = arith.index_cast %add3A_463 : i32 to index
        %swap3A_476 = arith.constant 0 : index
        %swap3A_477 = tpu.vector_load %arg6[%swap3A_474, %swap3A_475, %swap3A_476] {strides = array<i32>} : memref<5x128x64xf32, #tpu.memory_space<vmem>>, vector<1x1x16xf32>,
        %swap3A_478 = vector.shape_cast %swap3A_477 : vector<1x1x16xf32> to vector<16xf32>
        %swap3A_479 = vector.shape_cast %mul3A_472 : vector<16xf32> to vector<1x1x16xf32>
        tpu.vector_store %arg6[%swap3A_474, %swap3A_475, %swap3A_476], %swap3A_479 {strides = array<i32>} : memref<5x128x64xf32, #tpu.memory_space<vmem>>, vector<1x1x16xf32>,
        %get3A_480 = arith.constant 2 : i32
        %get3A_481 = arith.index_cast %get3A_480 : i32 to index
        %get3A_482 = arith.index_cast %add3A_463 : i32 to index
        %get3A_483 = arith.constant 16 : index
        %get3A_484 = tpu.vector_load %arg6[%get3A_481, %get3A_482, %get3A_483] {strides = array<i32>} : memref<5x128x64xf32, #tpu.memory_space<vmem>>, vector<1x1x16xf32>,
        %get3A_485 = vector.shape_cast %get3A_484 : vector<1x1x16xf32> to vector<16xf32>
        %mul3A_486 = arith.constant 8.000000e+00 : f32
        %mul3A_487 = vector.broadcast %mul3A_486 : f32 to vector<16xf32>
        %mul3A_488 = arith.mulf %get3A_485, %mul3A_487 : vector<16xf32>
        %swap3A_489 = arith.constant 2 : i32
        %swap3A_490 = arith.index_cast %swap3A_489 : i32 to index
        %swap3A_491 = arith.index_cast %add3A_463 : i32 to index
        %swap3A_492 = arith.constant 16 : index
        %swap3A_493 = tpu.vector_load %arg6[%swap3A_490, %swap3A_491, %swap3A_492] {strides = array<i32>} : memref<5x128x64xf32, #tpu.memory_space<vmem>>, vector<1x1x16xf32>,
        %swap3A_494 = vector.shape_cast %swap3A_493 : vector<1x1x16xf32> to vector<16xf32>
        %swap3A_495 = vector.shape_cast %mul3A_488 : vector<16xf32> to vector<1x1x16xf32>
        tpu.vector_store %arg6[%swap3A_490, %swap3A_491, %swap3A_492], %swap3A_495 {strides = array<i32>} : memref<5x128x64xf32, #tpu.memory_space<vmem>>, vector<1x1x16xf32>,
        %get3A_496 = arith.constant 2 : i32
        %get3A_497 = arith.index_cast %get3A_496 : i32 to index
        %get3A_498 = arith.index_cast %add3A_463 : i32 to index
        %get3A_499 = arith.constant 32 : index
        %get3A_500 = tpu.vector_load %arg6[%get3A_497, %get3A_498, %get3A_499] {strides = array<i32>} : memref<5x128x64xf32, #tpu.memory_space<vmem>>, vector<1x1x16xf32>,
        %get3A_501 = vector.shape_cast %get3A_500 : vector<1x1x16xf32> to vector<16xf32>
        %mul3A_502 = arith.constant 8.000000e+00 : f32
        %mul3A_503 = vector.broadcast %mul3A_502 : f32 to vector<16xf32>
        %mul3A_504 = arith.mulf %get3A_501, %mul3A_503 : vector<16xf32>
        %swap3A_505 = arith.constant 2 : i32
        %swap3A_506 = arith.index_cast %swap3A_505 : i32 to index
        %swap3A_507 = arith.index_cast %add3A_463 : i32 to index
        %swap3A_508 = arith.constant 32 : index
        %swap3A_509 = tpu.vector_load %arg6[%swap3A_506, %swap3A_507, %swap3A_508] {strides = array<i32>} : memref<5x128x64xf32, #tpu.memory_space<vmem>>, vector<1x1x16xf32>,
        %swap3A_510 = vector.shape_cast %swap3A_509 : vector<1x1x16xf32> to vector<16xf32>
        %swap3A_511 = vector.shape_cast %mul3A_504 : vector<16xf32> to vector<1x1x16xf32>
        tpu.vector_store %arg6[%swap3A_506, %swap3A_507, %swap3A_508], %swap3A_511 {strides = array<i32>} : memref<5x128x64xf32, #tpu.memory_space<vmem>>, vector<1x1x16xf32>,
        %get3A_512 = arith.constant 2 : i32
        %get3A_513 = arith.index_cast %get3A_512 : i32 to index
        %get3A_514 = arith.index_cast %add3A_463 : i32 to index
        %get3A_515 = arith.constant 48 : index
        %get3A_516 = tpu.vector_load %arg6[%get3A_513, %get3A_514, %get3A_515] {strides = array<i32>} : memref<5x128x64xf32, #tpu.memory_space<vmem>>, vector<1x1x16xf32>,
        %get3A_517 = vector.shape_cast %get3A_516 : vector<1x1x16xf32> to vector<16xf32>
        %mul3A_518 = arith.constant 8.000000e+00 : f32
        %mul3A_519 = vector.broadcast %mul3A_518 : f32 to vector<16xf32>
        %mul3A_520 = arith.mulf %get3A_517, %mul3A_519 : vector<16xf32>
        %swap3A_521 = arith.constant 2 : i32
        %swap3A_522 = arith.index_cast %swap3A_521 : i32 to index
        %swap3A_523 = arith.index_cast %add3A_463 : i32 to index
        %swap3A_524 = arith.constant 48 : index
        %swap3A_525 = tpu.vector_load %arg6[%swap3A_522, %swap3A_523, %swap3A_524] {strides = array<i32>} : memref<5x128x64xf32, #tpu.memory_space<vmem>>, vector<1x1x16xf32>,
        %swap3A_526 = vector.shape_cast %swap3A_525 : vector<1x1x16xf32> to vector<16xf32>
        %swap3A_527 = vector.shape_cast %mul3A_520 : vector<16xf32> to vector<1x1x16xf32>
        tpu.vector_store %arg6[%swap3A_522, %swap3A_523, %swap3A_524], %swap3A_527 {strides = array<i32>} : memref<5x128x64xf32, #tpu.memory_space<vmem>>, vector<1x1x16xf32>,
        %scan3A_528 = arith.constant 3 : i32
        %scan3A_529 = arith.addi %scan3A_321, %scan3A_528 : i32
        %mul3A_530 = arith.constant 1 : i32
        %mul3A_531 = arith.muli %scan3A_529, %mul3A_530 : i32
        %add3A_532 = arith.constant 0 : i32
        %add3A_533 = arith.addi %add3A_532, %mul3A_531 : i32
        %get3A_534 = arith.constant 2 : i32
        %get3A_535 = arith.index_cast %get3A_534 : i32 to index
        %get3A_536 = arith.index_cast %add3A_533 : i32 to index
        %get3A_537 = arith.constant 0 : index
        %get3A_538 = tpu.vector_load %arg6[%get3A_535, %get3A_536, %get3A_537] {strides = array<i32>} : memref<5x128x64xf32, #tpu.memory_space<vmem>>, vector<1x1x16xf32>,
        %get3A_539 = vector.shape_cast %get3A_538 : vector<1x1x16xf32> to vector<16xf32>
        %mul3A_540 = arith.constant 8.000000e+00 : f32
        %mul3A_541 = vector.broadcast %mul3A_540 : f32 to vector<16xf32>
        %mul3A_542 = arith.mulf %get3A_539, %mul3A_541 : vector<16xf32>
        %swap3A_543 = arith.constant 2 : i32
        %swap3A_544 = arith.index_cast %swap3A_543 : i32 to index
        %swap3A_545 = arith.index_cast %add3A_533 : i32 to index
        %swap3A_546 = arith.constant 0 : index
        %swap3A_547 = tpu.vector_load %arg6[%swap3A_544, %swap3A_545, %swap3A_546] {strides = array<i32>} : memref<5x128x64xf32, #tpu.memory_space<vmem>>, vector<1x1x16xf32>,
        %swap3A_548 = vector.shape_cast %swap3A_547 : vector<1x1x16xf32> to vector<16xf32>
        %swap3A_549 = vector.shape_cast %mul3A_542 : vector<16xf32> to vector<1x1x16xf32>
        tpu.vector_store %arg6[%swap3A_544, %swap3A_545, %swap3A_546], %swap3A_549 {strides = array<i32>} : memref<5x128x64xf32, #tpu.memory_space<vmem>>, vector<1x1x16xf32>,
        %get3A_550 = arith.constant 2 : i32
        %get3A_551 = arith.index_cast %get3A_550 : i32 to index
        %get3A_552 = arith.index_cast %add3A_533 : i32 to index
        %get3A_553 = arith.constant 16 : index
        %get3A_554 = tpu.vector_load %arg6[%get3A_551, %get3A_552, %get3A_553] {strides = array<i32>} : memref<5x128x64xf32, #tpu.memory_space<vmem>>, vector<1x1x16xf32>,
        %get3A_555 = vector.shape_cast %get3A_554 : vector<1x1x16xf32> to vector<16xf32>
        %mul3A_556 = arith.constant 8.000000e+00 : f32
        %mul3A_557 = vector.broadcast %mul3A_556 : f32 to vector<16xf32>
        %mul3A_558 = arith.mulf %get3A_555, %mul3A_557 : vector<16xf32>
        %swap3A_559 = arith.constant 2 : i32
        %swap3A_560 = arith.index_cast %swap3A_559 : i32 to index
        %swap3A_561 = arith.index_cast %add3A_533 : i32 to index
        %swap3A_562 = arith.constant 16 : index
        %swap3A_563 = tpu.vector_load %arg6[%swap3A_560, %swap3A_561, %swap3A_562] {strides = array<i32>} : memref<5x128x64xf32, #tpu.memory_space<vmem>>, vector<1x1x16xf32>,
        %swap3A_564 = vector.shape_cast %swap3A_563 : vector<1x1x16xf32> to vector<16xf32>
        %swap3A_565 = vector.shape_cast %mul3A_558 : vector<16xf32> to vector<1x1x16xf32>
        tpu.vector_store %arg6[%swap3A_560, %swap3A_561, %swap3A_562], %swap3A_565 {strides = array<i32>} : memref<5x128x64xf32, #tpu.memory_space<vmem>>, vector<1x1x16xf32>,
        %get3A_566 = arith.constant 2 : i32
        %get3A_567 = arith.index_cast %get3A_566 : i32 to index
        %get3A_568 = arith.index_cast %add3A_533 : i32 to index
        %get3A_569 = arith.constant 32 : index
        %get3A_570 = tpu.vector_load %arg6[%get3A_567, %get3A_568, %get3A_569] {strides = array<i32>} : memref<5x128x64xf32, #tpu.memory_space<vmem>>, vector<1x1x16xf32>,
        %get3A_571 = vector.shape_cast %get3A_570 : vector<1x1x16xf32> to vector<16xf32>
        %mul3A_572 = arith.constant 8.000000e+00 : f32
        %mul3A_573 = vector.broadcast %mul3A_572 : f32 to vector<16xf32>
        %mul3A_574 = arith.mulf %get3A_571, %mul3A_573 : vector<16xf32>
        %swap3A_575 = arith.constant 2 : i32
        %swap3A_576 = arith.index_cast %swap3A_575 : i32 to index
        %swap3A_577 = arith.index_cast %add3A_533 : i32 to index
        %swap3A_578 = arith.constant 32 : index
        %swap3A_579 = tpu.vector_load %arg6[%swap3A_576, %swap3A_577, %swap3A_578] {strides = array<i32>} : memref<5x128x64xf32, #tpu.memory_space<vmem>>, vector<1x1x16xf32>,
        %swap3A_580 = vector.shape_cast %swap3A_579 : vector<1x1x16xf32> to vector<16xf32>
        %swap3A_581 = vector.shape_cast %mul3A_574 : vector<16xf32> to vector<1x1x16xf32>
        tpu.vector_store %arg6[%swap3A_576, %swap3A_577, %swap3A_578], %swap3A_581 {strides = array<i32>} : memref<5x128x64xf32, #tpu.memory_space<vmem>>, vector<1x1x16xf32>,
        %get3A_582 = arith.constant 2 : i32
        %get3A_583 = arith.index_cast %get3A_582 : i32 to index
        %get3A_584 = arith.index_cast %add3A_533 : i32 to index
        %get3A_585 = arith.constant 48 : index
        %get3A_586 = tpu.vector_load %arg6[%get3A_583, %get3A_584, %get3A_585] {strides = array<i32>} : memref<5x128x64xf32, #tpu.memory_space<vmem>>, vector<1x1x16xf32>,
        %get3A_587 = vector.shape_cast %get3A_586 : vector<1x1x16xf32> to vector<16xf32>
        %mul3A_588 = arith.constant 8.000000e+00 : f32
        %mul3A_589 = vector.broadcast %mul3A_588 : f32 to vector<16xf32>
        %mul3A_590 = arith.mulf %get3A_587, %mul3A_589 : vector<16xf32>
        %swap3A_591 = arith.constant 2 : i32
        %swap3A_592 = arith.index_cast %swap3A_591 : i32 to index
        %swap3A_593 = arith.index_cast %add3A_533 : i32 to index
        %swap3A_594 = arith.constant 48 : index
        %swap3A_595 = tpu.vector_load %arg6[%swap3A_592, %swap3A_593, %swap3A_594] {strides = array<i32>} : memref<5x128x64xf32, #tpu.memory_space<vmem>>, vector<1x1x16xf32>,
        %swap3A_596 = vector.shape_cast %swap3A_595 : vector<1x1x16xf32> to vector<16xf32>
        %swap3A_597 = vector.shape_cast %mul3A_590 : vector<16xf32> to vector<1x1x16xf32>
        tpu.vector_store %arg6[%swap3A_592, %swap3A_593, %swap3A_594], %swap3A_597 {strides = array<i32>} : memref<5x128x64xf32, #tpu.memory_space<vmem>>, vector<1x1x16xf32>,
        %scan3A_598 = arith.constant 4 : i32
        %scan3A_599 = arith.addi %scan3A_321, %scan3A_598 : i32
        %mul3A_600 = arith.constant 1 : i32
        %mul3A_601 = arith.muli %scan3A_599, %mul3A_600 : i32
        %add3A_602 = arith.constant 0 : i32
        %add3A_603 = arith.addi %add3A_602, %mul3A_601 : i32
        %get3A_604 = arith.constant 2 : i32
        %get3A_605 = arith.index_cast %get3A_604 : i32 to index
        %get3A_606 = arith.index_cast %add3A_603 : i32 to index
        %get3A_607 = arith.constant 0 : index
        %get3A_608 = tpu.vector_load %arg6[%get3A_605, %get3A_606, %get3A_607] {strides = array<i32>} : memref<5x128x64xf32, #tpu.memory_space<vmem>>, vector<1x1x16xf32>,
        %get3A_609 = vector.shape_cast %get3A_608 : vector<1x1x16xf32> to vector<16xf32>
        %mul3A_610 = arith.constant 8.000000e+00 : f32
        %mul3A_611 = vector.broadcast %mul3A_610 : f32 to vector<16xf32>
        %mul3A_612 = arith.mulf %get3A_609, %mul3A_611 : vector<16xf32>
        %swap3A_613 = arith.constant 2 : i32
        %swap3A_614 = arith.index_cast %swap3A_613 : i32 to index
        %swap3A_615 = arith.index_cast %add3A_603 : i32 to index
        %swap3A_616 = arith.constant 0 : index
        %swap3A_617 = tpu.vector_load %arg6[%swap3A_614, %swap3A_615, %swap3A_616] {strides = array<i32>} : memref<5x128x64xf32, #tpu.memory_space<vmem>>, vector<1x1x16xf32>,
        %swap3A_618 = vector.shape_cast %swap3A_617 : vector<1x1x16xf32> to vector<16xf32>
        %swap3A_619 = vector.shape_cast %mul3A_612 : vector<16xf32> to vector<1x1x16xf32>
        tpu.vector_store %arg6[%swap3A_614, %swap3A_615, %swap3A_616], %swap3A_619 {strides = array<i32>} : memref<5x128x64xf32, #tpu.memory_space<vmem>>, vector<1x1x16xf32>,
        %get3A_620 = arith.constant 2 : i32
        %get3A_621 = arith.index_cast %get3A_620 : i32 to index
        %get3A_622 = arith.index_cast %add3A_603 : i32 to index
        %get3A_623 = arith.constant 16 : index
        %get3A_624 = tpu.vector_load %arg6[%get3A_621, %get3A_622, %get3A_623] {strides = array<i32>} : memref<5x128x64xf32, #tpu.memory_space<vmem>>, vector<1x1x16xf32>,
        %get3A_625 = vector.shape_cast %get3A_624 : vector<1x1x16xf32> to vector<16xf32>
        %mul3A_626 = arith.constant 8.000000e+00 : f32
        %mul3A_627 = vector.broadcast %mul3A_626 : f32 to vector<16xf32>
        %mul3A_628 = arith.mulf %get3A_625, %mul3A_627 : vector<16xf32>
        %swap3A_629 = arith.constant 2 : i32
        %swap3A_630 = arith.index_cast %swap3A_629 : i32 to index
        %swap3A_631 = arith.index_cast %add3A_603 : i32 to index
        %swap3A_632 = arith.constant 16 : index
        %swap3A_633 = tpu.vector_load %arg6[%swap3A_630, %swap3A_631, %swap3A_632] {strides = array<i32>} : memref<5x128x64xf32, #tpu.memory_space<vmem>>, vector<1x1x16xf32>,
        %swap3A_634 = vector.shape_cast %swap3A_633 : vector<1x1x16xf32> to vector<16xf32>
        %swap3A_635 = vector.shape_cast %mul3A_628 : vector<16xf32> to vector<1x1x16xf32>
        tpu.vector_store %arg6[%swap3A_630, %swap3A_631, %swap3A_632], %swap3A_635 {strides = array<i32>} : memref<5x128x64xf32, #tpu.memory_space<vmem>>, vector<1x1x16xf32>,
        %get3A_636 = arith.constant 2 : i32
        %get3A_637 = arith.index_cast %get3A_636 : i32 to index
        %get3A_638 = arith.index_cast %add3A_603 : i32 to index
        %get3A_639 = arith.constant 32 : index
        %get3A_640 = tpu.vector_load %arg6[%get3A_637, %get3A_638, %get3A_639] {strides = array<i32>} : memref<5x128x64xf32, #tpu.memory_space<vmem>>, vector<1x1x16xf32>,
        %get3A_641 = vector.shape_cast %get3A_640 : vector<1x1x16xf32> to vector<16xf32>
        %mul3A_642 = arith.constant 8.000000e+00 : f32
        %mul3A_643 = vector.broadcast %mul3A_642 : f32 to vector<16xf32>
        %mul3A_644 = arith.mulf %get3A_641, %mul3A_643 : vector<16xf32>
        %swap3A_645 = arith.constant 2 : i32
        %swap3A_646 = arith.index_cast %swap3A_645 : i32 to index
        %swap3A_647 = arith.index_cast %add3A_603 : i32 to index
        %swap3A_648 = arith.constant 32 : index
        %swap3A_649 = tpu.vector_load %arg6[%swap3A_646, %swap3A_647, %swap3A_648] {strides = array<i32>} : memref<5x128x64xf32, #tpu.memory_space<vmem>>, vector<1x1x16xf32>,
        %swap3A_650 = vector.shape_cast %swap3A_649 : vector<1x1x16xf32> to vector<16xf32>
        %swap3A_651 = vector.shape_cast %mul3A_644 : vector<16xf32> to vector<1x1x16xf32>
        tpu.vector_store %arg6[%swap3A_646, %swap3A_647, %swap3A_648], %swap3A_651 {strides = array<i32>} : memref<5x128x64xf32, #tpu.memory_space<vmem>>, vector<1x1x16xf32>,
        %get3A_652 = arith.constant 2 : i32
        %get3A_653 = arith.index_cast %get3A_652 : i32 to index
        %get3A_654 = arith.index_cast %add3A_603 : i32 to index
        %get3A_655 = arith.constant 48 : index
        %get3A_656 = tpu.vector_load %arg6[%get3A_653, %get3A_654, %get3A_655] {strides = array<i32>} : memref<5x128x64xf32, #tpu.memory_space<vmem>>, vector<1x1x16xf32>,
        %get3A_657 = vector.shape_cast %get3A_656 : vector<1x1x16xf32> to vector<16xf32>
        %mul3A_658 = arith.constant 8.000000e+00 : f32
        %mul3A_659 = vector.broadcast %mul3A_658 : f32 to vector<16xf32>
        %mul3A_660 = arith.mulf %get3A_657, %mul3A_659 : vector<16xf32>
        %swap3A_661 = arith.constant 2 : i32
        %swap3A_662 = arith.index_cast %swap3A_661 : i32 to index
        %swap3A_663 = arith.index_cast %add3A_603 : i32 to index
        %swap3A_664 = arith.constant 48 : index
        %swap3A_665 = tpu.vector_load %arg6[%swap3A_662, %swap3A_663, %swap3A_664] {strides = array<i32>} : memref<5x128x64xf32, #tpu.memory_space<vmem>>, vector<1x1x16xf32>,
        %swap3A_666 = vector.shape_cast %swap3A_665 : vector<1x1x16xf32> to vector<16xf32>
        %swap3A_667 = vector.shape_cast %mul3A_660 : vector<16xf32> to vector<1x1x16xf32>
        tpu.vector_store %arg6[%swap3A_662, %swap3A_663, %swap3A_664], %swap3A_667 {strides = array<i32>} : memref<5x128x64xf32, #tpu.memory_space<vmem>>, vector<1x1x16xf32>,
        %scan3A_668 = arith.constant 5 : i32
        %scan3A_669 = arith.addi %scan3A_321, %scan3A_668 : i32
        %mul3A_670 = arith.constant 1 : i32
        %mul3A_671 = arith.muli %scan3A_669, %mul3A_670 : i32
        %add3A_672 = arith.constant 0 : i32
        %add3A_673 = arith.addi %add3A_672, %mul3A_671 : i32
        %get3A_674 = arith.constant 2 : i32
        %get3A_675 = arith.index_cast %get3A_674 : i32 to index
        %get3A_676 = arith.index_cast %add3A_673 : i32 to index
        %get3A_677 = arith.constant 0 : index
        %get3A_678 = tpu.vector_load %arg6[%get3A_675, %get3A_676, %get3A_677] {strides = array<i32>} : memref<5x128x64xf32, #tpu.memory_space<vmem>>, vector<1x1x16xf32>,
        %get3A_679 = vector.shape_cast %get3A_678 : vector<1x1x16xf32> to vector<16xf32>
        %mul3A_680 = arith.constant 8.000000e+00 : f32
        %mul3A_681 = vector.broadcast %mul3A_680 : f32 to vector<16xf32>
        %mul3A_682 = arith.mulf %get3A_679, %mul3A_681 : vector<16xf32>
        %swap3A_683 = arith.constant 2 : i32
        %swap3A_684 = arith.index_cast %swap3A_683 : i32 to index
        %swap3A_685 = arith.index_cast %add3A_673 : i32 to index
        %swap3A_686 = arith.constant 0 : index
        %swap3A_687 = tpu.vector_load %arg6[%swap3A_684, %swap3A_685, %swap3A_686] {strides = array<i32>} : memref<5x128x64xf32, #tpu.memory_space<vmem>>, vector<1x1x16xf32>,
        %swap3A_688 = vector.shape_cast %swap3A_687 : vector<1x1x16xf32> to vector<16xf32>
        %swap3A_689 = vector.shape_cast %mul3A_682 : vector<16xf32> to vector<1x1x16xf32>
        tpu.vector_store %arg6[%swap3A_684, %swap3A_685, %swap3A_686], %swap3A_689 {strides = array<i32>} : memref<5x128x64xf32, #tpu.memory_space<vmem>>, vector<1x1x16xf32>,
        %get3A_690 = arith.constant 2 : i32
        %get3A_691 = arith.index_cast %get3A_690 : i32 to index
        %get3A_692 = arith.index_cast %add3A_673 : i32 to index
        %get3A_693 = arith.constant 16 : index
        %get3A_694 = tpu.vector_load %arg6[%get3A_691, %get3A_692, %get3A_693] {strides = array<i32>} : memref<5x128x64xf32, #tpu.memory_space<vmem>>, vector<1x1x16xf32>,
        %get3A_695 = vector.shape_cast %get3A_694 : vector<1x1x16xf32> to vector<16xf32>
        %mul3A_696 = arith.constant 8.000000e+00 : f32
        %mul3A_697 = vector.broadcast %mul3A_696 : f32 to vector<16xf32>
        %mul3A_698 = arith.mulf %get3A_695, %mul3A_697 : vector<16xf32>
        %swap3A_699 = arith.constant 2 : i32
        %swap3A_700 = arith.index_cast %swap3A_699 : i32 to index
        %swap3A_701 = arith.index_cast %add3A_673 : i32 to index
        %swap3A_702 = arith.constant 16 : index
        %swap3A_703 = tpu.vector_load %arg6[%swap3A_700, %swap3A_701, %swap3A_702] {strides = array<i32>} : memref<5x128x64xf32, #tpu.memory_space<vmem>>, vector<1x1x16xf32>,
        %swap3A_704 = vector.shape_cast %swap3A_703 : vector<1x1x16xf32> to vector<16xf32>
        %swap3A_705 = vector.shape_cast %mul3A_698 : vector<16xf32> to vector<1x1x16xf32>
        tpu.vector_store %arg6[%swap3A_700, %swap3A_701, %swap3A_702], %swap3A_705 {strides = array<i32>} : memref<5x128x64xf32, #tpu.memory_space<vmem>>, vector<1x1x16xf32>,
        %get3A_706 = arith.constant 2 : i32
        %get3A_707 = arith.index_cast %get3A_706 : i32 to index
        %get3A_708 = arith.index_cast %add3A_673 : i32 to index
        %get3A_709 = arith.constant 32 : index
        %get3A_710 = tpu.vector_load %arg6[%get3A_707, %get3A_708, %get3A_709] {strides = array<i32>} : memref<5x128x64xf32, #tpu.memory_space<vmem>>, vector<1x1x16xf32>,
        %get3A_711 = vector.shape_cast %get3A_710 : vector<1x1x16xf32> to vector<16xf32>
        %mul3A_712 = arith.constant 8.000000e+00 : f32
        %mul3A_713 = vector.broadcast %mul3A_712 : f32 to vector<16xf32>
        %mul3A_714 = arith.mulf %get3A_711, %mul3A_713 : vector<16xf32>
        %swap3A_715 = arith.constant 2 : i32
        %swap3A_716 = arith.index_cast %swap3A_715 : i32 to index
        %swap3A_717 = arith.index_cast %add3A_673 : i32 to index
        %swap3A_718 = arith.constant 32 : index
        %swap3A_719 = tpu.vector_load %arg6[%swap3A_716, %swap3A_717, %swap3A_718] {strides = array<i32>} : memref<5x128x64xf32, #tpu.memory_space<vmem>>, vector<1x1x16xf32>,
        %swap3A_720 = vector.shape_cast %swap3A_719 : vector<1x1x16xf32> to vector<16xf32>
        %swap3A_721 = vector.shape_cast %mul3A_714 : vector<16xf32> to vector<1x1x16xf32>
        tpu.vector_store %arg6[%swap3A_716, %swap3A_717, %swap3A_718], %swap3A_721 {strides = array<i32>} : memref<5x128x64xf32, #tpu.memory_space<vmem>>, vector<1x1x16xf32>,
        %get3A_722 = arith.constant 2 : i32
        %get3A_723 = arith.index_cast %get3A_722 : i32 to index
        %get3A_724 = arith.index_cast %add3A_673 : i32 to index
        %get3A_725 = arith.constant 48 : index
        %get3A_726 = tpu.vector_load %arg6[%get3A_723, %get3A_724, %get3A_725] {strides = array<i32>} : memref<5x128x64xf32, #tpu.memory_space<vmem>>, vector<1x1x16xf32>,
        %get3A_727 = vector.shape_cast %get3A_726 : vector<1x1x16xf32> to vector<16xf32>
        %mul3A_728 = arith.constant 8.000000e+00 : f32
        %mul3A_729 = vector.broadcast %mul3A_728 : f32 to vector<16xf32>
        %mul3A_730 = arith.mulf %get3A_727, %mul3A_729 : vector<16xf32>
        %swap3A_731 = arith.constant 2 : i32
        %swap3A_732 = arith.index_cast %swap3A_731 : i32 to index
        %swap3A_733 = arith.index_cast %add3A_673 : i32 to index
        %swap3A_734 = arith.constant 48 : index
        %swap3A_735 = tpu.vector_load %arg6[%swap3A_732, %swap3A_733, %swap3A_734] {strides = array<i32>} : memref<5x128x64xf32, #tpu.memory_space<vmem>>, vector<1x1x16xf32>,
        %swap3A_736 = vector.shape_cast %swap3A_735 : vector<1x1x16xf32> to vector<16xf32>
        %swap3A_737 = vector.shape_cast %mul3A_730 : vector<16xf32> to vector<1x1x16xf32>
        tpu.vector_store %arg6[%swap3A_732, %swap3A_733, %swap3A_734], %swap3A_737 {strides = array<i32>} : memref<5x128x64xf32, #tpu.memory_space<vmem>>, vector<1x1x16xf32>,
        %scan3A_738 = arith.constant 6 : i32
        %scan3A_739 = arith.addi %scan3A_321, %scan3A_738 : i32
        %mul3A_740 = arith.constant 1 : i32
        %mul3A_741 = arith.muli %scan3A_739, %mul3A_740 : i32
        %add3A_742 = arith.constant 0 : i32
        %add3A_743 = arith.addi %add3A_742, %mul3A_741 : i32
        %get3A_744 = arith.constant 2 : i32
        %get3A_745 = arith.index_cast %get3A_744 : i32 to index
        %get3A_746 = arith.index_cast %add3A_743 : i32 to index
        %get3A_747 = arith.constant 0 : index
        %get3A_748 = tpu.vector_load %arg6[%get3A_745, %get3A_746, %get3A_747] {strides = array<i32>} : memref<5x128x64xf32, #tpu.memory_space<vmem>>, vector<1x1x16xf32>,
        %get3A_749 = vector.shape_cast %get3A_748 : vector<1x1x16xf32> to vector<16xf32>
        %mul3A_750 = arith.constant 8.000000e+00 : f32
        %mul3A_751 = vector.broadcast %mul3A_750 : f32 to vector<16xf32>
        %mul3A_752 = arith.mulf %get3A_749, %mul3A_751 : vector<16xf32>
        %swap3A_753 = arith.constant 2 : i32
        %swap3A_754 = arith.index_cast %swap3A_753 : i32 to index
        %swap3A_755 = arith.index_cast %add3A_743 : i32 to index
        %swap3A_756 = arith.constant 0 : index
        %swap3A_757 = tpu.vector_load %arg6[%swap3A_754, %swap3A_755, %swap3A_756] {strides = array<i32>} : memref<5x128x64xf32, #tpu.memory_space<vmem>>, vector<1x1x16xf32>,
        %swap3A_758 = vector.shape_cast %swap3A_757 : vector<1x1x16xf32> to vector<16xf32>
        %swap3A_759 = vector.shape_cast %mul3A_752 : vector<16xf32> to vector<1x1x16xf32>
        tpu.vector_store %arg6[%swap3A_754, %swap3A_755, %swap3A_756], %swap3A_759 {strides = array<i32>} : memref<5x128x64xf32, #tpu.memory_space<vmem>>, vector<1x1x16xf32>,
        %get3A_760 = arith.constant 2 : i32
        %get3A_761 = arith.index_cast %get3A_760 : i32 to index
        %get3A_762 = arith.index_cast %add3A_743 : i32 to index
        %get3A_763 = arith.constant 16 : index
        %get3A_764 = tpu.vector_load %arg6[%get3A_761, %get3A_762, %get3A_763] {strides = array<i32>} : memref<5x128x64xf32, #tpu.memory_space<vmem>>, vector<1x1x16xf32>,
        %get3A_765 = vector.shape_cast %get3A_764 : vector<1x1x16xf32> to vector<16xf32>
        %mul3A_766 = arith.constant 8.000000e+00 : f32
        %mul3A_767 = vector.broadcast %mul3A_766 : f32 to vector<16xf32>
        %mul3A_768 = arith.mulf %get3A_765, %mul3A_767 : vector<16xf32>
        %swap3A_769 = arith.constant 2 : i32
        %swap3A_770 = arith.index_cast %swap3A_769 : i32 to index
        %swap3A_771 = arith.index_cast %add3A_743 : i32 to index
        %swap3A_772 = arith.constant 16 : index
        %swap3A_773 = tpu.vector_load %arg6[%swap3A_770, %swap3A_771, %swap3A_772] {strides = array<i32>} : memref<5x128x64xf32, #tpu.memory_space<vmem>>, vector<1x1x16xf32>,
        %swap3A_774 = vector.shape_cast %swap3A_773 : vector<1x1x16xf32> to vector<16xf32>
        %swap3A_775 = vector.shape_cast %mul3A_768 : vector<16xf32> to vector<1x1x16xf32>
        tpu.vector_store %arg6[%swap3A_770, %swap3A_771, %swap3A_772], %swap3A_775 {strides = array<i32>} : memref<5x128x64xf32, #tpu.memory_space<vmem>>, vector<1x1x16xf32>,
        %get3A_776 = arith.constant 2 : i32
        %get3A_777 = arith.index_cast %get3A_776 : i32 to index
        %get3A_778 = arith.index_cast %add3A_743 : i32 to index
        %get3A_779 = arith.constant 32 : index
        %get3A_780 = tpu.vector_load %arg6[%get3A_777, %get3A_778, %get3A_779] {strides = array<i32>} : memref<5x128x64xf32, #tpu.memory_space<vmem>>, vector<1x1x16xf32>,
        %get3A_781 = vector.shape_cast %get3A_780 : vector<1x1x16xf32> to vector<16xf32>
        %mul3A_782 = arith.constant 8.000000e+00 : f32
        %mul3A_783 = vector.broadcast %mul3A_782 : f32 to vector<16xf32>
        %mul3A_784 = arith.mulf %get3A_781, %mul3A_783 : vector<16xf32>
        %swap3A_785 = arith.constant 2 : i32
        %swap3A_786 = arith.index_cast %swap3A_785 : i32 to index
        %swap3A_787 = arith.index_cast %add3A_743 : i32 to index
        %swap3A_788 = arith.constant 32 : index
        %swap3A_789 = tpu.vector_load %arg6[%swap3A_786, %swap3A_787, %swap3A_788] {strides = array<i32>} : memref<5x128x64xf32, #tpu.memory_space<vmem>>, vector<1x1x16xf32>,
        %swap3A_790 = vector.shape_cast %swap3A_789 : vector<1x1x16xf32> to vector<16xf32>
        %swap3A_791 = vector.shape_cast %mul3A_784 : vector<16xf32> to vector<1x1x16xf32>
        tpu.vector_store %arg6[%swap3A_786, %swap3A_787, %swap3A_788], %swap3A_791 {strides = array<i32>} : memref<5x128x64xf32, #tpu.memory_space<vmem>>, vector<1x1x16xf32>,
        %get3A_792 = arith.constant 2 : i32
        %get3A_793 = arith.index_cast %get3A_792 : i32 to index
        %get3A_794 = arith.index_cast %add3A_743 : i32 to index
        %get3A_795 = arith.constant 48 : index
        %get3A_796 = tpu.vector_load %arg6[%get3A_793, %get3A_794, %get3A_795] {strides = array<i32>} : memref<5x128x64xf32, #tpu.memory_space<vmem>>, vector<1x1x16xf32>,
        %get3A_797 = vector.shape_cast %get3A_796 : vector<1x1x16xf32> to vector<16xf32>
        %mul3A_798 = arith.constant 8.000000e+00 : f32
        %mul3A_799 = vector.broadcast %mul3A_798 : f32 to vector<16xf32>
        %mul3A_800 = arith.mulf %get3A_797, %mul3A_799 : vector<16xf32>
        %swap3A_801 = arith.constant 2 : i32
        %swap3A_802 = arith.index_cast %swap3A_801 : i32 to index
        %swap3A_803 = arith.index_cast %add3A_743 : i32 to index
        %swap3A_804 = arith.constant 48 : index
        %swap3A_805 = tpu.vector_load %arg6[%swap3A_802, %swap3A_803, %swap3A_804] {strides = array<i32>} : memref<5x128x64xf32, #tpu.memory_space<vmem>>, vector<1x1x16xf32>,
        %swap3A_806 = vector.shape_cast %swap3A_805 : vector<1x1x16xf32> to vector<16xf32>
        %swap3A_807 = vector.shape_cast %mul3A_800 : vector<16xf32> to vector<1x1x16xf32>
        tpu.vector_store %arg6[%swap3A_802, %swap3A_803, %swap3A_804], %swap3A_807 {strides = array<i32>} : memref<5x128x64xf32, #tpu.memory_space<vmem>>, vector<1x1x16xf32>,
        %scan3A_808 = arith.constant 7 : i32
        %scan3A_809 = arith.addi %scan3A_321, %scan3A_808 : i32
        %mul3A_810 = arith.constant 1 : i32
        %mul3A_811 = arith.muli %scan3A_809, %mul3A_810 : i32
        %add3A_812 = arith.constant 0 : i32
        %add3A_813 = arith.addi %add3A_812, %mul3A_811 : i32
        %get3A_814 = arith.constant 2 : i32
        %get3A_815 = arith.index_cast %get3A_814 : i32 to index
        %get3A_816 = arith.index_cast %add3A_813 : i32 to index
        %get3A_817 = arith.constant 0 : index
        %get3A_818 = tpu.vector_load %arg6[%get3A_815, %get3A_816, %get3A_817] {strides = array<i32>} : memref<5x128x64xf32, #tpu.memory_space<vmem>>, vector<1x1x16xf32>,
        %get3A_819 = vector.shape_cast %get3A_818 : vector<1x1x16xf32> to vector<16xf32>
        %mul3A_820 = arith.constant 8.000000e+00 : f32
        %mul3A_821 = vector.broadcast %mul3A_820 : f32 to vector<16xf32>
        %mul3A_822 = arith.mulf %get3A_819, %mul3A_821 : vector<16xf32>
        %swap3A_823 = arith.constant 2 : i32
        %swap3A_824 = arith.index_cast %swap3A_823 : i32 to index
        %swap3A_825 = arith.index_cast %add3A_813 : i32 to index
        %swap3A_826 = arith.constant 0 : index
        %swap3A_827 = tpu.vector_load %arg6[%swap3A_824, %swap3A_825, %swap3A_826] {strides = array<i32>} : memref<5x128x64xf32, #tpu.memory_space<vmem>>, vector<1x1x16xf32>,
        %swap3A_828 = vector.shape_cast %swap3A_827 : vector<1x1x16xf32> to vector<16xf32>
        %swap3A_829 = vector.shape_cast %mul3A_822 : vector<16xf32> to vector<1x1x16xf32>
        tpu.vector_store %arg6[%swap3A_824, %swap3A_825, %swap3A_826], %swap3A_829 {strides = array<i32>} : memref<5x128x64xf32, #tpu.memory_space<vmem>>, vector<1x1x16xf32>,
        %get3A_830 = arith.constant 2 : i32
        %get3A_831 = arith.index_cast %get3A_830 : i32 to index
        %get3A_832 = arith.index_cast %add3A_813 : i32 to index
        %get3A_833 = arith.constant 16 : index
        %get3A_834 = tpu.vector_load %arg6[%get3A_831, %get3A_832, %get3A_833] {strides = array<i32>} : memref<5x128x64xf32, #tpu.memory_space<vmem>>, vector<1x1x16xf32>,
        %get3A_835 = vector.shape_cast %get3A_834 : vector<1x1x16xf32> to vector<16xf32>
        %mul3A_836 = arith.constant 8.000000e+00 : f32
        %mul3A_837 = vector.broadcast %mul3A_836 : f32 to vector<16xf32>
        %mul3A_838 = arith.mulf %get3A_835, %mul3A_837 : vector<16xf32>
        %swap3A_839 = arith.constant 2 : i32
        %swap3A_840 = arith.index_cast %swap3A_839 : i32 to index
        %swap3A_841 = arith.index_cast %add3A_813 : i32 to index
        %swap3A_842 = arith.constant 16 : index
        %swap3A_843 = tpu.vector_load %arg6[%swap3A_840, %swap3A_841, %swap3A_842] {strides = array<i32>} : memref<5x128x64xf32, #tpu.memory_space<vmem>>, vector<1x1x16xf32>,
        %swap3A_844 = vector.shape_cast %swap3A_843 : vector<1x1x16xf32> to vector<16xf32>
        %swap3A_845 = vector.shape_cast %mul3A_838 : vector<16xf32> to vector<1x1x16xf32>
        tpu.vector_store %arg6[%swap3A_840, %swap3A_841, %swap3A_842], %swap3A_845 {strides = array<i32>} : memref<5x128x64xf32, #tpu.memory_space<vmem>>, vector<1x1x16xf32>,
        %get3A_846 = arith.constant 2 : i32
        %get3A_847 = arith.index_cast %get3A_846 : i32 to index
        %get3A_848 = arith.index_cast %add3A_813 : i32 to index
        %get3A_849 = arith.constant 32 : index
        %get3A_850 = tpu.vector_load %arg6[%get3A_847, %get3A_848, %get3A_849] {strides = array<i32>} : memref<5x128x64xf32, #tpu.memory_space<vmem>>, vector<1x1x16xf32>,
        %get3A_851 = vector.shape_cast %get3A_850 : vector<1x1x16xf32> to vector<16xf32>
        %mul3A_852 = arith.constant 8.000000e+00 : f32
        %mul3A_853 = vector.broadcast %mul3A_852 : f32 to vector<16xf32>
        %mul3A_854 = arith.mulf %get3A_851, %mul3A_853 : vector<16xf32>
        %swap3A_855 = arith.constant 2 : i32
        %swap3A_856 = arith.index_cast %swap3A_855 : i32 to index
        %swap3A_857 = arith.index_cast %add3A_813 : i32 to index
        %swap3A_858 = arith.constant 32 : index
        %swap3A_859 = tpu.vector_load %arg6[%swap3A_856, %swap3A_857, %swap3A_858] {strides = array<i32>} : memref<5x128x64xf32, #tpu.memory_space<vmem>>, vector<1x1x16xf32>,
        %swap3A_860 = vector.shape_cast %swap3A_859 : vector<1x1x16xf32> to vector<16xf32>
        %swap3A_861 = vector.shape_cast %mul3A_854 : vector<16xf32> to vector<1x1x16xf32>
        tpu.vector_store %arg6[%swap3A_856, %swap3A_857, %swap3A_858], %swap3A_861 {strides = array<i32>} : memref<5x128x64xf32, #tpu.memory_space<vmem>>, vector<1x1x16xf32>,
        %get3A_862 = arith.constant 2 : i32
        %get3A_863 = arith.index_cast %get3A_862 : i32 to index
        %get3A_864 = arith.index_cast %add3A_813 : i32 to index
        %get3A_865 = arith.constant 48 : index
        %get3A_866 = tpu.vector_load %arg6[%get3A_863, %get3A_864, %get3A_865] {strides = array<i32>} : memref<5x128x64xf32, #tpu.memory_space<vmem>>, vector<1x1x16xf32>,
        %get3A_867 = vector.shape_cast %get3A_866 : vector<1x1x16xf32> to vector<16xf32>
        %mul3A_868 = arith.constant 8.000000e+00 : f32
        %mul3A_869 = vector.broadcast %mul3A_868 : f32 to vector<16xf32>
        %mul3A_870 = arith.mulf %get3A_867, %mul3A_869 : vector<16xf32>
        %swap3A_871 = arith.constant 2 : i32
        %swap3A_872 = arith.index_cast %swap3A_871 : i32 to index
        %swap3A_873 = arith.index_cast %add3A_813 : i32 to index
        %swap3A_874 = arith.constant 48 : index
        %swap3A_875 = tpu.vector_load %arg6[%swap3A_872, %swap3A_873, %swap3A_874] {strides = array<i32>} : memref<5x128x64xf32, #tpu.memory_space<vmem>>, vector<1x1x16xf32>,
        %swap3A_876 = vector.shape_cast %swap3A_875 : vector<1x1x16xf32> to vector<16xf32>
        %swap3A_877 = vector.shape_cast %mul3A_870 : vector<16xf32> to vector<1x1x16xf32>
        tpu.vector_store %arg6[%swap3A_872, %swap3A_873, %swap3A_874], %swap3A_877 {strides = array<i32>} : memref<5x128x64xf32, #tpu.memory_space<vmem>>, vector<1x1x16xf32>,
      }
      %scan3A_207 = arith.constant 128 : i32
      %mul3A_208 = arith.constant 128 : i32
      %mul3A_209 = arith.muli %add3A_187, %mul3A_208 : i32
      %add3A_210 = arith.addi %mul3A_2, %mul3A_209 : i32
      %dma_start3A_211 = arith.constant 2 : i32
      %dma_start3A_212 = arith.constant 0 : i32
      %dma_start3A_213 = arith.constant 0 : i32
      %dma_start3A_214 = tpu.memref_slice %arg6[%dma_start3A_211, %dma_start3A_212, %dma_start3A_213] : memref<5x128x64xf32, #tpu.memory_space<vmem>> -> memref<1x128x64xf32, #tpu.memory_space<vmem>>
      %dma_start3A_215 = tpu.memref_squeeze %dma_start3A_214 : memref<1x128x64xf32, #tpu.memory_space<vmem>> -> memref<128x64xf32, #tpu.memory_space<vmem>>
      %dma_start3A_216 = arith.constant 0 : i32
      %dma_start3A_217 = tpu.memref_slice %arg4[%add3A_210, %dma_start3A_216] : memref<204800x64xf32, #tpu.memory_space<hbm>> -> memref<128x64xf32, #tpu.memory_space<hbm>>
      %dma_start3A_218 = arith.constant 0 : i32
      %dma_start3A_219 = tpu.memref_slice %arg4[%add3A_210, %dma_start3A_218] : memref<204800x64xf32, #tpu.memory_space<hbm>> -> memref<128x64xf32, #tpu.memory_space<hbm>>
      %dma_start3A_220 = arith.constant 0 : i32
      %dma_start3A_221 = arith.constant 0 : i32
      %dma_start3A_222 = tpu.memref_slice %arg6[%dma_start3A_211, %dma_start3A_220, %dma_start3A_221] : memref<5x128x64xf32, #tpu.memory_space<vmem>> -> memref<1x128x64xf32, #tpu.memory_space<vmem>>
      %dma_start3A_223 = tpu.memref_squeeze %dma_start3A_222 : memref<1x128x64xf32, #tpu.memory_space<vmem>> -> memref<128x64xf32, #tpu.memory_space<vmem>>
      tpu.enqueue_dma source(%dma_start3A_223 : memref<128x64xf32, #tpu.memory_space<vmem>>) target(%dma_start3A_219 : memref<128x64xf32, #tpu.memory_space<hbm>>) target_semaphore(%arg8 : memref<!tpu.dma_semaphore, #tpu.memory_space<semaphore_mem>>)
      %add3A_224 = arith.constant 2 : i32
      %add3A_225 = arith.addi %add3A_187, %add3A_224 : i32
      %lt3A_226 = arith.constant 50 : i32
      %lt3A_227 = arith.cmpi slt, %add3A_225, %lt3A_226 : i32
      %convert_element_type3A_228 = arith.extui %lt3A_227 : i1 to i32
      %cond3A_229 = arith.constant 0 : i32
      %cond3A_230 = arith.cmpi ne, %convert_element_type3A_228, %cond3A_229 : i32
      scf.if %cond3A_230 {
        %ge3A = arith.constant 5 : i32
        %ge3A_321 = arith.cmpi sge, %add3A_225, %ge3A : i32
        %convert_element_type3A_322 = arith.extui %ge3A_321 : i1 to i32
        %cond3A_323 = arith.constant 0 : i32
        %cond3A_324 = arith.cmpi ne, %convert_element_type3A_322, %cond3A_323 : i32
        scf.if %cond3A_324 {
          %dma_wait3A_336 = arith.constant 4 : i32
          %dma_wait3A_337 = arith.constant 0 : i32
          %dma_wait3A_338 = arith.constant 0 : i32
          %dma_wait3A_339 = tpu.memref_slice %arg6[%dma_wait3A_336, %dma_wait3A_337, %dma_wait3A_338] : memref<5x128x64xf32, #tpu.memory_space<vmem>> -> memref<1x128x64xf32, #tpu.memory_space<vmem>>
          %dma_wait3A_340 = tpu.memref_squeeze %dma_wait3A_339 : memref<1x128x64xf32, #tpu.memory_space<vmem>> -> memref<128x64xf32, #tpu.memory_space<vmem>>
          %dma_wait3A_341 = arith.constant 0 : i32
          %dma_wait3A_342 = tpu.memref_slice %arg4[%mul3A_2, %dma_wait3A_341] : memref<204800x64xf32, #tpu.memory_space<hbm>> -> memref<128x64xf32, #tpu.memory_space<hbm>>
          %dma_wait3A_343 = arith.constant 0 : i32
          %dma_wait3A_344 = tpu.memref_slice %arg4[%mul3A_2, %dma_wait3A_343] : memref<204800x64xf32, #tpu.memory_space<hbm>> -> memref<128x64xf32, #tpu.memory_space<hbm>>
          %dma_wait3A_345 = arith.constant 0 : i32
          %dma_wait3A_346 = arith.constant 0 : i32
          %dma_wait3A_347 = tpu.memref_slice %arg6[%dma_wait3A_336, %dma_wait3A_345, %dma_wait3A_346] : memref<5x128x64xf32, #tpu.memory_space<vmem>> -> memref<1x128x64xf32, #tpu.memory_space<vmem>>
          %dma_wait3A_348 = tpu.memref_squeeze %dma_wait3A_347 : memref<1x128x64xf32, #tpu.memory_space<vmem>> -> memref<128x64xf32, #tpu.memory_space<vmem>>
          tpu.wait_dma2 semaphore(%arg8 : memref<!tpu.dma_semaphore, #tpu.memory_space<semaphore_mem>>) src(%dma_wait3A_348 : memref<128x64xf32, #tpu.memory_space<vmem>>) dst(%dma_wait3A_344 : memref<128x64xf32, #tpu.memory_space<hbm>>)
        } else {
        }
        %dma_start3A_325 = arith.constant 4 : i32
        %dma_start3A_326 = arith.constant 0 : i32
        %dma_start3A_327 = arith.constant 0 : i32
        %dma_start3A_328 = tpu.memref_slice %arg6[%dma_start3A_325, %dma_start3A_326, %dma_start3A_327] : memref<5x128x64xf32, #tpu.memory_space<vmem>> -> memref<1x128x64xf32, #tpu.memory_space<vmem>>
        %dma_start3A_329 = tpu.memref_squeeze %dma_start3A_328 : memref<1x128x64xf32, #tpu.memory_space<vmem>> -> memref<128x64xf32, #tpu.memory_space<vmem>>
        %dma_start3A_330 = arith.constant 0 : i32
        %dma_start3A_331 = tpu.memref_slice %arg5[%add3A_225, %dma_start3A_330] : memref<50x128xi32, #tpu.memory_space<vmem>> -> memref<1x128xi32, #tpu.memory_space<vmem>>
        %dma_start3A_332 = tpu.memref_squeeze %dma_start3A_331 : memref<1x128xi32, #tpu.memory_space<vmem>> -> memref<128xi32, #tpu.memory_space<vmem>>
        %dma_start3A_333 = arith.constant 0 : i32
        %dma_start3A_334 = arith.constant 0 : i32
        %dma_start3A_335 = tpu.memref_slice %arg3[%dma_start3A_333, %dma_start3A_334] : memref<1000000x64xf32, #tpu.memory_space<hbm>> -> memref<1000000x64xf32, #tpu.memory_space<hbm>>
        tpu.enqueue_indirect_dma source(%dma_start3A_335 : memref<1000000x64xf32, #tpu.memory_space<hbm>>) target(%dma_start3A_329 : memref<128x64xf32, #tpu.memory_space<vmem>>) offsets(%dma_start3A_332 : memref<128xi32, #tpu.memory_space<vmem>>) semaphore(%arg7 : memref<!tpu.dma_semaphore, #tpu.memory_space<semaphore_mem>>)
      } else {
      }
      %add3A_231 = arith.constant 3 : i32
      %add3A_232 = arith.addi %add3A_98, %add3A_231 : i32
      %dma_wait3A_233 = arith.constant 3 : i32
      %dma_wait3A_234 = arith.constant 0 : i32
      %dma_wait3A_235 = arith.constant 0 : i32
      %dma_wait3A_236 = tpu.memref_slice %arg6[%dma_wait3A_233, %dma_wait3A_234, %dma_wait3A_235] : memref<5x128x64xf32, #tpu.memory_space<vmem>> -> memref<1x128x64xf32, #tpu.memory_space<vmem>>
      %dma_wait3A_237 = tpu.memref_squeeze %dma_wait3A_236 : memref<1x128x64xf32, #tpu.memory_space<vmem>> -> memref<128x64xf32, #tpu.memory_space<vmem>>
      %dma_wait3A_238 = arith.constant 0 : i32
      %dma_wait3A_239 = arith.constant 0 : i32
      %dma_wait3A_240 = tpu.memref_slice %arg3[%dma_wait3A_238, %dma_wait3A_239] : memref<1000000x64xf32, #tpu.memory_space<hbm>> -> memref<128x64xf32, #tpu.memory_space<hbm>>
      %dma_wait3A_241 = arith.constant 0 : i32
      %dma_wait3A_242 = arith.constant 0 : i32
      %dma_wait3A_243 = tpu.memref_slice %arg6[%dma_wait3A_233, %dma_wait3A_241, %dma_wait3A_242] : memref<5x128x64xf32, #tpu.memory_space<vmem>> -> memref<1x128x64xf32, #tpu.memory_space<vmem>>
      %dma_wait3A_244 = tpu.memref_squeeze %dma_wait3A_243 : memref<1x128x64xf32, #tpu.memory_space<vmem>> -> memref<128x64xf32, #tpu.memory_space<vmem>>
      %dma_wait3A_245 = arith.constant 0 : i32
      %dma_wait3A_246 = arith.constant 0 : i32
      %dma_wait3A_247 = tpu.memref_slice %arg3[%dma_wait3A_245, %dma_wait3A_246] : memref<1000000x64xf32, #tpu.memory_space<hbm>> -> memref<128x64xf32, #tpu.memory_space<hbm>>
      tpu.wait_dma2 semaphore(%arg7 : memref<!tpu.dma_semaphore, #tpu.memory_space<semaphore_mem>>) src(%dma_wait3A_247 : memref<128x64xf32, #tpu.memory_space<hbm>>) dst(%dma_wait3A_244 : memref<128x64xf32, #tpu.memory_space<vmem>>)
      %scan3A_248 = arith.constant 0 : i32
      %scan3A_249 = arith.constant 128 : i32
      %scan3A_250 = arith.addi %scan3A_248, %scan3A_249 : i32
      %scan3A_251 = arith.constant 8 : i32
      scf.for %scan3A_321 = %scan3A_248 to %scan3A_250 step %scan3A_251  : i32 {
        %mul3A_322 = arith.constant 1 : i32
        %mul3A_323 = arith.muli %scan3A_321, %mul3A_322 : i32
        %add3A_324 = arith.constant 0 : i32
        %add3A_325 = arith.addi %add3A_324, %mul3A_323 : i32
        %get3A = arith.constant 3 : i32
        %get3A_326 = arith.index_cast %get3A : i32 to index
        %get3A_327 = arith.index_cast %add3A_325 : i32 to index
        %get3A_328 = arith.constant 0 : index
        %get3A_329 = tpu.vector_load %arg6[%get3A_326, %get3A_327, %get3A_328] {strides = array<i32>} : memref<5x128x64xf32, #tpu.memory_space<vmem>>, vector<1x1x16xf32>,
        %get3A_330 = vector.shape_cast %get3A_329 : vector<1x1x16xf32> to vector<16xf32>
        %mul3A_331 = arith.constant 8.000000e+00 : f32
        %mul3A_332 = vector.broadcast %mul3A_331 : f32 to vector<16xf32>
        %mul3A_333 = arith.mulf %get3A_330, %mul3A_332 : vector<16xf32>
        %swap3A = arith.constant 3 : i32
        %swap3A_334 = arith.index_cast %swap3A : i32 to index
        %swap3A_335 = arith.index_cast %add3A_325 : i32 to index
        %swap3A_336 = arith.constant 0 : index
        %swap3A_337 = tpu.vector_load %arg6[%swap3A_334, %swap3A_335, %swap3A_336] {strides = array<i32>} : memref<5x128x64xf32, #tpu.memory_space<vmem>>, vector<1x1x16xf32>,
        %swap3A_338 = vector.shape_cast %swap3A_337 : vector<1x1x16xf32> to vector<16xf32>
        %swap3A_339 = vector.shape_cast %mul3A_333 : vector<16xf32> to vector<1x1x16xf32>
        tpu.vector_store %arg6[%swap3A_334, %swap3A_335, %swap3A_336], %swap3A_339 {strides = array<i32>} : memref<5x128x64xf32, #tpu.memory_space<vmem>>, vector<1x1x16xf32>,
        %get3A_340 = arith.constant 3 : i32
        %get3A_341 = arith.index_cast %get3A_340 : i32 to index
        %get3A_342 = arith.index_cast %add3A_325 : i32 to index
        %get3A_343 = arith.constant 16 : index
        %get3A_344 = tpu.vector_load %arg6[%get3A_341, %get3A_342, %get3A_343] {strides = array<i32>} : memref<5x128x64xf32, #tpu.memory_space<vmem>>, vector<1x1x16xf32>,
        %get3A_345 = vector.shape_cast %get3A_344 : vector<1x1x16xf32> to vector<16xf32>
        %mul3A_346 = arith.constant 8.000000e+00 : f32
        %mul3A_347 = vector.broadcast %mul3A_346 : f32 to vector<16xf32>
        %mul3A_348 = arith.mulf %get3A_345, %mul3A_347 : vector<16xf32>
        %swap3A_349 = arith.constant 3 : i32
        %swap3A_350 = arith.index_cast %swap3A_349 : i32 to index
        %swap3A_351 = arith.index_cast %add3A_325 : i32 to index
        %swap3A_352 = arith.constant 16 : index
        %swap3A_353 = tpu.vector_load %arg6[%swap3A_350, %swap3A_351, %swap3A_352] {strides = array<i32>} : memref<5x128x64xf32, #tpu.memory_space<vmem>>, vector<1x1x16xf32>,
        %swap3A_354 = vector.shape_cast %swap3A_353 : vector<1x1x16xf32> to vector<16xf32>
        %swap3A_355 = vector.shape_cast %mul3A_348 : vector<16xf32> to vector<1x1x16xf32>
        tpu.vector_store %arg6[%swap3A_350, %swap3A_351, %swap3A_352], %swap3A_355 {strides = array<i32>} : memref<5x128x64xf32, #tpu.memory_space<vmem>>, vector<1x1x16xf32>,
        %get3A_356 = arith.constant 3 : i32
        %get3A_357 = arith.index_cast %get3A_356 : i32 to index
        %get3A_358 = arith.index_cast %add3A_325 : i32 to index
        %get3A_359 = arith.constant 32 : index
        %get3A_360 = tpu.vector_load %arg6[%get3A_357, %get3A_358, %get3A_359] {strides = array<i32>} : memref<5x128x64xf32, #tpu.memory_space<vmem>>, vector<1x1x16xf32>,
        %get3A_361 = vector.shape_cast %get3A_360 : vector<1x1x16xf32> to vector<16xf32>
        %mul3A_362 = arith.constant 8.000000e+00 : f32
        %mul3A_363 = vector.broadcast %mul3A_362 : f32 to vector<16xf32>
        %mul3A_364 = arith.mulf %get3A_361, %mul3A_363 : vector<16xf32>
        %swap3A_365 = arith.constant 3 : i32
        %swap3A_366 = arith.index_cast %swap3A_365 : i32 to index
        %swap3A_367 = arith.index_cast %add3A_325 : i32 to index
        %swap3A_368 = arith.constant 32 : index
        %swap3A_369 = tpu.vector_load %arg6[%swap3A_366, %swap3A_367, %swap3A_368] {strides = array<i32>} : memref<5x128x64xf32, #tpu.memory_space<vmem>>, vector<1x1x16xf32>,
        %swap3A_370 = vector.shape_cast %swap3A_369 : vector<1x1x16xf32> to vector<16xf32>
        %swap3A_371 = vector.shape_cast %mul3A_364 : vector<16xf32> to vector<1x1x16xf32>
        tpu.vector_store %arg6[%swap3A_366, %swap3A_367, %swap3A_368], %swap3A_371 {strides = array<i32>} : memref<5x128x64xf32, #tpu.memory_space<vmem>>, vector<1x1x16xf32>,
        %get3A_372 = arith.constant 3 : i32
        %get3A_373 = arith.index_cast %get3A_372 : i32 to index
        %get3A_374 = arith.index_cast %add3A_325 : i32 to index
        %get3A_375 = arith.constant 48 : index
        %get3A_376 = tpu.vector_load %arg6[%get3A_373, %get3A_374, %get3A_375] {strides = array<i32>} : memref<5x128x64xf32, #tpu.memory_space<vmem>>, vector<1x1x16xf32>,
        %get3A_377 = vector.shape_cast %get3A_376 : vector<1x1x16xf32> to vector<16xf32>
        %mul3A_378 = arith.constant 8.000000e+00 : f32
        %mul3A_379 = vector.broadcast %mul3A_378 : f32 to vector<16xf32>
        %mul3A_380 = arith.mulf %get3A_377, %mul3A_379 : vector<16xf32>
        %swap3A_381 = arith.constant 3 : i32
        %swap3A_382 = arith.index_cast %swap3A_381 : i32 to index
        %swap3A_383 = arith.index_cast %add3A_325 : i32 to index
        %swap3A_384 = arith.constant 48 : index
        %swap3A_385 = tpu.vector_load %arg6[%swap3A_382, %swap3A_383, %swap3A_384] {strides = array<i32>} : memref<5x128x64xf32, #tpu.memory_space<vmem>>, vector<1x1x16xf32>,
        %swap3A_386 = vector.shape_cast %swap3A_385 : vector<1x1x16xf32> to vector<16xf32>
        %swap3A_387 = vector.shape_cast %mul3A_380 : vector<16xf32> to vector<1x1x16xf32>
        tpu.vector_store %arg6[%swap3A_382, %swap3A_383, %swap3A_384], %swap3A_387 {strides = array<i32>} : memref<5x128x64xf32, #tpu.memory_space<vmem>>, vector<1x1x16xf32>,
        %scan3A_388 = arith.constant 1 : i32
        %scan3A_389 = arith.addi %scan3A_321, %scan3A_388 : i32
        %mul3A_390 = arith.constant 1 : i32
        %mul3A_391 = arith.muli %scan3A_389, %mul3A_390 : i32
        %add3A_392 = arith.constant 0 : i32
        %add3A_393 = arith.addi %add3A_392, %mul3A_391 : i32
        %get3A_394 = arith.constant 3 : i32
        %get3A_395 = arith.index_cast %get3A_394 : i32 to index
        %get3A_396 = arith.index_cast %add3A_393 : i32 to index
        %get3A_397 = arith.constant 0 : index
        %get3A_398 = tpu.vector_load %arg6[%get3A_395, %get3A_396, %get3A_397] {strides = array<i32>} : memref<5x128x64xf32, #tpu.memory_space<vmem>>, vector<1x1x16xf32>,
        %get3A_399 = vector.shape_cast %get3A_398 : vector<1x1x16xf32> to vector<16xf32>
        %mul3A_400 = arith.constant 8.000000e+00 : f32
        %mul3A_401 = vector.broadcast %mul3A_400 : f32 to vector<16xf32>
        %mul3A_402 = arith.mulf %get3A_399, %mul3A_401 : vector<16xf32>
        %swap3A_403 = arith.constant 3 : i32
        %swap3A_404 = arith.index_cast %swap3A_403 : i32 to index
        %swap3A_405 = arith.index_cast %add3A_393 : i32 to index
        %swap3A_406 = arith.constant 0 : index
        %swap3A_407 = tpu.vector_load %arg6[%swap3A_404, %swap3A_405, %swap3A_406] {strides = array<i32>} : memref<5x128x64xf32, #tpu.memory_space<vmem>>, vector<1x1x16xf32>,
        %swap3A_408 = vector.shape_cast %swap3A_407 : vector<1x1x16xf32> to vector<16xf32>
        %swap3A_409 = vector.shape_cast %mul3A_402 : vector<16xf32> to vector<1x1x16xf32>
        tpu.vector_store %arg6[%swap3A_404, %swap3A_405, %swap3A_406], %swap3A_409 {strides = array<i32>} : memref<5x128x64xf32, #tpu.memory_space<vmem>>, vector<1x1x16xf32>,
        %get3A_410 = arith.constant 3 : i32
        %get3A_411 = arith.index_cast %get3A_410 : i32 to index
        %get3A_412 = arith.index_cast %add3A_393 : i32 to index
        %get3A_413 = arith.constant 16 : index
        %get3A_414 = tpu.vector_load %arg6[%get3A_411, %get3A_412, %get3A_413] {strides = array<i32>} : memref<5x128x64xf32, #tpu.memory_space<vmem>>, vector<1x1x16xf32>,
        %get3A_415 = vector.shape_cast %get3A_414 : vector<1x1x16xf32> to vector<16xf32>
        %mul3A_416 = arith.constant 8.000000e+00 : f32
        %mul3A_417 = vector.broadcast %mul3A_416 : f32 to vector<16xf32>
        %mul3A_418 = arith.mulf %get3A_415, %mul3A_417 : vector<16xf32>
        %swap3A_419 = arith.constant 3 : i32
        %swap3A_420 = arith.index_cast %swap3A_419 : i32 to index
        %swap3A_421 = arith.index_cast %add3A_393 : i32 to index
        %swap3A_422 = arith.constant 16 : index
        %swap3A_423 = tpu.vector_load %arg6[%swap3A_420, %swap3A_421, %swap3A_422] {strides = array<i32>} : memref<5x128x64xf32, #tpu.memory_space<vmem>>, vector<1x1x16xf32>,
        %swap3A_424 = vector.shape_cast %swap3A_423 : vector<1x1x16xf32> to vector<16xf32>
        %swap3A_425 = vector.shape_cast %mul3A_418 : vector<16xf32> to vector<1x1x16xf32>
        tpu.vector_store %arg6[%swap3A_420, %swap3A_421, %swap3A_422], %swap3A_425 {strides = array<i32>} : memref<5x128x64xf32, #tpu.memory_space<vmem>>, vector<1x1x16xf32>,
        %get3A_426 = arith.constant 3 : i32
        %get3A_427 = arith.index_cast %get3A_426 : i32 to index
        %get3A_428 = arith.index_cast %add3A_393 : i32 to index
        %get3A_429 = arith.constant 32 : index
        %get3A_430 = tpu.vector_load %arg6[%get3A_427, %get3A_428, %get3A_429] {strides = array<i32>} : memref<5x128x64xf32, #tpu.memory_space<vmem>>, vector<1x1x16xf32>,
        %get3A_431 = vector.shape_cast %get3A_430 : vector<1x1x16xf32> to vector<16xf32>
        %mul3A_432 = arith.constant 8.000000e+00 : f32
        %mul3A_433 = vector.broadcast %mul3A_432 : f32 to vector<16xf32>
        %mul3A_434 = arith.mulf %get3A_431, %mul3A_433 : vector<16xf32>
        %swap3A_435 = arith.constant 3 : i32
        %swap3A_436 = arith.index_cast %swap3A_435 : i32 to index
        %swap3A_437 = arith.index_cast %add3A_393 : i32 to index
        %swap3A_438 = arith.constant 32 : index
        %swap3A_439 = tpu.vector_load %arg6[%swap3A_436, %swap3A_437, %swap3A_438] {strides = array<i32>} : memref<5x128x64xf32, #tpu.memory_space<vmem>>, vector<1x1x16xf32>,
        %swap3A_440 = vector.shape_cast %swap3A_439 : vector<1x1x16xf32> to vector<16xf32>
        %swap3A_441 = vector.shape_cast %mul3A_434 : vector<16xf32> to vector<1x1x16xf32>
        tpu.vector_store %arg6[%swap3A_436, %swap3A_437, %swap3A_438], %swap3A_441 {strides = array<i32>} : memref<5x128x64xf32, #tpu.memory_space<vmem>>, vector<1x1x16xf32>,
        %get3A_442 = arith.constant 3 : i32
        %get3A_443 = arith.index_cast %get3A_442 : i32 to index
        %get3A_444 = arith.index_cast %add3A_393 : i32 to index
        %get3A_445 = arith.constant 48 : index
        %get3A_446 = tpu.vector_load %arg6[%get3A_443, %get3A_444, %get3A_445] {strides = array<i32>} : memref<5x128x64xf32, #tpu.memory_space<vmem>>, vector<1x1x16xf32>,
        %get3A_447 = vector.shape_cast %get3A_446 : vector<1x1x16xf32> to vector<16xf32>
        %mul3A_448 = arith.constant 8.000000e+00 : f32
        %mul3A_449 = vector.broadcast %mul3A_448 : f32 to vector<16xf32>
        %mul3A_450 = arith.mulf %get3A_447, %mul3A_449 : vector<16xf32>
        %swap3A_451 = arith.constant 3 : i32
        %swap3A_452 = arith.index_cast %swap3A_451 : i32 to index
        %swap3A_453 = arith.index_cast %add3A_393 : i32 to index
        %swap3A_454 = arith.constant 48 : index
        %swap3A_455 = tpu.vector_load %arg6[%swap3A_452, %swap3A_453, %swap3A_454] {strides = array<i32>} : memref<5x128x64xf32, #tpu.memory_space<vmem>>, vector<1x1x16xf32>,
        %swap3A_456 = vector.shape_cast %swap3A_455 : vector<1x1x16xf32> to vector<16xf32>
        %swap3A_457 = vector.shape_cast %mul3A_450 : vector<16xf32> to vector<1x1x16xf32>
        tpu.vector_store %arg6[%swap3A_452, %swap3A_453, %swap3A_454], %swap3A_457 {strides = array<i32>} : memref<5x128x64xf32, #tpu.memory_space<vmem>>, vector<1x1x16xf32>,
        %scan3A_458 = arith.constant 2 : i32
        %scan3A_459 = arith.addi %scan3A_321, %scan3A_458 : i32
        %mul3A_460 = arith.constant 1 : i32
        %mul3A_461 = arith.muli %scan3A_459, %mul3A_460 : i32
        %add3A_462 = arith.constant 0 : i32
        %add3A_463 = arith.addi %add3A_462, %mul3A_461 : i32
        %get3A_464 = arith.constant 3 : i32
        %get3A_465 = arith.index_cast %get3A_464 : i32 to index
        %get3A_466 = arith.index_cast %add3A_463 : i32 to index
        %get3A_467 = arith.constant 0 : index
        %get3A_468 = tpu.vector_load %arg6[%get3A_465, %get3A_466, %get3A_467] {strides = array<i32>} : memref<5x128x64xf32, #tpu.memory_space<vmem>>, vector<1x1x16xf32>,
        %get3A_469 = vector.shape_cast %get3A_468 : vector<1x1x16xf32> to vector<16xf32>
        %mul3A_470 = arith.constant 8.000000e+00 : f32
        %mul3A_471 = vector.broadcast %mul3A_470 : f32 to vector<16xf32>
        %mul3A_472 = arith.mulf %get3A_469, %mul3A_471 : vector<16xf32>
        %swap3A_473 = arith.constant 3 : i32
        %swap3A_474 = arith.index_cast %swap3A_473 : i32 to index
        %swap3A_475 = arith.index_cast %add3A_463 : i32 to index
        %swap3A_476 = arith.constant 0 : index
        %swap3A_477 = tpu.vector_load %arg6[%swap3A_474, %swap3A_475, %swap3A_476] {strides = array<i32>} : memref<5x128x64xf32, #tpu.memory_space<vmem>>, vector<1x1x16xf32>,
        %swap3A_478 = vector.shape_cast %swap3A_477 : vector<1x1x16xf32> to vector<16xf32>
        %swap3A_479 = vector.shape_cast %mul3A_472 : vector<16xf32> to vector<1x1x16xf32>
        tpu.vector_store %arg6[%swap3A_474, %swap3A_475, %swap3A_476], %swap3A_479 {strides = array<i32>} : memref<5x128x64xf32, #tpu.memory_space<vmem>>, vector<1x1x16xf32>,
        %get3A_480 = arith.constant 3 : i32
        %get3A_481 = arith.index_cast %get3A_480 : i32 to index
        %get3A_482 = arith.index_cast %add3A_463 : i32 to index
        %get3A_483 = arith.constant 16 : index
        %get3A_484 = tpu.vector_load %arg6[%get3A_481, %get3A_482, %get3A_483] {strides = array<i32>} : memref<5x128x64xf32, #tpu.memory_space<vmem>>, vector<1x1x16xf32>,
        %get3A_485 = vector.shape_cast %get3A_484 : vector<1x1x16xf32> to vector<16xf32>
        %mul3A_486 = arith.constant 8.000000e+00 : f32
        %mul3A_487 = vector.broadcast %mul3A_486 : f32 to vector<16xf32>
        %mul3A_488 = arith.mulf %get3A_485, %mul3A_487 : vector<16xf32>
        %swap3A_489 = arith.constant 3 : i32
        %swap3A_490 = arith.index_cast %swap3A_489 : i32 to index
        %swap3A_491 = arith.index_cast %add3A_463 : i32 to index
        %swap3A_492 = arith.constant 16 : index
        %swap3A_493 = tpu.vector_load %arg6[%swap3A_490, %swap3A_491, %swap3A_492] {strides = array<i32>} : memref<5x128x64xf32, #tpu.memory_space<vmem>>, vector<1x1x16xf32>,
        %swap3A_494 = vector.shape_cast %swap3A_493 : vector<1x1x16xf32> to vector<16xf32>
        %swap3A_495 = vector.shape_cast %mul3A_488 : vector<16xf32> to vector<1x1x16xf32>
        tpu.vector_store %arg6[%swap3A_490, %swap3A_491, %swap3A_492], %swap3A_495 {strides = array<i32>} : memref<5x128x64xf32, #tpu.memory_space<vmem>>, vector<1x1x16xf32>,
        %get3A_496 = arith.constant 3 : i32
        %get3A_497 = arith.index_cast %get3A_496 : i32 to index
        %get3A_498 = arith.index_cast %add3A_463 : i32 to index
        %get3A_499 = arith.constant 32 : index
        %get3A_500 = tpu.vector_load %arg6[%get3A_497, %get3A_498, %get3A_499] {strides = array<i32>} : memref<5x128x64xf32, #tpu.memory_space<vmem>>, vector<1x1x16xf32>,
        %get3A_501 = vector.shape_cast %get3A_500 : vector<1x1x16xf32> to vector<16xf32>
        %mul3A_502 = arith.constant 8.000000e+00 : f32
        %mul3A_503 = vector.broadcast %mul3A_502 : f32 to vector<16xf32>
        %mul3A_504 = arith.mulf %get3A_501, %mul3A_503 : vector<16xf32>
        %swap3A_505 = arith.constant 3 : i32
        %swap3A_506 = arith.index_cast %swap3A_505 : i32 to index
        %swap3A_507 = arith.index_cast %add3A_463 : i32 to index
        %swap3A_508 = arith.constant 32 : index
        %swap3A_509 = tpu.vector_load %arg6[%swap3A_506, %swap3A_507, %swap3A_508] {strides = array<i32>} : memref<5x128x64xf32, #tpu.memory_space<vmem>>, vector<1x1x16xf32>,
        %swap3A_510 = vector.shape_cast %swap3A_509 : vector<1x1x16xf32> to vector<16xf32>
        %swap3A_511 = vector.shape_cast %mul3A_504 : vector<16xf32> to vector<1x1x16xf32>
        tpu.vector_store %arg6[%swap3A_506, %swap3A_507, %swap3A_508], %swap3A_511 {strides = array<i32>} : memref<5x128x64xf32, #tpu.memory_space<vmem>>, vector<1x1x16xf32>,
        %get3A_512 = arith.constant 3 : i32
        %get3A_513 = arith.index_cast %get3A_512 : i32 to index
        %get3A_514 = arith.index_cast %add3A_463 : i32 to index
        %get3A_515 = arith.constant 48 : index
        %get3A_516 = tpu.vector_load %arg6[%get3A_513, %get3A_514, %get3A_515] {strides = array<i32>} : memref<5x128x64xf32, #tpu.memory_space<vmem>>, vector<1x1x16xf32>,
        %get3A_517 = vector.shape_cast %get3A_516 : vector<1x1x16xf32> to vector<16xf32>
        %mul3A_518 = arith.constant 8.000000e+00 : f32
        %mul3A_519 = vector.broadcast %mul3A_518 : f32 to vector<16xf32>
        %mul3A_520 = arith.mulf %get3A_517, %mul3A_519 : vector<16xf32>
        %swap3A_521 = arith.constant 3 : i32
        %swap3A_522 = arith.index_cast %swap3A_521 : i32 to index
        %swap3A_523 = arith.index_cast %add3A_463 : i32 to index
        %swap3A_524 = arith.constant 48 : index
        %swap3A_525 = tpu.vector_load %arg6[%swap3A_522, %swap3A_523, %swap3A_524] {strides = array<i32>} : memref<5x128x64xf32, #tpu.memory_space<vmem>>, vector<1x1x16xf32>,
        %swap3A_526 = vector.shape_cast %swap3A_525 : vector<1x1x16xf32> to vector<16xf32>
        %swap3A_527 = vector.shape_cast %mul3A_520 : vector<16xf32> to vector<1x1x16xf32>
        tpu.vector_store %arg6[%swap3A_522, %swap3A_523, %swap3A_524], %swap3A_527 {strides = array<i32>} : memref<5x128x64xf32, #tpu.memory_space<vmem>>, vector<1x1x16xf32>,
        %scan3A_528 = arith.constant 3 : i32
        %scan3A_529 = arith.addi %scan3A_321, %scan3A_528 : i32
        %mul3A_530 = arith.constant 1 : i32
        %mul3A_531 = arith.muli %scan3A_529, %mul3A_530 : i32
        %add3A_532 = arith.constant 0 : i32
        %add3A_533 = arith.addi %add3A_532, %mul3A_531 : i32
        %get3A_534 = arith.constant 3 : i32
        %get3A_535 = arith.index_cast %get3A_534 : i32 to index
        %get3A_536 = arith.index_cast %add3A_533 : i32 to index
        %get3A_537 = arith.constant 0 : index
        %get3A_538 = tpu.vector_load %arg6[%get3A_535, %get3A_536, %get3A_537] {strides = array<i32>} : memref<5x128x64xf32, #tpu.memory_space<vmem>>, vector<1x1x16xf32>,
        %get3A_539 = vector.shape_cast %get3A_538 : vector<1x1x16xf32> to vector<16xf32>
        %mul3A_540 = arith.constant 8.000000e+00 : f32
        %mul3A_541 = vector.broadcast %mul3A_540 : f32 to vector<16xf32>
        %mul3A_542 = arith.mulf %get3A_539, %mul3A_541 : vector<16xf32>
        %swap3A_543 = arith.constant 3 : i32
        %swap3A_544 = arith.index_cast %swap3A_543 : i32 to index
        %swap3A_545 = arith.index_cast %add3A_533 : i32 to index
        %swap3A_546 = arith.constant 0 : index
        %swap3A_547 = tpu.vector_load %arg6[%swap3A_544, %swap3A_545, %swap3A_546] {strides = array<i32>} : memref<5x128x64xf32, #tpu.memory_space<vmem>>, vector<1x1x16xf32>,
        %swap3A_548 = vector.shape_cast %swap3A_547 : vector<1x1x16xf32> to vector<16xf32>
        %swap3A_549 = vector.shape_cast %mul3A_542 : vector<16xf32> to vector<1x1x16xf32>
        tpu.vector_store %arg6[%swap3A_544, %swap3A_545, %swap3A_546], %swap3A_549 {strides = array<i32>} : memref<5x128x64xf32, #tpu.memory_space<vmem>>, vector<1x1x16xf32>,
        %get3A_550 = arith.constant 3 : i32
        %get3A_551 = arith.index_cast %get3A_550 : i32 to index
        %get3A_552 = arith.index_cast %add3A_533 : i32 to index
        %get3A_553 = arith.constant 16 : index
        %get3A_554 = tpu.vector_load %arg6[%get3A_551, %get3A_552, %get3A_553] {strides = array<i32>} : memref<5x128x64xf32, #tpu.memory_space<vmem>>, vector<1x1x16xf32>,
        %get3A_555 = vector.shape_cast %get3A_554 : vector<1x1x16xf32> to vector<16xf32>
        %mul3A_556 = arith.constant 8.000000e+00 : f32
        %mul3A_557 = vector.broadcast %mul3A_556 : f32 to vector<16xf32>
        %mul3A_558 = arith.mulf %get3A_555, %mul3A_557 : vector<16xf32>
        %swap3A_559 = arith.constant 3 : i32
        %swap3A_560 = arith.index_cast %swap3A_559 : i32 to index
        %swap3A_561 = arith.index_cast %add3A_533 : i32 to index
        %swap3A_562 = arith.constant 16 : index
        %swap3A_563 = tpu.vector_load %arg6[%swap3A_560, %swap3A_561, %swap3A_562] {strides = array<i32>} : memref<5x128x64xf32, #tpu.memory_space<vmem>>, vector<1x1x16xf32>,
        %swap3A_564 = vector.shape_cast %swap3A_563 : vector<1x1x16xf32> to vector<16xf32>
        %swap3A_565 = vector.shape_cast %mul3A_558 : vector<16xf32> to vector<1x1x16xf32>
        tpu.vector_store %arg6[%swap3A_560, %swap3A_561, %swap3A_562], %swap3A_565 {strides = array<i32>} : memref<5x128x64xf32, #tpu.memory_space<vmem>>, vector<1x1x16xf32>,
        %get3A_566 = arith.constant 3 : i32
        %get3A_567 = arith.index_cast %get3A_566 : i32 to index
        %get3A_568 = arith.index_cast %add3A_533 : i32 to index
        %get3A_569 = arith.constant 32 : index
        %get3A_570 = tpu.vector_load %arg6[%get3A_567, %get3A_568, %get3A_569] {strides = array<i32>} : memref<5x128x64xf32, #tpu.memory_space<vmem>>, vector<1x1x16xf32>,
        %get3A_571 = vector.shape_cast %get3A_570 : vector<1x1x16xf32> to vector<16xf32>
        %mul3A_572 = arith.constant 8.000000e+00 : f32
        %mul3A_573 = vector.broadcast %mul3A_572 : f32 to vector<16xf32>
        %mul3A_574 = arith.mulf %get3A_571, %mul3A_573 : vector<16xf32>
        %swap3A_575 = arith.constant 3 : i32
        %swap3A_576 = arith.index_cast %swap3A_575 : i32 to index
        %swap3A_577 = arith.index_cast %add3A_533 : i32 to index
        %swap3A_578 = arith.constant 32 : index
        %swap3A_579 = tpu.vector_load %arg6[%swap3A_576, %swap3A_577, %swap3A_578] {strides = array<i32>} : memref<5x128x64xf32, #tpu.memory_space<vmem>>, vector<1x1x16xf32>,
        %swap3A_580 = vector.shape_cast %swap3A_579 : vector<1x1x16xf32> to vector<16xf32>
        %swap3A_581 = vector.shape_cast %mul3A_574 : vector<16xf32> to vector<1x1x16xf32>
        tpu.vector_store %arg6[%swap3A_576, %swap3A_577, %swap3A_578], %swap3A_581 {strides = array<i32>} : memref<5x128x64xf32, #tpu.memory_space<vmem>>, vector<1x1x16xf32>,
        %get3A_582 = arith.constant 3 : i32
        %get3A_583 = arith.index_cast %get3A_582 : i32 to index
        %get3A_584 = arith.index_cast %add3A_533 : i32 to index
        %get3A_585 = arith.constant 48 : index
        %get3A_586 = tpu.vector_load %arg6[%get3A_583, %get3A_584, %get3A_585] {strides = array<i32>} : memref<5x128x64xf32, #tpu.memory_space<vmem>>, vector<1x1x16xf32>,
        %get3A_587 = vector.shape_cast %get3A_586 : vector<1x1x16xf32> to vector<16xf32>
        %mul3A_588 = arith.constant 8.000000e+00 : f32
        %mul3A_589 = vector.broadcast %mul3A_588 : f32 to vector<16xf32>
        %mul3A_590 = arith.mulf %get3A_587, %mul3A_589 : vector<16xf32>
        %swap3A_591 = arith.constant 3 : i32
        %swap3A_592 = arith.index_cast %swap3A_591 : i32 to index
        %swap3A_593 = arith.index_cast %add3A_533 : i32 to index
        %swap3A_594 = arith.constant 48 : index
        %swap3A_595 = tpu.vector_load %arg6[%swap3A_592, %swap3A_593, %swap3A_594] {strides = array<i32>} : memref<5x128x64xf32, #tpu.memory_space<vmem>>, vector<1x1x16xf32>,
        %swap3A_596 = vector.shape_cast %swap3A_595 : vector<1x1x16xf32> to vector<16xf32>
        %swap3A_597 = vector.shape_cast %mul3A_590 : vector<16xf32> to vector<1x1x16xf32>
        tpu.vector_store %arg6[%swap3A_592, %swap3A_593, %swap3A_594], %swap3A_597 {strides = array<i32>} : memref<5x128x64xf32, #tpu.memory_space<vmem>>, vector<1x1x16xf32>,
        %scan3A_598 = arith.constant 4 : i32
        %scan3A_599 = arith.addi %scan3A_321, %scan3A_598 : i32
        %mul3A_600 = arith.constant 1 : i32
        %mul3A_601 = arith.muli %scan3A_599, %mul3A_600 : i32
        %add3A_602 = arith.constant 0 : i32
        %add3A_603 = arith.addi %add3A_602, %mul3A_601 : i32
        %get3A_604 = arith.constant 3 : i32
        %get3A_605 = arith.index_cast %get3A_604 : i32 to index
        %get3A_606 = arith.index_cast %add3A_603 : i32 to index
        %get3A_607 = arith.constant 0 : index
        %get3A_608 = tpu.vector_load %arg6[%get3A_605, %get3A_606, %get3A_607] {strides = array<i32>} : memref<5x128x64xf32, #tpu.memory_space<vmem>>, vector<1x1x16xf32>,
        %get3A_609 = vector.shape_cast %get3A_608 : vector<1x1x16xf32> to vector<16xf32>
        %mul3A_610 = arith.constant 8.000000e+00 : f32
        %mul3A_611 = vector.broadcast %mul3A_610 : f32 to vector<16xf32>
        %mul3A_612 = arith.mulf %get3A_609, %mul3A_611 : vector<16xf32>
        %swap3A_613 = arith.constant 3 : i32
        %swap3A_614 = arith.index_cast %swap3A_613 : i32 to index
        %swap3A_615 = arith.index_cast %add3A_603 : i32 to index
        %swap3A_616 = arith.constant 0 : index
        %swap3A_617 = tpu.vector_load %arg6[%swap3A_614, %swap3A_615, %swap3A_616] {strides = array<i32>} : memref<5x128x64xf32, #tpu.memory_space<vmem>>, vector<1x1x16xf32>,
        %swap3A_618 = vector.shape_cast %swap3A_617 : vector<1x1x16xf32> to vector<16xf32>
        %swap3A_619 = vector.shape_cast %mul3A_612 : vector<16xf32> to vector<1x1x16xf32>
        tpu.vector_store %arg6[%swap3A_614, %swap3A_615, %swap3A_616], %swap3A_619 {strides = array<i32>} : memref<5x128x64xf32, #tpu.memory_space<vmem>>, vector<1x1x16xf32>,
        %get3A_620 = arith.constant 3 : i32
        %get3A_621 = arith.index_cast %get3A_620 : i32 to index
        %get3A_622 = arith.index_cast %add3A_603 : i32 to index
        %get3A_623 = arith.constant 16 : index
        %get3A_624 = tpu.vector_load %arg6[%get3A_621, %get3A_622, %get3A_623] {strides = array<i32>} : memref<5x128x64xf32, #tpu.memory_space<vmem>>, vector<1x1x16xf32>,
        %get3A_625 = vector.shape_cast %get3A_624 : vector<1x1x16xf32> to vector<16xf32>
        %mul3A_626 = arith.constant 8.000000e+00 : f32
        %mul3A_627 = vector.broadcast %mul3A_626 : f32 to vector<16xf32>
        %mul3A_628 = arith.mulf %get3A_625, %mul3A_627 : vector<16xf32>
        %swap3A_629 = arith.constant 3 : i32
        %swap3A_630 = arith.index_cast %swap3A_629 : i32 to index
        %swap3A_631 = arith.index_cast %add3A_603 : i32 to index
        %swap3A_632 = arith.constant 16 : index
        %swap3A_633 = tpu.vector_load %arg6[%swap3A_630, %swap3A_631, %swap3A_632] {strides = array<i32>} : memref<5x128x64xf32, #tpu.memory_space<vmem>>, vector<1x1x16xf32>,
        %swap3A_634 = vector.shape_cast %swap3A_633 : vector<1x1x16xf32> to vector<16xf32>
        %swap3A_635 = vector.shape_cast %mul3A_628 : vector<16xf32> to vector<1x1x16xf32>
        tpu.vector_store %arg6[%swap3A_630, %swap3A_631, %swap3A_632], %swap3A_635 {strides = array<i32>} : memref<5x128x64xf32, #tpu.memory_space<vmem>>, vector<1x1x16xf32>,
        %get3A_636 = arith.constant 3 : i32
        %get3A_637 = arith.index_cast %get3A_636 : i32 to index
        %get3A_638 = arith.index_cast %add3A_603 : i32 to index
        %get3A_639 = arith.constant 32 : index
        %get3A_640 = tpu.vector_load %arg6[%get3A_637, %get3A_638, %get3A_639] {strides = array<i32>} : memref<5x128x64xf32, #tpu.memory_space<vmem>>, vector<1x1x16xf32>,
        %get3A_641 = vector.shape_cast %get3A_640 : vector<1x1x16xf32> to vector<16xf32>
        %mul3A_642 = arith.constant 8.000000e+00 : f32
        %mul3A_643 = vector.broadcast %mul3A_642 : f32 to vector<16xf32>
        %mul3A_644 = arith.mulf %get3A_641, %mul3A_643 : vector<16xf32>
        %swap3A_645 = arith.constant 3 : i32
        %swap3A_646 = arith.index_cast %swap3A_645 : i32 to index
        %swap3A_647 = arith.index_cast %add3A_603 : i32 to index
        %swap3A_648 = arith.constant 32 : index
        %swap3A_649 = tpu.vector_load %arg6[%swap3A_646, %swap3A_647, %swap3A_648] {strides = array<i32>} : memref<5x128x64xf32, #tpu.memory_space<vmem>>, vector<1x1x16xf32>,
        %swap3A_650 = vector.shape_cast %swap3A_649 : vector<1x1x16xf32> to vector<16xf32>
        %swap3A_651 = vector.shape_cast %mul3A_644 : vector<16xf32> to vector<1x1x16xf32>
        tpu.vector_store %arg6[%swap3A_646, %swap3A_647, %swap3A_648], %swap3A_651 {strides = array<i32>} : memref<5x128x64xf32, #tpu.memory_space<vmem>>, vector<1x1x16xf32>,
        %get3A_652 = arith.constant 3 : i32
        %get3A_653 = arith.index_cast %get3A_652 : i32 to index
        %get3A_654 = arith.index_cast %add3A_603 : i32 to index
        %get3A_655 = arith.constant 48 : index
        %get3A_656 = tpu.vector_load %arg6[%get3A_653, %get3A_654, %get3A_655] {strides = array<i32>} : memref<5x128x64xf32, #tpu.memory_space<vmem>>, vector<1x1x16xf32>,
        %get3A_657 = vector.shape_cast %get3A_656 : vector<1x1x16xf32> to vector<16xf32>
        %mul3A_658 = arith.constant 8.000000e+00 : f32
        %mul3A_659 = vector.broadcast %mul3A_658 : f32 to vector<16xf32>
        %mul3A_660 = arith.mulf %get3A_657, %mul3A_659 : vector<16xf32>
        %swap3A_661 = arith.constant 3 : i32
        %swap3A_662 = arith.index_cast %swap3A_661 : i32 to index
        %swap3A_663 = arith.index_cast %add3A_603 : i32 to index
        %swap3A_664 = arith.constant 48 : index
        %swap3A_665 = tpu.vector_load %arg6[%swap3A_662, %swap3A_663, %swap3A_664] {strides = array<i32>} : memref<5x128x64xf32, #tpu.memory_space<vmem>>, vector<1x1x16xf32>,
        %swap3A_666 = vector.shape_cast %swap3A_665 : vector<1x1x16xf32> to vector<16xf32>
        %swap3A_667 = vector.shape_cast %mul3A_660 : vector<16xf32> to vector<1x1x16xf32>
        tpu.vector_store %arg6[%swap3A_662, %swap3A_663, %swap3A_664], %swap3A_667 {strides = array<i32>} : memref<5x128x64xf32, #tpu.memory_space<vmem>>, vector<1x1x16xf32>,
        %scan3A_668 = arith.constant 5 : i32
        %scan3A_669 = arith.addi %scan3A_321, %scan3A_668 : i32
        %mul3A_670 = arith.constant 1 : i32
        %mul3A_671 = arith.muli %scan3A_669, %mul3A_670 : i32
        %add3A_672 = arith.constant 0 : i32
        %add3A_673 = arith.addi %add3A_672, %mul3A_671 : i32
        %get3A_674 = arith.constant 3 : i32
        %get3A_675 = arith.index_cast %get3A_674 : i32 to index
        %get3A_676 = arith.index_cast %add3A_673 : i32 to index
        %get3A_677 = arith.constant 0 : index
        %get3A_678 = tpu.vector_load %arg6[%get3A_675, %get3A_676, %get3A_677] {strides = array<i32>} : memref<5x128x64xf32, #tpu.memory_space<vmem>>, vector<1x1x16xf32>,
        %get3A_679 = vector.shape_cast %get3A_678 : vector<1x1x16xf32> to vector<16xf32>
        %mul3A_680 = arith.constant 8.000000e+00 : f32
        %mul3A_681 = vector.broadcast %mul3A_680 : f32 to vector<16xf32>
        %mul3A_682 = arith.mulf %get3A_679, %mul3A_681 : vector<16xf32>
        %swap3A_683 = arith.constant 3 : i32
        %swap3A_684 = arith.index_cast %swap3A_683 : i32 to index
        %swap3A_685 = arith.index_cast %add3A_673 : i32 to index
        %swap3A_686 = arith.constant 0 : index
        %swap3A_687 = tpu.vector_load %arg6[%swap3A_684, %swap3A_685, %swap3A_686] {strides = array<i32>} : memref<5x128x64xf32, #tpu.memory_space<vmem>>, vector<1x1x16xf32>,
        %swap3A_688 = vector.shape_cast %swap3A_687 : vector<1x1x16xf32> to vector<16xf32>
        %swap3A_689 = vector.shape_cast %mul3A_682 : vector<16xf32> to vector<1x1x16xf32>
        tpu.vector_store %arg6[%swap3A_684, %swap3A_685, %swap3A_686], %swap3A_689 {strides = array<i32>} : memref<5x128x64xf32, #tpu.memory_space<vmem>>, vector<1x1x16xf32>,
        %get3A_690 = arith.constant 3 : i32
        %get3A_691 = arith.index_cast %get3A_690 : i32 to index
        %get3A_692 = arith.index_cast %add3A_673 : i32 to index
        %get3A_693 = arith.constant 16 : index
        %get3A_694 = tpu.vector_load %arg6[%get3A_691, %get3A_692, %get3A_693] {strides = array<i32>} : memref<5x128x64xf32, #tpu.memory_space<vmem>>, vector<1x1x16xf32>,
        %get3A_695 = vector.shape_cast %get3A_694 : vector<1x1x16xf32> to vector<16xf32>
        %mul3A_696 = arith.constant 8.000000e+00 : f32
        %mul3A_697 = vector.broadcast %mul3A_696 : f32 to vector<16xf32>
        %mul3A_698 = arith.mulf %get3A_695, %mul3A_697 : vector<16xf32>
        %swap3A_699 = arith.constant 3 : i32
        %swap3A_700 = arith.index_cast %swap3A_699 : i32 to index
        %swap3A_701 = arith.index_cast %add3A_673 : i32 to index
        %swap3A_702 = arith.constant 16 : index
        %swap3A_703 = tpu.vector_load %arg6[%swap3A_700, %swap3A_701, %swap3A_702] {strides = array<i32>} : memref<5x128x64xf32, #tpu.memory_space<vmem>>, vector<1x1x16xf32>,
        %swap3A_704 = vector.shape_cast %swap3A_703 : vector<1x1x16xf32> to vector<16xf32>
        %swap3A_705 = vector.shape_cast %mul3A_698 : vector<16xf32> to vector<1x1x16xf32>
        tpu.vector_store %arg6[%swap3A_700, %swap3A_701, %swap3A_702], %swap3A_705 {strides = array<i32>} : memref<5x128x64xf32, #tpu.memory_space<vmem>>, vector<1x1x16xf32>,
        %get3A_706 = arith.constant 3 : i32
        %get3A_707 = arith.index_cast %get3A_706 : i32 to index
        %get3A_708 = arith.index_cast %add3A_673 : i32 to index
        %get3A_709 = arith.constant 32 : index
        %get3A_710 = tpu.vector_load %arg6[%get3A_707, %get3A_708, %get3A_709] {strides = array<i32>} : memref<5x128x64xf32, #tpu.memory_space<vmem>>, vector<1x1x16xf32>,
        %get3A_711 = vector.shape_cast %get3A_710 : vector<1x1x16xf32> to vector<16xf32>
        %mul3A_712 = arith.constant 8.000000e+00 : f32
        %mul3A_713 = vector.broadcast %mul3A_712 : f32 to vector<16xf32>
        %mul3A_714 = arith.mulf %get3A_711, %mul3A_713 : vector<16xf32>
        %swap3A_715 = arith.constant 3 : i32
        %swap3A_716 = arith.index_cast %swap3A_715 : i32 to index
        %swap3A_717 = arith.index_cast %add3A_673 : i32 to index
        %swap3A_718 = arith.constant 32 : index
        %swap3A_719 = tpu.vector_load %arg6[%swap3A_716, %swap3A_717, %swap3A_718] {strides = array<i32>} : memref<5x128x64xf32, #tpu.memory_space<vmem>>, vector<1x1x16xf32>,
        %swap3A_720 = vector.shape_cast %swap3A_719 : vector<1x1x16xf32> to vector<16xf32>
        %swap3A_721 = vector.shape_cast %mul3A_714 : vector<16xf32> to vector<1x1x16xf32>
        tpu.vector_store %arg6[%swap3A_716, %swap3A_717, %swap3A_718], %swap3A_721 {strides = array<i32>} : memref<5x128x64xf32, #tpu.memory_space<vmem>>, vector<1x1x16xf32>,
        %get3A_722 = arith.constant 3 : i32
        %get3A_723 = arith.index_cast %get3A_722 : i32 to index
        %get3A_724 = arith.index_cast %add3A_673 : i32 to index
        %get3A_725 = arith.constant 48 : index
        %get3A_726 = tpu.vector_load %arg6[%get3A_723, %get3A_724, %get3A_725] {strides = array<i32>} : memref<5x128x64xf32, #tpu.memory_space<vmem>>, vector<1x1x16xf32>,
        %get3A_727 = vector.shape_cast %get3A_726 : vector<1x1x16xf32> to vector<16xf32>
        %mul3A_728 = arith.constant 8.000000e+00 : f32
        %mul3A_729 = vector.broadcast %mul3A_728 : f32 to vector<16xf32>
        %mul3A_730 = arith.mulf %get3A_727, %mul3A_729 : vector<16xf32>
        %swap3A_731 = arith.constant 3 : i32
        %swap3A_732 = arith.index_cast %swap3A_731 : i32 to index
        %swap3A_733 = arith.index_cast %add3A_673 : i32 to index
        %swap3A_734 = arith.constant 48 : index
        %swap3A_735 = tpu.vector_load %arg6[%swap3A_732, %swap3A_733, %swap3A_734] {strides = array<i32>} : memref<5x128x64xf32, #tpu.memory_space<vmem>>, vector<1x1x16xf32>,
        %swap3A_736 = vector.shape_cast %swap3A_735 : vector<1x1x16xf32> to vector<16xf32>
        %swap3A_737 = vector.shape_cast %mul3A_730 : vector<16xf32> to vector<1x1x16xf32>
        tpu.vector_store %arg6[%swap3A_732, %swap3A_733, %swap3A_734], %swap3A_737 {strides = array<i32>} : memref<5x128x64xf32, #tpu.memory_space<vmem>>, vector<1x1x16xf32>,
        %scan3A_738 = arith.constant 6 : i32
        %scan3A_739 = arith.addi %scan3A_321, %scan3A_738 : i32
        %mul3A_740 = arith.constant 1 : i32
        %mul3A_741 = arith.muli %scan3A_739, %mul3A_740 : i32
        %add3A_742 = arith.constant 0 : i32
        %add3A_743 = arith.addi %add3A_742, %mul3A_741 : i32
        %get3A_744 = arith.constant 3 : i32
        %get3A_745 = arith.index_cast %get3A_744 : i32 to index
        %get3A_746 = arith.index_cast %add3A_743 : i32 to index
        %get3A_747 = arith.constant 0 : index
        %get3A_748 = tpu.vector_load %arg6[%get3A_745, %get3A_746, %get3A_747] {strides = array<i32>} : memref<5x128x64xf32, #tpu.memory_space<vmem>>, vector<1x1x16xf32>,
        %get3A_749 = vector.shape_cast %get3A_748 : vector<1x1x16xf32> to vector<16xf32>
        %mul3A_750 = arith.constant 8.000000e+00 : f32
        %mul3A_751 = vector.broadcast %mul3A_750 : f32 to vector<16xf32>
        %mul3A_752 = arith.mulf %get3A_749, %mul3A_751 : vector<16xf32>
        %swap3A_753 = arith.constant 3 : i32
        %swap3A_754 = arith.index_cast %swap3A_753 : i32 to index
        %swap3A_755 = arith.index_cast %add3A_743 : i32 to index
        %swap3A_756 = arith.constant 0 : index
        %swap3A_757 = tpu.vector_load %arg6[%swap3A_754, %swap3A_755, %swap3A_756] {strides = array<i32>} : memref<5x128x64xf32, #tpu.memory_space<vmem>>, vector<1x1x16xf32>,
        %swap3A_758 = vector.shape_cast %swap3A_757 : vector<1x1x16xf32> to vector<16xf32>
        %swap3A_759 = vector.shape_cast %mul3A_752 : vector<16xf32> to vector<1x1x16xf32>
        tpu.vector_store %arg6[%swap3A_754, %swap3A_755, %swap3A_756], %swap3A_759 {strides = array<i32>} : memref<5x128x64xf32, #tpu.memory_space<vmem>>, vector<1x1x16xf32>,
        %get3A_760 = arith.constant 3 : i32
        %get3A_761 = arith.index_cast %get3A_760 : i32 to index
        %get3A_762 = arith.index_cast %add3A_743 : i32 to index
        %get3A_763 = arith.constant 16 : index
        %get3A_764 = tpu.vector_load %arg6[%get3A_761, %get3A_762, %get3A_763] {strides = array<i32>} : memref<5x128x64xf32, #tpu.memory_space<vmem>>, vector<1x1x16xf32>,
        %get3A_765 = vector.shape_cast %get3A_764 : vector<1x1x16xf32> to vector<16xf32>
        %mul3A_766 = arith.constant 8.000000e+00 : f32
        %mul3A_767 = vector.broadcast %mul3A_766 : f32 to vector<16xf32>
        %mul3A_768 = arith.mulf %get3A_765, %mul3A_767 : vector<16xf32>
        %swap3A_769 = arith.constant 3 : i32
        %swap3A_770 = arith.index_cast %swap3A_769 : i32 to index
        %swap3A_771 = arith.index_cast %add3A_743 : i32 to index
        %swap3A_772 = arith.constant 16 : index
        %swap3A_773 = tpu.vector_load %arg6[%swap3A_770, %swap3A_771, %swap3A_772] {strides = array<i32>} : memref<5x128x64xf32, #tpu.memory_space<vmem>>, vector<1x1x16xf32>,
        %swap3A_774 = vector.shape_cast %swap3A_773 : vector<1x1x16xf32> to vector<16xf32>
        %swap3A_775 = vector.shape_cast %mul3A_768 : vector<16xf32> to vector<1x1x16xf32>
        tpu.vector_store %arg6[%swap3A_770, %swap3A_771, %swap3A_772], %swap3A_775 {strides = array<i32>} : memref<5x128x64xf32, #tpu.memory_space<vmem>>, vector<1x1x16xf32>,
        %get3A_776 = arith.constant 3 : i32
        %get3A_777 = arith.index_cast %get3A_776 : i32 to index
        %get3A_778 = arith.index_cast %add3A_743 : i32 to index
        %get3A_779 = arith.constant 32 : index
        %get3A_780 = tpu.vector_load %arg6[%get3A_777, %get3A_778, %get3A_779] {strides = array<i32>} : memref<5x128x64xf32, #tpu.memory_space<vmem>>, vector<1x1x16xf32>,
        %get3A_781 = vector.shape_cast %get3A_780 : vector<1x1x16xf32> to vector<16xf32>
        %mul3A_782 = arith.constant 8.000000e+00 : f32
        %mul3A_783 = vector.broadcast %mul3A_782 : f32 to vector<16xf32>
        %mul3A_784 = arith.mulf %get3A_781, %mul3A_783 : vector<16xf32>
        %swap3A_785 = arith.constant 3 : i32
        %swap3A_786 = arith.index_cast %swap3A_785 : i32 to index
        %swap3A_787 = arith.index_cast %add3A_743 : i32 to index
        %swap3A_788 = arith.constant 32 : index
        %swap3A_789 = tpu.vector_load %arg6[%swap3A_786, %swap3A_787, %swap3A_788] {strides = array<i32>} : memref<5x128x64xf32, #tpu.memory_space<vmem>>, vector<1x1x16xf32>,
        %swap3A_790 = vector.shape_cast %swap3A_789 : vector<1x1x16xf32> to vector<16xf32>
        %swap3A_791 = vector.shape_cast %mul3A_784 : vector<16xf32> to vector<1x1x16xf32>
        tpu.vector_store %arg6[%swap3A_786, %swap3A_787, %swap3A_788], %swap3A_791 {strides = array<i32>} : memref<5x128x64xf32, #tpu.memory_space<vmem>>, vector<1x1x16xf32>,
        %get3A_792 = arith.constant 3 : i32
        %get3A_793 = arith.index_cast %get3A_792 : i32 to index
        %get3A_794 = arith.index_cast %add3A_743 : i32 to index
        %get3A_795 = arith.constant 48 : index
        %get3A_796 = tpu.vector_load %arg6[%get3A_793, %get3A_794, %get3A_795] {strides = array<i32>} : memref<5x128x64xf32, #tpu.memory_space<vmem>>, vector<1x1x16xf32>,
        %get3A_797 = vector.shape_cast %get3A_796 : vector<1x1x16xf32> to vector<16xf32>
        %mul3A_798 = arith.constant 8.000000e+00 : f32
        %mul3A_799 = vector.broadcast %mul3A_798 : f32 to vector<16xf32>
        %mul3A_800 = arith.mulf %get3A_797, %mul3A_799 : vector<16xf32>
        %swap3A_801 = arith.constant 3 : i32
        %swap3A_802 = arith.index_cast %swap3A_801 : i32 to index
        %swap3A_803 = arith.index_cast %add3A_743 : i32 to index
        %swap3A_804 = arith.constant 48 : index
        %swap3A_805 = tpu.vector_load %arg6[%swap3A_802, %swap3A_803, %swap3A_804] {strides = array<i32>} : memref<5x128x64xf32, #tpu.memory_space<vmem>>, vector<1x1x16xf32>,
        %swap3A_806 = vector.shape_cast %swap3A_805 : vector<1x1x16xf32> to vector<16xf32>
        %swap3A_807 = vector.shape_cast %mul3A_800 : vector<16xf32> to vector<1x1x16xf32>
        tpu.vector_store %arg6[%swap3A_802, %swap3A_803, %swap3A_804], %swap3A_807 {strides = array<i32>} : memref<5x128x64xf32, #tpu.memory_space<vmem>>, vector<1x1x16xf32>,
        %scan3A_808 = arith.constant 7 : i32
        %scan3A_809 = arith.addi %scan3A_321, %scan3A_808 : i32
        %mul3A_810 = arith.constant 1 : i32
        %mul3A_811 = arith.muli %scan3A_809, %mul3A_810 : i32
        %add3A_812 = arith.constant 0 : i32
        %add3A_813 = arith.addi %add3A_812, %mul3A_811 : i32
        %get3A_814 = arith.constant 3 : i32
        %get3A_815 = arith.index_cast %get3A_814 : i32 to index
        %get3A_816 = arith.index_cast %add3A_813 : i32 to index
        %get3A_817 = arith.constant 0 : index
        %get3A_818 = tpu.vector_load %arg6[%get3A_815, %get3A_816, %get3A_817] {strides = array<i32>} : memref<5x128x64xf32, #tpu.memory_space<vmem>>, vector<1x1x16xf32>,
        %get3A_819 = vector.shape_cast %get3A_818 : vector<1x1x16xf32> to vector<16xf32>
        %mul3A_820 = arith.constant 8.000000e+00 : f32
        %mul3A_821 = vector.broadcast %mul3A_820 : f32 to vector<16xf32>
        %mul3A_822 = arith.mulf %get3A_819, %mul3A_821 : vector<16xf32>
        %swap3A_823 = arith.constant 3 : i32
        %swap3A_824 = arith.index_cast %swap3A_823 : i32 to index
        %swap3A_825 = arith.index_cast %add3A_813 : i32 to index
        %swap3A_826 = arith.constant 0 : index
        %swap3A_827 = tpu.vector_load %arg6[%swap3A_824, %swap3A_825, %swap3A_826] {strides = array<i32>} : memref<5x128x64xf32, #tpu.memory_space<vmem>>, vector<1x1x16xf32>,
        %swap3A_828 = vector.shape_cast %swap3A_827 : vector<1x1x16xf32> to vector<16xf32>
        %swap3A_829 = vector.shape_cast %mul3A_822 : vector<16xf32> to vector<1x1x16xf32>
        tpu.vector_store %arg6[%swap3A_824, %swap3A_825, %swap3A_826], %swap3A_829 {strides = array<i32>} : memref<5x128x64xf32, #tpu.memory_space<vmem>>, vector<1x1x16xf32>,
        %get3A_830 = arith.constant 3 : i32
        %get3A_831 = arith.index_cast %get3A_830 : i32 to index
        %get3A_832 = arith.index_cast %add3A_813 : i32 to index
        %get3A_833 = arith.constant 16 : index
        %get3A_834 = tpu.vector_load %arg6[%get3A_831, %get3A_832, %get3A_833] {strides = array<i32>} : memref<5x128x64xf32, #tpu.memory_space<vmem>>, vector<1x1x16xf32>,
        %get3A_835 = vector.shape_cast %get3A_834 : vector<1x1x16xf32> to vector<16xf32>
        %mul3A_836 = arith.constant 8.000000e+00 : f32
        %mul3A_837 = vector.broadcast %mul3A_836 : f32 to vector<16xf32>
        %mul3A_838 = arith.mulf %get3A_835, %mul3A_837 : vector<16xf32>
        %swap3A_839 = arith.constant 3 : i32
        %swap3A_840 = arith.index_cast %swap3A_839 : i32 to index
        %swap3A_841 = arith.index_cast %add3A_813 : i32 to index
        %swap3A_842 = arith.constant 16 : index
        %swap3A_843 = tpu.vector_load %arg6[%swap3A_840, %swap3A_841, %swap3A_842] {strides = array<i32>} : memref<5x128x64xf32, #tpu.memory_space<vmem>>, vector<1x1x16xf32>,
        %swap3A_844 = vector.shape_cast %swap3A_843 : vector<1x1x16xf32> to vector<16xf32>
        %swap3A_845 = vector.shape_cast %mul3A_838 : vector<16xf32> to vector<1x1x16xf32>
        tpu.vector_store %arg6[%swap3A_840, %swap3A_841, %swap3A_842], %swap3A_845 {strides = array<i32>} : memref<5x128x64xf32, #tpu.memory_space<vmem>>, vector<1x1x16xf32>,
        %get3A_846 = arith.constant 3 : i32
        %get3A_847 = arith.index_cast %get3A_846 : i32 to index
        %get3A_848 = arith.index_cast %add3A_813 : i32 to index
        %get3A_849 = arith.constant 32 : index
        %get3A_850 = tpu.vector_load %arg6[%get3A_847, %get3A_848, %get3A_849] {strides = array<i32>} : memref<5x128x64xf32, #tpu.memory_space<vmem>>, vector<1x1x16xf32>,
        %get3A_851 = vector.shape_cast %get3A_850 : vector<1x1x16xf32> to vector<16xf32>
        %mul3A_852 = arith.constant 8.000000e+00 : f32
        %mul3A_853 = vector.broadcast %mul3A_852 : f32 to vector<16xf32>
        %mul3A_854 = arith.mulf %get3A_851, %mul3A_853 : vector<16xf32>
        %swap3A_855 = arith.constant 3 : i32
        %swap3A_856 = arith.index_cast %swap3A_855 : i32 to index
        %swap3A_857 = arith.index_cast %add3A_813 : i32 to index
        %swap3A_858 = arith.constant 32 : index
        %swap3A_859 = tpu.vector_load %arg6[%swap3A_856, %swap3A_857, %swap3A_858] {strides = array<i32>} : memref<5x128x64xf32, #tpu.memory_space<vmem>>, vector<1x1x16xf32>,
        %swap3A_860 = vector.shape_cast %swap3A_859 : vector<1x1x16xf32> to vector<16xf32>
        %swap3A_861 = vector.shape_cast %mul3A_854 : vector<16xf32> to vector<1x1x16xf32>
        tpu.vector_store %arg6[%swap3A_856, %swap3A_857, %swap3A_858], %swap3A_861 {strides = array<i32>} : memref<5x128x64xf32, #tpu.memory_space<vmem>>, vector<1x1x16xf32>,
        %get3A_862 = arith.constant 3 : i32
        %get3A_863 = arith.index_cast %get3A_862 : i32 to index
        %get3A_864 = arith.index_cast %add3A_813 : i32 to index
        %get3A_865 = arith.constant 48 : index
        %get3A_866 = tpu.vector_load %arg6[%get3A_863, %get3A_864, %get3A_865] {strides = array<i32>} : memref<5x128x64xf32, #tpu.memory_space<vmem>>, vector<1x1x16xf32>,
        %get3A_867 = vector.shape_cast %get3A_866 : vector<1x1x16xf32> to vector<16xf32>
        %mul3A_868 = arith.constant 8.000000e+00 : f32
        %mul3A_869 = vector.broadcast %mul3A_868 : f32 to vector<16xf32>
        %mul3A_870 = arith.mulf %get3A_867, %mul3A_869 : vector<16xf32>
        %swap3A_871 = arith.constant 3 : i32
        %swap3A_872 = arith.index_cast %swap3A_871 : i32 to index
        %swap3A_873 = arith.index_cast %add3A_813 : i32 to index
        %swap3A_874 = arith.constant 48 : index
        %swap3A_875 = tpu.vector_load %arg6[%swap3A_872, %swap3A_873, %swap3A_874] {strides = array<i32>} : memref<5x128x64xf32, #tpu.memory_space<vmem>>, vector<1x1x16xf32>,
        %swap3A_876 = vector.shape_cast %swap3A_875 : vector<1x1x16xf32> to vector<16xf32>
        %swap3A_877 = vector.shape_cast %mul3A_870 : vector<16xf32> to vector<1x1x16xf32>
        tpu.vector_store %arg6[%swap3A_872, %swap3A_873, %swap3A_874], %swap3A_877 {strides = array<i32>} : memref<5x128x64xf32, #tpu.memory_space<vmem>>, vector<1x1x16xf32>,
      }
      %scan3A_252 = arith.constant 128 : i32
      %mul3A_253 = arith.constant 128 : i32
      %mul3A_254 = arith.muli %add3A_232, %mul3A_253 : i32
      %add3A_255 = arith.addi %mul3A_2, %mul3A_254 : i32
      %dma_start3A_256 = arith.constant 3 : i32
      %dma_start3A_257 = arith.constant 0 : i32
      %dma_start3A_258 = arith.constant 0 : i32
      %dma_start3A_259 = tpu.memref_slice %arg6[%dma_start3A_256, %dma_start3A_257, %dma_start3A_258] : memref<5x128x64xf32, #tpu.memory_space<vmem>> -> memref<1x128x64xf32, #tpu.memory_space<vmem>>
      %dma_start3A_260 = tpu.memref_squeeze %dma_start3A_259 : memref<1x128x64xf32, #tpu.memory_space<vmem>> -> memref<128x64xf32, #tpu.memory_space<vmem>>
      %dma_start3A_261 = arith.constant 0 : i32
      %dma_start3A_262 = tpu.memref_slice %arg4[%add3A_255, %dma_start3A_261] : memref<204800x64xf32, #tpu.memory_space<hbm>> -> memref<128x64xf32, #tpu.memory_space<hbm>>
      %dma_start3A_263 = arith.constant 0 : i32
      %dma_start3A_264 = tpu.memref_slice %arg4[%add3A_255, %dma_start3A_263] : memref<204800x64xf32, #tpu.memory_space<hbm>> -> memref<128x64xf32, #tpu.memory_space<hbm>>
      %dma_start3A_265 = arith.constant 0 : i32
      %dma_start3A_266 = arith.constant 0 : i32
      %dma_start3A_267 = tpu.memref_slice %arg6[%dma_start3A_256, %dma_start3A_265, %dma_start3A_266] : memref<5x128x64xf32, #tpu.memory_space<vmem>> -> memref<1x128x64xf32, #tpu.memory_space<vmem>>
      %dma_start3A_268 = tpu.memref_squeeze %dma_start3A_267 : memref<1x128x64xf32, #tpu.memory_space<vmem>> -> memref<128x64xf32, #tpu.memory_space<vmem>>
      tpu.enqueue_dma source(%dma_start3A_268 : memref<128x64xf32, #tpu.memory_space<vmem>>) target(%dma_start3A_264 : memref<128x64xf32, #tpu.memory_space<hbm>>) target_semaphore(%arg8 : memref<!tpu.dma_semaphore, #tpu.memory_space<semaphore_mem>>)
      %add3A_269 = arith.constant 2 : i32
      %add3A_270 = arith.addi %add3A_232, %add3A_269 : i32
      %lt3A_271 = arith.constant 50 : i32
      %lt3A_272 = arith.cmpi slt, %add3A_270, %lt3A_271 : i32
      %convert_element_type3A_273 = arith.extui %lt3A_272 : i1 to i32
      %cond3A_274 = arith.constant 0 : i32
      %cond3A_275 = arith.cmpi ne, %convert_element_type3A_273, %cond3A_274 : i32
      scf.if %cond3A_275 {
        %ge3A = arith.constant 5 : i32
        %ge3A_321 = arith.cmpi sge, %add3A_270, %ge3A : i32
        %convert_element_type3A_322 = arith.extui %ge3A_321 : i1 to i32
        %cond3A_323 = arith.constant 0 : i32
        %cond3A_324 = arith.cmpi ne, %convert_element_type3A_322, %cond3A_323 : i32
        scf.if %cond3A_324 {
          %dma_wait3A_336 = arith.constant 0 : i32
          %dma_wait3A_337 = arith.constant 0 : i32
          %dma_wait3A_338 = arith.constant 0 : i32
          %dma_wait3A_339 = tpu.memref_slice %arg6[%dma_wait3A_336, %dma_wait3A_337, %dma_wait3A_338] : memref<5x128x64xf32, #tpu.memory_space<vmem>> -> memref<1x128x64xf32, #tpu.memory_space<vmem>>
          %dma_wait3A_340 = tpu.memref_squeeze %dma_wait3A_339 : memref<1x128x64xf32, #tpu.memory_space<vmem>> -> memref<128x64xf32, #tpu.memory_space<vmem>>
          %dma_wait3A_341 = arith.constant 0 : i32
          %dma_wait3A_342 = tpu.memref_slice %arg4[%mul3A_2, %dma_wait3A_341] : memref<204800x64xf32, #tpu.memory_space<hbm>> -> memref<128x64xf32, #tpu.memory_space<hbm>>
          %dma_wait3A_343 = arith.constant 0 : i32
          %dma_wait3A_344 = tpu.memref_slice %arg4[%mul3A_2, %dma_wait3A_343] : memref<204800x64xf32, #tpu.memory_space<hbm>> -> memref<128x64xf32, #tpu.memory_space<hbm>>
          %dma_wait3A_345 = arith.constant 0 : i32
          %dma_wait3A_346 = arith.constant 0 : i32
          %dma_wait3A_347 = tpu.memref_slice %arg6[%dma_wait3A_336, %dma_wait3A_345, %dma_wait3A_346] : memref<5x128x64xf32, #tpu.memory_space<vmem>> -> memref<1x128x64xf32, #tpu.memory_space<vmem>>
          %dma_wait3A_348 = tpu.memref_squeeze %dma_wait3A_347 : memref<1x128x64xf32, #tpu.memory_space<vmem>> -> memref<128x64xf32, #tpu.memory_space<vmem>>
          tpu.wait_dma2 semaphore(%arg8 : memref<!tpu.dma_semaphore, #tpu.memory_space<semaphore_mem>>) src(%dma_wait3A_348 : memref<128x64xf32, #tpu.memory_space<vmem>>) dst(%dma_wait3A_344 : memref<128x64xf32, #tpu.memory_space<hbm>>)
        } else {
        }
        %dma_start3A_325 = arith.constant 0 : i32
        %dma_start3A_326 = arith.constant 0 : i32
        %dma_start3A_327 = arith.constant 0 : i32
        %dma_start3A_328 = tpu.memref_slice %arg6[%dma_start3A_325, %dma_start3A_326, %dma_start3A_327] : memref<5x128x64xf32, #tpu.memory_space<vmem>> -> memref<1x128x64xf32, #tpu.memory_space<vmem>>
        %dma_start3A_329 = tpu.memref_squeeze %dma_start3A_328 : memref<1x128x64xf32, #tpu.memory_space<vmem>> -> memref<128x64xf32, #tpu.memory_space<vmem>>
        %dma_start3A_330 = arith.constant 0 : i32
        %dma_start3A_331 = tpu.memref_slice %arg5[%add3A_270, %dma_start3A_330] : memref<50x128xi32, #tpu.memory_space<vmem>> -> memref<1x128xi32, #tpu.memory_space<vmem>>
        %dma_start3A_332 = tpu.memref_squeeze %dma_start3A_331 : memref<1x128xi32, #tpu.memory_space<vmem>> -> memref<128xi32, #tpu.memory_space<vmem>>
        %dma_start3A_333 = arith.constant 0 : i32
        %dma_start3A_334 = arith.constant 0 : i32
        %dma_start3A_335 = tpu.memref_slice %arg3[%dma_start3A_333, %dma_start3A_334] : memref<1000000x64xf32, #tpu.memory_space<hbm>> -> memref<1000000x64xf32, #tpu.memory_space<hbm>>
        tpu.enqueue_indirect_dma source(%dma_start3A_335 : memref<1000000x64xf32, #tpu.memory_space<hbm>>) target(%dma_start3A_329 : memref<128x64xf32, #tpu.memory_space<vmem>>) offsets(%dma_start3A_332 : memref<128xi32, #tpu.memory_space<vmem>>) semaphore(%arg7 : memref<!tpu.dma_semaphore, #tpu.memory_space<semaphore_mem>>)
      } else {
      }
      %add3A_276 = arith.constant 4 : i32
      %add3A_277 = arith.addi %add3A_98, %add3A_276 : i32
      %dma_wait3A_278 = arith.constant 4 : i32
      %dma_wait3A_279 = arith.constant 0 : i32
      %dma_wait3A_280 = arith.constant 0 : i32
      %dma_wait3A_281 = tpu.memref_slice %arg6[%dma_wait3A_278, %dma_wait3A_279, %dma_wait3A_280] : memref<5x128x64xf32, #tpu.memory_space<vmem>> -> memref<1x128x64xf32, #tpu.memory_space<vmem>>
      %dma_wait3A_282 = tpu.memref_squeeze %dma_wait3A_281 : memref<1x128x64xf32, #tpu.memory_space<vmem>> -> memref<128x64xf32, #tpu.memory_space<vmem>>
      %dma_wait3A_283 = arith.constant 0 : i32
      %dma_wait3A_284 = arith.constant 0 : i32
      %dma_wait3A_285 = tpu.memref_slice %arg3[%dma_wait3A_283, %dma_wait3A_284] : memref<1000000x64xf32, #tpu.memory_space<hbm>> -> memref<128x64xf32, #tpu.memory_space<hbm>>
      %dma_wait3A_286 = arith.constant 0 : i32
      %dma_wait3A_287 = arith.constant 0 : i32
      %dma_wait3A_288 = tpu.memref_slice %arg6[%dma_wait3A_278, %dma_wait3A_286, %dma_wait3A_287] : memref<5x128x64xf32, #tpu.memory_space<vmem>> -> memref<1x128x64xf32, #tpu.memory_space<vmem>>
      %dma_wait3A_289 = tpu.memref_squeeze %dma_wait3A_288 : memref<1x128x64xf32, #tpu.memory_space<vmem>> -> memref<128x64xf32, #tpu.memory_space<vmem>>
      %dma_wait3A_290 = arith.constant 0 : i32
      %dma_wait3A_291 = arith.constant 0 : i32
      %dma_wait3A_292 = tpu.memref_slice %arg3[%dma_wait3A_290, %dma_wait3A_291] : memref<1000000x64xf32, #tpu.memory_space<hbm>> -> memref<128x64xf32, #tpu.memory_space<hbm>>
      tpu.wait_dma2 semaphore(%arg7 : memref<!tpu.dma_semaphore, #tpu.memory_space<semaphore_mem>>) src(%dma_wait3A_292 : memref<128x64xf32, #tpu.memory_space<hbm>>) dst(%dma_wait3A_289 : memref<128x64xf32, #tpu.memory_space<vmem>>)
      %scan3A_293 = arith.constant 0 : i32
      %scan3A_294 = arith.constant 128 : i32
      %scan3A_295 = arith.addi %scan3A_293, %scan3A_294 : i32
      %scan3A_296 = arith.constant 8 : i32
      scf.for %scan3A_321 = %scan3A_293 to %scan3A_295 step %scan3A_296  : i32 {
        %mul3A_322 = arith.constant 1 : i32
        %mul3A_323 = arith.muli %scan3A_321, %mul3A_322 : i32
        %add3A_324 = arith.constant 0 : i32
        %add3A_325 = arith.addi %add3A_324, %mul3A_323 : i32
        %get3A = arith.constant 4 : i32
        %get3A_326 = arith.index_cast %get3A : i32 to index
        %get3A_327 = arith.index_cast %add3A_325 : i32 to index
        %get3A_328 = arith.constant 0 : index
        %get3A_329 = tpu.vector_load %arg6[%get3A_326, %get3A_327, %get3A_328] {strides = array<i32>} : memref<5x128x64xf32, #tpu.memory_space<vmem>>, vector<1x1x16xf32>,
        %get3A_330 = vector.shape_cast %get3A_329 : vector<1x1x16xf32> to vector<16xf32>
        %mul3A_331 = arith.constant 8.000000e+00 : f32
        %mul3A_332 = vector.broadcast %mul3A_331 : f32 to vector<16xf32>
        %mul3A_333 = arith.mulf %get3A_330, %mul3A_332 : vector<16xf32>
        %swap3A = arith.constant 4 : i32
        %swap3A_334 = arith.index_cast %swap3A : i32 to index
        %swap3A_335 = arith.index_cast %add3A_325 : i32 to index
        %swap3A_336 = arith.constant 0 : index
        %swap3A_337 = tpu.vector_load %arg6[%swap3A_334, %swap3A_335, %swap3A_336] {strides = array<i32>} : memref<5x128x64xf32, #tpu.memory_space<vmem>>, vector<1x1x16xf32>,
        %swap3A_338 = vector.shape_cast %swap3A_337 : vector<1x1x16xf32> to vector<16xf32>
        %swap3A_339 = vector.shape_cast %mul3A_333 : vector<16xf32> to vector<1x1x16xf32>
        tpu.vector_store %arg6[%swap3A_334, %swap3A_335, %swap3A_336], %swap3A_339 {strides = array<i32>} : memref<5x128x64xf32, #tpu.memory_space<vmem>>, vector<1x1x16xf32>,
        %get3A_340 = arith.constant 4 : i32
        %get3A_341 = arith.index_cast %get3A_340 : i32 to index
        %get3A_342 = arith.index_cast %add3A_325 : i32 to index
        %get3A_343 = arith.constant 16 : index
        %get3A_344 = tpu.vector_load %arg6[%get3A_341, %get3A_342, %get3A_343] {strides = array<i32>} : memref<5x128x64xf32, #tpu.memory_space<vmem>>, vector<1x1x16xf32>,
        %get3A_345 = vector.shape_cast %get3A_344 : vector<1x1x16xf32> to vector<16xf32>
        %mul3A_346 = arith.constant 8.000000e+00 : f32
        %mul3A_347 = vector.broadcast %mul3A_346 : f32 to vector<16xf32>
        %mul3A_348 = arith.mulf %get3A_345, %mul3A_347 : vector<16xf32>
        %swap3A_349 = arith.constant 4 : i32
        %swap3A_350 = arith.index_cast %swap3A_349 : i32 to index
        %swap3A_351 = arith.index_cast %add3A_325 : i32 to index
        %swap3A_352 = arith.constant 16 : index
        %swap3A_353 = tpu.vector_load %arg6[%swap3A_350, %swap3A_351, %swap3A_352] {strides = array<i32>} : memref<5x128x64xf32, #tpu.memory_space<vmem>>, vector<1x1x16xf32>,
        %swap3A_354 = vector.shape_cast %swap3A_353 : vector<1x1x16xf32> to vector<16xf32>
        %swap3A_355 = vector.shape_cast %mul3A_348 : vector<16xf32> to vector<1x1x16xf32>
        tpu.vector_store %arg6[%swap3A_350, %swap3A_351, %swap3A_352], %swap3A_355 {strides = array<i32>} : memref<5x128x64xf32, #tpu.memory_space<vmem>>, vector<1x1x16xf32>,
        %get3A_356 = arith.constant 4 : i32
        %get3A_357 = arith.index_cast %get3A_356 : i32 to index
        %get3A_358 = arith.index_cast %add3A_325 : i32 to index
        %get3A_359 = arith.constant 32 : index
        %get3A_360 = tpu.vector_load %arg6[%get3A_357, %get3A_358, %get3A_359] {strides = array<i32>} : memref<5x128x64xf32, #tpu.memory_space<vmem>>, vector<1x1x16xf32>,
        %get3A_361 = vector.shape_cast %get3A_360 : vector<1x1x16xf32> to vector<16xf32>
        %mul3A_362 = arith.constant 8.000000e+00 : f32
        %mul3A_363 = vector.broadcast %mul3A_362 : f32 to vector<16xf32>
        %mul3A_364 = arith.mulf %get3A_361, %mul3A_363 : vector<16xf32>
        %swap3A_365 = arith.constant 4 : i32
        %swap3A_366 = arith.index_cast %swap3A_365 : i32 to index
        %swap3A_367 = arith.index_cast %add3A_325 : i32 to index
        %swap3A_368 = arith.constant 32 : index
        %swap3A_369 = tpu.vector_load %arg6[%swap3A_366, %swap3A_367, %swap3A_368] {strides = array<i32>} : memref<5x128x64xf32, #tpu.memory_space<vmem>>, vector<1x1x16xf32>,
        %swap3A_370 = vector.shape_cast %swap3A_369 : vector<1x1x16xf32> to vector<16xf32>
        %swap3A_371 = vector.shape_cast %mul3A_364 : vector<16xf32> to vector<1x1x16xf32>
        tpu.vector_store %arg6[%swap3A_366, %swap3A_367, %swap3A_368], %swap3A_371 {strides = array<i32>} : memref<5x128x64xf32, #tpu.memory_space<vmem>>, vector<1x1x16xf32>,
        %get3A_372 = arith.constant 4 : i32
        %get3A_373 = arith.index_cast %get3A_372 : i32 to index
        %get3A_374 = arith.index_cast %add3A_325 : i32 to index
        %get3A_375 = arith.constant 48 : index
        %get3A_376 = tpu.vector_load %arg6[%get3A_373, %get3A_374, %get3A_375] {strides = array<i32>} : memref<5x128x64xf32, #tpu.memory_space<vmem>>, vector<1x1x16xf32>,
        %get3A_377 = vector.shape_cast %get3A_376 : vector<1x1x16xf32> to vector<16xf32>
        %mul3A_378 = arith.constant 8.000000e+00 : f32
        %mul3A_379 = vector.broadcast %mul3A_378 : f32 to vector<16xf32>
        %mul3A_380 = arith.mulf %get3A_377, %mul3A_379 : vector<16xf32>
        %swap3A_381 = arith.constant 4 : i32
        %swap3A_382 = arith.index_cast %swap3A_381 : i32 to index
        %swap3A_383 = arith.index_cast %add3A_325 : i32 to index
        %swap3A_384 = arith.constant 48 : index
        %swap3A_385 = tpu.vector_load %arg6[%swap3A_382, %swap3A_383, %swap3A_384] {strides = array<i32>} : memref<5x128x64xf32, #tpu.memory_space<vmem>>, vector<1x1x16xf32>,
        %swap3A_386 = vector.shape_cast %swap3A_385 : vector<1x1x16xf32> to vector<16xf32>
        %swap3A_387 = vector.shape_cast %mul3A_380 : vector<16xf32> to vector<1x1x16xf32>
        tpu.vector_store %arg6[%swap3A_382, %swap3A_383, %swap3A_384], %swap3A_387 {strides = array<i32>} : memref<5x128x64xf32, #tpu.memory_space<vmem>>, vector<1x1x16xf32>,
        %scan3A_388 = arith.constant 1 : i32
        %scan3A_389 = arith.addi %scan3A_321, %scan3A_388 : i32
        %mul3A_390 = arith.constant 1 : i32
        %mul3A_391 = arith.muli %scan3A_389, %mul3A_390 : i32
        %add3A_392 = arith.constant 0 : i32
        %add3A_393 = arith.addi %add3A_392, %mul3A_391 : i32
        %get3A_394 = arith.constant 4 : i32
        %get3A_395 = arith.index_cast %get3A_394 : i32 to index
        %get3A_396 = arith.index_cast %add3A_393 : i32 to index
        %get3A_397 = arith.constant 0 : index
        %get3A_398 = tpu.vector_load %arg6[%get3A_395, %get3A_396, %get3A_397] {strides = array<i32>} : memref<5x128x64xf32, #tpu.memory_space<vmem>>, vector<1x1x16xf32>,
        %get3A_399 = vector.shape_cast %get3A_398 : vector<1x1x16xf32> to vector<16xf32>
        %mul3A_400 = arith.constant 8.000000e+00 : f32
        %mul3A_401 = vector.broadcast %mul3A_400 : f32 to vector<16xf32>
        %mul3A_402 = arith.mulf %get3A_399, %mul3A_401 : vector<16xf32>
        %swap3A_403 = arith.constant 4 : i32
        %swap3A_404 = arith.index_cast %swap3A_403 : i32 to index
        %swap3A_405 = arith.index_cast %add3A_393 : i32 to index
        %swap3A_406 = arith.constant 0 : index
        %swap3A_407 = tpu.vector_load %arg6[%swap3A_404, %swap3A_405, %swap3A_406] {strides = array<i32>} : memref<5x128x64xf32, #tpu.memory_space<vmem>>, vector<1x1x16xf32>,
        %swap3A_408 = vector.shape_cast %swap3A_407 : vector<1x1x16xf32> to vector<16xf32>
        %swap3A_409 = vector.shape_cast %mul3A_402 : vector<16xf32> to vector<1x1x16xf32>
        tpu.vector_store %arg6[%swap3A_404, %swap3A_405, %swap3A_406], %swap3A_409 {strides = array<i32>} : memref<5x128x64xf32, #tpu.memory_space<vmem>>, vector<1x1x16xf32>,
        %get3A_410 = arith.constant 4 : i32
        %get3A_411 = arith.index_cast %get3A_410 : i32 to index
        %get3A_412 = arith.index_cast %add3A_393 : i32 to index
        %get3A_413 = arith.constant 16 : index
        %get3A_414 = tpu.vector_load %arg6[%get3A_411, %get3A_412, %get3A_413] {strides = array<i32>} : memref<5x128x64xf32, #tpu.memory_space<vmem>>, vector<1x1x16xf32>,
        %get3A_415 = vector.shape_cast %get3A_414 : vector<1x1x16xf32> to vector<16xf32>
        %mul3A_416 = arith.constant 8.000000e+00 : f32
        %mul3A_417 = vector.broadcast %mul3A_416 : f32 to vector<16xf32>
        %mul3A_418 = arith.mulf %get3A_415, %mul3A_417 : vector<16xf32>
        %swap3A_419 = arith.constant 4 : i32
        %swap3A_420 = arith.index_cast %swap3A_419 : i32 to index
        %swap3A_421 = arith.index_cast %add3A_393 : i32 to index
        %swap3A_422 = arith.constant 16 : index
        %swap3A_423 = tpu.vector_load %arg6[%swap3A_420, %swap3A_421, %swap3A_422] {strides = array<i32>} : memref<5x128x64xf32, #tpu.memory_space<vmem>>, vector<1x1x16xf32>,
        %swap3A_424 = vector.shape_cast %swap3A_423 : vector<1x1x16xf32> to vector<16xf32>
        %swap3A_425 = vector.shape_cast %mul3A_418 : vector<16xf32> to vector<1x1x16xf32>
        tpu.vector_store %arg6[%swap3A_420, %swap3A_421, %swap3A_422], %swap3A_425 {strides = array<i32>} : memref<5x128x64xf32, #tpu.memory_space<vmem>>, vector<1x1x16xf32>,
        %get3A_426 = arith.constant 4 : i32
        %get3A_427 = arith.index_cast %get3A_426 : i32 to index
        %get3A_428 = arith.index_cast %add3A_393 : i32 to index
        %get3A_429 = arith.constant 32 : index
        %get3A_430 = tpu.vector_load %arg6[%get3A_427, %get3A_428, %get3A_429] {strides = array<i32>} : memref<5x128x64xf32, #tpu.memory_space<vmem>>, vector<1x1x16xf32>,
        %get3A_431 = vector.shape_cast %get3A_430 : vector<1x1x16xf32> to vector<16xf32>
        %mul3A_432 = arith.constant 8.000000e+00 : f32
        %mul3A_433 = vector.broadcast %mul3A_432 : f32 to vector<16xf32>
        %mul3A_434 = arith.mulf %get3A_431, %mul3A_433 : vector<16xf32>
        %swap3A_435 = arith.constant 4 : i32
        %swap3A_436 = arith.index_cast %swap3A_435 : i32 to index
        %swap3A_437 = arith.index_cast %add3A_393 : i32 to index
        %swap3A_438 = arith.constant 32 : index
        %swap3A_439 = tpu.vector_load %arg6[%swap3A_436, %swap3A_437, %swap3A_438] {strides = array<i32>} : memref<5x128x64xf32, #tpu.memory_space<vmem>>, vector<1x1x16xf32>,
        %swap3A_440 = vector.shape_cast %swap3A_439 : vector<1x1x16xf32> to vector<16xf32>
        %swap3A_441 = vector.shape_cast %mul3A_434 : vector<16xf32> to vector<1x1x16xf32>
        tpu.vector_store %arg6[%swap3A_436, %swap3A_437, %swap3A_438], %swap3A_441 {strides = array<i32>} : memref<5x128x64xf32, #tpu.memory_space<vmem>>, vector<1x1x16xf32>,
        %get3A_442 = arith.constant 4 : i32
        %get3A_443 = arith.index_cast %get3A_442 : i32 to index
        %get3A_444 = arith.index_cast %add3A_393 : i32 to index
        %get3A_445 = arith.constant 48 : index
        %get3A_446 = tpu.vector_load %arg6[%get3A_443, %get3A_444, %get3A_445] {strides = array<i32>} : memref<5x128x64xf32, #tpu.memory_space<vmem>>, vector<1x1x16xf32>,
        %get3A_447 = vector.shape_cast %get3A_446 : vector<1x1x16xf32> to vector<16xf32>
        %mul3A_448 = arith.constant 8.000000e+00 : f32
        %mul3A_449 = vector.broadcast %mul3A_448 : f32 to vector<16xf32>
        %mul3A_450 = arith.mulf %get3A_447, %mul3A_449 : vector<16xf32>
        %swap3A_451 = arith.constant 4 : i32
        %swap3A_452 = arith.index_cast %swap3A_451 : i32 to index
        %swap3A_453 = arith.index_cast %add3A_393 : i32 to index
        %swap3A_454 = arith.constant 48 : index
        %swap3A_455 = tpu.vector_load %arg6[%swap3A_452, %swap3A_453, %swap3A_454] {strides = array<i32>} : memref<5x128x64xf32, #tpu.memory_space<vmem>>, vector<1x1x16xf32>,
        %swap3A_456 = vector.shape_cast %swap3A_455 : vector<1x1x16xf32> to vector<16xf32>
        %swap3A_457 = vector.shape_cast %mul3A_450 : vector<16xf32> to vector<1x1x16xf32>
        tpu.vector_store %arg6[%swap3A_452, %swap3A_453, %swap3A_454], %swap3A_457 {strides = array<i32>} : memref<5x128x64xf32, #tpu.memory_space<vmem>>, vector<1x1x16xf32>,
        %scan3A_458 = arith.constant 2 : i32
        %scan3A_459 = arith.addi %scan3A_321, %scan3A_458 : i32
        %mul3A_460 = arith.constant 1 : i32
        %mul3A_461 = arith.muli %scan3A_459, %mul3A_460 : i32
        %add3A_462 = arith.constant 0 : i32
        %add3A_463 = arith.addi %add3A_462, %mul3A_461 : i32
        %get3A_464 = arith.constant 4 : i32
        %get3A_465 = arith.index_cast %get3A_464 : i32 to index
        %get3A_466 = arith.index_cast %add3A_463 : i32 to index
        %get3A_467 = arith.constant 0 : index
        %get3A_468 = tpu.vector_load %arg6[%get3A_465, %get3A_466, %get3A_467] {strides = array<i32>} : memref<5x128x64xf32, #tpu.memory_space<vmem>>, vector<1x1x16xf32>,
        %get3A_469 = vector.shape_cast %get3A_468 : vector<1x1x16xf32> to vector<16xf32>
        %mul3A_470 = arith.constant 8.000000e+00 : f32
        %mul3A_471 = vector.broadcast %mul3A_470 : f32 to vector<16xf32>
        %mul3A_472 = arith.mulf %get3A_469, %mul3A_471 : vector<16xf32>
        %swap3A_473 = arith.constant 4 : i32
        %swap3A_474 = arith.index_cast %swap3A_473 : i32 to index
        %swap3A_475 = arith.index_cast %add3A_463 : i32 to index
        %swap3A_476 = arith.constant 0 : index
        %swap3A_477 = tpu.vector_load %arg6[%swap3A_474, %swap3A_475, %swap3A_476] {strides = array<i32>} : memref<5x128x64xf32, #tpu.memory_space<vmem>>, vector<1x1x16xf32>,
        %swap3A_478 = vector.shape_cast %swap3A_477 : vector<1x1x16xf32> to vector<16xf32>
        %swap3A_479 = vector.shape_cast %mul3A_472 : vector<16xf32> to vector<1x1x16xf32>
        tpu.vector_store %arg6[%swap3A_474, %swap3A_475, %swap3A_476], %swap3A_479 {strides = array<i32>} : memref<5x128x64xf32, #tpu.memory_space<vmem>>, vector<1x1x16xf32>,
        %get3A_480 = arith.constant 4 : i32
        %get3A_481 = arith.index_cast %get3A_480 : i32 to index
        %get3A_482 = arith.index_cast %add3A_463 : i32 to index
        %get3A_483 = arith.constant 16 : index
        %get3A_484 = tpu.vector_load %arg6[%get3A_481, %get3A_482, %get3A_483] {strides = array<i32>} : memref<5x128x64xf32, #tpu.memory_space<vmem>>, vector<1x1x16xf32>,
        %get3A_485 = vector.shape_cast %get3A_484 : vector<1x1x16xf32> to vector<16xf32>
        %mul3A_486 = arith.constant 8.000000e+00 : f32
        %mul3A_487 = vector.broadcast %mul3A_486 : f32 to vector<16xf32>
        %mul3A_488 = arith.mulf %get3A_485, %mul3A_487 : vector<16xf32>
        %swap3A_489 = arith.constant 4 : i32
        %swap3A_490 = arith.index_cast %swap3A_489 : i32 to index
        %swap3A_491 = arith.index_cast %add3A_463 : i32 to index
        %swap3A_492 = arith.constant 16 : index
        %swap3A_493 = tpu.vector_load %arg6[%swap3A_490, %swap3A_491, %swap3A_492] {strides = array<i32>} : memref<5x128x64xf32, #tpu.memory_space<vmem>>, vector<1x1x16xf32>,
        %swap3A_494 = vector.shape_cast %swap3A_493 : vector<1x1x16xf32> to vector<16xf32>
        %swap3A_495 = vector.shape_cast %mul3A_488 : vector<16xf32> to vector<1x1x16xf32>
        tpu.vector_store %arg6[%swap3A_490, %swap3A_491, %swap3A_492], %swap3A_495 {strides = array<i32>} : memref<5x128x64xf32, #tpu.memory_space<vmem>>, vector<1x1x16xf32>,
        %get3A_496 = arith.constant 4 : i32
        %get3A_497 = arith.index_cast %get3A_496 : i32 to index
        %get3A_498 = arith.index_cast %add3A_463 : i32 to index
        %get3A_499 = arith.constant 32 : index
        %get3A_500 = tpu.vector_load %arg6[%get3A_497, %get3A_498, %get3A_499] {strides = array<i32>} : memref<5x128x64xf32, #tpu.memory_space<vmem>>, vector<1x1x16xf32>,
        %get3A_501 = vector.shape_cast %get3A_500 : vector<1x1x16xf32> to vector<16xf32>
        %mul3A_502 = arith.constant 8.000000e+00 : f32
        %mul3A_503 = vector.broadcast %mul3A_502 : f32 to vector<16xf32>
        %mul3A_504 = arith.mulf %get3A_501, %mul3A_503 : vector<16xf32>
        %swap3A_505 = arith.constant 4 : i32
        %swap3A_506 = arith.index_cast %swap3A_505 : i32 to index
        %swap3A_507 = arith.index_cast %add3A_463 : i32 to index
        %swap3A_508 = arith.constant 32 : index
        %swap3A_509 = tpu.vector_load %arg6[%swap3A_506, %swap3A_507, %swap3A_508] {strides = array<i32>} : memref<5x128x64xf32, #tpu.memory_space<vmem>>, vector<1x1x16xf32>,
        %swap3A_510 = vector.shape_cast %swap3A_509 : vector<1x1x16xf32> to vector<16xf32>
        %swap3A_511 = vector.shape_cast %mul3A_504 : vector<16xf32> to vector<1x1x16xf32>
        tpu.vector_store %arg6[%swap3A_506, %swap3A_507, %swap3A_508], %swap3A_511 {strides = array<i32>} : memref<5x128x64xf32, #tpu.memory_space<vmem>>, vector<1x1x16xf32>,
        %get3A_512 = arith.constant 4 : i32
        %get3A_513 = arith.index_cast %get3A_512 : i32 to index
        %get3A_514 = arith.index_cast %add3A_463 : i32 to index
        %get3A_515 = arith.constant 48 : index
        %get3A_516 = tpu.vector_load %arg6[%get3A_513, %get3A_514, %get3A_515] {strides = array<i32>} : memref<5x128x64xf32, #tpu.memory_space<vmem>>, vector<1x1x16xf32>,
        %get3A_517 = vector.shape_cast %get3A_516 : vector<1x1x16xf32> to vector<16xf32>
        %mul3A_518 = arith.constant 8.000000e+00 : f32
        %mul3A_519 = vector.broadcast %mul3A_518 : f32 to vector<16xf32>
        %mul3A_520 = arith.mulf %get3A_517, %mul3A_519 : vector<16xf32>
        %swap3A_521 = arith.constant 4 : i32
        %swap3A_522 = arith.index_cast %swap3A_521 : i32 to index
        %swap3A_523 = arith.index_cast %add3A_463 : i32 to index
        %swap3A_524 = arith.constant 48 : index
        %swap3A_525 = tpu.vector_load %arg6[%swap3A_522, %swap3A_523, %swap3A_524] {strides = array<i32>} : memref<5x128x64xf32, #tpu.memory_space<vmem>>, vector<1x1x16xf32>,
        %swap3A_526 = vector.shape_cast %swap3A_525 : vector<1x1x16xf32> to vector<16xf32>
        %swap3A_527 = vector.shape_cast %mul3A_520 : vector<16xf32> to vector<1x1x16xf32>
        tpu.vector_store %arg6[%swap3A_522, %swap3A_523, %swap3A_524], %swap3A_527 {strides = array<i32>} : memref<5x128x64xf32, #tpu.memory_space<vmem>>, vector<1x1x16xf32>,
        %scan3A_528 = arith.constant 3 : i32
        %scan3A_529 = arith.addi %scan3A_321, %scan3A_528 : i32
        %mul3A_530 = arith.constant 1 : i32
        %mul3A_531 = arith.muli %scan3A_529, %mul3A_530 : i32
        %add3A_532 = arith.constant 0 : i32
        %add3A_533 = arith.addi %add3A_532, %mul3A_531 : i32
        %get3A_534 = arith.constant 4 : i32
        %get3A_535 = arith.index_cast %get3A_534 : i32 to index
        %get3A_536 = arith.index_cast %add3A_533 : i32 to index
        %get3A_537 = arith.constant 0 : index
        %get3A_538 = tpu.vector_load %arg6[%get3A_535, %get3A_536, %get3A_537] {strides = array<i32>} : memref<5x128x64xf32, #tpu.memory_space<vmem>>, vector<1x1x16xf32>,
        %get3A_539 = vector.shape_cast %get3A_538 : vector<1x1x16xf32> to vector<16xf32>
        %mul3A_540 = arith.constant 8.000000e+00 : f32
        %mul3A_541 = vector.broadcast %mul3A_540 : f32 to vector<16xf32>
        %mul3A_542 = arith.mulf %get3A_539, %mul3A_541 : vector<16xf32>
        %swap3A_543 = arith.constant 4 : i32
        %swap3A_544 = arith.index_cast %swap3A_543 : i32 to index
        %swap3A_545 = arith.index_cast %add3A_533 : i32 to index
        %swap3A_546 = arith.constant 0 : index
        %swap3A_547 = tpu.vector_load %arg6[%swap3A_544, %swap3A_545, %swap3A_546] {strides = array<i32>} : memref<5x128x64xf32, #tpu.memory_space<vmem>>, vector<1x1x16xf32>,
        %swap3A_548 = vector.shape_cast %swap3A_547 : vector<1x1x16xf32> to vector<16xf32>
        %swap3A_549 = vector.shape_cast %mul3A_542 : vector<16xf32> to vector<1x1x16xf32>
        tpu.vector_store %arg6[%swap3A_544, %swap3A_545, %swap3A_546], %swap3A_549 {strides = array<i32>} : memref<5x128x64xf32, #tpu.memory_space<vmem>>, vector<1x1x16xf32>,
        %get3A_550 = arith.constant 4 : i32
        %get3A_551 = arith.index_cast %get3A_550 : i32 to index
        %get3A_552 = arith.index_cast %add3A_533 : i32 to index
        %get3A_553 = arith.constant 16 : index
        %get3A_554 = tpu.vector_load %arg6[%get3A_551, %get3A_552, %get3A_553] {strides = array<i32>} : memref<5x128x64xf32, #tpu.memory_space<vmem>>, vector<1x1x16xf32>,
        %get3A_555 = vector.shape_cast %get3A_554 : vector<1x1x16xf32> to vector<16xf32>
        %mul3A_556 = arith.constant 8.000000e+00 : f32
        %mul3A_557 = vector.broadcast %mul3A_556 : f32 to vector<16xf32>
        %mul3A_558 = arith.mulf %get3A_555, %mul3A_557 : vector<16xf32>
        %swap3A_559 = arith.constant 4 : i32
        %swap3A_560 = arith.index_cast %swap3A_559 : i32 to index
        %swap3A_561 = arith.index_cast %add3A_533 : i32 to index
        %swap3A_562 = arith.constant 16 : index
        %swap3A_563 = tpu.vector_load %arg6[%swap3A_560, %swap3A_561, %swap3A_562] {strides = array<i32>} : memref<5x128x64xf32, #tpu.memory_space<vmem>>, vector<1x1x16xf32>,
        %swap3A_564 = vector.shape_cast %swap3A_563 : vector<1x1x16xf32> to vector<16xf32>
        %swap3A_565 = vector.shape_cast %mul3A_558 : vector<16xf32> to vector<1x1x16xf32>
        tpu.vector_store %arg6[%swap3A_560, %swap3A_561, %swap3A_562], %swap3A_565 {strides = array<i32>} : memref<5x128x64xf32, #tpu.memory_space<vmem>>, vector<1x1x16xf32>,
        %get3A_566 = arith.constant 4 : i32
        %get3A_567 = arith.index_cast %get3A_566 : i32 to index
        %get3A_568 = arith.index_cast %add3A_533 : i32 to index
        %get3A_569 = arith.constant 32 : index
        %get3A_570 = tpu.vector_load %arg6[%get3A_567, %get3A_568, %get3A_569] {strides = array<i32>} : memref<5x128x64xf32, #tpu.memory_space<vmem>>, vector<1x1x16xf32>,
        %get3A_571 = vector.shape_cast %get3A_570 : vector<1x1x16xf32> to vector<16xf32>
        %mul3A_572 = arith.constant 8.000000e+00 : f32
        %mul3A_573 = vector.broadcast %mul3A_572 : f32 to vector<16xf32>
        %mul3A_574 = arith.mulf %get3A_571, %mul3A_573 : vector<16xf32>
        %swap3A_575 = arith.constant 4 : i32
        %swap3A_576 = arith.index_cast %swap3A_575 : i32 to index
        %swap3A_577 = arith.index_cast %add3A_533 : i32 to index
        %swap3A_578 = arith.constant 32 : index
        %swap3A_579 = tpu.vector_load %arg6[%swap3A_576, %swap3A_577, %swap3A_578] {strides = array<i32>} : memref<5x128x64xf32, #tpu.memory_space<vmem>>, vector<1x1x16xf32>,
        %swap3A_580 = vector.shape_cast %swap3A_579 : vector<1x1x16xf32> to vector<16xf32>
        %swap3A_581 = vector.shape_cast %mul3A_574 : vector<16xf32> to vector<1x1x16xf32>
        tpu.vector_store %arg6[%swap3A_576, %swap3A_577, %swap3A_578], %swap3A_581 {strides = array<i32>} : memref<5x128x64xf32, #tpu.memory_space<vmem>>, vector<1x1x16xf32>,
        %get3A_582 = arith.constant 4 : i32
        %get3A_583 = arith.index_cast %get3A_582 : i32 to index
        %get3A_584 = arith.index_cast %add3A_533 : i32 to index
        %get3A_585 = arith.constant 48 : index
        %get3A_586 = tpu.vector_load %arg6[%get3A_583, %get3A_584, %get3A_585] {strides = array<i32>} : memref<5x128x64xf32, #tpu.memory_space<vmem>>, vector<1x1x16xf32>,
        %get3A_587 = vector.shape_cast %get3A_586 : vector<1x1x16xf32> to vector<16xf32>
        %mul3A_588 = arith.constant 8.000000e+00 : f32
        %mul3A_589 = vector.broadcast %mul3A_588 : f32 to vector<16xf32>
        %mul3A_590 = arith.mulf %get3A_587, %mul3A_589 : vector<16xf32>
        %swap3A_591 = arith.constant 4 : i32
        %swap3A_592 = arith.index_cast %swap3A_591 : i32 to index
        %swap3A_593 = arith.index_cast %add3A_533 : i32 to index
        %swap3A_594 = arith.constant 48 : index
        %swap3A_595 = tpu.vector_load %arg6[%swap3A_592, %swap3A_593, %swap3A_594] {strides = array<i32>} : memref<5x128x64xf32, #tpu.memory_space<vmem>>, vector<1x1x16xf32>,
        %swap3A_596 = vector.shape_cast %swap3A_595 : vector<1x1x16xf32> to vector<16xf32>
        %swap3A_597 = vector.shape_cast %mul3A_590 : vector<16xf32> to vector<1x1x16xf32>
        tpu.vector_store %arg6[%swap3A_592, %swap3A_593, %swap3A_594], %swap3A_597 {strides = array<i32>} : memref<5x128x64xf32, #tpu.memory_space<vmem>>, vector<1x1x16xf32>,
        %scan3A_598 = arith.constant 4 : i32
        %scan3A_599 = arith.addi %scan3A_321, %scan3A_598 : i32
        %mul3A_600 = arith.constant 1 : i32
        %mul3A_601 = arith.muli %scan3A_599, %mul3A_600 : i32
        %add3A_602 = arith.constant 0 : i32
        %add3A_603 = arith.addi %add3A_602, %mul3A_601 : i32
        %get3A_604 = arith.constant 4 : i32
        %get3A_605 = arith.index_cast %get3A_604 : i32 to index
        %get3A_606 = arith.index_cast %add3A_603 : i32 to index
        %get3A_607 = arith.constant 0 : index
        %get3A_608 = tpu.vector_load %arg6[%get3A_605, %get3A_606, %get3A_607] {strides = array<i32>} : memref<5x128x64xf32, #tpu.memory_space<vmem>>, vector<1x1x16xf32>,
        %get3A_609 = vector.shape_cast %get3A_608 : vector<1x1x16xf32> to vector<16xf32>
        %mul3A_610 = arith.constant 8.000000e+00 : f32
        %mul3A_611 = vector.broadcast %mul3A_610 : f32 to vector<16xf32>
        %mul3A_612 = arith.mulf %get3A_609, %mul3A_611 : vector<16xf32>
        %swap3A_613 = arith.constant 4 : i32
        %swap3A_614 = arith.index_cast %swap3A_613 : i32 to index
        %swap3A_615 = arith.index_cast %add3A_603 : i32 to index
        %swap3A_616 = arith.constant 0 : index
        %swap3A_617 = tpu.vector_load %arg6[%swap3A_614, %swap3A_615, %swap3A_616] {strides = array<i32>} : memref<5x128x64xf32, #tpu.memory_space<vmem>>, vector<1x1x16xf32>,
        %swap3A_618 = vector.shape_cast %swap3A_617 : vector<1x1x16xf32> to vector<16xf32>
        %swap3A_619 = vector.shape_cast %mul3A_612 : vector<16xf32> to vector<1x1x16xf32>
        tpu.vector_store %arg6[%swap3A_614, %swap3A_615, %swap3A_616], %swap3A_619 {strides = array<i32>} : memref<5x128x64xf32, #tpu.memory_space<vmem>>, vector<1x1x16xf32>,
        %get3A_620 = arith.constant 4 : i32
        %get3A_621 = arith.index_cast %get3A_620 : i32 to index
        %get3A_622 = arith.index_cast %add3A_603 : i32 to index
        %get3A_623 = arith.constant 16 : index
        %get3A_624 = tpu.vector_load %arg6[%get3A_621, %get3A_622, %get3A_623] {strides = array<i32>} : memref<5x128x64xf32, #tpu.memory_space<vmem>>, vector<1x1x16xf32>,
        %get3A_625 = vector.shape_cast %get3A_624 : vector<1x1x16xf32> to vector<16xf32>
        %mul3A_626 = arith.constant 8.000000e+00 : f32
        %mul3A_627 = vector.broadcast %mul3A_626 : f32 to vector<16xf32>
        %mul3A_628 = arith.mulf %get3A_625, %mul3A_627 : vector<16xf32>
        %swap3A_629 = arith.constant 4 : i32
        %swap3A_630 = arith.index_cast %swap3A_629 : i32 to index
        %swap3A_631 = arith.index_cast %add3A_603 : i32 to index
        %swap3A_632 = arith.constant 16 : index
        %swap3A_633 = tpu.vector_load %arg6[%swap3A_630, %swap3A_631, %swap3A_632] {strides = array<i32>} : memref<5x128x64xf32, #tpu.memory_space<vmem>>, vector<1x1x16xf32>,
        %swap3A_634 = vector.shape_cast %swap3A_633 : vector<1x1x16xf32> to vector<16xf32>
        %swap3A_635 = vector.shape_cast %mul3A_628 : vector<16xf32> to vector<1x1x16xf32>
        tpu.vector_store %arg6[%swap3A_630, %swap3A_631, %swap3A_632], %swap3A_635 {strides = array<i32>} : memref<5x128x64xf32, #tpu.memory_space<vmem>>, vector<1x1x16xf32>,
        %get3A_636 = arith.constant 4 : i32
        %get3A_637 = arith.index_cast %get3A_636 : i32 to index
        %get3A_638 = arith.index_cast %add3A_603 : i32 to index
        %get3A_639 = arith.constant 32 : index
        %get3A_640 = tpu.vector_load %arg6[%get3A_637, %get3A_638, %get3A_639] {strides = array<i32>} : memref<5x128x64xf32, #tpu.memory_space<vmem>>, vector<1x1x16xf32>,
        %get3A_641 = vector.shape_cast %get3A_640 : vector<1x1x16xf32> to vector<16xf32>
        %mul3A_642 = arith.constant 8.000000e+00 : f32
        %mul3A_643 = vector.broadcast %mul3A_642 : f32 to vector<16xf32>
        %mul3A_644 = arith.mulf %get3A_641, %mul3A_643 : vector<16xf32>
        %swap3A_645 = arith.constant 4 : i32
        %swap3A_646 = arith.index_cast %swap3A_645 : i32 to index
        %swap3A_647 = arith.index_cast %add3A_603 : i32 to index
        %swap3A_648 = arith.constant 32 : index
        %swap3A_649 = tpu.vector_load %arg6[%swap3A_646, %swap3A_647, %swap3A_648] {strides = array<i32>} : memref<5x128x64xf32, #tpu.memory_space<vmem>>, vector<1x1x16xf32>,
        %swap3A_650 = vector.shape_cast %swap3A_649 : vector<1x1x16xf32> to vector<16xf32>
        %swap3A_651 = vector.shape_cast %mul3A_644 : vector<16xf32> to vector<1x1x16xf32>
        tpu.vector_store %arg6[%swap3A_646, %swap3A_647, %swap3A_648], %swap3A_651 {strides = array<i32>} : memref<5x128x64xf32, #tpu.memory_space<vmem>>, vector<1x1x16xf32>,
        %get3A_652 = arith.constant 4 : i32
        %get3A_653 = arith.index_cast %get3A_652 : i32 to index
        %get3A_654 = arith.index_cast %add3A_603 : i32 to index
        %get3A_655 = arith.constant 48 : index
        %get3A_656 = tpu.vector_load %arg6[%get3A_653, %get3A_654, %get3A_655] {strides = array<i32>} : memref<5x128x64xf32, #tpu.memory_space<vmem>>, vector<1x1x16xf32>,
        %get3A_657 = vector.shape_cast %get3A_656 : vector<1x1x16xf32> to vector<16xf32>
        %mul3A_658 = arith.constant 8.000000e+00 : f32
        %mul3A_659 = vector.broadcast %mul3A_658 : f32 to vector<16xf32>
        %mul3A_660 = arith.mulf %get3A_657, %mul3A_659 : vector<16xf32>
        %swap3A_661 = arith.constant 4 : i32
        %swap3A_662 = arith.index_cast %swap3A_661 : i32 to index
        %swap3A_663 = arith.index_cast %add3A_603 : i32 to index
        %swap3A_664 = arith.constant 48 : index
        %swap3A_665 = tpu.vector_load %arg6[%swap3A_662, %swap3A_663, %swap3A_664] {strides = array<i32>} : memref<5x128x64xf32, #tpu.memory_space<vmem>>, vector<1x1x16xf32>,
        %swap3A_666 = vector.shape_cast %swap3A_665 : vector<1x1x16xf32> to vector<16xf32>
        %swap3A_667 = vector.shape_cast %mul3A_660 : vector<16xf32> to vector<1x1x16xf32>
        tpu.vector_store %arg6[%swap3A_662, %swap3A_663, %swap3A_664], %swap3A_667 {strides = array<i32>} : memref<5x128x64xf32, #tpu.memory_space<vmem>>, vector<1x1x16xf32>,
        %scan3A_668 = arith.constant 5 : i32
        %scan3A_669 = arith.addi %scan3A_321, %scan3A_668 : i32
        %mul3A_670 = arith.constant 1 : i32
        %mul3A_671 = arith.muli %scan3A_669, %mul3A_670 : i32
        %add3A_672 = arith.constant 0 : i32
        %add3A_673 = arith.addi %add3A_672, %mul3A_671 : i32
        %get3A_674 = arith.constant 4 : i32
        %get3A_675 = arith.index_cast %get3A_674 : i32 to index
        %get3A_676 = arith.index_cast %add3A_673 : i32 to index
        %get3A_677 = arith.constant 0 : index
        %get3A_678 = tpu.vector_load %arg6[%get3A_675, %get3A_676, %get3A_677] {strides = array<i32>} : memref<5x128x64xf32, #tpu.memory_space<vmem>>, vector<1x1x16xf32>,
        %get3A_679 = vector.shape_cast %get3A_678 : vector<1x1x16xf32> to vector<16xf32>
        %mul3A_680 = arith.constant 8.000000e+00 : f32
        %mul3A_681 = vector.broadcast %mul3A_680 : f32 to vector<16xf32>
        %mul3A_682 = arith.mulf %get3A_679, %mul3A_681 : vector<16xf32>
        %swap3A_683 = arith.constant 4 : i32
        %swap3A_684 = arith.index_cast %swap3A_683 : i32 to index
        %swap3A_685 = arith.index_cast %add3A_673 : i32 to index
        %swap3A_686 = arith.constant 0 : index
        %swap3A_687 = tpu.vector_load %arg6[%swap3A_684, %swap3A_685, %swap3A_686] {strides = array<i32>} : memref<5x128x64xf32, #tpu.memory_space<vmem>>, vector<1x1x16xf32>,
        %swap3A_688 = vector.shape_cast %swap3A_687 : vector<1x1x16xf32> to vector<16xf32>
        %swap3A_689 = vector.shape_cast %mul3A_682 : vector<16xf32> to vector<1x1x16xf32>
        tpu.vector_store %arg6[%swap3A_684, %swap3A_685, %swap3A_686], %swap3A_689 {strides = array<i32>} : memref<5x128x64xf32, #tpu.memory_space<vmem>>, vector<1x1x16xf32>,
        %get3A_690 = arith.constant 4 : i32
        %get3A_691 = arith.index_cast %get3A_690 : i32 to index
        %get3A_692 = arith.index_cast %add3A_673 : i32 to index
        %get3A_693 = arith.constant 16 : index
        %get3A_694 = tpu.vector_load %arg6[%get3A_691, %get3A_692, %get3A_693] {strides = array<i32>} : memref<5x128x64xf32, #tpu.memory_space<vmem>>, vector<1x1x16xf32>,
        %get3A_695 = vector.shape_cast %get3A_694 : vector<1x1x16xf32> to vector<16xf32>
        %mul3A_696 = arith.constant 8.000000e+00 : f32
        %mul3A_697 = vector.broadcast %mul3A_696 : f32 to vector<16xf32>
        %mul3A_698 = arith.mulf %get3A_695, %mul3A_697 : vector<16xf32>
        %swap3A_699 = arith.constant 4 : i32
        %swap3A_700 = arith.index_cast %swap3A_699 : i32 to index
        %swap3A_701 = arith.index_cast %add3A_673 : i32 to index
        %swap3A_702 = arith.constant 16 : index
        %swap3A_703 = tpu.vector_load %arg6[%swap3A_700, %swap3A_701, %swap3A_702] {strides = array<i32>} : memref<5x128x64xf32, #tpu.memory_space<vmem>>, vector<1x1x16xf32>,
        %swap3A_704 = vector.shape_cast %swap3A_703 : vector<1x1x16xf32> to vector<16xf32>
        %swap3A_705 = vector.shape_cast %mul3A_698 : vector<16xf32> to vector<1x1x16xf32>
        tpu.vector_store %arg6[%swap3A_700, %swap3A_701, %swap3A_702], %swap3A_705 {strides = array<i32>} : memref<5x128x64xf32, #tpu.memory_space<vmem>>, vector<1x1x16xf32>,
        %get3A_706 = arith.constant 4 : i32
        %get3A_707 = arith.index_cast %get3A_706 : i32 to index
        %get3A_708 = arith.index_cast %add3A_673 : i32 to index
        %get3A_709 = arith.constant 32 : index
        %get3A_710 = tpu.vector_load %arg6[%get3A_707, %get3A_708, %get3A_709] {strides = array<i32>} : memref<5x128x64xf32, #tpu.memory_space<vmem>>, vector<1x1x16xf32>,
        %get3A_711 = vector.shape_cast %get3A_710 : vector<1x1x16xf32> to vector<16xf32>
        %mul3A_712 = arith.constant 8.000000e+00 : f32
        %mul3A_713 = vector.broadcast %mul3A_712 : f32 to vector<16xf32>
        %mul3A_714 = arith.mulf %get3A_711, %mul3A_713 : vector<16xf32>
        %swap3A_715 = arith.constant 4 : i32
        %swap3A_716 = arith.index_cast %swap3A_715 : i32 to index
        %swap3A_717 = arith.index_cast %add3A_673 : i32 to index
        %swap3A_718 = arith.constant 32 : index
        %swap3A_719 = tpu.vector_load %arg6[%swap3A_716, %swap3A_717, %swap3A_718] {strides = array<i32>} : memref<5x128x64xf32, #tpu.memory_space<vmem>>, vector<1x1x16xf32>,
        %swap3A_720 = vector.shape_cast %swap3A_719 : vector<1x1x16xf32> to vector<16xf32>
        %swap3A_721 = vector.shape_cast %mul3A_714 : vector<16xf32> to vector<1x1x16xf32>
        tpu.vector_store %arg6[%swap3A_716, %swap3A_717, %swap3A_718], %swap3A_721 {strides = array<i32>} : memref<5x128x64xf32, #tpu.memory_space<vmem>>, vector<1x1x16xf32>,
        %get3A_722 = arith.constant 4 : i32
        %get3A_723 = arith.index_cast %get3A_722 : i32 to index
        %get3A_724 = arith.index_cast %add3A_673 : i32 to index
        %get3A_725 = arith.constant 48 : index
        %get3A_726 = tpu.vector_load %arg6[%get3A_723, %get3A_724, %get3A_725] {strides = array<i32>} : memref<5x128x64xf32, #tpu.memory_space<vmem>>, vector<1x1x16xf32>,
        %get3A_727 = vector.shape_cast %get3A_726 : vector<1x1x16xf32> to vector<16xf32>
        %mul3A_728 = arith.constant 8.000000e+00 : f32
        %mul3A_729 = vector.broadcast %mul3A_728 : f32 to vector<16xf32>
        %mul3A_730 = arith.mulf %get3A_727, %mul3A_729 : vector<16xf32>
        %swap3A_731 = arith.constant 4 : i32
        %swap3A_732 = arith.index_cast %swap3A_731 : i32 to index
        %swap3A_733 = arith.index_cast %add3A_673 : i32 to index
        %swap3A_734 = arith.constant 48 : index
        %swap3A_735 = tpu.vector_load %arg6[%swap3A_732, %swap3A_733, %swap3A_734] {strides = array<i32>} : memref<5x128x64xf32, #tpu.memory_space<vmem>>, vector<1x1x16xf32>,
        %swap3A_736 = vector.shape_cast %swap3A_735 : vector<1x1x16xf32> to vector<16xf32>
        %swap3A_737 = vector.shape_cast %mul3A_730 : vector<16xf32> to vector<1x1x16xf32>
        tpu.vector_store %arg6[%swap3A_732, %swap3A_733, %swap3A_734], %swap3A_737 {strides = array<i32>} : memref<5x128x64xf32, #tpu.memory_space<vmem>>, vector<1x1x16xf32>,
        %scan3A_738 = arith.constant 6 : i32
        %scan3A_739 = arith.addi %scan3A_321, %scan3A_738 : i32
        %mul3A_740 = arith.constant 1 : i32
        %mul3A_741 = arith.muli %scan3A_739, %mul3A_740 : i32
        %add3A_742 = arith.constant 0 : i32
        %add3A_743 = arith.addi %add3A_742, %mul3A_741 : i32
        %get3A_744 = arith.constant 4 : i32
        %get3A_745 = arith.index_cast %get3A_744 : i32 to index
        %get3A_746 = arith.index_cast %add3A_743 : i32 to index
        %get3A_747 = arith.constant 0 : index
        %get3A_748 = tpu.vector_load %arg6[%get3A_745, %get3A_746, %get3A_747] {strides = array<i32>} : memref<5x128x64xf32, #tpu.memory_space<vmem>>, vector<1x1x16xf32>,
        %get3A_749 = vector.shape_cast %get3A_748 : vector<1x1x16xf32> to vector<16xf32>
        %mul3A_750 = arith.constant 8.000000e+00 : f32
        %mul3A_751 = vector.broadcast %mul3A_750 : f32 to vector<16xf32>
        %mul3A_752 = arith.mulf %get3A_749, %mul3A_751 : vector<16xf32>
        %swap3A_753 = arith.constant 4 : i32
        %swap3A_754 = arith.index_cast %swap3A_753 : i32 to index
        %swap3A_755 = arith.index_cast %add3A_743 : i32 to index
        %swap3A_756 = arith.constant 0 : index
        %swap3A_757 = tpu.vector_load %arg6[%swap3A_754, %swap3A_755, %swap3A_756] {strides = array<i32>} : memref<5x128x64xf32, #tpu.memory_space<vmem>>, vector<1x1x16xf32>,
        %swap3A_758 = vector.shape_cast %swap3A_757 : vector<1x1x16xf32> to vector<16xf32>
        %swap3A_759 = vector.shape_cast %mul3A_752 : vector<16xf32> to vector<1x1x16xf32>
        tpu.vector_store %arg6[%swap3A_754, %swap3A_755, %swap3A_756], %swap3A_759 {strides = array<i32>} : memref<5x128x64xf32, #tpu.memory_space<vmem>>, vector<1x1x16xf32>,
        %get3A_760 = arith.constant 4 : i32
        %get3A_761 = arith.index_cast %get3A_760 : i32 to index
        %get3A_762 = arith.index_cast %add3A_743 : i32 to index
        %get3A_763 = arith.constant 16 : index
        %get3A_764 = tpu.vector_load %arg6[%get3A_761, %get3A_762, %get3A_763] {strides = array<i32>} : memref<5x128x64xf32, #tpu.memory_space<vmem>>, vector<1x1x16xf32>,
        %get3A_765 = vector.shape_cast %get3A_764 : vector<1x1x16xf32> to vector<16xf32>
        %mul3A_766 = arith.constant 8.000000e+00 : f32
        %mul3A_767 = vector.broadcast %mul3A_766 : f32 to vector<16xf32>
        %mul3A_768 = arith.mulf %get3A_765, %mul3A_767 : vector<16xf32>
        %swap3A_769 = arith.constant 4 : i32
        %swap3A_770 = arith.index_cast %swap3A_769 : i32 to index
        %swap3A_771 = arith.index_cast %add3A_743 : i32 to index
        %swap3A_772 = arith.constant 16 : index
        %swap3A_773 = tpu.vector_load %arg6[%swap3A_770, %swap3A_771, %swap3A_772] {strides = array<i32>} : memref<5x128x64xf32, #tpu.memory_space<vmem>>, vector<1x1x16xf32>,
        %swap3A_774 = vector.shape_cast %swap3A_773 : vector<1x1x16xf32> to vector<16xf32>
        %swap3A_775 = vector.shape_cast %mul3A_768 : vector<16xf32> to vector<1x1x16xf32>
        tpu.vector_store %arg6[%swap3A_770, %swap3A_771, %swap3A_772], %swap3A_775 {strides = array<i32>} : memref<5x128x64xf32, #tpu.memory_space<vmem>>, vector<1x1x16xf32>,
        %get3A_776 = arith.constant 4 : i32
        %get3A_777 = arith.index_cast %get3A_776 : i32 to index
        %get3A_778 = arith.index_cast %add3A_743 : i32 to index
        %get3A_779 = arith.constant 32 : index
        %get3A_780 = tpu.vector_load %arg6[%get3A_777, %get3A_778, %get3A_779] {strides = array<i32>} : memref<5x128x64xf32, #tpu.memory_space<vmem>>, vector<1x1x16xf32>,
        %get3A_781 = vector.shape_cast %get3A_780 : vector<1x1x16xf32> to vector<16xf32>
        %mul3A_782 = arith.constant 8.000000e+00 : f32
        %mul3A_783 = vector.broadcast %mul3A_782 : f32 to vector<16xf32>
        %mul3A_784 = arith.mulf %get3A_781, %mul3A_783 : vector<16xf32>
        %swap3A_785 = arith.constant 4 : i32
        %swap3A_786 = arith.index_cast %swap3A_785 : i32 to index
        %swap3A_787 = arith.index_cast %add3A_743 : i32 to index
        %swap3A_788 = arith.constant 32 : index
        %swap3A_789 = tpu.vector_load %arg6[%swap3A_786, %swap3A_787, %swap3A_788] {strides = array<i32>} : memref<5x128x64xf32, #tpu.memory_space<vmem>>, vector<1x1x16xf32>,
        %swap3A_790 = vector.shape_cast %swap3A_789 : vector<1x1x16xf32> to vector<16xf32>
        %swap3A_791 = vector.shape_cast %mul3A_784 : vector<16xf32> to vector<1x1x16xf32>
        tpu.vector_store %arg6[%swap3A_786, %swap3A_787, %swap3A_788], %swap3A_791 {strides = array<i32>} : memref<5x128x64xf32, #tpu.memory_space<vmem>>, vector<1x1x16xf32>,
        %get3A_792 = arith.constant 4 : i32
        %get3A_793 = arith.index_cast %get3A_792 : i32 to index
        %get3A_794 = arith.index_cast %add3A_743 : i32 to index
        %get3A_795 = arith.constant 48 : index
        %get3A_796 = tpu.vector_load %arg6[%get3A_793, %get3A_794, %get3A_795] {strides = array<i32>} : memref<5x128x64xf32, #tpu.memory_space<vmem>>, vector<1x1x16xf32>,
        %get3A_797 = vector.shape_cast %get3A_796 : vector<1x1x16xf32> to vector<16xf32>
        %mul3A_798 = arith.constant 8.000000e+00 : f32
        %mul3A_799 = vector.broadcast %mul3A_798 : f32 to vector<16xf32>
        %mul3A_800 = arith.mulf %get3A_797, %mul3A_799 : vector<16xf32>
        %swap3A_801 = arith.constant 4 : i32
        %swap3A_802 = arith.index_cast %swap3A_801 : i32 to index
        %swap3A_803 = arith.index_cast %add3A_743 : i32 to index
        %swap3A_804 = arith.constant 48 : index
        %swap3A_805 = tpu.vector_load %arg6[%swap3A_802, %swap3A_803, %swap3A_804] {strides = array<i32>} : memref<5x128x64xf32, #tpu.memory_space<vmem>>, vector<1x1x16xf32>,
        %swap3A_806 = vector.shape_cast %swap3A_805 : vector<1x1x16xf32> to vector<16xf32>
        %swap3A_807 = vector.shape_cast %mul3A_800 : vector<16xf32> to vector<1x1x16xf32>
        tpu.vector_store %arg6[%swap3A_802, %swap3A_803, %swap3A_804], %swap3A_807 {strides = array<i32>} : memref<5x128x64xf32, #tpu.memory_space<vmem>>, vector<1x1x16xf32>,
        %scan3A_808 = arith.constant 7 : i32
        %scan3A_809 = arith.addi %scan3A_321, %scan3A_808 : i32
        %mul3A_810 = arith.constant 1 : i32
        %mul3A_811 = arith.muli %scan3A_809, %mul3A_810 : i32
        %add3A_812 = arith.constant 0 : i32
        %add3A_813 = arith.addi %add3A_812, %mul3A_811 : i32
        %get3A_814 = arith.constant 4 : i32
        %get3A_815 = arith.index_cast %get3A_814 : i32 to index
        %get3A_816 = arith.index_cast %add3A_813 : i32 to index
        %get3A_817 = arith.constant 0 : index
        %get3A_818 = tpu.vector_load %arg6[%get3A_815, %get3A_816, %get3A_817] {strides = array<i32>} : memref<5x128x64xf32, #tpu.memory_space<vmem>>, vector<1x1x16xf32>,
        %get3A_819 = vector.shape_cast %get3A_818 : vector<1x1x16xf32> to vector<16xf32>
        %mul3A_820 = arith.constant 8.000000e+00 : f32
        %mul3A_821 = vector.broadcast %mul3A_820 : f32 to vector<16xf32>
        %mul3A_822 = arith.mulf %get3A_819, %mul3A_821 : vector<16xf32>
        %swap3A_823 = arith.constant 4 : i32
        %swap3A_824 = arith.index_cast %swap3A_823 : i32 to index
        %swap3A_825 = arith.index_cast %add3A_813 : i32 to index
        %swap3A_826 = arith.constant 0 : index
        %swap3A_827 = tpu.vector_load %arg6[%swap3A_824, %swap3A_825, %swap3A_826] {strides = array<i32>} : memref<5x128x64xf32, #tpu.memory_space<vmem>>, vector<1x1x16xf32>,
        %swap3A_828 = vector.shape_cast %swap3A_827 : vector<1x1x16xf32> to vector<16xf32>
        %swap3A_829 = vector.shape_cast %mul3A_822 : vector<16xf32> to vector<1x1x16xf32>
        tpu.vector_store %arg6[%swap3A_824, %swap3A_825, %swap3A_826], %swap3A_829 {strides = array<i32>} : memref<5x128x64xf32, #tpu.memory_space<vmem>>, vector<1x1x16xf32>,
        %get3A_830 = arith.constant 4 : i32
        %get3A_831 = arith.index_cast %get3A_830 : i32 to index
        %get3A_832 = arith.index_cast %add3A_813 : i32 to index
        %get3A_833 = arith.constant 16 : index
        %get3A_834 = tpu.vector_load %arg6[%get3A_831, %get3A_832, %get3A_833] {strides = array<i32>} : memref<5x128x64xf32, #tpu.memory_space<vmem>>, vector<1x1x16xf32>,
        %get3A_835 = vector.shape_cast %get3A_834 : vector<1x1x16xf32> to vector<16xf32>
        %mul3A_836 = arith.constant 8.000000e+00 : f32
        %mul3A_837 = vector.broadcast %mul3A_836 : f32 to vector<16xf32>
        %mul3A_838 = arith.mulf %get3A_835, %mul3A_837 : vector<16xf32>
        %swap3A_839 = arith.constant 4 : i32
        %swap3A_840 = arith.index_cast %swap3A_839 : i32 to index
        %swap3A_841 = arith.index_cast %add3A_813 : i32 to index
        %swap3A_842 = arith.constant 16 : index
        %swap3A_843 = tpu.vector_load %arg6[%swap3A_840, %swap3A_841, %swap3A_842] {strides = array<i32>} : memref<5x128x64xf32, #tpu.memory_space<vmem>>, vector<1x1x16xf32>,
        %swap3A_844 = vector.shape_cast %swap3A_843 : vector<1x1x16xf32> to vector<16xf32>
        %swap3A_845 = vector.shape_cast %mul3A_838 : vector<16xf32> to vector<1x1x16xf32>
        tpu.vector_store %arg6[%swap3A_840, %swap3A_841, %swap3A_842], %swap3A_845 {strides = array<i32>} : memref<5x128x64xf32, #tpu.memory_space<vmem>>, vector<1x1x16xf32>,
        %get3A_846 = arith.constant 4 : i32
        %get3A_847 = arith.index_cast %get3A_846 : i32 to index
        %get3A_848 = arith.index_cast %add3A_813 : i32 to index
        %get3A_849 = arith.constant 32 : index
        %get3A_850 = tpu.vector_load %arg6[%get3A_847, %get3A_848, %get3A_849] {strides = array<i32>} : memref<5x128x64xf32, #tpu.memory_space<vmem>>, vector<1x1x16xf32>,
        %get3A_851 = vector.shape_cast %get3A_850 : vector<1x1x16xf32> to vector<16xf32>
        %mul3A_852 = arith.constant 8.000000e+00 : f32
        %mul3A_853 = vector.broadcast %mul3A_852 : f32 to vector<16xf32>
        %mul3A_854 = arith.mulf %get3A_851, %mul3A_853 : vector<16xf32>
        %swap3A_855 = arith.constant 4 : i32
        %swap3A_856 = arith.index_cast %swap3A_855 : i32 to index
        %swap3A_857 = arith.index_cast %add3A_813 : i32 to index
        %swap3A_858 = arith.constant 32 : index
        %swap3A_859 = tpu.vector_load %arg6[%swap3A_856, %swap3A_857, %swap3A_858] {strides = array<i32>} : memref<5x128x64xf32, #tpu.memory_space<vmem>>, vector<1x1x16xf32>,
        %swap3A_860 = vector.shape_cast %swap3A_859 : vector<1x1x16xf32> to vector<16xf32>
        %swap3A_861 = vector.shape_cast %mul3A_854 : vector<16xf32> to vector<1x1x16xf32>
        tpu.vector_store %arg6[%swap3A_856, %swap3A_857, %swap3A_858], %swap3A_861 {strides = array<i32>} : memref<5x128x64xf32, #tpu.memory_space<vmem>>, vector<1x1x16xf32>,
        %get3A_862 = arith.constant 4 : i32
        %get3A_863 = arith.index_cast %get3A_862 : i32 to index
        %get3A_864 = arith.index_cast %add3A_813 : i32 to index
        %get3A_865 = arith.constant 48 : index
        %get3A_866 = tpu.vector_load %arg6[%get3A_863, %get3A_864, %get3A_865] {strides = array<i32>} : memref<5x128x64xf32, #tpu.memory_space<vmem>>, vector<1x1x16xf32>,
        %get3A_867 = vector.shape_cast %get3A_866 : vector<1x1x16xf32> to vector<16xf32>
        %mul3A_868 = arith.constant 8.000000e+00 : f32
        %mul3A_869 = vector.broadcast %mul3A_868 : f32 to vector<16xf32>
        %mul3A_870 = arith.mulf %get3A_867, %mul3A_869 : vector<16xf32>
        %swap3A_871 = arith.constant 4 : i32
        %swap3A_872 = arith.index_cast %swap3A_871 : i32 to index
        %swap3A_873 = arith.index_cast %add3A_813 : i32 to index
        %swap3A_874 = arith.constant 48 : index
        %swap3A_875 = tpu.vector_load %arg6[%swap3A_872, %swap3A_873, %swap3A_874] {strides = array<i32>} : memref<5x128x64xf32, #tpu.memory_space<vmem>>, vector<1x1x16xf32>,
        %swap3A_876 = vector.shape_cast %swap3A_875 : vector<1x1x16xf32> to vector<16xf32>
        %swap3A_877 = vector.shape_cast %mul3A_870 : vector<16xf32> to vector<1x1x16xf32>
        tpu.vector_store %arg6[%swap3A_872, %swap3A_873, %swap3A_874], %swap3A_877 {strides = array<i32>} : memref<5x128x64xf32, #tpu.memory_space<vmem>>, vector<1x1x16xf32>,
      }
      %scan3A_297 = arith.constant 128 : i32
      %mul3A_298 = arith.constant 128 : i32
      %mul3A_299 = arith.muli %add3A_277, %mul3A_298 : i32
      %add3A_300 = arith.addi %mul3A_2, %mul3A_299 : i32
      %dma_start3A_301 = arith.constant 4 : i32
      %dma_start3A_302 = arith.constant 0 : i32
      %dma_start3A_303 = arith.constant 0 : i32
      %dma_start3A_304 = tpu.memref_slice %arg6[%dma_start3A_301, %dma_start3A_302, %dma_start3A_303] : memref<5x128x64xf32, #tpu.memory_space<vmem>> -> memref<1x128x64xf32, #tpu.memory_space<vmem>>
      %dma_start3A_305 = tpu.memref_squeeze %dma_start3A_304 : memref<1x128x64xf32, #tpu.memory_space<vmem>> -> memref<128x64xf32, #tpu.memory_space<vmem>>
      %dma_start3A_306 = arith.constant 0 : i32
      %dma_start3A_307 = tpu.memref_slice %arg4[%add3A_300, %dma_start3A_306] : memref<204800x64xf32, #tpu.memory_space<hbm>> -> memref<128x64xf32, #tpu.memory_space<hbm>>
      %dma_start3A_308 = arith.constant 0 : i32
      %dma_start3A_309 = tpu.memref_slice %arg4[%add3A_300, %dma_start3A_308] : memref<204800x64xf32, #tpu.memory_space<hbm>> -> memref<128x64xf32, #tpu.memory_space<hbm>>
      %dma_start3A_310 = arith.constant 0 : i32
      %dma_start3A_311 = arith.constant 0 : i32
      %dma_start3A_312 = tpu.memref_slice %arg6[%dma_start3A_301, %dma_start3A_310, %dma_start3A_311] : memref<5x128x64xf32, #tpu.memory_space<vmem>> -> memref<1x128x64xf32, #tpu.memory_space<vmem>>
      %dma_start3A_313 = tpu.memref_squeeze %dma_start3A_312 : memref<1x128x64xf32, #tpu.memory_space<vmem>> -> memref<128x64xf32, #tpu.memory_space<vmem>>
      tpu.enqueue_dma source(%dma_start3A_313 : memref<128x64xf32, #tpu.memory_space<vmem>>) target(%dma_start3A_309 : memref<128x64xf32, #tpu.memory_space<hbm>>) target_semaphore(%arg8 : memref<!tpu.dma_semaphore, #tpu.memory_space<semaphore_mem>>)
      %add3A_314 = arith.constant 2 : i32
      %add3A_315 = arith.addi %add3A_277, %add3A_314 : i32
      %lt3A_316 = arith.constant 50 : i32
      %lt3A_317 = arith.cmpi slt, %add3A_315, %lt3A_316 : i32
      %convert_element_type3A_318 = arith.extui %lt3A_317 : i1 to i32
      %cond3A_319 = arith.constant 0 : i32
      %cond3A_320 = arith.cmpi ne, %convert_element_type3A_318, %cond3A_319 : i32
      scf.if %cond3A_320 {
        %ge3A = arith.constant 5 : i32
        %ge3A_321 = arith.cmpi sge, %add3A_315, %ge3A : i32
        %convert_element_type3A_322 = arith.extui %ge3A_321 : i1 to i32
        %cond3A_323 = arith.constant 0 : i32
        %cond3A_324 = arith.cmpi ne, %convert_element_type3A_322, %cond3A_323 : i32
        scf.if %cond3A_324 {
          %dma_wait3A_336 = arith.constant 1 : i32
          %dma_wait3A_337 = arith.constant 0 : i32
          %dma_wait3A_338 = arith.constant 0 : i32
          %dma_wait3A_339 = tpu.memref_slice %arg6[%dma_wait3A_336, %dma_wait3A_337, %dma_wait3A_338] : memref<5x128x64xf32, #tpu.memory_space<vmem>> -> memref<1x128x64xf32, #tpu.memory_space<vmem>>
          %dma_wait3A_340 = tpu.memref_squeeze %dma_wait3A_339 : memref<1x128x64xf32, #tpu.memory_space<vmem>> -> memref<128x64xf32, #tpu.memory_space<vmem>>
          %dma_wait3A_341 = arith.constant 0 : i32
          %dma_wait3A_342 = tpu.memref_slice %arg4[%mul3A_2, %dma_wait3A_341] : memref<204800x64xf32, #tpu.memory_space<hbm>> -> memref<128x64xf32, #tpu.memory_space<hbm>>
          %dma_wait3A_343 = arith.constant 0 : i32
          %dma_wait3A_344 = tpu.memref_slice %arg4[%mul3A_2, %dma_wait3A_343] : memref<204800x64xf32, #tpu.memory_space<hbm>> -> memref<128x64xf32, #tpu.memory_space<hbm>>
          %dma_wait3A_345 = arith.constant 0 : i32
          %dma_wait3A_346 = arith.constant 0 : i32
          %dma_wait3A_347 = tpu.memref_slice %arg6[%dma_wait3A_336, %dma_wait3A_345, %dma_wait3A_346] : memref<5x128x64xf32, #tpu.memory_space<vmem>> -> memref<1x128x64xf32, #tpu.memory_space<vmem>>
          %dma_wait3A_348 = tpu.memref_squeeze %dma_wait3A_347 : memref<1x128x64xf32, #tpu.memory_space<vmem>> -> memref<128x64xf32, #tpu.memory_space<vmem>>
          tpu.wait_dma2 semaphore(%arg8 : memref<!tpu.dma_semaphore, #tpu.memory_space<semaphore_mem>>) src(%dma_wait3A_348 : memref<128x64xf32, #tpu.memory_space<vmem>>) dst(%dma_wait3A_344 : memref<128x64xf32, #tpu.memory_space<hbm>>)
        } else {
        }
        %dma_start3A_325 = arith.constant 1 : i32
        %dma_start3A_326 = arith.constant 0 : i32
        %dma_start3A_327 = arith.constant 0 : i32
        %dma_start3A_328 = tpu.memref_slice %arg6[%dma_start3A_325, %dma_start3A_326, %dma_start3A_327] : memref<5x128x64xf32, #tpu.memory_space<vmem>> -> memref<1x128x64xf32, #tpu.memory_space<vmem>>
        %dma_start3A_329 = tpu.memref_squeeze %dma_start3A_328 : memref<1x128x64xf32, #tpu.memory_space<vmem>> -> memref<128x64xf32, #tpu.memory_space<vmem>>
        %dma_start3A_330 = arith.constant 0 : i32
        %dma_start3A_331 = tpu.memref_slice %arg5[%add3A_315, %dma_start3A_330] : memref<50x128xi32, #tpu.memory_space<vmem>> -> memref<1x128xi32, #tpu.memory_space<vmem>>
        %dma_start3A_332 = tpu.memref_squeeze %dma_start3A_331 : memref<1x128xi32, #tpu.memory_space<vmem>> -> memref<128xi32, #tpu.memory_space<vmem>>
        %dma_start3A_333 = arith.constant 0 : i32
        %dma_start3A_334 = arith.constant 0 : i32
        %dma_start3A_335 = tpu.memref_slice %arg3[%dma_start3A_333, %dma_start3A_334] : memref<1000000x64xf32, #tpu.memory_space<hbm>> -> memref<1000000x64xf32, #tpu.memory_space<hbm>>
        tpu.enqueue_indirect_dma source(%dma_start3A_335 : memref<1000000x64xf32, #tpu.memory_space<hbm>>) target(%dma_start3A_329 : memref<128x64xf32, #tpu.memory_space<vmem>>) offsets(%dma_start3A_332 : memref<128xi32, #tpu.memory_space<vmem>>) semaphore(%arg7 : memref<!tpu.dma_semaphore, #tpu.memory_space<semaphore_mem>>)
      } else {
      }
    }
    %scan3A_29 = arith.constant 10 : i32
    %dma_wait3A = arith.constant 0 : i32
    %dma_wait3A_30 = arith.constant 0 : i32
    %dma_wait3A_31 = arith.constant 0 : i32
    %dma_wait3A_32 = tpu.memref_slice %arg6[%dma_wait3A, %dma_wait3A_30, %dma_wait3A_31] : memref<5x128x64xf32, #tpu.memory_space<vmem>> -> memref<1x128x64xf32, #tpu.memory_space<vmem>>
    %dma_wait3A_33 = tpu.memref_squeeze %dma_wait3A_32 : memref<1x128x64xf32, #tpu.memory_space<vmem>> -> memref<128x64xf32, #tpu.memory_space<vmem>>
    %dma_wait3A_34 = arith.constant 0 : i32
    %dma_wait3A_35 = tpu.memref_slice %arg4[%mul3A_2, %dma_wait3A_34] : memref<204800x64xf32, #tpu.memory_space<hbm>> -> memref<128x64xf32, #tpu.memory_space<hbm>>
    %dma_wait3A_36 = arith.constant 0 : i32
    %dma_wait3A_37 = tpu.memref_slice %arg4[%mul3A_2, %dma_wait3A_36] : memref<204800x64xf32, #tpu.memory_space<hbm>> -> memref<128x64xf32, #tpu.memory_space<hbm>>
    %dma_wait3A_38 = arith.constant 0 : i32
    %dma_wait3A_39 = arith.constant 0 : i32
    %dma_wait3A_40 = tpu.memref_slice %arg6[%dma_wait3A, %dma_wait3A_38, %dma_wait3A_39] : memref<5x128x64xf32, #tpu.memory_space<vmem>> -> memref<1x128x64xf32, #tpu.memory_space<vmem>>
    %dma_wait3A_41 = tpu.memref_squeeze %dma_wait3A_40 : memref<1x128x64xf32, #tpu.memory_space<vmem>> -> memref<128x64xf32, #tpu.memory_space<vmem>>
    tpu.wait_dma2 semaphore(%arg8 : memref<!tpu.dma_semaphore, #tpu.memory_space<semaphore_mem>>) src(%dma_wait3A_41 : memref<128x64xf32, #tpu.memory_space<vmem>>) dst(%dma_wait3A_37 : memref<128x64xf32, #tpu.memory_space<hbm>>)
    %dma_wait3A_42 = arith.constant 1 : i32
    %dma_wait3A_43 = arith.constant 0 : i32
    %dma_wait3A_44 = arith.constant 0 : i32
    %dma_wait3A_45 = tpu.memref_slice %arg6[%dma_wait3A_42, %dma_wait3A_43, %dma_wait3A_44] : memref<5x128x64xf32, #tpu.memory_space<vmem>> -> memref<1x128x64xf32, #tpu.memory_space<vmem>>
    %dma_wait3A_46 = tpu.memref_squeeze %dma_wait3A_45 : memref<1x128x64xf32, #tpu.memory_space<vmem>> -> memref<128x64xf32, #tpu.memory_space<vmem>>
    %dma_wait3A_47 = arith.constant 0 : i32
    %dma_wait3A_48 = tpu.memref_slice %arg4[%mul3A_2, %dma_wait3A_47] : memref<204800x64xf32, #tpu.memory_space<hbm>> -> memref<128x64xf32, #tpu.memory_space<hbm>>
    %dma_wait3A_49 = arith.constant 0 : i32
    %dma_wait3A_50 = tpu.memref_slice %arg4[%mul3A_2, %dma_wait3A_49] : memref<204800x64xf32, #tpu.memory_space<hbm>> -> memref<128x64xf32, #tpu.memory_space<hbm>>
    %dma_wait3A_51 = arith.constant 0 : i32
    %dma_wait3A_52 = arith.constant 0 : i32
    %dma_wait3A_53 = tpu.memref_slice %arg6[%dma_wait3A_42, %dma_wait3A_51, %dma_wait3A_52] : memref<5x128x64xf32, #tpu.memory_space<vmem>> -> memref<1x128x64xf32, #tpu.memory_space<vmem>>
    %dma_wait3A_54 = tpu.memref_squeeze %dma_wait3A_53 : memref<1x128x64xf32, #tpu.memory_space<vmem>> -> memref<128x64xf32, #tpu.memory_space<vmem>>
    tpu.wait_dma2 semaphore(%arg8 : memref<!tpu.dma_semaphore, #tpu.memory_space<semaphore_mem>>) src(%dma_wait3A_54 : memref<128x64xf32, #tpu.memory_space<vmem>>) dst(%dma_wait3A_50 : memref<128x64xf32, #tpu.memory_space<hbm>>)
    %dma_wait3A_55 = arith.constant 2 : i32
    %dma_wait3A_56 = arith.constant 0 : i32
    %dma_wait3A_57 = arith.constant 0 : i32
    %dma_wait3A_58 = tpu.memref_slice %arg6[%dma_wait3A_55, %dma_wait3A_56, %dma_wait3A_57] : memref<5x128x64xf32, #tpu.memory_space<vmem>> -> memref<1x128x64xf32, #tpu.memory_space<vmem>>
    %dma_wait3A_59 = tpu.memref_squeeze %dma_wait3A_58 : memref<1x128x64xf32, #tpu.memory_space<vmem>> -> memref<128x64xf32, #tpu.memory_space<vmem>>
    %dma_wait3A_60 = arith.constant 0 : i32
    %dma_wait3A_61 = tpu.memref_slice %arg4[%mul3A_2, %dma_wait3A_60] : memref<204800x64xf32, #tpu.memory_space<hbm>> -> memref<128x64xf32, #tpu.memory_space<hbm>>
    %dma_wait3A_62 = arith.constant 0 : i32
    %dma_wait3A_63 = tpu.memref_slice %arg4[%mul3A_2, %dma_wait3A_62] : memref<204800x64xf32, #tpu.memory_space<hbm>> -> memref<128x64xf32, #tpu.memory_space<hbm>>
    %dma_wait3A_64 = arith.constant 0 : i32
    %dma_wait3A_65 = arith.constant 0 : i32
    %dma_wait3A_66 = tpu.memref_slice %arg6[%dma_wait3A_55, %dma_wait3A_64, %dma_wait3A_65] : memref<5x128x64xf32, #tpu.memory_space<vmem>> -> memref<1x128x64xf32, #tpu.memory_space<vmem>>
    %dma_wait3A_67 = tpu.memref_squeeze %dma_wait3A_66 : memref<1x128x64xf32, #tpu.memory_space<vmem>> -> memref<128x64xf32, #tpu.memory_space<vmem>>
    tpu.wait_dma2 semaphore(%arg8 : memref<!tpu.dma_semaphore, #tpu.memory_space<semaphore_mem>>) src(%dma_wait3A_67 : memref<128x64xf32, #tpu.memory_space<vmem>>) dst(%dma_wait3A_63 : memref<128x64xf32, #tpu.memory_space<hbm>>)
    %dma_wait3A_68 = arith.constant 3 : i32
    %dma_wait3A_69 = arith.constant 0 : i32
    %dma_wait3A_70 = arith.constant 0 : i32
    %dma_wait3A_71 = tpu.memref_slice %arg6[%dma_wait3A_68, %dma_wait3A_69, %dma_wait3A_70] : memref<5x128x64xf32, #tpu.memory_space<vmem>> -> memref<1x128x64xf32, #tpu.memory_space<vmem>>
    %dma_wait3A_72 = tpu.memref_squeeze %dma_wait3A_71 : memref<1x128x64xf32, #tpu.memory_space<vmem>> -> memref<128x64xf32, #tpu.memory_space<vmem>>
    %dma_wait3A_73 = arith.constant 0 : i32
    %dma_wait3A_74 = tpu.memref_slice %arg4[%mul3A_2, %dma_wait3A_73] : memref<204800x64xf32, #tpu.memory_space<hbm>> -> memref<128x64xf32, #tpu.memory_space<hbm>>
    %dma_wait3A_75 = arith.constant 0 : i32
    %dma_wait3A_76 = tpu.memref_slice %arg4[%mul3A_2, %dma_wait3A_75] : memref<204800x64xf32, #tpu.memory_space<hbm>> -> memref<128x64xf32, #tpu.memory_space<hbm>>
    %dma_wait3A_77 = arith.constant 0 : i32
    %dma_wait3A_78 = arith.constant 0 : i32
    %dma_wait3A_79 = tpu.memref_slice %arg6[%dma_wait3A_68, %dma_wait3A_77, %dma_wait3A_78] : memref<5x128x64xf32, #tpu.memory_space<vmem>> -> memref<1x128x64xf32, #tpu.memory_space<vmem>>
    %dma_wait3A_80 = tpu.memref_squeeze %dma_wait3A_79 : memref<1x128x64xf32, #tpu.memory_space<vmem>> -> memref<128x64xf32, #tpu.memory_space<vmem>>
    tpu.wait_dma2 semaphore(%arg8 : memref<!tpu.dma_semaphore, #tpu.memory_space<semaphore_mem>>) src(%dma_wait3A_80 : memref<128x64xf32, #tpu.memory_space<vmem>>) dst(%dma_wait3A_76 : memref<128x64xf32, #tpu.memory_space<hbm>>)
    %dma_wait3A_81 = arith.constant 4 : i32
    %dma_wait3A_82 = arith.constant 0 : i32
    %dma_wait3A_83 = arith.constant 0 : i32
    %dma_wait3A_84 = tpu.memref_slice %arg6[%dma_wait3A_81, %dma_wait3A_82, %dma_wait3A_83] : memref<5x128x64xf32, #tpu.memory_space<vmem>> -> memref<1x128x64xf32, #tpu.memory_space<vmem>>
    %dma_wait3A_85 = tpu.memref_squeeze %dma_wait3A_84 : memref<1x128x64xf32, #tpu.memory_space<vmem>> -> memref<128x64xf32, #tpu.memory_space<vmem>>
    %dma_wait3A_86 = arith.constant 0 : i32
    %dma_wait3A_87 = tpu.memref_slice %arg4[%mul3A_2, %dma_wait3A_86] : memref<204800x64xf32, #tpu.memory_space<hbm>> -> memref<128x64xf32, #tpu.memory_space<hbm>>
    %dma_wait3A_88 = arith.constant 0 : i32
    %dma_wait3A_89 = tpu.memref_slice %arg4[%mul3A_2, %dma_wait3A_88] : memref<204800x64xf32, #tpu.memory_space<hbm>> -> memref<128x64xf32, #tpu.memory_space<hbm>>
    %dma_wait3A_90 = arith.constant 0 : i32
    %dma_wait3A_91 = arith.constant 0 : i32
    %dma_wait3A_92 = tpu.memref_slice %arg6[%dma_wait3A_81, %dma_wait3A_90, %dma_wait3A_91] : memref<5x128x64xf32, #tpu.memory_space<vmem>> -> memref<1x128x64xf32, #tpu.memory_space<vmem>>
    %dma_wait3A_93 = tpu.memref_squeeze %dma_wait3A_92 : memref<1x128x64xf32, #tpu.memory_space<vmem>> -> memref<128x64xf32, #tpu.memory_space<vmem>>
    tpu.wait_dma2 semaphore(%arg8 : memref<!tpu.dma_semaphore, #tpu.memory_space<semaphore_mem>>) src(%dma_wait3A_93 : memref<128x64xf32, #tpu.memory_space<vmem>>) dst(%dma_wait3A_89 : memref<128x64xf32, #tpu.memory_space<hbm>>)
    return
  }
}

</mosaic_0001>

<sc_bundles>
// kernel: kernel.3.cloned.1.call-start
scs
__scs_entry_jumppad:
0x0: {  	(pc) =	sbr.rel $0x88, $3  }
0x1: {  	(tag) =	ssettag $0x0;
	lr =	simm.s32 $0x1  }
0x2: {  	[smem:$0x3F9F] =	sst lr;
	_ =	strace $0xD0000000  }
0x3: {  	_ = 	snop  }
0x4: {  	_ = 	snop  }
0x5: {  	_ = 	snop  }
0x6: {  	_ = 	snop  }
0x7: {  	_ = 	snop  }
__scs_overlays_trampoline_lowered:
0x8: {  	[smem:$0x3FAE] =	sst s0  }
0x9: {  	[smem:$0x3FAF] =	sst s1  }
0xa: {  	[smem:$0x3FB0] =	sst s2  }
0xb: {  	[smem:$0x3FB1] =	sst s3  }
0xc: {  	[smem:$0x3FB2] =	sst s4  }
0xd: {  	[smem:$0x3FB3] =	sst s5  }
0xe: {  	[smem:$0x3FB4] =	sst s6  }
0xf: {  	[smem:$0x3FB5] =	sst s7  }
0x10: {  	[smem:$0x3FB6] =	sst s8  }
0x11: {  	[smem:$0x3FB7] =	sst s9;
	s0 =	simm.s32 @!p0 $0x0  }
0x12: {  	s1 =	sld [smem:$0x3F9D];
	s0 =	simm.s32 @p0 $0x1  }
0x13: {  	[smem:$0x3FB8] =	sst s0;
	s0 =	simm.s32 @!p1 $0x0  }
0x14: {  	s2 =	sld [smem:$0x3F9C];
	s0 =	simm.s32 @p1 $0x1  }
0x15: {  	[smem:$0x3FB9] =	sst s0;
	s0 =	simm.s32 @!p2 $0x0  }
0x16: {  	s3 =	sld [smem:$0x3FDB];
	s0 =	simm.s32 @p2 $0x1  }
0x17: {  	s4 =	simm.s32 $0x1BF5;
	[smem:$0x3FBB] =	sst s0  }
0x18: {  	s0 =	sld [smem:$0x3F9E];
	_ =	swait.ge [sflag:s4], $0x0  }
0x19: {  	s7 =	sld [smem:$0x3F9F]  }
0x1a: {  	s8 =	sadd.s32 $0xFFFFE003, lr  }
0x1b: {  	s9 =	sadd.s32 $0xFFFFFEF7, lr;
	s5 =	simm.s32 $0xFFFFFFFF;
	p2 =	slt.u32 s8, $0xFFFFF086  }
0x1c: {  	p1 =	slt.u32 s9, $0xF7A;
	s5 =	simm.s32 @!p2 $0x0  }
0x1d: {  	s5 =	simm.s32 @p1 $0x1;
	p0 =	seq.s32 s7, s2  }
0x1e: {  	s7 =	smul.u32 @!p0 $0xF7A, s2;
	p2 =	seq.s32 @!p0 s5, $0x0  }
0x1f: {  	s9 =	smul.u32 $0xF7A, s1;
	s8 =	simm.s32 @!p0 $0x1BF5;
	p2 =	por !p2, p0  }
0x20: {  	[sflag:s8] =	ssyncset.s32 @!p0 $0xFFFFF086;
	s6 =	sadd.s32 @!p0 s3, s7;
	s7 =	simm.s32 @!p0 $0x108  }
0x21: {  	s3 =	sadd.s32 s3, s9;
	s6 =	sadd.s32 @!p0 $0x88, s6;
	s7 =	simm.s32 @p2 $0x1082  }
0x22: {  	[simem:s7], [sflag:s8] =	dma.local @!p0 [hbm:s6], $0xF7A  }
0x23: {  	s9 =	sor.u32 $0xD0000000, s2;
	s6 =	simm.s32 $0x108;
	_ =	swait.ge @!p0 [sflag:s8], $0x0  }
0x24: {  	s3 =	sadd.s32 $0x88, s3;
	s6 =	simm.s32 @!p1 $0x1082;
	[sflag:s4] =	ssyncset.s32 $0xFFFFF086  }
0x25: {  	[simem:s6], [sflag:s4] =	dma.local [hbm:s3], $0xF7A  }
0x26: {  	[smem:$0x3F9F] =	sst s1;
	(tag) =	ssettag s2;
	_ =	strace s9  }
0x27: {  	s1 =	sld [smem:$0x3FAF]  }
0x28: {  	s2 =	sld [smem:$0x3FB0]  }
0x29: {  	s4 =	sld [smem:$0x3FB2]  }
0x2a: {  	p0 =	seq.s32 s5, $0x0;
	s5 =	sld [smem:$0x3FB3]  }
0x2b: {  	s6 =	sld [smem:$0x3FB4]  }
0x2c: {  	s7 =	sld [smem:$0x3FB5]  }
0x2d: {  	s3 =	simm.s32 $0x108;
	s8 =	sld [smem:$0x3FB6]  }
0x2e: {  	s3 =	simm.s32 @!p0 $0x1082;
	s9 =	sld [smem:$0x3FB7]  }
0x2f: {  	lr =	sadd.s32 s0, s3;
	s0 =	sld [smem:$0x3FAE]  }
0x30: {  	s3 =	sld [smem:$0x3FB1]  }
0x31: {  	[smem:$0x3FBA] =	sst s10  }
0x32: {  	s10 =	sld [smem:$0x3FB8];
	_ =	sdelay $0x3  }
0x33: {  	p0 =	seq.s32 s10, $0x1;
	s10 =	sld [smem:$0x3FBA];
	_ =	sdelay $0x3  }
0x34: {  	[smem:$0x3FBA] =	sst s10  }
0x35: {  	s10 =	sld [smem:$0x3FB9];
	_ =	sdelay $0x3  }
0x36: {  	p1 =	seq.s32 s10, $0x1;
	s10 =	sld [smem:$0x3FBA];
	_ =	sdelay $0x3  }
0x37: {  	[smem:$0x3FBA] =	sst s10  }
0x38: {  	s10 =	sld [smem:$0x3FBB]  }
0x39: {  	_ = 	snop;
	(pc) =	sbr.ind lr, $3  }
0x3a: {  	_ = 	snop  }
0x3b: {  	_ = 	snop  }
0x3c: {  	p2 =	seq.s32 s10, $0x1;
	s10 =	sld [smem:$0x3FBA]  }
0x3d: {  	_ =	shalt  }
0x3e: {  	_ =	shalt  }
0x3f: {  	_ =	shalt  }
0x40: {  	_ =	shalt  }
0x41: {  	_ =	shalt  }
0x42: {  	_ =	shalt  }
0x43: {  	_ =	shalt  }
0x44: {  	_ =	shalt  }
0x45: {  	_ =	shalt  }
0x46: {  	_ =	shalt  }
0x47: {  	_ =	shalt  }
0x48: {  	_ =	shalt  }
0x49: {  	_ =	shalt  }
0x4a: {  	_ =	shalt  }
0x4b: {  	_ =	shalt  }
0x4c: {  	_ =	shalt  }
0x4d: {  	_ =	shalt  }
0x4e: {  	_ =	shalt  }
0x4f: {  	_ =	shalt  }
0x50: {  	_ =	shalt  }
0x51: {  	_ =	shalt  }
0x52: {  	_ =	shalt  }
0x53: {  	_ =	shalt  }
0x54: {  	_ =	shalt  }
0x55: {  	_ =	shalt  }
0x56: {  	_ =	shalt  }
0x57: {  	_ =	shalt  }
0x58: {  	_ =	shalt  }
0x59: {  	_ =	shalt  }
0x5a: {  	_ =	shalt  }
0x5b: {  	_ =	shalt  }
0x5c: {  	_ =	shalt  }
0x5d: {  	_ =	shalt  }
0x5e: {  	_ =	shalt  }
0x5f: {  	_ =	shalt  }
0x60: {  	_ =	shalt  }
0x61: {  	_ =	shalt  }
0x62: {  	_ =	shalt  }
0x63: {  	_ =	shalt  }
0x64: {  	_ =	shalt  }
0x65: {  	_ =	shalt  }
0x66: {  	_ =	shalt  }
0x67: {  	_ =	shalt  }
0x68: {  	_ =	shalt  }
0x69: {  	_ =	shalt  }
0x6a: {  	_ =	shalt  }
0x6b: {  	_ =	shalt  }
0x6c: {  	_ =	shalt  }
0x6d: {  	_ =	shalt  }
0x6e: {  	_ =	shalt  }
0x6f: {  	_ =	shalt  }
0x70: {  	_ =	shalt  }
0x71: {  	_ =	shalt  }
0x72: {  	_ =	shalt  }
0x73: {  	_ =	shalt  }
0x74: {  	_ =	shalt  }
0x75: {  	_ =	shalt  }
0x76: {  	_ =	shalt  }
0x77: {  	_ =	shalt  }
0x78: {  	_ =	shalt  }
0x79: {  	_ =	shalt  }
0x7a: {  	_ =	shalt  }
0x7b: {  	_ =	shalt  }
0x7c: {  	_ =	shalt  }
0x7d: {  	_ =	shalt  }
0x7e: {  	_ =	shalt  }
0x7f: {  	_ =	shalt  }
0x80: {  	_ =	shalt  }
0x81: {  	_ =	shalt  }
0x82: {  	_ =	shalt  }
0x83: {  	_ =	shalt  }
0x84: {  	_ =	shalt  }
0x85: {  	_ =	shalt  }
0x86: {  	_ =	shalt  }
0x87: {  	_ =	shalt  }
.Lfunc_end0:
.L_simem_size_0:
called_computation.1_lowered:
.L_overlay_start_0:
0x88: {  	s2 =	sld [smem:$0x3FD9]  }
0x89: {  	s3 =	sld [smem:$0x3FFE];
	_ =	sdelay $0x1  }
0x8a: {  	s1 =	srdreg.scid  }
0x8b: {  	s0 =	sand.u32 $0x1, s1  }
0x8c: {  	s17 =	sshll.u32 s0, $0xA;
	s2 =	sadd.s32 s3, s2  }
0x8d: {  	s2 =	sadd.s32 s2, s17  }
0x8e: {  	[smem:$0x3FC6] =	sst s2  }
0x8f: {  	_ = 	snop  }
0x90: {  	s2 =	sld [smem:$0x3FD0];
	(tm) =	ssettm $0x1  }
0x91: {  	s18 =	sld [smem:$0x3FFB];
	_ =	sdelay $0x3  }
0x92: {  	_ =	strace s18  }
0x93: {  	s3 =	sld [smem:$0x3FFC];
	_ =	sdelay $0x3  }
0x94: {  	_ =	strace s3  }
0x95: {  	s3 =	sld [smem:$0x3FFD];
	_ =	sdelay $0x3  }
0x96: {  	_ =	strace s3  }
0x97: {  	_ =	strace $0x8FFFFFFF  }
0x98: {  	s19 =	sld [smem:$0x3FDB];
	_ =	sdelay $0x1  }
0x99: {  	s4 =	simm.s32 $_scs_section_size  }
0x9a: {  	s5 =	simm.s32 $_size__tile_overlayer_lowered;
	s6 =	simm.s32 $_tile_overlayer_lowered  }
0x9b: {  	s22 =	simm.s32 $0x1BFF;
	s21 =	sshll.u32 s6, $0x1;
	s3 =	sadd.s32 s4, s19  }
0x9c: {  	s7 =	simm.s32 $0x0;
	s20 =	sshll.u32 s5, $0x1;
	s5 =	sadd.s32 s21, s3  }
0x9d: {  	[timem:s7], [sflag:s22] =	dma.local [hbm:s5], s20  }
0x9e: {  	_ =	swait.ge [sflag:s22], s20  }
0x9f: {  	s4 =	ssub.s32 $0x0, s20;
	[sflag:s22] =	ssyncset.done $0x0  }
0xa0: {  	[sflag:s22] =	ssyncadd.s32 s4;
	_ =	sdelay $0x1  }
0xa1: {  	s23 =	simm.s32 $0x1B8B  }
0xa2: {  	_ =	swait.ge [sflag:s23], $0x1  }
0xa3: {  	[sflag:s23] =	ssyncset.done $0x0  }
0xa4: {  	s25 =	simm.s32 $0x1B8E;
	s24 =	sld [smem:$0x3FFE];
	[sflag:s23] =	ssyncadd.s32 $0xFFFFFFFF  }
0xa5: {  	s26 =	simm.s32 $execute0_lowered;
	[smem:$0x3FD2] =	sst s25  }
0xa6: {  	s5 =	sshll.u32 s26, $0x1;
	_ =	strace $0x80000046;
	[dreg:$0x1] =	wrdreg $0xFFFFFFFF  }
0xa7: {  	s28 =	simm.s32 $_size_execute0_lowered;
	s3 =	sadd.s32 s3, s5;
	[dreg:$0x0] =	wrdreg $0x0  }
0xa8: {  	s5 =	sshll.u32 s28, $0x1;
	[dreg:$0x2] =	wrdreg s3  }
0xa9: {  	[dreg:$0x3] =	wrdreg s5  }
0xaa: {  	[dreg:$0x4] =	wrdreg $0xC0  }
0xab: {  	_ =	task [dreg:s7], $0x5FFFF  }
0xac: {  	[dreg:$0x1] =	wrdreg $0xFFFFFFFF  }
0xad: {  	[dreg:$0x0] =	wrdreg $0x60  }
0xae: {  	[dreg:$0x2] =	wrdreg s24  }
0xaf: {  	[dreg:$0x3] =	wrdreg s2  }
0xb0: {  	[dreg:$0x4] =	wrdreg $0x9  }
0xb1: {  	_ =	task.clear_ibuf [dreg:s7], $0x5FFFF;
	_ =	strace $0x90000046  }
0xb2: {  	s29 =	simm.s32 $0x9;
	_ =	strace $0x80000048  }
0xb3: {  	_ =	swait.ge [sflag:s29], $0x1  }
0xb4: {  	[sflag:s29] =	ssyncadd.s32 $0xFFFFFFFF  }
0xb5: {  	_ =	strace $0x90000048  }
0xb6: {  	_ =	sfence  }
0xb7: {  	s30 =	sld [smem:$0x0];
	_ =	sdelay $0x2  }
0xb8: {  	s31 =	sshll.u32 s1, $0xD;
	s1 =	sshrl.u32 s1, $0x2  }
0xb9: {  	s3 =	sand.u32 $0x4000, s31;
	s1 =	sadd.s32 s1, s30  }
0xba: {  	s0 =	sor.u32 s3, s0;
	s1 =	sshll.u32 s1, $0x11  }
0xbb: {  	s0 =	sor.u32 s1, s0  }
0xbc: {  	s0 =	sadd.s32 $0x8F2B, s0  }
0xbd: {  	[sflag:s0] =	ssyncadd.remote.s32 $0x1  }
0xbe: {  	_ =	sfence.sel $0xFFFF  }
0xbf: {  	[dreg:$0x0] =	wrdreg $0xFFFFFFFF;
	(pc) =	sbr.abs _section_cstart, $3  }
0xc0: {  	[dreg:$0x1] =	wrdreg $0xFFFFFFFF  }
0xc1: {  	_ =	task.clear_ibuf [dreg:s7], $0x2FFFF;
	_ =	strace $0x9FFFFFFF  }
0xc2: {  	(tm) =	ssettm $0x7FFFFFFF  }
0xc3: {  	_ =	shalt  }
tec
execute0_lowered:
.L_overlay_start_1:
0x0: {  	(tag) =	ssettag $0x1  }
0x1: {  	s1 =	srdreg.scid  }
0x2: {  	s0 =	stileid.u32;
	s5 =	rddreg [dreg:$0x0]  }
0x3: {  	s2 =	rddreg [dreg:$0x1];
	s3 =	simm.s32 $0x0;
	s10 =	simm.s32 $0x3  }
0x4: {  	s11 =	simm.s32 $0x80;
	s12 =	simm.s32 $0x1900;
	s13 =	simm.s32 $0x3900  }
0x5: {  	s14 =	simm.s32 $0x1;
	s6 =	sand.u32 $0x1, s1;
	s31 =	sshll.u32 s0, $0x1  }
0x6: {  	s15 =	simm.s32 $0x5900;
	s16 =	simm.s32 $0x7900;
	s8 =	sor.u32 s6, s31  }
0x7: {  	s17 =	simm.s32 $0x9900;
	s18 =	simm.s32 $0x2;
	s4 =	smul.u32 $0x1900, s8  }
.Ltmp0:
0x8: {  	s1 =	rddreg [dreg:$0x2];
	s6 =	ssub.s32 $0x2, s6;
	(pc) =	sbr.rel .LBB2_1-.Ltmp0, $4  }
0x9: {  	s19 =	simm.s32 $0x0;
	[smem:$0x7FF] =	sst s3;
	s9 =	sshrl.u32 s6, $0x1  }
0xa: {  	_ =	strace $0x80000047;
	s9 =	ssub.s32 s6, s9;
	s7 =	sshrl.u32 s4, $0x3  }
0xb: {  	s8 =	smul.u32 $0x64000, s8;
	s9 =	smax.u32 s9, $0x1;
	s7 =	sadd.s32 s7, s5  }
0xc: {  	s5 =	sadd.s32 $0xF42E00, s5;
	s6 =	sadd.s32 $0xA00, s7;
	s7 =	sor.u32 $0x80, s4  }
.LBB2_14:
0xd: {  	_ =	swait.ge [sflag:s18], $0x2000  }
0xe: {  	[sflag:s18] =	ssyncset.done $0x0  }
0xf: {  	[sflag:s18] =	ssyncadd.s32 $0xFFFFE000  }
0x10: {  	_ =	swait.ge [sflag:s18], $0x2000  }
0x11: {  	[sflag:s18] =	ssyncset.done $0x0  }
0x12: {  	s19 =	sadd.s32 $0x1, s19;
	[sflag:s18] =	ssyncadd.s32 $0xFFFFE000  }
0x13: {  	p0 =	sne.s32 s19, s9;
	_ =	swait.ge [sflag:s18], $0x2000  }
.Ltmp1:
0x14: {  	[sflag:s18] =	ssyncset.done $0x0;
	(pc) =	sbr.rel @!p0 .LBB2_15-.Ltmp1, $4  }
0x15: {  	[sflag:s18] =	ssyncadd.s32 $0xFFFFE000  }
0x16: {  	_ =	swait.ge [sflag:s18], $0x2000  }
0x17: {  	[sflag:s18] =	ssyncset.done $0x0  }
0x18: {  	[sflag:s18] =	ssyncadd.s32 $0xFFFFE000  }
.LBB2_1:
0x19: {  	[tilespmem:s3], [sflag:$0x3] =	stream.linear.gather [hbm4b:s6+s3], $0x1900, $0x38;
	[tilespmem:$0xB900] =	vst v63  }
0x1a: {  	_ =	swait.ge [sflag:s10], $0x1900  }
0x1b: {  	[sflag:s10] =	ssyncset.done $0x0  }
0x1c: {  	[sflag:s10] =	ssyncadd.s32 $0xFFFFE700  }
0x1d: {  	[tilespmem:s12], [sflag:$0x1] =	stream.indirect.gather [hbm4b:s5+s11], $0x40, s3, s11, $0xb8;
	[tilespmem:$0xB900] =	vst v63  }
0x1e: {  	s20 =	simm.s32 $0x0  }
0x1f: {  	[tilespmem:s13], [sflag:$0x1] =	stream.indirect.gather [hbm4b:s5+s11], $0x40, s11, s11, $0xb8;
	[tilespmem:$0xB900] =	vst v63  }
.LBB2_2:
0x20: {  	_ =	swait.ge [sflag:s14], $0x2000  }
0x21: {  	[sflag:s14] =	ssyncset.done $0x0  }
0x22: {  	s21 =	simm.s32 $0x1A00;
	[sflag:s14] =	ssyncadd.s32 $0xFFFFE000  }
0x23: {  	v0 =	vld [tilespmem:s21+$0xFFFFFF00]  }
0x24: {  	v1 =	vld [tilespmem:s21+$0xFFFFFF10]  }
0x25: {  	v2 =	vld [tilespmem:s21+$0xFFFFFF20]  }
0x26: {  	v3 =	vld [tilespmem:s21+$0xFFFFFF30]  }
0x27: {  	v4 =	vld [tilespmem:s21+$0xFFFFFF40]  }
0x28: {  	v5 =	vld [tilespmem:s21+$0xFFFFFF50];
	v0 =	vmul.f32 $8.000000000e+00, v0  }
0x29: {  	v6 =	vld [tilespmem:s21+$0xFFFFFF60];
	v1 =	vmul.f32 $8.000000000e+00, v1  }
0x2a: {  	[tilespmem:s21+$0xFFFFFF00] =	vst v0;
	v0 =	vmul.f32 $8.000000000e+00, v2;
	v2 =	vld [tilespmem:s21+$0xFFFFFF70]  }
0x2b: {  	[tilespmem:s21+$0xFFFFFF10] =	vst v1;
	v1 =	vmul.f32 $8.000000000e+00, v3;
	v3 =	vld [tilespmem:s21+$0xFFFFFF80]  }
0x2c: {  	[tilespmem:s21+$0xFFFFFF20] =	vst v0;
	v0 =	vmul.f32 $8.000000000e+00, v4;
	v4 =	vld [tilespmem:s21+$0xFFFFFF90]  }
0x2d: {  	[tilespmem:s21+$0xFFFFFF30] =	vst v1;
	v1 =	vmul.f32 $8.000000000e+00, v5;
	v5 =	vld [tilespmem:s21+$0xFFFFFFA0]  }
0x2e: {  	[tilespmem:s21+$0xFFFFFF40] =	vst v0;
	v0 =	vmul.f32 $8.000000000e+00, v6;
	v6 =	vld [tilespmem:s21+$0xFFFFFFB0]  }
0x2f: {  	[tilespmem:s21+$0xFFFFFF50] =	vst v1;
	v1 =	vmul.f32 $8.000000000e+00, v2;
	v2 =	vld [tilespmem:s21+$0xFFFFFFC0]  }
0x30: {  	[tilespmem:s21+$0xFFFFFF60] =	vst v0;
	v0 =	vmul.f32 $8.000000000e+00, v3;
	v3 =	vld [tilespmem:s21+$0xFFFFFFD0]  }
0x31: {  	[tilespmem:s21+$0xFFFFFF70] =	vst v1;
	v1 =	vmul.f32 $8.000000000e+00, v4;
	v4 =	vld [tilespmem:s21+$0xFFFFFFE0]  }
0x32: {  	[tilespmem:s21+$0xFFFFFF80] =	vst v0;
	v0 =	vmul.f32 $8.000000000e+00, v5;
	v5 =	vld [tilespmem:s21+$0x0]  }
0x33: {  	[tilespmem:s21+$0xFFFFFF90] =	vst v1;
	v1 =	vmul.f32 $8.000000000e+00, v6;
	v6 =	vld [tilespmem:s21+$0x10]  }
0x34: {  	[tilespmem:s21+$0xFFFFFFA0] =	vst v0;
	v0 =	vmul.f32 $8.000000000e+00, v2;
	v2 =	vld [tilespmem:s21+$0x20]  }
0x35: {  	[tilespmem:s21+$0xFFFFFFB0] =	vst v1;
	v1 =	vmul.f32 $8.000000000e+00, v3;
	v3 =	vld [tilespmem:s21+$0x30]  }
0x36: {  	[tilespmem:s21+$0xFFFFFFC0] =	vst v0;
	v0 =	vmul.f32 $8.000000000e+00, v4;
	v4 =	vld [tilespmem:s21+$0x40]  }
0x37: {  	[tilespmem:s21+$0xFFFFFFD0] =	vst v1;
	v1 =	vmul.f32 $8.000000000e+00, v5;
	v5 =	vld [tilespmem:s21+$0x50]  }
0x38: {  	[tilespmem:s21+$0xFFFFFFE0] =	vst v0;
	v0 =	vmul.f32 $8.000000000e+00, v6;
	v6 =	vld [tilespmem:s21+$0x60]  }
0x39: {  	[tilespmem:s21+$0x0] =	vst v1;
	v1 =	vmul.f32 $8.000000000e+00, v2;
	v2 =	vld [tilespmem:s21+$0x70]  }
0x3a: {  	[tilespmem:s21+$0x10] =	vst v0;
	v0 =	vmul.f32 $8.000000000e+00, v3;
	v3 =	vld [tilespmem:s21+$0x80]  }
0x3b: {  	[tilespmem:s21+$0x20] =	vst v1;
	v1 =	vmul.f32 $8.000000000e+00, v4;
	v4 =	vld [tilespmem:s21+$0x90]  }
0x3c: {  	[tilespmem:s21+$0x30] =	vst v0;
	v0 =	vmul.f32 $8.000000000e+00, v5;
	v5 =	vld [tilespmem:s21+$0xA0]  }
0x3d: {  	[tilespmem:s21+$0x40] =	vst v1;
	v1 =	vmul.f32 $8.000000000e+00, v6;
	v6 =	vld [tilespmem:s21+$0xB0]  }
0x3e: {  	[tilespmem:s21+$0x50] =	vst v0;
	v2 =	vmul.f32 $8.000000000e+00, v2;
	v0 =	vld [tilespmem:s21+$0xC0]  }
0x3f: {  	[tilespmem:s21+$0x60] =	vst v1;
	v7 =	vmul.f32 $8.000000000e+00, v3;
	v1 =	vld [tilespmem:s21+$0xD0]  }
0x40: {  	v3 =	vld [tilespmem:s21+$0xE0];
	[tilespmem:s21+$0x70] =	vst v2;
	v8 =	vmul.f32 $8.000000000e+00, v4  }
0x41: {  	v2 =	vld [tilespmem:s21+$0xF0];
	[tilespmem:s21+$0x80] =	vst v7;
	v5 =	vmul.f32 $8.000000000e+00, v5  }
0x42: {  	s22 =	simm.s32 $0x0;
	s23 =	simm.s32 $0x1C00;
	v4 =	vld [tilespmem:s21+$0xFFFFFFF0];
	[tilespmem:s21+$0x90] =	vst v8;
	v6 =	vmul.f32 $8.000000000e+00, v6  }
.LBB2_3:
0x43: {  	v7 =	vld [tilespmem:s23+$0xFFFFFF00];
	[tilespmem:s21+$0xA0] =	vst v5;
	v0 =	vmul.f32 $8.000000000e+00, v0  }
0x44: {  	v5 =	vld [tilespmem:s23+$0xFFFFFF10];
	[tilespmem:s21+$0xB0] =	vst v6;
	v1 =	vmul.f32 $8.000000000e+00, v1  }
0x45: {  	v6 =	vld [tilespmem:s23+$0xFFFFFF20];
	[tilespmem:s21+$0xC0] =	vst v0;
	v0 =	vmul.f32 $8.000000000e+00, v3  }
0x46: {  	v3 =	vld [tilespmem:s23+$0xFFFFFF30];
	[tilespmem:s21+$0xD0] =	vst v1;
	v1 =	vmul.f32 $8.000000000e+00, v2  }
0x47: {  	v2 =	vld [tilespmem:s23+$0xFFFFFF40];
	v4 =	vmul.f32 $8.000000000e+00, v4;
	[tilespmem:s21+$0xE0] =	vst v0  }
0x48: {  	v0 =	vmul.f32 $8.000000000e+00, v7;
	v7 =	vld [tilespmem:s23+$0xFFFFFF50];
	[tilespmem:s21+$0xF0] =	vst v1  }
0x49: {  	v1 =	vmul.f32 $8.000000000e+00, v5;
	v5 =	vld [tilespmem:s23+$0xFFFFFF60];
	[tilespmem:s21+$0xFFFFFFF0] =	vst v4;
	s21 =	smov.u32 s23  }
0x4a: {  	[tilespmem:s23+$0xFFFFFF00] =	vst v0;
	v0 =	vmul.f32 $8.000000000e+00, v6;
	v4 =	vld [tilespmem:s23+$0xFFFFFF70]  }
0x4b: {  	[tilespmem:s23+$0xFFFFFF10] =	vst v1;
	v1 =	vmul.f32 $8.000000000e+00, v3;
	v3 =	vld [tilespmem:s23+$0xFFFFFF80]  }
0x4c: {  	[tilespmem:s23+$0xFFFFFF20] =	vst v0;
	v0 =	vmul.f32 $8.000000000e+00, v2;
	v2 =	vld [tilespmem:s23+$0xFFFFFF90]  }
0x4d: {  	[tilespmem:s23+$0xFFFFFF30] =	vst v1;
	v1 =	vmul.f32 $8.000000000e+00, v7;
	v6 =	vld [tilespmem:s23+$0xFFFFFFA0]  }
0x4e: {  	[tilespmem:s23+$0xFFFFFF40] =	vst v0;
	v0 =	vmul.f32 $8.000000000e+00, v5;
	v5 =	vld [tilespmem:s23+$0xFFFFFFB0]  }
0x4f: {  	[tilespmem:s23+$0xFFFFFF50] =	vst v1;
	v1 =	vmul.f32 $8.000000000e+00, v4;
	v4 =	vld [tilespmem:s23+$0xFFFFFFC0]  }
0x50: {  	[tilespmem:s23+$0xFFFFFF60] =	vst v0;
	v0 =	vmul.f32 $8.000000000e+00, v3;
	v3 =	vld [tilespmem:s23+$0xFFFFFFD0]  }
0x51: {  	[tilespmem:s23+$0xFFFFFF70] =	vst v1;
	v1 =	vmul.f32 $8.000000000e+00, v2;
	v2 =	vld [tilespmem:s23+$0xFFFFFFE0]  }
0x52: {  	[tilespmem:s23+$0xFFFFFF80] =	vst v0;
	v0 =	vmul.f32 $8.000000000e+00, v6;
	v6 =	vld [tilespmem:s23+$0x0]  }
0x53: {  	[tilespmem:s23+$0xFFFFFF90] =	vst v1;
	v1 =	vmul.f32 $8.000000000e+00, v5;
	v5 =	vld [tilespmem:s23+$0x10]  }
0x54: {  	[tilespmem:s23+$0xFFFFFFA0] =	vst v0;
	v0 =	vmul.f32 $8.000000000e+00, v4;
	v4 =	vld [tilespmem:s23+$0x20]  }
0x55: {  	[tilespmem:s23+$0xFFFFFFB0] =	vst v1;
	v1 =	vmul.f32 $8.000000000e+00, v3;
	v3 =	vld [tilespmem:s23+$0x30]  }
0x56: {  	[tilespmem:s23+$0xFFFFFFC0] =	vst v0;
	v0 =	vmul.f32 $8.000000000e+00, v2;
	v2 =	vld [tilespmem:s23+$0x40]  }
0x57: {  	[tilespmem:s23+$0xFFFFFFD0] =	vst v1;
	v1 =	vmul.f32 $8.000000000e+00, v6;
	v6 =	vld [tilespmem:s23+$0x50]  }
0x58: {  	[tilespmem:s23+$0xFFFFFFE0] =	vst v0;
	v0 =	vmul.f32 $8.000000000e+00, v5;
	v5 =	vld [tilespmem:s23+$0x60]  }
0x59: {  	[tilespmem:s23+$0x0] =	vst v1;
	v1 =	vmul.f32 $8.000000000e+00, v4;
	v4 =	vld [tilespmem:s23+$0x70]  }
0x5a: {  	[tilespmem:s23+$0x10] =	vst v0;
	v0 =	vmul.f32 $8.000000000e+00, v3;
	v3 =	vld [tilespmem:s23+$0x80]  }
0x5b: {  	[tilespmem:s23+$0x20] =	vst v1;
	v1 =	vmul.f32 $8.000000000e+00, v2;
	v2 =	vld [tilespmem:s23+$0x90]  }
0x5c: {  	s22 =	sadd.s32 $0x8, s22;
	[tilespmem:s23+$0x30] =	vst v0;
	v0 =	vmul.f32 $8.000000000e+00, v6;
	v6 =	vld [tilespmem:s23+$0xA0]  }
0x5d: {  	p0 =	slt.u32 s22, $0x78;
	[tilespmem:s23+$0x40] =	vst v1;
	v1 =	vmul.f32 $8.000000000e+00, v5;
	v7 =	vld [tilespmem:s23+$0xB0]  }
.Ltmp2:
0x5e: {  	[tilespmem:s23+$0x50] =	vst v0;
	v4 =	vmul.f32 $8.000000000e+00, v4;
	v0 =	vld [tilespmem:s23+$0xC0];
	(pc) =	sbr.rel @p0 .LBB2_3-.Ltmp2, $4  }
0x5f: {  	[tilespmem:s23+$0x60] =	vst v1;
	v5 =	vmul.f32 $8.000000000e+00, v3;
	v1 =	vld [tilespmem:s23+$0xD0]  }
0x60: {  	[tilespmem:s23+$0x70] =	vst v4;
	v8 =	vmul.f32 $8.000000000e+00, v2;
	v3 =	vld [tilespmem:s23+$0xE0]  }
0x61: {  	[tilespmem:s23+$0x80] =	vst v5;
	v5 =	vmul.f32 $8.000000000e+00, v6;
	v2 =	vld [tilespmem:s23+$0xF0]  }
0x62: {  	s23 =	sadd.s32 $0x200, s23;
	v4 =	vld [tilespmem:s21+$0xFFFFFFF0];
	[tilespmem:s21+$0x90] =	vst v8;
	v6 =	vmul.f32 $8.000000000e+00, v7  }
0x63: {  	[tilespmem:s21+$0xA0] =	vst v5;
	v0 =	vmul.f32 $8.000000000e+00, v0  }
0x64: {  	[tilespmem:s21+$0xB0] =	vst v6;
	v1 =	vmul.f32 $8.000000000e+00, v1  }
0x65: {  	s23 =	smul.u32 $0x280, s20;
	[tilespmem:s21+$0xC0] =	vst v0;
	v0 =	vmul.f32 $8.000000000e+00, v3  }
0x66: {  	[tilespmem:s21+$0xD0] =	vst v1;
	v1 =	vmul.f32 $8.000000000e+00, v2  }
0x67: {  	s22 =	sadd.s32 s4, s23;
	v2 =	vmul.f32 $8.000000000e+00, v4;
	[tilespmem:s21+$0xE0] =	vst v0  }
0x68: {  	p0 =	seq.s32 s20, $0x0;
	s22 =	sshll.u32 s22, $0x3;
	[tilespmem:s21+$0xF0] =	vst v1  }
0x69: {  	s24 =	simm.s32 @!p0 $0x2;
	s30 =	sadd.s32 s2, s22;
	[tilespmem:s21+$0xFFFFFFF0] =	vst v2;
	s21 =	smul.u32 $0x5, s20  }
0x6a: {  	[hbm4b:s30+s3] =	stream.linear.scatter [tilespmem:s12], [sflag:$0x2], $0x2000, $0x38;
	[tilespmem:$0xB900] =	vst v63  }
0x6b: {  	s22 =	sadd.s32 $0x2, s21;
	_ =	swait.ge @!p0 [sflag:s24], $0x2000  }
0x6c: {  	[sflag:s24] =	ssyncset.done @!p0 $0x0;
	s25 =	sshll.u32 s22, $0x7  }
0x6d: {  	[sflag:s24] =	ssyncadd.s32 @!p0 $0xFFFFE000;
	s31 =	sand.u32 $0x3FFFFF80, s25  }
0x6e: {  	[tilespmem:s15], [sflag:$0x1] =	stream.indirect.gather [hbm4b:s5+s11], $0x40, s31, s11, $0xb8;
	[tilespmem:$0xB900] =	vst v63  }
0x6f: {  	_ =	swait.ge [sflag:s14], $0x2000  }
0x70: {  	[sflag:s14] =	ssyncset.done $0x0  }
0x71: {  	s24 =	simm.s32 $0x3AF0;
	[sflag:s14] =	ssyncadd.s32 $0xFFFFE000  }
0x72: {  	v0 =	vld [tilespmem:s24+$0xFFFFFE10]  }
0x73: {  	v1 =	vld [tilespmem:s24+$0xFFFFFE20]  }
0x74: {  	v2 =	vld [tilespmem:s24+$0xFFFFFE30]  }
0x75: {  	v3 =	vld [tilespmem:s24+$0xFFFFFE40]  }
0x76: {  	v4 =	vld [tilespmem:s24+$0xFFFFFE50]  }
0x77: {  	v5 =	vld [tilespmem:s24+$0xFFFFFE60];
	v0 =	vmul.f32 $8.000000000e+00, v0  }
0x78: {  	v6 =	vld [tilespmem:s24+$0xFFFFFE70];
	v1 =	vmul.f32 $8.000000000e+00, v1  }
0x79: {  	[tilespmem:s24+$0xFFFFFE10] =	vst v0;
	v0 =	vmul.f32 $8.000000000e+00, v2;
	v2 =	vld [tilespmem:s24+$0xFFFFFE80]  }
0x7a: {  	[tilespmem:s24+$0xFFFFFE20] =	vst v1;
	v1 =	vmul.f32 $8.000000000e+00, v3;
	v3 =	vld [tilespmem:s24+$0xFFFFFE90]  }
0x7b: {  	[tilespmem:s24+$0xFFFFFE30] =	vst v0;
	v0 =	vmul.f32 $8.000000000e+00, v4;
	v4 =	vld [tilespmem:s24+$0xFFFFFEA0]  }
0x7c: {  	[tilespmem:s24+$0xFFFFFE40] =	vst v1;
	v1 =	vmul.f32 $8.000000000e+00, v5;
	v5 =	vld [tilespmem:s24+$0xFFFFFEB0]  }
0x7d: {  	[tilespmem:s24+$0xFFFFFE50] =	vst v0;
	v0 =	vmul.f32 $8.000000000e+00, v6;
	v6 =	vld [tilespmem:s24+$0xFFFFFEC0]  }
0x7e: {  	[tilespmem:s24+$0xFFFFFE60] =	vst v1;
	v1 =	vmul.f32 $8.000000000e+00, v2;
	v2 =	vld [tilespmem:s24+$0xFFFFFED0]  }
0x7f: {  	[tilespmem:s24+$0xFFFFFE70] =	vst v0;
	v0 =	vmul.f32 $8.000000000e+00, v3;
	v3 =	vld [tilespmem:s24+$0xFFFFFEE0]  }
0x80: {  	[tilespmem:s24+$0xFFFFFE80] =	vst v1;
	v1 =	vmul.f32 $8.000000000e+00, v4;
	v4 =	vld [tilespmem:s24+$0xFFFFFEF0]  }
0x81: {  	[tilespmem:s24+$0xFFFFFE90] =	vst v0;
	v0 =	vmul.f32 $8.000000000e+00, v5;
	v5 =	vld [tilespmem:s24+$0xFFFFFF00]  }
0x82: {  	[tilespmem:s24+$0xFFFFFEA0] =	vst v1;
	v1 =	vmul.f32 $8.000000000e+00, v6;
	v6 =	vld [tilespmem:s24+$0xFFFFFF10]  }
0x83: {  	[tilespmem:s24+$0xFFFFFEB0] =	vst v0;
	v0 =	vmul.f32 $8.000000000e+00, v2;
	v2 =	vld [tilespmem:s24+$0xFFFFFF20]  }
0x84: {  	[tilespmem:s24+$0xFFFFFEC0] =	vst v1;
	v1 =	vmul.f32 $8.000000000e+00, v3;
	v3 =	vld [tilespmem:s24+$0xFFFFFF30]  }
0x85: {  	[tilespmem:s24+$0xFFFFFED0] =	vst v0;
	v0 =	vmul.f32 $8.000000000e+00, v4;
	v4 =	vld [tilespmem:s24+$0xFFFFFF40]  }
0x86: {  	[tilespmem:s24+$0xFFFFFEE0] =	vst v1;
	v1 =	vmul.f32 $8.000000000e+00, v5;
	v5 =	vld [tilespmem:s24+$0xFFFFFF50]  }
0x87: {  	[tilespmem:s24+$0xFFFFFEF0] =	vst v0;
	v0 =	vmul.f32 $8.000000000e+00, v6;
	v6 =	vld [tilespmem:s24+$0xFFFFFF60]  }
0x88: {  	[tilespmem:s24+$0xFFFFFF00] =	vst v1;
	v1 =	vmul.f32 $8.000000000e+00, v2;
	v2 =	vld [tilespmem:s24+$0xFFFFFF70]  }
0x89: {  	[tilespmem:s24+$0xFFFFFF10] =	vst v0;
	v0 =	vmul.f32 $8.000000000e+00, v3;
	v3 =	vld [tilespmem:s24+$0xFFFFFF80]  }
0x8a: {  	[tilespmem:s24+$0xFFFFFF20] =	vst v1;
	v1 =	vmul.f32 $8.000000000e+00, v4;
	v4 =	vld [tilespmem:s24+$0xFFFFFF90]  }
0x8b: {  	[tilespmem:s24+$0xFFFFFF30] =	vst v0;
	v0 =	vmul.f32 $8.000000000e+00, v5;
	v5 =	vld [tilespmem:s24+$0xFFFFFFA0]  }
0x8c: {  	[tilespmem:s24+$0xFFFFFF40] =	vst v1;
	v1 =	vmul.f32 $8.000000000e+00, v6;
	v6 =	vld [tilespmem:s24+$0xFFFFFFB0]  }
0x8d: {  	[tilespmem:s24+$0xFFFFFF50] =	vst v0;
	v2 =	vmul.f32 $8.000000000e+00, v2;
	v0 =	vld [tilespmem:s24+$0xFFFFFFC0]  }
0x8e: {  	[tilespmem:s24+$0xFFFFFF60] =	vst v1;
	v3 =	vmul.f32 $8.000000000e+00, v3;
	v1 =	vld [tilespmem:s24+$0xFFFFFFD0]  }
0x8f: {  	[tilespmem:s24+$0xFFFFFF70] =	vst v2;
	v4 =	vmul.f32 $8.000000000e+00, v4;
	v2 =	vld [tilespmem:s24+$0xFFFFFFE0]  }
0x90: {  	[tilespmem:s24+$0xFFFFFF80] =	vst v3;
	v3 =	vld [tilespmem:s24+$0x0];
	v5 =	vmul.f32 $8.000000000e+00, v5  }
0x91: {  	s26 =	simm.s32 $0x3CF0;
	s25 =	simm.s32 $0x0;
	[tilespmem:s24+$0xFFFFFF90] =	vst v4;
	v6 =	vmul.f32 $8.000000000e+00, v6;
	v4 =	vld [tilespmem:s24+$0xFFFFFFF0]  }
.LBB2_5:
0x92: {  	v7 =	vld [tilespmem:s26+$0xFFFFFE10];
	[tilespmem:s24+$0xFFFFFFA0] =	vst v5;
	v0 =	vmul.f32 $8.000000000e+00, v0  }
0x93: {  	v5 =	vld [tilespmem:s26+$0xFFFFFE20];
	[tilespmem:s24+$0xFFFFFFB0] =	vst v6;
	v1 =	vmul.f32 $8.000000000e+00, v1  }
0x94: {  	v6 =	vld [tilespmem:s26+$0xFFFFFE30];
	[tilespmem:s24+$0xFFFFFFC0] =	vst v0;
	v0 =	vmul.f32 $8.000000000e+00, v2  }
0x95: {  	v2 =	vld [tilespmem:s26+$0xFFFFFE40];
	[tilespmem:s24+$0xFFFFFFD0] =	vst v1;
	v1 =	vmul.f32 $8.000000000e+00, v3  }
0x96: {  	v3 =	vld [tilespmem:s26+$0xFFFFFE50];
	[tilespmem:s24+$0xFFFFFFE0] =	vst v0;
	v0 =	vmul.f32 $8.000000000e+00, v4  }
0x97: {  	v4 =	vmul.f32 $8.000000000e+00, v7;
	v7 =	vld [tilespmem:s26+$0xFFFFFE60];
	[tilespmem:s24+$0x0] =	vst v1  }
0x98: {  	v1 =	vmul.f32 $8.000000000e+00, v5;
	v5 =	vld [tilespmem:s26+$0xFFFFFE70];
	[tilespmem:s24+$0xFFFFFFF0] =	vst v0;
	s24 =	smov.u32 s26  }
0x99: {  	[tilespmem:s26+$0xFFFFFE10] =	vst v4;
	v0 =	vmul.f32 $8.000000000e+00, v6;
	v4 =	vld [tilespmem:s26+$0xFFFFFE80]  }
0x9a: {  	[tilespmem:s26+$0xFFFFFE20] =	vst v1;
	v1 =	vmul.f32 $8.000000000e+00, v2;
	v2 =	vld [tilespmem:s26+$0xFFFFFE90]  }
0x9b: {  	[tilespmem:s26+$0xFFFFFE30] =	vst v0;
	v0 =	vmul.f32 $8.000000000e+00, v3;
	v3 =	vld [tilespmem:s26+$0xFFFFFEA0]  }
0x9c: {  	[tilespmem:s26+$0xFFFFFE40] =	vst v1;
	v1 =	vmul.f32 $8.000000000e+00, v7;
	v6 =	vld [tilespmem:s26+$0xFFFFFEB0]  }
0x9d: {  	[tilespmem:s26+$0xFFFFFE50] =	vst v0;
	v0 =	vmul.f32 $8.000000000e+00, v5;
	v5 =	vld [tilespmem:s26+$0xFFFFFEC0]  }
0x9e: {  	[tilespmem:s26+$0xFFFFFE60] =	vst v1;
	v1 =	vmul.f32 $8.000000000e+00, v4;
	v4 =	vld [tilespmem:s26+$0xFFFFFED0]  }
0x9f: {  	[tilespmem:s26+$0xFFFFFE70] =	vst v0;
	v0 =	vmul.f32 $8.000000000e+00, v2;
	v2 =	vld [tilespmem:s26+$0xFFFFFEE0]  }
0xa0: {  	[tilespmem:s26+$0xFFFFFE80] =	vst v1;
	v1 =	vmul.f32 $8.000000000e+00, v3;
	v3 =	vld [tilespmem:s26+$0xFFFFFEF0]  }
0xa1: {  	[tilespmem:s26+$0xFFFFFE90] =	vst v0;
	v0 =	vmul.f32 $8.000000000e+00, v6;
	v6 =	vld [tilespmem:s26+$0xFFFFFF00]  }
0xa2: {  	[tilespmem:s26+$0xFFFFFEA0] =	vst v1;
	v1 =	vmul.f32 $8.000000000e+00, v5;
	v5 =	vld [tilespmem:s26+$0xFFFFFF10]  }
0xa3: {  	[tilespmem:s26+$0xFFFFFEB0] =	vst v0;
	v0 =	vmul.f32 $8.000000000e+00, v4;
	v4 =	vld [tilespmem:s26+$0xFFFFFF20]  }
0xa4: {  	[tilespmem:s26+$0xFFFFFEC0] =	vst v1;
	v1 =	vmul.f32 $8.000000000e+00, v2;
	v2 =	vld [tilespmem:s26+$0xFFFFFF30]  }
0xa5: {  	[tilespmem:s26+$0xFFFFFED0] =	vst v0;
	v0 =	vmul.f32 $8.000000000e+00, v3;
	v3 =	vld [tilespmem:s26+$0xFFFFFF40]  }
0xa6: {  	[tilespmem:s26+$0xFFFFFEE0] =	vst v1;
	v1 =	vmul.f32 $8.000000000e+00, v6;
	v6 =	vld [tilespmem:s26+$0xFFFFFF50]  }
0xa7: {  	[tilespmem:s26+$0xFFFFFEF0] =	vst v0;
	v0 =	vmul.f32 $8.000000000e+00, v5;
	v5 =	vld [tilespmem:s26+$0xFFFFFF60]  }
0xa8: {  	[tilespmem:s26+$0xFFFFFF00] =	vst v1;
	v1 =	vmul.f32 $8.000000000e+00, v4;
	v4 =	vld [tilespmem:s26+$0xFFFFFF70]  }
0xa9: {  	[tilespmem:s26+$0xFFFFFF10] =	vst v0;
	v0 =	vmul.f32 $8.000000000e+00, v2;
	v2 =	vld [tilespmem:s26+$0xFFFFFF80]  }
0xaa: {  	[tilespmem:s26+$0xFFFFFF20] =	vst v1;
	v1 =	vmul.f32 $8.000000000e+00, v3;
	v3 =	vld [tilespmem:s26+$0xFFFFFF90]  }
0xab: {  	s25 =	sadd.s32 $0x8, s25;
	[tilespmem:s26+$0xFFFFFF30] =	vst v0;
	v0 =	vmul.f32 $8.000000000e+00, v6;
	v6 =	vld [tilespmem:s26+$0xFFFFFFA0]  }
0xac: {  	p1 =	slt.u32 s25, $0x78;
	[tilespmem:s26+$0xFFFFFF40] =	vst v1;
	v1 =	vmul.f32 $8.000000000e+00, v5;
	v7 =	vld [tilespmem:s26+$0xFFFFFFB0]  }
.Ltmp3:
0xad: {  	[tilespmem:s26+$0xFFFFFF50] =	vst v0;
	v4 =	vmul.f32 $8.000000000e+00, v4;
	v0 =	vld [tilespmem:s26+$0xFFFFFFC0];
	(pc) =	sbr.rel @p1 .LBB2_5-.Ltmp3, $4  }
0xae: {  	[tilespmem:s26+$0xFFFFFF60] =	vst v1;
	v5 =	vmul.f32 $8.000000000e+00, v2;
	v1 =	vld [tilespmem:s26+$0xFFFFFFD0]  }
0xaf: {  	[tilespmem:s26+$0xFFFFFF70] =	vst v4;
	v4 =	vmul.f32 $8.000000000e+00, v3;
	v2 =	vld [tilespmem:s26+$0xFFFFFFE0]  }
0xb0: {  	[tilespmem:s26+$0xFFFFFF80] =	vst v5;
	v5 =	vmul.f32 $8.000000000e+00, v6;
	v3 =	vld [tilespmem:s26+$0x0]  }
0xb1: {  	s26 =	sadd.s32 $0x200, s26;
	[tilespmem:s24+$0xFFFFFF90] =	vst v4;
	v6 =	vmul.f32 $8.000000000e+00, v7;
	v4 =	vld [tilespmem:s24+$0xFFFFFFF0]  }
0xb2: {  	[tilespmem:s24+$0xFFFFFFA0] =	vst v5;
	v0 =	vmul.f32 $8.000000000e+00, v0  }
0xb3: {  	[tilespmem:s24+$0xFFFFFFB0] =	vst v6;
	v1 =	vmul.f32 $8.000000000e+00, v1  }
0xb4: {  	[tilespmem:s24+$0xFFFFFFC0] =	vst v0;
	v0 =	vmul.f32 $8.000000000e+00, v2  }
0xb5: {  	s23 =	sadd.s32 s23, s7;
	[tilespmem:s24+$0xFFFFFFD0] =	vst v1;
	v1 =	vmul.f32 $8.000000000e+00, v3  }
0xb6: {  	s23 =	sshll.u32 s23, $0x3;
	[tilespmem:s24+$0xFFFFFFE0] =	vst v0;
	v0 =	vmul.f32 $8.000000000e+00, v4  }
0xb7: {  	s23 =	sand.u32 $0x1FFFFC00, s23;
	[tilespmem:s24+$0x0] =	vst v1  }
0xb8: {  	s23 =	sadd.s32 s2, s23;
	[tilespmem:s24+$0xFFFFFFF0] =	vst v0;
	s24 =	simm.s32 @!p0 $0x2  }
0xb9: {  	[hbm4b:s23+s3] =	stream.linear.scatter [tilespmem:s13], [sflag:$0x2], $0x2000, $0x38;
	[tilespmem:$0xB900] =	vst v63  }
0xba: {  	s23 =	sadd.s32 $0x3, s21;
	_ =	swait.ge @!p0 [sflag:s24], $0x2000  }
0xbb: {  	s25 =	sshll.u32 s23, $0x7;
	[sflag:s24] =	ssyncset.done @!p0 $0x0  }
0xbc: {  	s31 =	sand.u32 $0x3FFFFF80, s25;
	[sflag:s24] =	ssyncadd.s32 @!p0 $0xFFFFE000  }
0xbd: {  	[tilespmem:s16], [sflag:$0x1] =	stream.indirect.gather [hbm4b:s5+s11], $0x40, s31, s11, $0xb8;
	[tilespmem:$0xB900] =	vst v63  }
0xbe: {  	_ =	swait.ge [sflag:s14], $0x2000  }
0xbf: {  	[sflag:s14] =	ssyncset.done $0x0  }
0xc0: {  	s24 =	simm.s32 $0x5900;
	[sflag:s14] =	ssyncadd.s32 $0xFFFFE000  }
0xc1: {  	v0 =	vld [tilespmem:s24+$0x1A0]  }
0xc2: {  	v1 =	vld [tilespmem:s24+$0xA0]  }
0xc3: {  	v2 =	vld [tilespmem:s24+$0x90]  }
0xc4: {  	v3 =	vld [tilespmem:s24+$0x80]  }
0xc5: {  	v4 =	vld [tilespmem:s24+$0xB0]  }
0xc6: {  	v5 =	vld [tilespmem:s24+$0x70]  }
0xc7: {  	v6 =	vld [tilespmem:s24+$0xC0]  }
0xc8: {  	v12 =	vld [tilespmem:s24+$0x60]  }
0xc9: {  	v7 =	vld [tilespmem:s24+$0xD0]  }
0xca: {  	v8 =	vld [tilespmem:s24+$0xE0]  }
0xcb: {  	v9 =	vld [tilespmem:s24+$0x1D0]  }
0xcc: {  	v10 =	vld [tilespmem:s24+$0x1E0]  }
0xcd: {  	v11 =	vld [tilespmem:s24+$0x0]  }
0xce: {  	v13 =	vld [tilespmem:s24+$0xF0]  }
0xcf: {  	v14 =	vld [tilespmem:s24+$0x100];
	v0 =	vmul.f32 $8.000000000e+00, v0  }
0xd0: {  	v15 =	vld [tilespmem:s24+$0x110];
	v9 =	vmul.f32 $8.000000000e+00, v9  }
0xd1: {  	v16 =	vld [tilespmem:s24+$0x120];
	v17 =	vmul.f32 $8.000000000e+00, v8;
	[tilespmem:s24+$0x1A0] =	vst v0  }
0xd2: {  	v18 =	vld [tilespmem:s24+$0x30];
	v20 =	vmul.f32 $8.000000000e+00, v6;
	[tilespmem:s24+$0x1D0] =	vst v9  }
0xd3: {  	v21 =	vld [tilespmem:s24+$0x10];
	v0 =	vmul.f32 $8.000000000e+00, v10;
	[tilespmem:s24+$0xE0] =	vst v17  }
0xd4: {  	v10 =	vmul.f32 $8.000000000e+00, v11;
	v11 =	vld [tilespmem:s24+$0x130];
	[tilespmem:s24+$0xC0] =	vst v20  }
0xd5: {  	v9 =	vmul.f32 $8.000000000e+00, v13;
	v13 =	vld [tilespmem:s24+$0x140];
	[tilespmem:s24+$0x1E0] =	vst v0  }
0xd6: {  	[tilespmem:s24+$0x0] =	vst v10;
	v0 =	vmul.f32 $8.000000000e+00, v14;
	v10 =	vld [tilespmem:s24+$0x150]  }
0xd7: {  	[tilespmem:s24+$0xF0] =	vst v9;
	v9 =	vmul.f32 $8.000000000e+00, v15;
	v14 =	vld [tilespmem:s24+$0x1F0]  }
0xd8: {  	v8 =	vmul.f32 $8.000000000e+00, v1;
	v15 =	vld [tilespmem:s24+$0x50];
	[tilespmem:s24+$0x100] =	vst v0;
	v0 =	vmul.f32 $8.000000000e+00, v16  }
0xd9: {  	v19 =	vld [tilespmem:s24+$0x20];
	v6 =	vmul.f32 $8.000000000e+00, v12;
	[tilespmem:s24+$0x110] =	vst v9;
	v9 =	vmul.f32 $8.000000000e+00, v11  }
0xda: {  	v22 =	vld [tilespmem:s24+$0x1B0];
	v1 =	vmul.f32 $8.000000000e+00, v21;
	[tilespmem:s24+$0x120] =	vst v0;
	v0 =	vmul.f32 $8.000000000e+00, v13  }
0xdb: {  	v16 =	vld [tilespmem:s24+$0x40];
	v13 =	vmul.f32 $8.000000000e+00, v7;
	[tilespmem:s24+$0x130] =	vst v9;
	v7 =	vmul.f32 $8.000000000e+00, v10  }
0xdc: {  	v11 =	vld [tilespmem:s24+$0x190];
	v9 =	vmul.f32 $8.000000000e+00, v2;
	v10 =	vmul.f32 $8.000000000e+00, v3;
	[tilespmem:s24+$0x140] =	vst v0  }
0xdd: {  	v12 =	vld [tilespmem:s24+$0x1C0];
	v3 =	vmul.f32 $8.000000000e+00, v15;
	v0 =	vmul.f32 $8.000000000e+00, v14;
	[tilespmem:s24+$0xD0] =	vst v13  }
0xde: {  	v2 =	vmul.f32 $8.000000000e+00, v18;
	v14 =	vmul.f32 $8.000000000e+00, v4;
	v13 =	vld [tilespmem:s24+$0x180];
	[tilespmem:s24+$0x150] =	vst v7  }
0xdf: {  	v15 =	vld [tilespmem:s24+$0x170];
	v4 =	vmul.f32 $8.000000000e+00, v19;
	v7 =	vmul.f32 $8.000000000e+00, v5;
	[tilespmem:s24+$0x1F0] =	vst v0  }
0xe0: {  	s26 =	simm.s32 $0x5B00;
	s25 =	simm.s32 $0x0;
	v5 =	vmul.f32 $8.000000000e+00, v22;
	v0 =	vmul.f32 $8.000000000e+00, v16;
	[tilespmem:s24+$0xB0] =	vst v14;
	v14 =	vld [tilespmem:s24+$0x160]  }
.LBB2_7:
0xe1: {  	v16 =	vld [tilespmem:s26+$0x1A0];
	s25 =	sadd.s32 $0x8, s25;
	[tilespmem:s24+$0xA0] =	vst v8;
	v8 =	vmul.f32 $8.000000000e+00, v11  }
0xe2: {  	v11 =	vld [tilespmem:s26+$0xA0];
	p1 =	slt.u32 s25, $0x78;
	[tilespmem:s24+$0x90] =	vst v9;
	v9 =	vmul.f32 $8.000000000e+00, v12  }
0xe3: {  	v12 =	vld [tilespmem:s26+$0x90];
	[tilespmem:s24+$0x80] =	vst v10;
	v10 =	vmul.f32 $8.000000000e+00, v13  }
0xe4: {  	v13 =	vld [tilespmem:s26+$0x80];
	v15 =	vmul.f32 $8.000000000e+00, v15;
	[tilespmem:s24+$0x1C0] =	vst v9  }
0xe5: {  	v9 =	vld [tilespmem:s26+$0xB0];
	[tilespmem:s24+$0x70] =	vst v7;
	v7 =	vmul.f32 $8.000000000e+00, v14  }
0xe6: {  	v14 =	vld [tilespmem:s26+$0x70];
	v16 =	vmul.f32 $8.000000000e+00, v16;
	[tilespmem:s24+$0x180] =	vst v10  }
0xe7: {  	v10 =	vld [tilespmem:s26+$0xC0];
	[tilespmem:s24+$0x60] =	vst v6  }
0xe8: {  	v6 =	vld [tilespmem:s26+$0x60];
	[tilespmem:s24+$0x170] =	vst v15  }
0xe9: {  	v15 =	vld [tilespmem:s26+$0xD0];
	[tilespmem:s24+$0x50] =	vst v3  }
0xea: {  	v3 =	vld [tilespmem:s26+$0xE0];
	[tilespmem:s24+$0x160] =	vst v7  }
0xeb: {  	v7 =	vld [tilespmem:s26+$0x1D0];
	[tilespmem:s24+$0x40] =	vst v0  }
0xec: {  	v0 =	vld [tilespmem:s26+$0x1E0];
	[tilespmem:s24+$0x30] =	vst v2  }
0xed: {  	v2 =	vld [tilespmem:s26+$0x0];
	[tilespmem:s24+$0x20] =	vst v4  }
0xee: {  	v4 =	vld [tilespmem:s26+$0xF0];
	[tilespmem:s24+$0x190] =	vst v8  }
0xef: {  	v8 =	vld [tilespmem:s26+$0x100];
	[tilespmem:s24+$0x10] =	vst v1  }
0xf0: {  	v1 =	vld [tilespmem:s26+$0x110];
	v7 =	vmul.f32 $8.000000000e+00, v7;
	[tilespmem:s24+$0x1B0] =	vst v5;
	s24 =	smov.u32 s26  }
0xf1: {  	v5 =	vld [tilespmem:s26+$0x120];
	[tilespmem:s26+$0x1A0] =	vst v16;
	v0 =	vmul.f32 $8.000000000e+00, v0  }
0xf2: {  	v16 =	vmul.f32 $8.000000000e+00, v3;
	v2 =	vmul.f32 $8.000000000e+00, v2;
	v3 =	vld [tilespmem:s26+$0x130];
	[tilespmem:s26+$0x1D0] =	vst v7  }
0xf3: {  	v15 =	vmul.f32 $8.000000000e+00, v15;
	v4 =	vmul.f32 $8.000000000e+00, v4;
	v7 =	vld [tilespmem:s26+$0x140];
	[tilespmem:s26+$0x1E0] =	vst v0  }
0xf4: {  	v17 =	vmul.f32 $8.000000000e+00, v10;
	[tilespmem:s26+$0x0] =	vst v2;
	v0 =	vmul.f32 $8.000000000e+00, v8;
	v2 =	vld [tilespmem:s26+$0x150]  }
0xf5: {  	v18 =	vmul.f32 $8.000000000e+00, v9;
	[tilespmem:s26+$0xF0] =	vst v4;
	v1 =	vmul.f32 $8.000000000e+00, v1;
	v4 =	vld [tilespmem:s26+$0x1F0]  }
0xf6: {  	v8 =	vmul.f32 $8.000000000e+00, v11;
	v19 =	vld [tilespmem:s26+$0x50];
	[tilespmem:s26+$0x100] =	vst v0;
	v0 =	vmul.f32 $8.000000000e+00, v5  }
0xf7: {  	v9 =	vmul.f32 $8.000000000e+00, v12;
	v5 =	vld [tilespmem:s26+$0x40];
	[tilespmem:s26+$0x110] =	vst v1;
	v1 =	vmul.f32 $8.000000000e+00, v3  }
0xf8: {  	v10 =	vmul.f32 $8.000000000e+00, v13;
	v12 =	vld [tilespmem:s26+$0x30];
	[tilespmem:s26+$0x120] =	vst v0;
	v0 =	vmul.f32 $8.000000000e+00, v7  }
0xf9: {  	v7 =	vmul.f32 $8.000000000e+00, v14;
	v13 =	vld [tilespmem:s26+$0x20];
	[tilespmem:s26+$0x130] =	vst v1;
	v1 =	vmul.f32 $8.000000000e+00, v2  }
0xfa: {  	v6 =	vmul.f32 $8.000000000e+00, v6;
	v14 =	vld [tilespmem:s26+$0x10];
	[tilespmem:s26+$0x140] =	vst v0;
	v2 =	vmul.f32 $8.000000000e+00, v4  }
0xfb: {  	v3 =	vmul.f32 $8.000000000e+00, v19;
	[tilespmem:s26+$0x150] =	vst v1;
	v19 =	vld [tilespmem:s26+$0x1B0]  }
.Ltmp4:
0xfc: {  	v0 =	vmul.f32 $8.000000000e+00, v5;
	v11 =	vld [tilespmem:s26+$0x190];
	[tilespmem:s26+$0x1F0] =	vst v2;
	(pc) =	sbr.rel @p1 .LBB2_7-.Ltmp4, $4  }
0xfd: {  	v2 =	vmul.f32 $8.000000000e+00, v12;
	[tilespmem:s26+$0xE0] =	vst v16;
	v12 =	vld [tilespmem:s26+$0x1C0]  }
0xfe: {  	v4 =	vmul.f32 $8.000000000e+00, v13;
	[tilespmem:s26+$0xD0] =	vst v15;
	v13 =	vld [tilespmem:s26+$0x180]  }
0xff: {  	v1 =	vmul.f32 $8.000000000e+00, v14;
	[tilespmem:s26+$0xC0] =	vst v17;
	v15 =	vld [tilespmem:s26+$0x170]  }
0x100: {  	s26 =	sadd.s32 $0x200, s26;
	[tilespmem:s24+$0xB0] =	vst v18;
	v14 =	vld [tilespmem:s24+$0x160];
	v5 =	vmul.f32 $8.000000000e+00, v19  }
0x101: {  	[tilespmem:s24+$0xA0] =	vst v8  }
0x102: {  	[tilespmem:s24+$0x90] =	vst v9  }
0x103: {  	[tilespmem:s24+$0x80] =	vst v10  }
0x104: {  	[tilespmem:s24+$0x70] =	vst v7  }
0x105: {  	[tilespmem:s24+$0x60] =	vst v6  }
0x106: {  	[tilespmem:s24+$0x50] =	vst v3  }
0x107: {  	[tilespmem:s24+$0x40] =	vst v0  }
0x108: {  	[tilespmem:s24+$0x30] =	vst v2  }
0x109: {  	[tilespmem:s24+$0x20] =	vst v4  }
0x10a: {  	v0 =	vmul.f32 $8.000000000e+00, v11;
	[tilespmem:s24+$0x10] =	vst v1  }
0x10b: {  	v8 =	vmul.f32 $8.000000000e+00, v12;
	[tilespmem:s24+$0x1B0] =	vst v5  }
0x10c: {  	v9 =	vmul.f32 $8.000000000e+00, v13;
	[tilespmem:s24+$0x190] =	vst v0  }
0x10d: {  	s22 =	sshll.u32 s22, $0xD;
	[tilespmem:s24+$0x1C0] =	vst v8;
	v7 =	vmul.f32 $8.000000000e+00, v15  }
0x10e: {  	s22 =	sadd.s32 s8, s22;
	[tilespmem:s24+$0x180] =	vst v9;
	v6 =	vmul.f32 $8.000000000e+00, v14  }
0x10f: {  	s22 =	sshrl.u32 s22, $0x3;
	[tilespmem:s24+$0x170] =	vst v7  }
0x110: {  	s22 =	sadd.s32 s2, s22;
	[tilespmem:s24+$0x160] =	vst v6  }
0x111: {  	[hbm4b:s22+s3] =	stream.linear.scatter [tilespmem:s15], [sflag:$0x2], $0x2000, $0x38;
	[tilespmem:$0xB900] =	vst v63  }
0x112: {  	s22 =	simm.s32 @!p0 $0x2  }
0x113: {  	s21 =	sadd.s32 $0x4, s21;
	_ =	swait.ge @!p0 [sflag:s22], $0x2000  }
0x114: {  	s30 =	sshll.u32 s21, $0x7;
	[sflag:s22] =	ssyncset.done @!p0 $0x0  }
0x115: {  	s31 =	sand.u32 $0x3FFFFF80, s30;
	[sflag:s22] =	ssyncadd.s32 @!p0 $0xFFFFE000  }
0x116: {  	[tilespmem:s17], [sflag:$0x1] =	stream.indirect.gather [hbm4b:s5+s11], $0x40, s31, s11, $0xb8;
	[tilespmem:$0xB900] =	vst v63  }
0x117: {  	_ =	swait.ge [sflag:s14], $0x2000  }
0x118: {  	[sflag:s14] =	ssyncset.done $0x0  }
0x119: {  	s22 =	simm.s32 $0x7900;
	[sflag:s14] =	ssyncadd.s32 $0xFFFFE000  }
0x11a: {  	v0 =	vld [tilespmem:s22+$0x1A0]  }
0x11b: {  	v1 =	vld [tilespmem:s22+$0xA0]  }
0x11c: {  	v2 =	vld [tilespmem:s22+$0x90]  }
0x11d: {  	v3 =	vld [tilespmem:s22+$0x80]  }
0x11e: {  	v4 =	vld [tilespmem:s22+$0xB0]  }
0x11f: {  	v5 =	vld [tilespmem:s22+$0x70]  }
0x120: {  	v6 =	vld [tilespmem:s22+$0xC0]  }
0x121: {  	v12 =	vld [tilespmem:s22+$0x60]  }
0x122: {  	v7 =	vld [tilespmem:s22+$0xD0]  }
0x123: {  	v8 =	vld [tilespmem:s22+$0xE0]  }
0x124: {  	v9 =	vld [tilespmem:s22+$0x1D0]  }
0x125: {  	v10 =	vld [tilespmem:s22+$0x1E0]  }
0x126: {  	v11 =	vld [tilespmem:s22+$0x0]  }
0x127: {  	v13 =	vld [tilespmem:s22+$0xF0]  }
0x128: {  	v14 =	vld [tilespmem:s22+$0x100];
	v0 =	vmul.f32 $8.000000000e+00, v0  }
0x129: {  	v15 =	vld [tilespmem:s22+$0x110];
	v9 =	vmul.f32 $8.000000000e+00, v9  }
0x12a: {  	v16 =	vld [tilespmem:s22+$0x120];
	v17 =	vmul.f32 $8.000000000e+00, v8;
	[tilespmem:s22+$0x1A0] =	vst v0  }
0x12b: {  	v18 =	vld [tilespmem:s22+$0x30];
	v20 =	vmul.f32 $8.000000000e+00, v6;
	[tilespmem:s22+$0x1D0] =	vst v9  }
0x12c: {  	v21 =	vld [tilespmem:s22+$0x10];
	v0 =	vmul.f32 $8.000000000e+00, v10;
	[tilespmem:s22+$0xE0] =	vst v17  }
0x12d: {  	v10 =	vmul.f32 $8.000000000e+00, v11;
	v11 =	vld [tilespmem:s22+$0x130];
	[tilespmem:s22+$0xC0] =	vst v20  }
0x12e: {  	v9 =	vmul.f32 $8.000000000e+00, v13;
	v13 =	vld [tilespmem:s22+$0x140];
	[tilespmem:s22+$0x1E0] =	vst v0  }
0x12f: {  	[tilespmem:s22+$0x0] =	vst v10;
	v0 =	vmul.f32 $8.000000000e+00, v14;
	v10 =	vld [tilespmem:s22+$0x150]  }
0x130: {  	[tilespmem:s22+$0xF0] =	vst v9;
	v9 =	vmul.f32 $8.000000000e+00, v15;
	v14 =	vld [tilespmem:s22+$0x1F0]  }
0x131: {  	v8 =	vmul.f32 $8.000000000e+00, v1;
	v15 =	vld [tilespmem:s22+$0x50];
	[tilespmem:s22+$0x100] =	vst v0;
	v0 =	vmul.f32 $8.000000000e+00, v16  }
0x132: {  	v19 =	vld [tilespmem:s22+$0x20];
	v6 =	vmul.f32 $8.000000000e+00, v12;
	[tilespmem:s22+$0x110] =	vst v9;
	v9 =	vmul.f32 $8.000000000e+00, v11  }
0x133: {  	v22 =	vld [tilespmem:s22+$0x1B0];
	v1 =	vmul.f32 $8.000000000e+00, v21;
	[tilespmem:s22+$0x120] =	vst v0;
	v0 =	vmul.f32 $8.000000000e+00, v13  }
0x134: {  	v16 =	vld [tilespmem:s22+$0x40];
	v13 =	vmul.f32 $8.000000000e+00, v7;
	[tilespmem:s22+$0x130] =	vst v9;
	v7 =	vmul.f32 $8.000000000e+00, v10  }
0x135: {  	v11 =	vld [tilespmem:s22+$0x190];
	v9 =	vmul.f32 $8.000000000e+00, v2;
	v10 =	vmul.f32 $8.000000000e+00, v3;
	[tilespmem:s22+$0x140] =	vst v0  }
0x136: {  	v12 =	vld [tilespmem:s22+$0x1C0];
	v3 =	vmul.f32 $8.000000000e+00, v15;
	v0 =	vmul.f32 $8.000000000e+00, v14;
	[tilespmem:s22+$0xD0] =	vst v13  }
0x137: {  	v2 =	vmul.f32 $8.000000000e+00, v18;
	v14 =	vmul.f32 $8.000000000e+00, v4;
	v13 =	vld [tilespmem:s22+$0x180];
	[tilespmem:s22+$0x150] =	vst v7  }
0x138: {  	v15 =	vld [tilespmem:s22+$0x170];
	v4 =	vmul.f32 $8.000000000e+00, v19;
	v7 =	vmul.f32 $8.000000000e+00, v5;
	[tilespmem:s22+$0x1F0] =	vst v0  }
0x139: {  	s25 =	simm.s32 $0x7B00;
	s24 =	simm.s32 $0x0;
	v5 =	vmul.f32 $8.000000000e+00, v22;
	v0 =	vmul.f32 $8.000000000e+00, v16;
	[tilespmem:s22+$0xB0] =	vst v14;
	v14 =	vld [tilespmem:s22+$0x160]  }
.LBB2_9:
0x13a: {  	v16 =	vld [tilespmem:s25+$0x1A0];
	s24 =	sadd.s32 $0x8, s24;
	[tilespmem:s22+$0xA0] =	vst v8;
	v8 =	vmul.f32 $8.000000000e+00, v11  }
0x13b: {  	v11 =	vld [tilespmem:s25+$0xA0];
	p0 =	slt.u32 s24, $0x78;
	[tilespmem:s22+$0x90] =	vst v9;
	v9 =	vmul.f32 $8.000000000e+00, v12  }
0x13c: {  	v12 =	vld [tilespmem:s25+$0x90];
	[tilespmem:s22+$0x80] =	vst v10;
	v10 =	vmul.f32 $8.000000000e+00, v13  }
0x13d: {  	v13 =	vld [tilespmem:s25+$0x80];
	v15 =	vmul.f32 $8.000000000e+00, v15;
	[tilespmem:s22+$0x1C0] =	vst v9  }
0x13e: {  	v9 =	vld [tilespmem:s25+$0xB0];
	[tilespmem:s22+$0x70] =	vst v7;
	v7 =	vmul.f32 $8.000000000e+00, v14  }
0x13f: {  	v14 =	vld [tilespmem:s25+$0x70];
	v16 =	vmul.f32 $8.000000000e+00, v16;
	[tilespmem:s22+$0x180] =	vst v10  }
0x140: {  	v10 =	vld [tilespmem:s25+$0xC0];
	[tilespmem:s22+$0x60] =	vst v6  }
0x141: {  	v6 =	vld [tilespmem:s25+$0x60];
	[tilespmem:s22+$0x170] =	vst v15  }
0x142: {  	v15 =	vld [tilespmem:s25+$0xD0];
	[tilespmem:s22+$0x50] =	vst v3  }
0x143: {  	v3 =	vld [tilespmem:s25+$0xE0];
	[tilespmem:s22+$0x160] =	vst v7  }
0x144: {  	v7 =	vld [tilespmem:s25+$0x1D0];
	[tilespmem:s22+$0x40] =	vst v0  }
0x145: {  	v0 =	vld [tilespmem:s25+$0x1E0];
	[tilespmem:s22+$0x30] =	vst v2  }
0x146: {  	v2 =	vld [tilespmem:s25+$0x0];
	[tilespmem:s22+$0x20] =	vst v4  }
0x147: {  	v4 =	vld [tilespmem:s25+$0xF0];
	[tilespmem:s22+$0x190] =	vst v8  }
0x148: {  	v8 =	vld [tilespmem:s25+$0x100];
	[tilespmem:s22+$0x10] =	vst v1  }
0x149: {  	v1 =	vld [tilespmem:s25+$0x110];
	v7 =	vmul.f32 $8.000000000e+00, v7;
	[tilespmem:s22+$0x1B0] =	vst v5;
	s22 =	smov.u32 s25  }
0x14a: {  	v5 =	vld [tilespmem:s25+$0x120];
	[tilespmem:s25+$0x1A0] =	vst v16;
	v0 =	vmul.f32 $8.000000000e+00, v0  }
0x14b: {  	v16 =	vmul.f32 $8.000000000e+00, v3;
	v2 =	vmul.f32 $8.000000000e+00, v2;
	v3 =	vld [tilespmem:s25+$0x130];
	[tilespmem:s25+$0x1D0] =	vst v7  }
0x14c: {  	v15 =	vmul.f32 $8.000000000e+00, v15;
	v4 =	vmul.f32 $8.000000000e+00, v4;
	v7 =	vld [tilespmem:s25+$0x140];
	[tilespmem:s25+$0x1E0] =	vst v0  }
0x14d: {  	v17 =	vmul.f32 $8.000000000e+00, v10;
	[tilespmem:s25+$0x0] =	vst v2;
	v0 =	vmul.f32 $8.000000000e+00, v8;
	v2 =	vld [tilespmem:s25+$0x150]  }
0x14e: {  	v18 =	vmul.f32 $8.000000000e+00, v9;
	[tilespmem:s25+$0xF0] =	vst v4;
	v1 =	vmul.f32 $8.000000000e+00, v1;
	v4 =	vld [tilespmem:s25+$0x1F0]  }
0x14f: {  	v8 =	vmul.f32 $8.000000000e+00, v11;
	v19 =	vld [tilespmem:s25+$0x50];
	[tilespmem:s25+$0x100] =	vst v0;
	v0 =	vmul.f32 $8.000000000e+00, v5  }
0x150: {  	v9 =	vmul.f32 $8.000000000e+00, v12;
	v5 =	vld [tilespmem:s25+$0x40];
	[tilespmem:s25+$0x110] =	vst v1;
	v1 =	vmul.f32 $8.000000000e+00, v3  }
0x151: {  	v10 =	vmul.f32 $8.000000000e+00, v13;
	v12 =	vld [tilespmem:s25+$0x30];
	[tilespmem:s25+$0x120] =	vst v0;
	v0 =	vmul.f32 $8.000000000e+00, v7  }
0x152: {  	v7 =	vmul.f32 $8.000000000e+00, v14;
	v13 =	vld [tilespmem:s25+$0x20];
	[tilespmem:s25+$0x130] =	vst v1;
	v1 =	vmul.f32 $8.000000000e+00, v2  }
0x153: {  	v6 =	vmul.f32 $8.000000000e+00, v6;
	v14 =	vld [tilespmem:s25+$0x10];
	[tilespmem:s25+$0x140] =	vst v0;
	v2 =	vmul.f32 $8.000000000e+00, v4  }
0x154: {  	v3 =	vmul.f32 $8.000000000e+00, v19;
	[tilespmem:s25+$0x150] =	vst v1;
	v19 =	vld [tilespmem:s25+$0x1B0]  }
.Ltmp5:
0x155: {  	v0 =	vmul.f32 $8.000000000e+00, v5;
	v11 =	vld [tilespmem:s25+$0x190];
	[tilespmem:s25+$0x1F0] =	vst v2;
	(pc) =	sbr.rel @p0 .LBB2_9-.Ltmp5, $4  }
0x156: {  	v2 =	vmul.f32 $8.000000000e+00, v12;
	[tilespmem:s25+$0xE0] =	vst v16;
	v12 =	vld [tilespmem:s25+$0x1C0]  }
0x157: {  	v4 =	vmul.f32 $8.000000000e+00, v13;
	[tilespmem:s25+$0xD0] =	vst v15;
	v13 =	vld [tilespmem:s25+$0x180]  }
0x158: {  	v1 =	vmul.f32 $8.000000000e+00, v14;
	[tilespmem:s25+$0xC0] =	vst v17;
	v15 =	vld [tilespmem:s25+$0x170]  }
0x159: {  	s25 =	sadd.s32 $0x200, s25;
	[tilespmem:s22+$0xB0] =	vst v18;
	v14 =	vld [tilespmem:s22+$0x160];
	v5 =	vmul.f32 $8.000000000e+00, v19  }
0x15a: {  	[tilespmem:s22+$0xA0] =	vst v8  }
0x15b: {  	[tilespmem:s22+$0x90] =	vst v9  }
0x15c: {  	[tilespmem:s22+$0x80] =	vst v10  }
0x15d: {  	[tilespmem:s22+$0x70] =	vst v7  }
0x15e: {  	[tilespmem:s22+$0x60] =	vst v6  }
0x15f: {  	[tilespmem:s22+$0x50] =	vst v3  }
0x160: {  	[tilespmem:s22+$0x40] =	vst v0  }
0x161: {  	[tilespmem:s22+$0x30] =	vst v2  }
0x162: {  	[tilespmem:s22+$0x20] =	vst v4  }
0x163: {  	v0 =	vmul.f32 $8.000000000e+00, v11;
	[tilespmem:s22+$0x10] =	vst v1  }
0x164: {  	v8 =	vmul.f32 $8.000000000e+00, v12;
	[tilespmem:s22+$0x1B0] =	vst v5  }
0x165: {  	v9 =	vmul.f32 $8.000000000e+00, v13;
	[tilespmem:s22+$0x190] =	vst v0  }
0x166: {  	s23 =	sshll.u32 s23, $0xD;
	[tilespmem:s22+$0x1C0] =	vst v8;
	v7 =	vmul.f32 $8.000000000e+00, v15  }
0x167: {  	s23 =	sadd.s32 s8, s23;
	[tilespmem:s22+$0x180] =	vst v9;
	v6 =	vmul.f32 $8.000000000e+00, v14  }
0x168: {  	p0 =	seq.s32 s20, $0x9;
	s23 =	sshrl.u32 s23, $0x3;
	[tilespmem:s22+$0x170] =	vst v7  }
0x169: {  	s31 =	sadd.s32 s2, s23;
	[tilespmem:s22+$0x160] =	vst v6;
	s22 =	simm.s32 @!p0 $0x2  }
0x16a: {  	[hbm4b:s31+s3] =	stream.linear.scatter [tilespmem:s16], [sflag:$0x2], $0x2000, $0x38;
	[tilespmem:$0xB900] =	vst v63  }
0x16b: {  	s23 =	smul.u32 @!p0 $0xA00, s20;
	_ =	swait.ge @!p0 [sflag:s22], $0x2000  }
0x16c: {  	[sflag:s22] =	ssyncset.done @!p0 $0x0  }
0x16d: {  	[sflag:s22] =	ssyncadd.s32 @!p0 $0xFFFFE000;
	s22 =	sshra.s32 @!p0 s23, $0x2  }
0x16e: {  	s24 =	simm.s32 @!p0 $0x1900;
	s23 =	simm.s32 @!p0 $0x80;
	s22 =	sadd.s32 @!p0 $0x280, s22  }
0x16f: {  	[tilespmem:s24], [sflag:$0x1] =	stream.indirect.gather @!p0 [hbm4b:s5+s23], $0x40, s22, s23, $0xb8;
	[tilespmem:$0xB900] =	vst v63  }
0x170: {  	_ =	swait.ge [sflag:s14], $0x2000  }
0x171: {  	[sflag:s14] =	ssyncset.done $0x0  }
0x172: {  	s22 =	simm.s32 $0x9900;
	[sflag:s14] =	ssyncadd.s32 $0xFFFFE000  }
0x173: {  	v0 =	vld [tilespmem:s22+$0x1A0]  }
0x174: {  	v1 =	vld [tilespmem:s22+$0xA0]  }
0x175: {  	v2 =	vld [tilespmem:s22+$0x90]  }
0x176: {  	v3 =	vld [tilespmem:s22+$0x80]  }
0x177: {  	v4 =	vld [tilespmem:s22+$0xB0]  }
0x178: {  	v5 =	vld [tilespmem:s22+$0x70]  }
0x179: {  	v6 =	vld [tilespmem:s22+$0xC0]  }
0x17a: {  	v12 =	vld [tilespmem:s22+$0x60]  }
0x17b: {  	v7 =	vld [tilespmem:s22+$0xD0]  }
0x17c: {  	v8 =	vld [tilespmem:s22+$0xE0]  }
0x17d: {  	v9 =	vld [tilespmem:s22+$0x1D0]  }
0x17e: {  	v10 =	vld [tilespmem:s22+$0x1E0]  }
0x17f: {  	v11 =	vld [tilespmem:s22+$0x0]  }
0x180: {  	v13 =	vld [tilespmem:s22+$0xF0]  }
0x181: {  	v14 =	vld [tilespmem:s22+$0x100];
	v0 =	vmul.f32 $8.000000000e+00, v0  }
0x182: {  	v15 =	vld [tilespmem:s22+$0x110];
	v9 =	vmul.f32 $8.000000000e+00, v9  }
0x183: {  	v16 =	vld [tilespmem:s22+$0x120];
	v17 =	vmul.f32 $8.000000000e+00, v8;
	[tilespmem:s22+$0x1A0] =	vst v0  }
0x184: {  	v18 =	vld [tilespmem:s22+$0x30];
	v20 =	vmul.f32 $8.000000000e+00, v6;
	[tilespmem:s22+$0x1D0] =	vst v9  }
0x185: {  	v21 =	vld [tilespmem:s22+$0x10];
	v0 =	vmul.f32 $8.000000000e+00, v10;
	[tilespmem:s22+$0xE0] =	vst v17  }
0x186: {  	v10 =	vmul.f32 $8.000000000e+00, v11;
	v11 =	vld [tilespmem:s22+$0x130];
	[tilespmem:s22+$0xC0] =	vst v20  }
0x187: {  	v9 =	vmul.f32 $8.000000000e+00, v13;
	v13 =	vld [tilespmem:s22+$0x140];
	[tilespmem:s22+$0x1E0] =	vst v0  }
0x188: {  	[tilespmem:s22+$0x0] =	vst v10;
	v0 =	vmul.f32 $8.000000000e+00, v14;
	v10 =	vld [tilespmem:s22+$0x150]  }
0x189: {  	[tilespmem:s22+$0xF0] =	vst v9;
	v9 =	vmul.f32 $8.000000000e+00, v15;
	v14 =	vld [tilespmem:s22+$0x1F0]  }
0x18a: {  	v8 =	vmul.f32 $8.000000000e+00, v1;
	v15 =	vld [tilespmem:s22+$0x50];
	[tilespmem:s22+$0x100] =	vst v0;
	v0 =	vmul.f32 $8.000000000e+00, v16  }
0x18b: {  	v19 =	vld [tilespmem:s22+$0x20];
	v6 =	vmul.f32 $8.000000000e+00, v12;
	[tilespmem:s22+$0x110] =	vst v9;
	v9 =	vmul.f32 $8.000000000e+00, v11  }
0x18c: {  	v22 =	vld [tilespmem:s22+$0x1B0];
	v1 =	vmul.f32 $8.000000000e+00, v21;
	[tilespmem:s22+$0x120] =	vst v0;
	v0 =	vmul.f32 $8.000000000e+00, v13  }
0x18d: {  	v16 =	vld [tilespmem:s22+$0x40];
	v13 =	vmul.f32 $8.000000000e+00, v7;
	[tilespmem:s22+$0x130] =	vst v9;
	v7 =	vmul.f32 $8.000000000e+00, v10  }
0x18e: {  	v11 =	vld [tilespmem:s22+$0x190];
	v9 =	vmul.f32 $8.000000000e+00, v2;
	v10 =	vmul.f32 $8.000000000e+00, v3;
	[tilespmem:s22+$0x140] =	vst v0  }
0x18f: {  	v12 =	vld [tilespmem:s22+$0x1C0];
	v3 =	vmul.f32 $8.000000000e+00, v15;
	v0 =	vmul.f32 $8.000000000e+00, v14;
	[tilespmem:s22+$0xD0] =	vst v13  }
0x190: {  	v2 =	vmul.f32 $8.000000000e+00, v18;
	v14 =	vmul.f32 $8.000000000e+00, v4;
	v13 =	vld [tilespmem:s22+$0x180];
	[tilespmem:s22+$0x150] =	vst v7  }
0x191: {  	v15 =	vld [tilespmem:s22+$0x170];
	v4 =	vmul.f32 $8.000000000e+00, v19;
	v7 =	vmul.f32 $8.000000000e+00, v5;
	[tilespmem:s22+$0x1F0] =	vst v0  }
0x192: {  	s23 =	simm.s32 $0x0;
	s24 =	simm.s32 $0x9B00;
	v5 =	vmul.f32 $8.000000000e+00, v22;
	v0 =	vmul.f32 $8.000000000e+00, v16;
	[tilespmem:s22+$0xB0] =	vst v14;
	v14 =	vld [tilespmem:s22+$0x160]  }
.LBB2_11:
0x193: {  	v16 =	vld [tilespmem:s24+$0x1A0];
	s23 =	sadd.s32 $0x8, s23;
	[tilespmem:s22+$0xA0] =	vst v8;
	v8 =	vmul.f32 $8.000000000e+00, v11  }
0x194: {  	v11 =	vld [tilespmem:s24+$0xA0];
	p1 =	slt.u32 s23, $0x78;
	[tilespmem:s22+$0x90] =	vst v9;
	v9 =	vmul.f32 $8.000000000e+00, v12  }
0x195: {  	v12 =	vld [tilespmem:s24+$0x90];
	[tilespmem:s22+$0x80] =	vst v10;
	v10 =	vmul.f32 $8.000000000e+00, v13  }
0x196: {  	v13 =	vld [tilespmem:s24+$0x80];
	v15 =	vmul.f32 $8.000000000e+00, v15;
	[tilespmem:s22+$0x1C0] =	vst v9  }
0x197: {  	v9 =	vld [tilespmem:s24+$0xB0];
	[tilespmem:s22+$0x70] =	vst v7;
	v7 =	vmul.f32 $8.000000000e+00, v14  }
0x198: {  	v14 =	vld [tilespmem:s24+$0x70];
	v16 =	vmul.f32 $8.000000000e+00, v16;
	[tilespmem:s22+$0x180] =	vst v10  }
0x199: {  	v10 =	vld [tilespmem:s24+$0xC0];
	[tilespmem:s22+$0x60] =	vst v6  }
0x19a: {  	v6 =	vld [tilespmem:s24+$0x60];
	[tilespmem:s22+$0x170] =	vst v15  }
0x19b: {  	v15 =	vld [tilespmem:s24+$0xD0];
	[tilespmem:s22+$0x50] =	vst v3  }
0x19c: {  	v3 =	vld [tilespmem:s24+$0xE0];
	[tilespmem:s22+$0x160] =	vst v7  }
0x19d: {  	v7 =	vld [tilespmem:s24+$0x1D0];
	[tilespmem:s22+$0x40] =	vst v0  }
0x19e: {  	v0 =	vld [tilespmem:s24+$0x1E0];
	[tilespmem:s22+$0x30] =	vst v2  }
0x19f: {  	v2 =	vld [tilespmem:s24+$0x0];
	[tilespmem:s22+$0x20] =	vst v4  }
0x1a0: {  	v4 =	vld [tilespmem:s24+$0xF0];
	[tilespmem:s22+$0x190] =	vst v8  }
0x1a1: {  	v8 =	vld [tilespmem:s24+$0x100];
	[tilespmem:s22+$0x10] =	vst v1  }
0x1a2: {  	v1 =	vld [tilespmem:s24+$0x110];
	v7 =	vmul.f32 $8.000000000e+00, v7;
	[tilespmem:s22+$0x1B0] =	vst v5;
	s22 =	smov.u32 s24  }
0x1a3: {  	v5 =	vld [tilespmem:s24+$0x120];
	[tilespmem:s24+$0x1A0] =	vst v16;
	v0 =	vmul.f32 $8.000000000e+00, v0  }
0x1a4: {  	v16 =	vmul.f32 $8.000000000e+00, v3;
	v2 =	vmul.f32 $8.000000000e+00, v2;
	v3 =	vld [tilespmem:s24+$0x130];
	[tilespmem:s24+$0x1D0] =	vst v7  }
0x1a5: {  	v15 =	vmul.f32 $8.000000000e+00, v15;
	v4 =	vmul.f32 $8.000000000e+00, v4;
	v7 =	vld [tilespmem:s24+$0x140];
	[tilespmem:s24+$0x1E0] =	vst v0  }
0x1a6: {  	v17 =	vmul.f32 $8.000000000e+00, v10;
	[tilespmem:s24+$0x0] =	vst v2;
	v0 =	vmul.f32 $8.000000000e+00, v8;
	v2 =	vld [tilespmem:s24+$0x150]  }
0x1a7: {  	v18 =	vmul.f32 $8.000000000e+00, v9;
	[tilespmem:s24+$0xF0] =	vst v4;
	v1 =	vmul.f32 $8.000000000e+00, v1;
	v4 =	vld [tilespmem:s24+$0x1F0]  }
0x1a8: {  	v8 =	vmul.f32 $8.000000000e+00, v11;
	v19 =	vld [tilespmem:s24+$0x50];
	[tilespmem:s24+$0x100] =	vst v0;
	v0 =	vmul.f32 $8.000000000e+00, v5  }
0x1a9: {  	v9 =	vmul.f32 $8.000000000e+00, v12;
	v5 =	vld [tilespmem:s24+$0x40];
	[tilespmem:s24+$0x110] =	vst v1;
	v1 =	vmul.f32 $8.000000000e+00, v3  }
0x1aa: {  	v10 =	vmul.f32 $8.000000000e+00, v13;
	v12 =	vld [tilespmem:s24+$0x30];
	[tilespmem:s24+$0x120] =	vst v0;
	v0 =	vmul.f32 $8.000000000e+00, v7  }
0x1ab: {  	v7 =	vmul.f32 $8.000000000e+00, v14;
	v13 =	vld [tilespmem:s24+$0x20];
	[tilespmem:s24+$0x130] =	vst v1;
	v1 =	vmul.f32 $8.000000000e+00, v2  }
0x1ac: {  	v6 =	vmul.f32 $8.000000000e+00, v6;
	v14 =	vld [tilespmem:s24+$0x10];
	[tilespmem:s24+$0x140] =	vst v0;
	v2 =	vmul.f32 $8.000000000e+00, v4  }
0x1ad: {  	v3 =	vmul.f32 $8.000000000e+00, v19;
	[tilespmem:s24+$0x150] =	vst v1;
	v19 =	vld [tilespmem:s24+$0x1B0]  }
.Ltmp6:
0x1ae: {  	v0 =	vmul.f32 $8.000000000e+00, v5;
	v11 =	vld [tilespmem:s24+$0x190];
	[tilespmem:s24+$0x1F0] =	vst v2;
	(pc) =	sbr.rel @p1 .LBB2_11-.Ltmp6, $4  }
0x1af: {  	v2 =	vmul.f32 $8.000000000e+00, v12;
	[tilespmem:s24+$0xE0] =	vst v16;
	v12 =	vld [tilespmem:s24+$0x1C0]  }
0x1b0: {  	v4 =	vmul.f32 $8.000000000e+00, v13;
	[tilespmem:s24+$0xD0] =	vst v15;
	v13 =	vld [tilespmem:s24+$0x180]  }
0x1b1: {  	v1 =	vmul.f32 $8.000000000e+00, v14;
	[tilespmem:s24+$0xC0] =	vst v17;
	v15 =	vld [tilespmem:s24+$0x170]  }
0x1b2: {  	s24 =	sadd.s32 $0x200, s24;
	[tilespmem:s22+$0xB0] =	vst v18;
	v14 =	vld [tilespmem:s22+$0x160];
	v5 =	vmul.f32 $8.000000000e+00, v19  }
0x1b3: {  	[tilespmem:s22+$0xA0] =	vst v8  }
0x1b4: {  	[tilespmem:s22+$0x90] =	vst v9  }
0x1b5: {  	[tilespmem:s22+$0x80] =	vst v10  }
0x1b6: {  	[tilespmem:s22+$0x70] =	vst v7  }
0x1b7: {  	[tilespmem:s22+$0x60] =	vst v6  }
0x1b8: {  	[tilespmem:s22+$0x50] =	vst v3  }
0x1b9: {  	[tilespmem:s22+$0x40] =	vst v0  }
0x1ba: {  	[tilespmem:s22+$0x30] =	vst v2  }
0x1bb: {  	[tilespmem:s22+$0x20] =	vst v4  }
0x1bc: {  	v63 =	vmul.f32 $8.000000000e+00, v11;
	[tilespmem:s22+$0x10] =	vst v1  }
0x1bd: {  	v59 =	vmul.f32 $8.000000000e+00, v12;
	[tilespmem:s22+$0x1B0] =	vst v5  }
0x1be: {  	v60 =	vmul.f32 $8.000000000e+00, v13;
	[tilespmem:s22+$0x190] =	vst v63  }
0x1bf: {  	s21 =	sshll.u32 s21, $0xD;
	[tilespmem:s22+$0x1C0] =	vst v59;
	v61 =	vmul.f32 $8.000000000e+00, v15  }
0x1c0: {  	s21 =	sadd.s32 s8, s21;
	[tilespmem:s22+$0x180] =	vst v60;
	v62 =	vmul.f32 $8.000000000e+00, v14  }
0x1c1: {  	s21 =	sshrl.u32 s21, $0x3;
	[tilespmem:s22+$0x170] =	vst v61  }
.Ltmp7:
0x1c2: {  	s21 =	sadd.s32 s2, s21;
	[tilespmem:s22+$0x160] =	vst v62;
	(pc) =	sbr.rel @p0 .LBB2_14-.Ltmp7, $4  }
0x1c3: {  	[hbm4b:s21+s3] =	stream.linear.scatter [tilespmem:s17], [sflag:$0x2], $0x2000, $0x38;
	[tilespmem:$0xB900] =	vst v63  }
0x1c4: {  	_ =	swait.ge [sflag:s18], $0x2000  }
0x1c5: {  	[sflag:s18] =	ssyncset.done $0x0  }
0x1c6: {  	[sflag:s18] =	ssyncadd.s32 $0xFFFFE000  }
0x1c7: {  	s21 =	smul.u32 $0xA00, s20  }
.Ltmp8:
0x1c8: {  	_ = 	snop;
	(pc) =	sbr.rel .LBB2_2-.Ltmp8, $4  }
0x1c9: {  	_ = 	snop  }
0x1ca: {  	s21 =	sshra.s32 s21, $0x2  }
0x1cb: {  	s20 =	sadd.s32 $0x1, s20;
	s21 =	sadd.s32 $0x300, s21  }
0x1cc: {  	[tilespmem:s13], [sflag:$0x1] =	stream.indirect.gather [hbm4b:s5+s11], $0x40, s21, s11, $0xb8;
	[tilespmem:$0xB900] =	vst v63  }
.LBB2_15:
0x1cd: {  	_ =	sfence.sel $0x180000  }
0x1ce: {  	[bflag:$0x0] =	sbarrier.arrive $0xFFFF  }
0x1cf: {  	p0 =	sne.s32 s0, $0x0;
	_ =	strace $0x90000047  }
0x1d0: {  	s0 =	sadd.s32 @!p0 $0x100000, s1;
	[bflag:$0x2] =	sbarrier.arrive $0xFFFF  }
0x1d1: {  	[sflag:s0] =	ssyncadd.tile.s32 @!p0 $0x1;
	_ =	shalt  }
.Lfunc_end2:
_tile_overlayer_lowered:
.L_overlay_start_2:
0x1d2: {  	(tag) =	ssettag $0x2  }
0x1d3: {  	s0 =	rddreg [dreg:$0x0];
	s2 =	stileid.u32  }
0x1d4: {  	s1 =	rddreg [dreg:$0x1];
	p0 =	sne.s32 s2, $0x0  }
0x1d5: {  	s3 =	rddreg [dreg:$0x2];
	[bflag:$0x3] =	sbarrier.arrive $0xFFFF;
	s2 =	simm.s32 @!p0 $0x1C03  }
0x1d6: {  	[timem:s3], [sflag:s2] =	dma.local @!p0 [hbm:s0], s1  }
0x1d7: {  	s0 =	simm.s32 @!p0 $0x3  }
0x1d8: {  	_ =	swait.ge @!p0 [sflag:s0], s1  }
0x1d9: {  	s1 =	ssub.s32 @!p0 $0x0, s1;
	[sflag:s0] =	ssyncset.done @!p0 $0x0  }
0x1da: {  	[sflag:s0] =	ssyncadd.s32 @!p0 s1  }
0x1db: {  	[bflag:$0x3] =	sbarrier.arrive $0xFFFF  }
0x1dc: {  	_ =	shalt  }

// kernel: sparse-core-data-format-call.cloned.1.call-start
scs
called_computation_lowered:
.L_overlay_start_0:
0x0: {  	s2 =	sld [smem:$0x3FD9]  }
0x1: {  	s3 =	sld [smem:$0x3FFE];
	_ =	sdelay $0x1  }
0x2: {  	s1 =	srdreg.scid  }
0x3: {  	s0 =	sand.u32 $0x1, s1  }
0x4: {  	s18 =	sshll.u32 s0, $0xA;
	s2 =	sadd.s32 s3, s2  }
0x5: {  	s2 =	sadd.s32 s2, s18  }
0x6: {  	[smem:$0x3FC6] =	sst s2  }
0x7: {  	_ = 	snop  }
0x8: {  	s2 =	sld [smem:$0x3FD0];
	(tm) =	ssettm $0x1  }
0x9: {  	s19 =	sld [smem:$0x3FFB];
	_ =	sdelay $0x3  }
0xa: {  	_ =	strace s19  }
0xb: {  	s3 =	sld [smem:$0x3FFC];
	_ =	sdelay $0x3  }
0xc: {  	_ =	strace s3  }
0xd: {  	s3 =	sld [smem:$0x3FFD];
	_ =	sdelay $0x3  }
0xe: {  	_ =	strace s3  }
0xf: {  	_ =	strace $0x8FFFFFFF  }
0x10: {  	s20 =	sld [smem:$0x3FDB];
	_ =	sdelay $0x1  }
0x11: {  	s4 =	simm.s32 $_scs_section_size  }
0x12: {  	s5 =	simm.s32 $_size__tile_overlayer_lowered;
	s6 =	simm.s32 $_tile_overlayer_lowered  }
0x13: {  	s23 =	simm.s32 $0x1BFF;
	s22 =	sshll.u32 s6, $0x1;
	s3 =	sadd.s32 s4, s20  }
0x14: {  	s7 =	simm.s32 $0x0;
	s21 =	sshll.u32 s5, $0x1;
	s5 =	sadd.s32 s22, s3  }
0x15: {  	[timem:s7], [sflag:s23] =	dma.local [hbm:s5], s21  }
0x16: {  	_ =	swait.ge [sflag:s23], s21  }
0x17: {  	s4 =	ssub.s32 $0x0, s21;
	[sflag:s23] =	ssyncset.done $0x0  }
0x18: {  	[sflag:s23] =	ssyncadd.s32 s4;
	_ =	sdelay $0x1  }
0x19: {  	s24 =	simm.s32 $0x1B8B  }
0x1a: {  	_ =	swait.ge [sflag:s24], $0x1  }
0x1b: {  	[sflag:s24] =	ssyncset.done $0x0  }
0x1c: {  	s26 =	simm.s32 $0x1B8E;
	s25 =	sld [smem:$0x3FFE];
	[sflag:s24] =	ssyncadd.s32 $0xFFFFFFFF  }
0x1d: {  	s27 =	simm.s32 $execute0_lowered;
	[smem:$0x3FD2] =	sst s26  }
0x1e: {  	s5 =	sshll.u32 s27, $0x1;
	_ =	strace $0x80000049;
	[dreg:$0x1] =	wrdreg $0xFFFFFFFF  }
0x1f: {  	s28 =	simm.s32 $_size_execute0_lowered;
	s3 =	sadd.s32 s3, s5;
	[dreg:$0x0] =	wrdreg $0x0  }
0x20: {  	s5 =	sshll.u32 s28, $0x1;
	[dreg:$0x2] =	wrdreg s3  }
0x21: {  	[dreg:$0x3] =	wrdreg s5  }
0x22: {  	[dreg:$0x4] =	wrdreg $0xC0  }
0x23: {  	_ =	task [dreg:s7], $0x5FFFF  }
0x24: {  	[dreg:$0x1] =	wrdreg $0xFFFFFFFF  }
0x25: {  	[dreg:$0x0] =	wrdreg $0x60  }
0x26: {  	[dreg:$0x2] =	wrdreg s25  }
0x27: {  	[dreg:$0x3] =	wrdreg s2  }
0x28: {  	[dreg:$0x4] =	wrdreg $0x9  }
0x29: {  	_ =	task.clear_ibuf [dreg:s7], $0x5FFFF;
	_ =	strace $0x90000049  }
0x2a: {  	s29 =	simm.s32 $0x9;
	_ =	strace $0x8000004B  }
0x2b: {  	_ =	swait.ge [sflag:s29], $0x1  }
0x2c: {  	[sflag:s29] =	ssyncadd.s32 $0xFFFFFFFF  }
0x2d: {  	_ =	strace $0x9000004B  }
0x2e: {  	_ =	sfence  }
0x2f: {  	s30 =	sld [smem:$0x0];
	_ =	sdelay $0x2  }
0x30: {  	s31 =	sshll.u32 s1, $0xD;
	s1 =	sshrl.u32 s1, $0x2  }
0x31: {  	s3 =	sand.u32 $0x4000, s31;
	s1 =	sadd.s32 s1, s30  }
0x32: {  	s0 =	sor.u32 s3, s0;
	s1 =	sshll.u32 s1, $0x11  }
0x33: {  	s0 =	sor.u32 s1, s0  }
0x34: {  	s0 =	sadd.s32 $0x8F2B, s0  }
0x35: {  	[sflag:s0] =	ssyncadd.remote.s32 $0x1  }
0x36: {  	_ =	sfence.sel $0xFFFF  }
0x37: {  	[dreg:$0x0] =	wrdreg $0xFFFFFFFF;
	(pc) =	sbr.abs _section_cstart, $3  }
0x38: {  	[dreg:$0x1] =	wrdreg $0xFFFFFFFF  }
0x39: {  	_ =	task.clear_ibuf [dreg:s7], $0x2FFFF;
	_ =	strace $0x9FFFFFFF  }
0x3a: {  	(tm) =	ssettm $0x7FFFFFFF  }
0x3b: {  	_ =	shalt  }
tec
execute0_lowered:
.L_overlay_start_1:
0x0: {  	(tag) =	ssettag $0x1  }
0x1: {  	s0 =	srdreg.scid  }
0x2: {  	s1 =	sshll.u32 s0, $0x4  }
0x3: {  	s0 =	stileid.u32;
	s1 =	sand.u32 $0x10, s1  }
0x4: {  	s1 =	sor.u32 s0, s1  }
0x5: {  	s6 =	rddreg [dreg:$0x0];
	s4 =	simm.s32 $0x1;
	s2 =	sshll.u32 s1, $0x7  }
0x6: {  	s7 =	simm.s32 $0x2;
	s12 =	simm.s32 $0x0;
	s1 =	ssub.s32 $0x1000, s2  }
0x7: {  	s8 =	simm.s32 $0x8000;
	s13 =	simm.s32 $0x0;
	s3 =	sand.u32 $0xF80, s1  }
0x8: {  	s9 =	simm.s32 $0x0;
	s5 =	sshrl.u32 s1, $0xC;
	p0 =	sne.s32 s3, $0x0  }
.Ltmp0:
0x9: {  	s1 =	rddreg [dreg:$0x2];
	s4 =	simm.s32 @!p0 $0x0;
	(pc) =	sbr.rel .LBB1_1-.Ltmp0, $4  }
0xa: {  	s11 =	simm.s32 $0x0;
	s3 =	rddreg [dreg:$0x1];
	s5 =	sadd.s32 s4, s5  }
0xb: {  	_ =	strace $0x8000004A;
	s4 =	simm.s32 $0x1;
	s5 =	smul.u32 $0x32, s5  }
0xc: {  	s6 =	sadd.s32 $0xA00, s6;
	s10 =	smov.u32 s2;
	[sflag:s4] =	ssyncpa.u1 $0x0  }
0xd: {  	p0 =	por $0x0, $0x0;
	[sflag:s7] =	ssyncpa.u1 $0x0;
	s7 =	sor.u32 $0x1, s5  }
.LBB1_4:
0xe: {  	s16 =	sshll.u32 s13, $0x3;
	s17 =	sand.u32 $0x78, s13  }
0xf: {  	s30 =	sand.u32 $0x7E00, s13;
	s12 =	sshll.u32 s12, $0xF;
	s16 =	sand.u32 $0xC00, s16  }
0x10: {  	[tilespmem:s15+$0x810 ss:$0x81] =	vst.msk $0xffff, v2;
	s31 =	sand.u32 $0x7, s13;
	s16 =	sor.u32 s17, s16;
	s17 =	sadd.s32 s3, s30  }
0x11: {  	[tilespmem:s15+$0x1020 ss:$0x81] =	vst.msk $0xffff, v0;
	s13 =	sshll.u32 s31, $0x12;
	s12 =	sadd.s32 s12, s17;
	s16 =	sshrl.u32 s16, $0x3  }
0x12: {  	[tilespmem:s15+$0x0 ss:$0x81] =	vst.msk $0xffff, v1;
	s13 =	sor.u32 $0x400, s13;
	s12 =	sadd.s32 s16, s12  }
0x13: {  	[hbm4b:s12+s13] =	stream.strided.scatter [tilespmem:s14], [sflag:$0x2], $0x2000, s8, s13, $0x20;
	[tilespmem:$0x8080] =	vst v63  }
.LBB1_5:
0x14: {  	s14 =	sadd.s32 $0x1, s9  }
0x15: {  	s12 =	sadd.s32 $0x1000, s10;
	s16 =	smov.u32 s10;
	p2 =	sgt.s32 s14, $0x31  }
0x16: {  	s16 =	smov.u32 @p2 s12  }
0x17: {  	s14 =	simm.s32 @p2 $0x0;
	p2 =	sgt.s32 s16, $0xFFF  }
0x18: {  	s16 =	smov.u32 @p2 s2;
	p2 =	sne.s32 s11, s7  }
.Ltmp1:
0x19: {  	p1 =	slt.u32 s11, $0x2;
	(pc) =	sbr.rel @!p2 .LBB1_6-.Ltmp1, $4  }
0x1a: {  	s15 =	simm.s32 @!p1 $0x2  }
0x1b: {  	s13 =	smov.u32 s10;
	p0 =	por !p0, !p0;
	_ =	swait.ge @!p1 [sflag:s15], $0x2000  }
0x1c: {  	s12 =	smov.u32 s9;
	[sflag:s15] =	ssyncset.done @!p1 $0x0;
	s9 =	smov.u32 s14  }
0x1d: {  	s11 =	sadd.s32 $0x1, s11;
	[sflag:s15] =	ssyncadd.s32 @!p1 $0xFFFFE000;
	s10 =	smov.u32 s16  }
.LBB1_1:
0x1e: {  	p1 =	sge.u32 s11, s5  }
0x1f: {  	s14 =	sand.u32 @!p1 $0x1FFFFFF, s9  }
0x20: {  	s15 =	smulhi.u32 @!p1 $0x4924925, s14;
	_ =	sdelay $0x1  }
0x21: {  	s15 =	smul.u32 @!p1 $0x38, s15  }
0x22: {  	s16 =	sxor.u32 @!p1 $0xFFFFFFFF, s11;
	s17 =	smul.u32 @!p1 $0x380, s10  }
0x23: {  	s31 =	sadd.s32 $0xFFFFFFFF, s11;
	s16 =	sshll.u32 @!p1 s16, $0xD;
	s14 =	ssub.s32 @!p1 s14, s15  }
0x24: {  	s15 =	sand.u32 @!p1 $0x2000, s16;
	s16 =	sadd.s32 @!p1 s6, s17;
	s14 =	sshll.u32 @!p1 s14, $0x4  }
0x25: {  	s17 =	simm.s32 @!p1 $0x1C00;
	s14 =	sadd.s32 @!p1 s14, s16;
	s16 =	simm.s32 @!p1 $0x40  }
0x26: {  	[tilespmem:s15], [sflag:$0x1] =	stream.strided.gather @!p1 [hbm4b:s14+s16], $0x2000, s17, s16, $0x38;
	[tilespmem:$0x8080] =	vst v63  }
0x27: {  	p1 =	sge.u32 s31, s5  }
.Ltmp2:
0x28: {  	_ = 	snop;
	(pc) =	sbr.rel @p1 .LBB1_5-.Ltmp2, $1  }
0x29: {  	_ =	sdelay $0x3  }
0x2a: {  	s14 =	simm.s32 $0x1  }
0x2b: {  	_ =	swait.ge [sflag:s4], $0x2000;
	s14 =	simm.s32 @!p0 $0x0  }
0x2c: {  	[sflag:s4] =	ssyncset.done $0x0;
	s15 =	sshll.u32 s14, $0xD  }
0x2d: {  	[sflag:s4] =	ssyncadd.s32 $0xFFFFE000;
	s18 =	sor.u32 $0x20, s15  }
0x2e: {  	s14 =	smul.u32 $0x8100, s14;
	v3 =	vld [tilespmem:s18+$0x10]  }
0x2f: {  	s30 =	sand.u32 $0x1, s11;
	v2 =	vld [tilespmem:s18+$0xFFFFFFF0]  }
0x30: {  	s15 =	smul.u32 $0x8100, s30;
	s14 =	sshrl.u32 s14, $0x2;
	v0 =	vld [tilespmem:s18+$0x0]  }
0x31: {  	v1 =	vld [tilespmem:s18+$0xFFFFFFE0];
	s16 =	sor.u32 $0x4000, s14  }
0x32: {  	s31 =	sshrl.u32 s15, $0x2;
	s15 =	sadd.s32 $0x0, s16  }
0x33: {  	s17 =	simm.s32 $0x4;
	s18 =	sadd.s32 $0x40, s18;
	s14 =	sor.u32 $0x4000, s31;
	[tilespmem:s15+$0x1830 ss:$0x81] =	vst.msk $0xffff, v3  }
.LBB1_3:
0x34: {  	v3 =	vld [tilespmem:s18+$0x10];
	p1 =	sne.s32 s17, $0x1FC;
	[tilespmem:s15+$0x810 ss:$0x81] =	vst.msk $0xffff, v2;
	s19 =	smov.u32 s17;
	s17 =	sadd.s32 $0x4, s17  }
.Ltmp3:
0x35: {  	v2 =	vld [tilespmem:s18+$0xFFFFFFF0];
	[tilespmem:s15+$0x1020 ss:$0x81] =	vst.msk $0xffff, v0;
	(pc) =	sbr.rel @p1 .LBB1_3-.Ltmp3, $4  }
0x36: {  	v0 =	vld [tilespmem:s18+$0x0];
	[tilespmem:s15+$0x0 ss:$0x81] =	vst.msk $0xffff, v1  }
0x37: {  	s15 =	sshra.s32 s19, $0x2;
	v1 =	vld [tilespmem:s18+$0xFFFFFFE0]  }
0x38: {  	s15 =	sadd.s32 s15, s16  }
0x39: {  	s18 =	sadd.s32 $0x40, s18;
	[tilespmem:s15+$0x1830 ss:$0x81] =	vst.msk $0xffff, v3  }
.Ltmp4:
0x3a: {  	_ = 	snop;
	(pc) =	sbr.rel .LBB1_4-.Ltmp4, $1  }
0x3b: {  	_ =	sdelay $0x3  }
.LBB1_6:
0x3c: {  	_ =	sfence.sel $0x180000  }
0x3d: {  	s2 =	simm.s32 $0x1;
	[bflag:$0x0] =	sbarrier.arrive $0xFFFF  }
0x3e: {  	s31 =	simm.s32 $0x2;
	[sflag:s2] =	ssyncpa.u1 $0x1  }
0x3f: {  	[sflag:s31] =	ssyncpa.u1 $0x1  }
0x40: {  	p0 =	sne.s32 s0, $0x0;
	_ =	strace $0x9000004A  }
0x41: {  	s0 =	sadd.s32 @!p0 $0x100000, s1;
	[bflag:$0x2] =	sbarrier.arrive $0xFFFF  }
0x42: {  	[sflag:s0] =	ssyncadd.tile.s32 @!p0 $0x1;
	_ =	shalt  }
.Lfunc_end1:
_tile_overlayer_lowered:
.L_overlay_start_2:
0x43: {  	(tag) =	ssettag $0x2  }
0x44: {  	s0 =	rddreg [dreg:$0x0];
	s2 =	stileid.u32  }
0x45: {  	s1 =	rddreg [dreg:$0x1];
	p0 =	sne.s32 s2, $0x0  }
0x46: {  	s3 =	rddreg [dreg:$0x2];
	[bflag:$0x3] =	sbarrier.arrive $0xFFFF;
	s2 =	simm.s32 @!p0 $0x1C01  }
0x47: {  	[timem:s3], [sflag:s2] =	dma.local @!p0 [hbm:s0], s1  }
0x48: {  	s0 =	simm.s32 @!p0 $0x1  }
0x49: {  	_ =	swait.ge @!p0 [sflag:s0], s1  }
0x4a: {  	s1 =	ssub.s32 @!p0 $0x0, s1;
	[sflag:s0] =	ssyncset.done @!p0 $0x0  }
0x4b: {  	[sflag:s0] =	ssyncadd.s32 @!p0 s1  }
0x4c: {  	[bflag:$0x3] =	sbarrier.arrive $0xFFFF  }
0x4d: {  	_ =	shalt  }

</sc_bundles>
